<compile_context>
chip_gen: v7x
topology: tpu7x:2x2x1
jax: 0.10.2.dev20260603
libtpu: 0.0.44.dev20260713+nightly
codegen_flags: <defaults>
</compile_context>

<pallas_src>
import functools

import jax
import jax.numpy as jnp
from jax import lax
from jax.experimental import pallas as pl
from jax.experimental.pallas import tpu as pltpu
from jax.experimental.pallas import tpu_sc as plsc

_N, _H, _E, _K, _A, _NB = 8192, 1024, 8, 2, 7, 256
_O = _A * _NB
_H2 = 2 * _H
_T = 256
_MAXT = (2 * _N) // _T + _E
_S = _MAXT * _T

_NW = 32
_HP = _H // 2
_OP = _O // 2


def _pack_halves(y):
    c = y.shape[1] // 2
    u = lax.bitcast_convert_type(y, jnp.uint32)
    r = (u + jnp.uint32(0x7FFF) + ((u >> jnp.uint32(16)) & jnp.uint32(1)))
    hi = r >> jnp.uint32(16)
    pk = hi[:, :c] | (hi[:, c:] << jnp.uint32(16))
    return lax.bitcast_convert_type(pk, jnp.int32)


def _unpack_halves(p):
    u = lax.bitcast_convert_type(p, jnp.uint32)
    a = lax.bitcast_convert_type((u & jnp.uint32(0xFFFF)) << jnp.uint32(16),
                                 jnp.float32)
    b = lax.bitcast_convert_type(u & jnp.uint32(0xFFFF0000), jnp.float32)
    return jnp.concatenate([a, b], axis=1)
_SC_NC = 2
_APW = 2 * _N // _NW
_NCH = _APW // 16
_TPW = _N // _NW
_CCH = 32
_NCC = _TPW // _CCH



def _router_body(x_ref, wr_ref, br_ref, i1_ref, g1_ref, g2_ref,
                 r1_ref, cnt_ref, xpk_ref, carry):
    xpk_ref[...] = _pack_halves(x_ref[...])
    i = pl.program_id(0)

    @pl.when(i == 0)
    def _():
        carry[...] = jnp.zeros_like(carry)

    logits = jnp.dot(x_ref[...], wr_ref[...],
                     preferred_element_type=jnp.float32) + br_ref[...]
    bt = logits.shape[0]
    lane = lax.broadcasted_iota(jnp.int32, (bt, _E), 1)
    m1 = jnp.max(logits, axis=1, keepdims=True)
    idx1 = jnp.min(jnp.where(logits == m1, lane, _E), axis=1, keepdims=True)
    masked = jnp.where(lane == idx1, -jnp.inf, logits)
    m2 = jnp.max(masked, axis=1, keepdims=True)
    idx2 = jnp.min(jnp.where(masked == m2, lane, _E), axis=1, keepdims=True)
    d = jnp.exp(m2 - m1)
    g1 = 1.0 / (1.0 + d)
    oh = jnp.where(lane == idx1, 1.0, 0.0) + jnp.where(lane == idx2, 1.0, 0.0)
    row = lax.broadcasted_iota(jnp.int32, (bt, bt), 0)
    col = lax.broadcasted_iota(jnp.int32, (bt, bt), 1)
    tri = jnp.where(row > col, 1.0, 0.0)
    pfx = jnp.dot(tri, oh, preferred_element_type=jnp.float32) + carry[...]
    r1 = jnp.sum(jnp.where(lane == idx1, pfx, 0.0), axis=1, keepdims=True)
    r2 = jnp.sum(jnp.where(lane == idx2, pfx, 0.0), axis=1, keepdims=True)
    i1_ref[...] = jnp.concatenate([idx1, idx2], axis=1)
    g1_ref[...] = g1
    g2_ref[...] = 1.0 - g1
    r1_ref[...] = jnp.concatenate([r1, r2], axis=1).astype(jnp.int32)
    newc = carry[...] + jnp.sum(oh, axis=0, keepdims=True)
    carry[...] = newc

    @pl.when(i == pl.num_programs(0) - 1)
    def _():
        cnt_ref[...] = newc.astype(jnp.int32)


def _router(x, Wr, br):
    bt = 1024
    n2 = jax.ShapeDtypeStruct((_N, 2), jnp.int32)
    nf = jax.ShapeDtypeStruct((_N, 1), jnp.float32)
    return pl.pallas_call(
        _router_body,
        grid=(_N // bt,),
        in_specs=[
            pl.BlockSpec((bt, _H), lambda i: (i, 0)),
            pl.BlockSpec((_H, _E), lambda i: (0, 0)),
            pl.BlockSpec((1, _E), lambda i: (0, 0)),
        ],
        out_specs=[pl.BlockSpec((bt, 2), lambda i: (i, 0)),
                   pl.BlockSpec((bt, 1), lambda i: (i, 0)),
                   pl.BlockSpec((bt, 1), lambda i: (i, 0)),
                   pl.BlockSpec((bt, 2), lambda i: (i, 0)),
                   pl.BlockSpec((1, _E), lambda i: (0, 0)),
                   pl.BlockSpec((bt, _HP), lambda i: (i, 0))],
        out_shape=[n2, nf, nf, n2,
                   jax.ShapeDtypeStruct((1, _E), jnp.int32),
                   jax.ShapeDtypeStruct((_N, _HP), jnp.int32)],
        scratch_shapes=[pltpu.VMEM((1, _E), jnp.float32)],
    )(x, Wr, br.reshape(1, _E))



def _dispatch(x, eidx_flat, rank_flat, offs16):
    mesh = plsc.VectorSubcoreMesh(core_axis_name="c", subcore_axis_name="s")

    @functools.partial(
        pl.kernel,
        out_type=[jax.ShapeDtypeStruct((_S, _HP), jnp.int32),
                  jax.ShapeDtypeStruct((_N // 16, 16), jnp.int32),
                  jax.ShapeDtypeStruct((_N // 16, 16), jnp.int32)],
        mesh=mesh,
        scratch_types=[
            pltpu.VMEM((_APW,), jnp.int32),
            pltpu.VMEM((_APW,), jnp.int32),
            pltpu.VMEM((16,), jnp.int32),
            pltpu.VMEM((16, 16), jnp.int32),
            pltpu.VMEM((16, 16), jnp.int32),
            pltpu.VMEM((32, _HP), jnp.int32),
            pltpu.VMEM((32, _HP), jnp.int32),
            pltpu.SemaphoreType.DMA,
            pltpu.SemaphoreType.DMA,
        ],
        compiler_params=pltpu.CompilerParams(needs_layout_passes=False),
    )
    def k(x_hbm, e_hbm, r_hbm, o_hbm, xs_hbm, p0_hbm, p1_hbm,
          ev, rv, ov, p0b, p1b, xb0, xb1, sld, ssc):
        wid = lax.axis_index("s") * _SC_NC + lax.axis_index("c")
        abase = wid * _APW
        tbase = wid * _TPW
        pltpu.sync_copy(e_hbm.at[pl.ds(abase, _APW)], ev)
        pltpu.sync_copy(r_hbm.at[pl.ds(abase, _APW)], rv)
        pltpu.sync_copy(o_hbm, ov)
        lanes2 = lax.iota(jnp.int32, 16) * 2
        for r in range(16):
            i0 = r * 32 + lanes2
            e0 = plsc.load_gather(ev, [i0])
            r0 = plsc.load_gather(rv, [i0])
            e1 = plsc.load_gather(ev, [i0 + 1])
            r1 = plsc.load_gather(rv, [i0 + 1])
            p0b[r, :] = plsc.load_gather(ov, [e0]) + r0
            p1b[r, :] = plsc.load_gather(ov, [e1]) + r1
        xbufs = (xb0, xb1)
        nch = 8
        lds = [None] * nch
        scs = [[] for _ in range(nch)]
        lds[0] = pltpu.async_copy(x_hbm.at[pl.ds(tbase, 32), :], xb0, sld)
        for c in range(nch):
            lds[c].wait()
            if c + 1 < nch:
                for h in scs[c - 1] if c >= 1 else ():
                    h.wait()
                lds[c + 1] = pltpu.async_copy(
                    x_hbm.at[pl.ds(tbase + (c + 1) * 32, 32), :],
                    xbufs[(c + 1) % 2], sld)
            xb = xbufs[c % 2]
            for half in range(2):
                rrow = 2 * c + half
                src = xb.at[pl.ds(half * 16, 16), :]
                scs[c].append(pltpu.async_copy(src, xs_hbm.at[p0b.at[rrow]], ssc))
                scs[c].append(pltpu.async_copy(src, xs_hbm.at[p1b.at[rrow]], ssc))
        for h in scs[nch - 2] + scs[nch - 1]:
            h.wait()
        pltpu.sync_copy(p0b, p0_hbm.at[pl.ds(wid * 16, 16), :])
        pltpu.sync_copy(p1b, p1_hbm.at[pl.ds(wid * 16, 16), :])

    return k(x, eidx_flat, rank_flat, offs16)



def _gffn_body(eot_ref, x_ref, w1_ref, b1_ref, w2_ref, b2_ref, o_ref):
    x = _unpack_halves(x_ref[...])
    h = jnp.dot(x, w1_ref[0], preferred_element_type=jnp.float32)
    h = h + b1_ref[0]
    h = 0.5 * h * (1.0 + lax.erf(h * 0.7071067811865476))
    y = jnp.dot(h, w2_ref[0], preferred_element_type=jnp.float32) + b2_ref[0]
    o_ref[...] = _pack_halves(y)


def _grouped_ffn(eot, xs, W1, b1, W2, b2):
    grid_spec = pltpu.PrefetchScalarGridSpec(
        num_scalar_prefetch=1,
        grid=(_MAXT,),
        in_specs=[
            pl.BlockSpec((_T, _HP), lambda i, eot_ref: (i, 0)),
            pl.BlockSpec((1, _H, _H2), lambda i, eot_ref: (eot_ref[i], 0, 0)),
            pl.BlockSpec((1, 1, _H2), lambda i, eot_ref: (eot_ref[i], 0, 0)),
            pl.BlockSpec((1, _H2, _O), lambda i, eot_ref: (eot_ref[i], 0, 0)),
            pl.BlockSpec((1, 1, _O), lambda i, eot_ref: (eot_ref[i], 0, 0)),
        ],
        out_specs=pl.BlockSpec((_T, _O // 2), lambda i, eot_ref: (i, 0)),
    )
    return pl.pallas_call(
        _gffn_body,
        grid_spec=grid_spec,
        out_shape=jax.ShapeDtypeStruct((_S, _O // 2), jnp.int32),
        compiler_params=pltpu.CompilerParams(
            dimension_semantics=("arbitrary",),
            vmem_limit_bytes=120 * 1024 * 1024,
        ),
    )(eot, xs, W1, b1.reshape(_E, 1, _H2), W2, b2.reshape(_E, 1, _O))



def _combine_gather(y, pos0, pos1):
    mesh = plsc.VectorSubcoreMesh(core_axis_name="c", subcore_axis_name="s")

    @functools.partial(
        pl.kernel,
        out_type=[jax.ShapeDtypeStruct((_N, _O // 2), jnp.int32),
                  jax.ShapeDtypeStruct((_N, _O // 2), jnp.int32)],
        mesh=mesh,
        scratch_types=[
            pltpu.VMEM((16, 16), jnp.int32),
            pltpu.VMEM((16, 16), jnp.int32),
            pltpu.VMEM((16, _O // 2), jnp.int32),
            pltpu.VMEM((16, _O // 2), jnp.int32),
            pltpu.VMEM((16, _O // 2), jnp.int32),
            pltpu.VMEM((16, _O // 2), jnp.int32),
            pltpu.SemaphoreType.DMA,
            pltpu.SemaphoreType.DMA,
        ],
    )
    def k(y_hbm, p0_hbm, p1_hbm, ya_hbm, yb_hbm,
          p0v, p1v, a0, a1, b0, b1, sg, sw):
        wid = lax.axis_index("s") * _SC_NC + lax.axis_index("c")
        tbase = wid * _TPW
        pltpu.sync_copy(p0_hbm.at[pl.ds(wid * 16, 16), :], p0v)
        pltpu.sync_copy(p1_hbm.at[pl.ds(wid * 16, 16), :], p1v)
        A = (a0, a1)
        B = (b0, b1)
        nch = 16
        ga = [None] * nch
        gb = [None] * nch
        wa = [None] * nch
        wb = [None] * nch
        ga[0] = pltpu.async_copy(y_hbm.at[p0v.at[0]], a0, sg)
        gb[0] = pltpu.async_copy(y_hbm.at[p1v.at[0]], b0, sg)
        for c in range(nch):
            ga[c].wait()
            gb[c].wait()
            if c + 1 < nch:
                if c >= 1:
                    wa[c - 1].wait()
                    wb[c - 1].wait()
                ga[c + 1] = pltpu.async_copy(y_hbm.at[p0v.at[c + 1]],
                                             A[(c + 1) % 2], sg)
                gb[c + 1] = pltpu.async_copy(y_hbm.at[p1v.at[c + 1]],
                                             B[(c + 1) % 2], sg)
            dst = pl.ds(tbase + c * 16, 16)
            wa[c] = pltpu.async_copy(A[c % 2], ya_hbm.at[dst, :], sw)
            wb[c] = pltpu.async_copy(B[c % 2], yb_hbm.at[dst, :], sw)
        wa[nch - 2].wait()
        wb[nch - 2].wait()
        wa[nch - 1].wait()
        wb[nch - 1].wait()

    return k(y, pos0, pos1)



def _final_body(ya_ref, yb_ref, g1_ref, g2_ref, o_ref):
    y = (g1_ref[...] * _unpack_halves(ya_ref[...])
         + g2_ref[...] * _unpack_halves(yb_ref[...]))
    for a in range(_A):
        o_ref[a] = y[:, a * _NB:(a + 1) * _NB]


def _final_combine(ya, yb, g1, g2):
    bt = 512
    return pl.pallas_call(
        _final_body,
        grid=(_N // bt,),
        in_specs=[
            pl.BlockSpec((bt, _O // 2), lambda i: (i, 0)),
            pl.BlockSpec((bt, _O // 2), lambda i: (i, 0)),
            pl.BlockSpec((bt, 1), lambda i: (i, 0)),
            pl.BlockSpec((bt, 1), lambda i: (i, 0)),
        ],
        out_specs=pl.BlockSpec((_A, bt, _NB), lambda i: (0, i, 0)),
        out_shape=jax.ShapeDtypeStruct((_A, _N, _NB), jnp.float32),
    )(ya, yb, g1, g2)



def kernel(hidden_states, Wr, br, W1, b1, W2, b2):
    eidx2, g1, g2, rank2, cnt, xpk = _router(hidden_states, Wr, br)
    counts = cnt.reshape(_E)
    tile_counts = (counts + _T - 1) // _T
    cum = jnp.cumsum(tile_counts)
    off_rows = (cum - tile_counts) * _T
    eot = jnp.minimum(
        jnp.sum((jnp.arange(_MAXT, dtype=jnp.int32)[:, None]
                 >= cum[None, :]).astype(jnp.int32), axis=1),
        _E - 1).astype(jnp.int32)
    offs16 = jnp.concatenate([off_rows, jnp.zeros((8,), jnp.int32)])
    xs, p0, p1 = _dispatch(xpk, eidx2.reshape(2 * _N),
                           rank2.reshape(2 * _N), offs16)
    y = _grouped_ffn(eot, xs, W1, b1, W2, b2)
    ya, yb = _combine_gather(y, p0, p1)
    out = _final_combine(ya, yb, g1, g2)
    return jnp.transpose(out, (1, 0, 2))

# --- scband reference (transcript-rebuilt; emitter-appended) ---
"""Pipeline reference for scband-mo-eaction-layer-30090540876251 (READ-ONLY COPY).

The authoritative reference and input builder live on the scoring server;
editing this copy changes nothing except your own understanding.
"""

import jax, jax.numpy as jnp
import numpy as np

N = 8192      # tokens (batch*seq)
H = 1024      # hidden_size
E = 8         # num_experts
K = 2         # num_selected_experts
A = 7         # action_dim
NB = 256      # bin_centers.shape[0] (assumed discretization bins)


def setup_inputs(seed: int = 0) -> dict:
    key = jax.random.key(seed)
    ks = jax.random.split(key, 8)
    hidden_states = jax.random.normal(ks[0], (N, H), dtype=jnp.float32)
    Wr = jax.random.normal(ks[1], (H, E), dtype=jnp.float32) * 0.02
    br = jnp.zeros((E,), dtype=jnp.float32)
    W1 = jax.random.normal(ks[2], (E, H, 2 * H), dtype=jnp.float32) * 0.02
    b1 = jnp.zeros((E, 2 * H), dtype=jnp.float32)
    W2 = jax.random.normal(ks[3], (E, 2 * H, A * NB), dtype=jnp.float32) * 0.02
    b2 = jnp.zeros((E, A * NB), dtype=jnp.float32)
    return {"hidden_states": hidden_states, "Wr": Wr, "br": br,
            "W1": W1, "b1": b1, "W2": W2, "b2": b2}


def reference(hidden_states, Wr, br, W1, b1, W2, b2):
    batch_size = hidden_states.shape[0]
    routing_logits = hidden_states @ Wr + br
    routing_probs = jax.nn.softmax(routing_logits, axis=-1)
    topk_probs, topk_indices = jax.lax.top_k(routing_probs, K)
    topk_probs = topk_probs / jnp.sum(topk_probs, axis=-1, keepdims=True)
    outputs = jnp.zeros((batch_size, A, NB), dtype=jnp.float32)
    for expert_idx in range(E):
        h = jax.nn.gelu(hidden_states @ W1[expert_idx] + b1[expert_idx], approximate=False)
        expert_output = (h @ W2[expert_idx] + b2[expert_idx]).reshape(batch_size, A, NB)
        # per-token gate: topk prob if this expert was selected, else 0 (matches torch masked-loop)
        gate = jnp.sum(jnp.where(topk_indices == expert_idx, topk_probs, 0.0), axis=-1)
        outputs = outputs + gate[:, None, None] * expert_output
    return outputs

if __name__ == "__main__":
    import jax
    _d = setup_inputs()
    print(jax.jit(kernel)(*tuple(_d.values())))

</pallas_src>

<mosaic_0001>
#map = affine_map<(d0, d1) -> (0, 0)>
module attributes {stable_mosaic.version = 14 : i64} {
  func.func @k(%arg0: i32, %arg1: i32, %arg2: memref<18432x896xi32, #tpu.memory_space<hbm>>, %arg3: memref<512x16xi32, #tpu.memory_space<hbm>>, %arg4: memref<512x16xi32, #tpu.memory_space<hbm>>, %arg5: memref<8192x896xi32, #tpu.memory_space<hbm>>, %arg6: memref<8192x896xi32, #tpu.memory_space<hbm>>, %arg7: memref<16x16xi32, #tpu.memory_space<vmem>>, %arg8: memref<16x16xi32, #tpu.memory_space<vmem>>, %arg9: memref<16x896xi32, #tpu.memory_space<vmem>>, %arg10: memref<16x896xi32, #tpu.memory_space<vmem>>, %arg11: memref<16x896xi32, #tpu.memory_space<vmem>>, %arg12: memref<16x896xi32, #tpu.memory_space<vmem>>, %arg13: memref<!tpu.dma_semaphore, #tpu.memory_space<semaphore_mem>>, %arg14: memref<!tpu.dma_semaphore, #tpu.memory_space<semaphore_mem>>) attributes {dimension_semantics = [#tpu.dimension_semantics<core_parallel>, #tpu.dimension_semantics<subcore_parallel>], iteration_bounds = array<i64: 2, 16>, scalar_prefetch = 0 : i64, scratch_operands = 8 : i64, tpu.core_type = #tpu.core_type<sc_vector_subcore>, window_params = [{transform_indices = #map}, {transform_indices = #map}, {transform_indices = #map}, {transform_indices = #map}, {transform_indices = #map}]} {
    %mul3A = arith.constant 2 : i32
    %mul3A_0 = arith.muli %arg1, %mul3A : i32
    %add3A = arith.addi %mul3A_0, %arg0 : i32
    %mul3A_1 = arith.constant 256 : i32
    %mul3A_2 = arith.muli %add3A, %mul3A_1 : i32
    %mul3A_3 = arith.constant 16 : i32
    %mul3A_4 = arith.muli %add3A, %mul3A_3 : i32
    "tpu.region"() ({
      %run_scoped3A = tpu.sem_alloc : memref<!tpu.dma_semaphore, #tpu.memory_space<semaphore_mem>>
      %dma_start3A_741 = arith.constant 0 : i32
      %dma_start3A_742 = tpu.memref_slice %arg3[%mul3A_4, %dma_start3A_741] : memref<512x16xi32, #tpu.memory_space<hbm>> -> memref<16x16xi32, #tpu.memory_space<hbm>>
      %dma_start3A_743 = arith.constant 0 : i32
      %dma_start3A_744 = tpu.memref_slice %arg3[%mul3A_4, %dma_start3A_743] : memref<512x16xi32, #tpu.memory_space<hbm>> -> memref<16x16xi32, #tpu.memory_space<hbm>>
      tpu.enqueue_dma source(%dma_start3A_744 : memref<16x16xi32, #tpu.memory_space<hbm>>) target(%arg7 : memref<16x16xi32, #tpu.memory_space<vmem>>) target_semaphore(%run_scoped3A : memref<!tpu.dma_semaphore, #tpu.memory_space<semaphore_mem>>)
      %dma_wait3A_745 = arith.constant 0 : i32
      %dma_wait3A_746 = tpu.memref_slice %arg3[%mul3A_4, %dma_wait3A_745] : memref<512x16xi32, #tpu.memory_space<hbm>> -> memref<16x16xi32, #tpu.memory_space<hbm>>
      %dma_wait3A_747 = arith.constant 0 : i32
      %dma_wait3A_748 = tpu.memref_slice %arg3[%mul3A_4, %dma_wait3A_747] : memref<512x16xi32, #tpu.memory_space<hbm>> -> memref<16x16xi32, #tpu.memory_space<hbm>>
      tpu.wait_dma2 semaphore(%run_scoped3A : memref<!tpu.dma_semaphore, #tpu.memory_space<semaphore_mem>>) src(%dma_wait3A_748 : memref<16x16xi32, #tpu.memory_space<hbm>>) dst(%arg7 : memref<16x16xi32, #tpu.memory_space<vmem>>)
      tpu.yield
    }) : () -> ()
    %mul3A_5 = arith.constant 16 : i32
    %mul3A_6 = arith.muli %add3A, %mul3A_5 : i32
    "tpu.region"() ({
      %run_scoped3A = tpu.sem_alloc : memref<!tpu.dma_semaphore, #tpu.memory_space<semaphore_mem>>
      %dma_start3A_741 = arith.constant 0 : i32
      %dma_start3A_742 = tpu.memref_slice %arg4[%mul3A_6, %dma_start3A_741] : memref<512x16xi32, #tpu.memory_space<hbm>> -> memref<16x16xi32, #tpu.memory_space<hbm>>
      %dma_start3A_743 = arith.constant 0 : i32
      %dma_start3A_744 = tpu.memref_slice %arg4[%mul3A_6, %dma_start3A_743] : memref<512x16xi32, #tpu.memory_space<hbm>> -> memref<16x16xi32, #tpu.memory_space<hbm>>
      tpu.enqueue_dma source(%dma_start3A_744 : memref<16x16xi32, #tpu.memory_space<hbm>>) target(%arg8 : memref<16x16xi32, #tpu.memory_space<vmem>>) target_semaphore(%run_scoped3A : memref<!tpu.dma_semaphore, #tpu.memory_space<semaphore_mem>>)
      %dma_wait3A_745 = arith.constant 0 : i32
      %dma_wait3A_746 = tpu.memref_slice %arg4[%mul3A_6, %dma_wait3A_745] : memref<512x16xi32, #tpu.memory_space<hbm>> -> memref<16x16xi32, #tpu.memory_space<hbm>>
      %dma_wait3A_747 = arith.constant 0 : i32
      %dma_wait3A_748 = tpu.memref_slice %arg4[%mul3A_6, %dma_wait3A_747] : memref<512x16xi32, #tpu.memory_space<hbm>> -> memref<16x16xi32, #tpu.memory_space<hbm>>
      tpu.wait_dma2 semaphore(%run_scoped3A : memref<!tpu.dma_semaphore, #tpu.memory_space<semaphore_mem>>) src(%dma_wait3A_748 : memref<16x16xi32, #tpu.memory_space<hbm>>) dst(%arg8 : memref<16x16xi32, #tpu.memory_space<vmem>>)
      tpu.yield
    }) : () -> ()
    %dma_start3A = arith.constant 0 : i32
    %dma_start3A_7 = arith.constant 0 : i32
    %dma_start3A_8 = tpu.memref_slice %arg7[%dma_start3A, %dma_start3A_7] : memref<16x16xi32, #tpu.memory_space<vmem>> -> memref<1x16xi32, #tpu.memory_space<vmem>>
    %dma_start3A_9 = tpu.memref_squeeze %dma_start3A_8 : memref<1x16xi32, #tpu.memory_space<vmem>> -> memref<16xi32, #tpu.memory_space<vmem>>
    %dma_start3A_10 = arith.constant 0 : i32
    %dma_start3A_11 = arith.constant 0 : i32
    %dma_start3A_12 = tpu.memref_slice %arg2[%dma_start3A_10, %dma_start3A_11] : memref<18432x896xi32, #tpu.memory_space<hbm>> -> memref<18432x896xi32, #tpu.memory_space<hbm>>
    tpu.enqueue_indirect_dma source(%dma_start3A_12 : memref<18432x896xi32, #tpu.memory_space<hbm>>) target(%arg9 : memref<16x896xi32, #tpu.memory_space<vmem>>) offsets(%dma_start3A_9 : memref<16xi32, #tpu.memory_space<vmem>>) semaphore(%arg13 : memref<!tpu.dma_semaphore, #tpu.memory_space<semaphore_mem>>)
    %dma_start3A_13 = arith.constant 0 : i32
    %dma_start3A_14 = arith.constant 0 : i32
    %dma_start3A_15 = tpu.memref_slice %arg8[%dma_start3A_13, %dma_start3A_14] : memref<16x16xi32, #tpu.memory_space<vmem>> -> memref<1x16xi32, #tpu.memory_space<vmem>>
    %dma_start3A_16 = tpu.memref_squeeze %dma_start3A_15 : memref<1x16xi32, #tpu.memory_space<vmem>> -> memref<16xi32, #tpu.memory_space<vmem>>
    %dma_start3A_17 = arith.constant 0 : i32
    %dma_start3A_18 = arith.constant 0 : i32
    %dma_start3A_19 = tpu.memref_slice %arg2[%dma_start3A_17, %dma_start3A_18] : memref<18432x896xi32, #tpu.memory_space<hbm>> -> memref<18432x896xi32, #tpu.memory_space<hbm>>
    tpu.enqueue_indirect_dma source(%dma_start3A_19 : memref<18432x896xi32, #tpu.memory_space<hbm>>) target(%arg11 : memref<16x896xi32, #tpu.memory_space<vmem>>) offsets(%dma_start3A_16 : memref<16xi32, #tpu.memory_space<vmem>>) semaphore(%arg13 : memref<!tpu.dma_semaphore, #tpu.memory_space<semaphore_mem>>)
    %dma_wait3A = arith.constant 0 : i32
    %dma_wait3A_20 = arith.constant 0 : i32
    %dma_wait3A_21 = tpu.memref_slice %arg7[%dma_wait3A, %dma_wait3A_20] : memref<16x16xi32, #tpu.memory_space<vmem>> -> memref<1x16xi32, #tpu.memory_space<vmem>>
    %dma_wait3A_22 = tpu.memref_squeeze %dma_wait3A_21 : memref<1x16xi32, #tpu.memory_space<vmem>> -> memref<16xi32, #tpu.memory_space<vmem>>
    %dma_wait3A_23 = arith.constant 0 : i32
    %dma_wait3A_24 = arith.constant 0 : i32
    %dma_wait3A_25 = tpu.memref_slice %arg2[%dma_wait3A_23, %dma_wait3A_24] : memref<18432x896xi32, #tpu.memory_space<hbm>> -> memref<18432x896xi32, #tpu.memory_space<hbm>>
    tpu.wait_indirect_dma semaphore(%arg13 : memref<!tpu.dma_semaphore, #tpu.memory_space<semaphore_mem>>) src(%dma_wait3A_25 : memref<18432x896xi32, #tpu.memory_space<hbm>>) dst(%arg9 : memref<16x896xi32, #tpu.memory_space<vmem>>)
    %dma_wait3A_26 = arith.constant 0 : i32
    %dma_wait3A_27 = arith.constant 0 : i32
    %dma_wait3A_28 = tpu.memref_slice %arg8[%dma_wait3A_26, %dma_wait3A_27] : memref<16x16xi32, #tpu.memory_space<vmem>> -> memref<1x16xi32, #tpu.memory_space<vmem>>
    %dma_wait3A_29 = tpu.memref_squeeze %dma_wait3A_28 : memref<1x16xi32, #tpu.memory_space<vmem>> -> memref<16xi32, #tpu.memory_space<vmem>>
    %dma_wait3A_30 = arith.constant 0 : i32
    %dma_wait3A_31 = arith.constant 0 : i32
    %dma_wait3A_32 = tpu.memref_slice %arg2[%dma_wait3A_30, %dma_wait3A_31] : memref<18432x896xi32, #tpu.memory_space<hbm>> -> memref<18432x896xi32, #tpu.memory_space<hbm>>
    tpu.wait_indirect_dma semaphore(%arg13 : memref<!tpu.dma_semaphore, #tpu.memory_space<semaphore_mem>>) src(%dma_wait3A_32 : memref<18432x896xi32, #tpu.memory_space<hbm>>) dst(%arg11 : memref<16x896xi32, #tpu.memory_space<vmem>>)
    %dma_start3A_33 = arith.constant 1 : i32
    %dma_start3A_34 = arith.constant 0 : i32
    %dma_start3A_35 = tpu.memref_slice %arg7[%dma_start3A_33, %dma_start3A_34] : memref<16x16xi32, #tpu.memory_space<vmem>> -> memref<1x16xi32, #tpu.memory_space<vmem>>
    %dma_start3A_36 = tpu.memref_squeeze %dma_start3A_35 : memref<1x16xi32, #tpu.memory_space<vmem>> -> memref<16xi32, #tpu.memory_space<vmem>>
    %dma_start3A_37 = arith.constant 0 : i32
    %dma_start3A_38 = arith.constant 0 : i32
    %dma_start3A_39 = tpu.memref_slice %arg2[%dma_start3A_37, %dma_start3A_38] : memref<18432x896xi32, #tpu.memory_space<hbm>> -> memref<18432x896xi32, #tpu.memory_space<hbm>>
    tpu.enqueue_indirect_dma source(%dma_start3A_39 : memref<18432x896xi32, #tpu.memory_space<hbm>>) target(%arg10 : memref<16x896xi32, #tpu.memory_space<vmem>>) offsets(%dma_start3A_36 : memref<16xi32, #tpu.memory_space<vmem>>) semaphore(%arg13 : memref<!tpu.dma_semaphore, #tpu.memory_space<semaphore_mem>>)
    %dma_start3A_40 = arith.constant 1 : i32
    %dma_start3A_41 = arith.constant 0 : i32
    %dma_start3A_42 = tpu.memref_slice %arg8[%dma_start3A_40, %dma_start3A_41] : memref<16x16xi32, #tpu.memory_space<vmem>> -> memref<1x16xi32, #tpu.memory_space<vmem>>
    %dma_start3A_43 = tpu.memref_squeeze %dma_start3A_42 : memref<1x16xi32, #tpu.memory_space<vmem>> -> memref<16xi32, #tpu.memory_space<vmem>>
    %dma_start3A_44 = arith.constant 0 : i32
    %dma_start3A_45 = arith.constant 0 : i32
    %dma_start3A_46 = tpu.memref_slice %arg2[%dma_start3A_44, %dma_start3A_45] : memref<18432x896xi32, #tpu.memory_space<hbm>> -> memref<18432x896xi32, #tpu.memory_space<hbm>>
    tpu.enqueue_indirect_dma source(%dma_start3A_46 : memref<18432x896xi32, #tpu.memory_space<hbm>>) target(%arg12 : memref<16x896xi32, #tpu.memory_space<vmem>>) offsets(%dma_start3A_43 : memref<16xi32, #tpu.memory_space<vmem>>) semaphore(%arg13 : memref<!tpu.dma_semaphore, #tpu.memory_space<semaphore_mem>>)
    %add3A_47 = arith.constant 0 : i32
    %add3A_48 = arith.addi %mul3A_2, %add3A_47 : i32
    %dma_start3A_49 = arith.constant 0 : i32
    %dma_start3A_50 = tpu.memref_slice %arg5[%add3A_48, %dma_start3A_49] : memref<8192x896xi32, #tpu.memory_space<hbm>> -> memref<16x896xi32, #tpu.memory_space<hbm>>
    %dma_start3A_51 = arith.constant 0 : i32
    %dma_start3A_52 = tpu.memref_slice %arg5[%add3A_48, %dma_start3A_51] : memref<8192x896xi32, #tpu.memory_space<hbm>> -> memref<16x896xi32, #tpu.memory_space<hbm>>
    tpu.enqueue_dma source(%arg9 : memref<16x896xi32, #tpu.memory_space<vmem>>) target(%dma_start3A_52 : memref<16x896xi32, #tpu.memory_space<hbm>>) target_semaphore(%arg14 : memref<!tpu.dma_semaphore, #tpu.memory_space<semaphore_mem>>)
    %dma_start3A_53 = arith.constant 0 : i32
    %dma_start3A_54 = tpu.memref_slice %arg6[%add3A_48, %dma_start3A_53] : memref<8192x896xi32, #tpu.memory_space<hbm>> -> memref<16x896xi32, #tpu.memory_space<hbm>>
    %dma_start3A_55 = arith.constant 0 : i32
    %dma_start3A_56 = tpu.memref_slice %arg6[%add3A_48, %dma_start3A_55] : memref<8192x896xi32, #tpu.memory_space<hbm>> -> memref<16x896xi32, #tpu.memory_space<hbm>>
    tpu.enqueue_dma source(%arg11 : memref<16x896xi32, #tpu.memory_space<vmem>>) target(%dma_start3A_56 : memref<16x896xi32, #tpu.memory_space<hbm>>) target_semaphore(%arg14 : memref<!tpu.dma_semaphore, #tpu.memory_space<semaphore_mem>>)
    %dma_wait3A_57 = arith.constant 1 : i32
    %dma_wait3A_58 = arith.constant 0 : i32
    %dma_wait3A_59 = tpu.memref_slice %arg7[%dma_wait3A_57, %dma_wait3A_58] : memref<16x16xi32, #tpu.memory_space<vmem>> -> memref<1x16xi32, #tpu.memory_space<vmem>>
    %dma_wait3A_60 = tpu.memref_squeeze %dma_wait3A_59 : memref<1x16xi32, #tpu.memory_space<vmem>> -> memref<16xi32, #tpu.memory_space<vmem>>
    %dma_wait3A_61 = arith.constant 0 : i32
    %dma_wait3A_62 = arith.constant 0 : i32
    %dma_wait3A_63 = tpu.memref_slice %arg2[%dma_wait3A_61, %dma_wait3A_62] : memref<18432x896xi32, #tpu.memory_space<hbm>> -> memref<18432x896xi32, #tpu.memory_space<hbm>>
    tpu.wait_indirect_dma semaphore(%arg13 : memref<!tpu.dma_semaphore, #tpu.memory_space<semaphore_mem>>) src(%dma_wait3A_63 : memref<18432x896xi32, #tpu.memory_space<hbm>>) dst(%arg10 : memref<16x896xi32, #tpu.memory_space<vmem>>)
    %dma_wait3A_64 = arith.constant 1 : i32
    %dma_wait3A_65 = arith.constant 0 : i32
    %dma_wait3A_66 = tpu.memref_slice %arg8[%dma_wait3A_64, %dma_wait3A_65] : memref<16x16xi32, #tpu.memory_space<vmem>> -> memref<1x16xi32, #tpu.memory_space<vmem>>
    %dma_wait3A_67 = tpu.memref_squeeze %dma_wait3A_66 : memref<1x16xi32, #tpu.memory_space<vmem>> -> memref<16xi32, #tpu.memory_space<vmem>>
    %dma_wait3A_68 = arith.constant 0 : i32
    %dma_wait3A_69 = arith.constant 0 : i32
    %dma_wait3A_70 = tpu.memref_slice %arg2[%dma_wait3A_68, %dma_wait3A_69] : memref<18432x896xi32, #tpu.memory_space<hbm>> -> memref<18432x896xi32, #tpu.memory_space<hbm>>
    tpu.wait_indirect_dma semaphore(%arg13 : memref<!tpu.dma_semaphore, #tpu.memory_space<semaphore_mem>>) src(%dma_wait3A_70 : memref<18432x896xi32, #tpu.memory_space<hbm>>) dst(%arg12 : memref<16x896xi32, #tpu.memory_space<vmem>>)
    %dma_wait3A_71 = arith.constant 0 : i32
    %dma_wait3A_72 = tpu.memref_slice %arg5[%add3A_48, %dma_wait3A_71] : memref<8192x896xi32, #tpu.memory_space<hbm>> -> memref<16x896xi32, #tpu.memory_space<hbm>>
    %dma_wait3A_73 = arith.constant 0 : i32
    %dma_wait3A_74 = tpu.memref_slice %arg5[%add3A_48, %dma_wait3A_73] : memref<8192x896xi32, #tpu.memory_space<hbm>> -> memref<16x896xi32, #tpu.memory_space<hbm>>
    tpu.wait_dma2 semaphore(%arg14 : memref<!tpu.dma_semaphore, #tpu.memory_space<semaphore_mem>>) src(%arg9 : memref<16x896xi32, #tpu.memory_space<vmem>>) dst(%dma_wait3A_74 : memref<16x896xi32, #tpu.memory_space<hbm>>)
    %dma_wait3A_75 = arith.constant 0 : i32
    %dma_wait3A_76 = tpu.memref_slice %arg6[%add3A_48, %dma_wait3A_75] : memref<8192x896xi32, #tpu.memory_space<hbm>> -> memref<16x896xi32, #tpu.memory_space<hbm>>
    %dma_wait3A_77 = arith.constant 0 : i32
    %dma_wait3A_78 = tpu.memref_slice %arg6[%add3A_48, %dma_wait3A_77] : memref<8192x896xi32, #tpu.memory_space<hbm>> -> memref<16x896xi32, #tpu.memory_space<hbm>>
    tpu.wait_dma2 semaphore(%arg14 : memref<!tpu.dma_semaphore, #tpu.memory_space<semaphore_mem>>) src(%arg11 : memref<16x896xi32, #tpu.memory_space<vmem>>) dst(%dma_wait3A_78 : memref<16x896xi32, #tpu.memory_space<hbm>>)
    %dma_start3A_79 = arith.constant 2 : i32
    %dma_start3A_80 = arith.constant 0 : i32
    %dma_start3A_81 = tpu.memref_slice %arg7[%dma_start3A_79, %dma_start3A_80] : memref<16x16xi32, #tpu.memory_space<vmem>> -> memref<1x16xi32, #tpu.memory_space<vmem>>
    %dma_start3A_82 = tpu.memref_squeeze %dma_start3A_81 : memref<1x16xi32, #tpu.memory_space<vmem>> -> memref<16xi32, #tpu.memory_space<vmem>>
    %dma_start3A_83 = arith.constant 0 : i32
    %dma_start3A_84 = arith.constant 0 : i32
    %dma_start3A_85 = tpu.memref_slice %arg2[%dma_start3A_83, %dma_start3A_84] : memref<18432x896xi32, #tpu.memory_space<hbm>> -> memref<18432x896xi32, #tpu.memory_space<hbm>>
    tpu.enqueue_indirect_dma source(%dma_start3A_85 : memref<18432x896xi32, #tpu.memory_space<hbm>>) target(%arg9 : memref<16x896xi32, #tpu.memory_space<vmem>>) offsets(%dma_start3A_82 : memref<16xi32, #tpu.memory_space<vmem>>) semaphore(%arg13 : memref<!tpu.dma_semaphore, #tpu.memory_space<semaphore_mem>>)
    %dma_start3A_86 = arith.constant 2 : i32
    %dma_start3A_87 = arith.constant 0 : i32
    %dma_start3A_88 = tpu.memref_slice %arg8[%dma_start3A_86, %dma_start3A_87] : memref<16x16xi32, #tpu.memory_space<vmem>> -> memref<1x16xi32, #tpu.memory_space<vmem>>
    %dma_start3A_89 = tpu.memref_squeeze %dma_start3A_88 : memref<1x16xi32, #tpu.memory_space<vmem>> -> memref<16xi32, #tpu.memory_space<vmem>>
    %dma_start3A_90 = arith.constant 0 : i32
    %dma_start3A_91 = arith.constant 0 : i32
    %dma_start3A_92 = tpu.memref_slice %arg2[%dma_start3A_90, %dma_start3A_91] : memref<18432x896xi32, #tpu.memory_space<hbm>> -> memref<18432x896xi32, #tpu.memory_space<hbm>>
    tpu.enqueue_indirect_dma source(%dma_start3A_92 : memref<18432x896xi32, #tpu.memory_space<hbm>>) target(%arg11 : memref<16x896xi32, #tpu.memory_space<vmem>>) offsets(%dma_start3A_89 : memref<16xi32, #tpu.memory_space<vmem>>) semaphore(%arg13 : memref<!tpu.dma_semaphore, #tpu.memory_space<semaphore_mem>>)
    %add3A_93 = arith.constant 16 : i32
    %add3A_94 = arith.addi %mul3A_2, %add3A_93 : i32
    %dma_start3A_95 = arith.constant 0 : i32
    %dma_start3A_96 = tpu.memref_slice %arg5[%add3A_94, %dma_start3A_95] : memref<8192x896xi32, #tpu.memory_space<hbm>> -> memref<16x896xi32, #tpu.memory_space<hbm>>
    %dma_start3A_97 = arith.constant 0 : i32
    %dma_start3A_98 = tpu.memref_slice %arg5[%add3A_94, %dma_start3A_97] : memref<8192x896xi32, #tpu.memory_space<hbm>> -> memref<16x896xi32, #tpu.memory_space<hbm>>
    tpu.enqueue_dma source(%arg10 : memref<16x896xi32, #tpu.memory_space<vmem>>) target(%dma_start3A_98 : memref<16x896xi32, #tpu.memory_space<hbm>>) target_semaphore(%arg14 : memref<!tpu.dma_semaphore, #tpu.memory_space<semaphore_mem>>)
    %dma_start3A_99 = arith.constant 0 : i32
    %dma_start3A_100 = tpu.memref_slice %arg6[%add3A_94, %dma_start3A_99] : memref<8192x896xi32, #tpu.memory_space<hbm>> -> memref<16x896xi32, #tpu.memory_space<hbm>>
    %dma_start3A_101 = arith.constant 0 : i32
    %dma_start3A_102 = tpu.memref_slice %arg6[%add3A_94, %dma_start3A_101] : memref<8192x896xi32, #tpu.memory_space<hbm>> -> memref<16x896xi32, #tpu.memory_space<hbm>>
    tpu.enqueue_dma source(%arg12 : memref<16x896xi32, #tpu.memory_space<vmem>>) target(%dma_start3A_102 : memref<16x896xi32, #tpu.memory_space<hbm>>) target_semaphore(%arg14 : memref<!tpu.dma_semaphore, #tpu.memory_space<semaphore_mem>>)
    %dma_wait3A_103 = arith.constant 2 : i32
    %dma_wait3A_104 = arith.constant 0 : i32
    %dma_wait3A_105 = tpu.memref_slice %arg7[%dma_wait3A_103, %dma_wait3A_104] : memref<16x16xi32, #tpu.memory_space<vmem>> -> memref<1x16xi32, #tpu.memory_space<vmem>>
    %dma_wait3A_106 = tpu.memref_squeeze %dma_wait3A_105 : memref<1x16xi32, #tpu.memory_space<vmem>> -> memref<16xi32, #tpu.memory_space<vmem>>
    %dma_wait3A_107 = arith.constant 0 : i32
    %dma_wait3A_108 = arith.constant 0 : i32
    %dma_wait3A_109 = tpu.memref_slice %arg2[%dma_wait3A_107, %dma_wait3A_108] : memref<18432x896xi32, #tpu.memory_space<hbm>> -> memref<18432x896xi32, #tpu.memory_space<hbm>>
    tpu.wait_indirect_dma semaphore(%arg13 : memref<!tpu.dma_semaphore, #tpu.memory_space<semaphore_mem>>) src(%dma_wait3A_109 : memref<18432x896xi32, #tpu.memory_space<hbm>>) dst(%arg9 : memref<16x896xi32, #tpu.memory_space<vmem>>)
    %dma_wait3A_110 = arith.constant 2 : i32
    %dma_wait3A_111 = arith.constant 0 : i32
    %dma_wait3A_112 = tpu.memref_slice %arg8[%dma_wait3A_110, %dma_wait3A_111] : memref<16x16xi32, #tpu.memory_space<vmem>> -> memref<1x16xi32, #tpu.memory_space<vmem>>
    %dma_wait3A_113 = tpu.memref_squeeze %dma_wait3A_112 : memref<1x16xi32, #tpu.memory_space<vmem>> -> memref<16xi32, #tpu.memory_space<vmem>>
    %dma_wait3A_114 = arith.constant 0 : i32
    %dma_wait3A_115 = arith.constant 0 : i32
    %dma_wait3A_116 = tpu.memref_slice %arg2[%dma_wait3A_114, %dma_wait3A_115] : memref<18432x896xi32, #tpu.memory_space<hbm>> -> memref<18432x896xi32, #tpu.memory_space<hbm>>
    tpu.wait_indirect_dma semaphore(%arg13 : memref<!tpu.dma_semaphore, #tpu.memory_space<semaphore_mem>>) src(%dma_wait3A_116 : memref<18432x896xi32, #tpu.memory_space<hbm>>) dst(%arg11 : memref<16x896xi32, #tpu.memory_space<vmem>>)
    %dma_wait3A_117 = arith.constant 0 : i32
    %dma_wait3A_118 = tpu.memref_slice %arg5[%add3A_94, %dma_wait3A_117] : memref<8192x896xi32, #tpu.memory_space<hbm>> -> memref<16x896xi32, #tpu.memory_space<hbm>>
    %dma_wait3A_119 = arith.constant 0 : i32
    %dma_wait3A_120 = tpu.memref_slice %arg5[%add3A_94, %dma_wait3A_119] : memref<8192x896xi32, #tpu.memory_space<hbm>> -> memref<16x896xi32, #tpu.memory_space<hbm>>
    tpu.wait_dma2 semaphore(%arg14 : memref<!tpu.dma_semaphore, #tpu.memory_space<semaphore_mem>>) src(%arg10 : memref<16x896xi32, #tpu.memory_space<vmem>>) dst(%dma_wait3A_120 : memref<16x896xi32, #tpu.memory_space<hbm>>)
    %dma_wait3A_121 = arith.constant 0 : i32
    %dma_wait3A_122 = tpu.memref_slice %arg6[%add3A_94, %dma_wait3A_121] : memref<8192x896xi32, #tpu.memory_space<hbm>> -> memref<16x896xi32, #tpu.memory_space<hbm>>
    %dma_wait3A_123 = arith.constant 0 : i32
    %dma_wait3A_124 = tpu.memref_slice %arg6[%add3A_94, %dma_wait3A_123] : memref<8192x896xi32, #tpu.memory_space<hbm>> -> memref<16x896xi32, #tpu.memory_space<hbm>>
    tpu.wait_dma2 semaphore(%arg14 : memref<!tpu.dma_semaphore, #tpu.memory_space<semaphore_mem>>) src(%arg12 : memref<16x896xi32, #tpu.memory_space<vmem>>) dst(%dma_wait3A_124 : memref<16x896xi32, #tpu.memory_space<hbm>>)
    %dma_start3A_125 = arith.constant 3 : i32
    %dma_start3A_126 = arith.constant 0 : i32
    %dma_start3A_127 = tpu.memref_slice %arg7[%dma_start3A_125, %dma_start3A_126] : memref<16x16xi32, #tpu.memory_space<vmem>> -> memref<1x16xi32, #tpu.memory_space<vmem>>
    %dma_start3A_128 = tpu.memref_squeeze %dma_start3A_127 : memref<1x16xi32, #tpu.memory_space<vmem>> -> memref<16xi32, #tpu.memory_space<vmem>>
    %dma_start3A_129 = arith.constant 0 : i32
    %dma_start3A_130 = arith.constant 0 : i32
    %dma_start3A_131 = tpu.memref_slice %arg2[%dma_start3A_129, %dma_start3A_130] : memref<18432x896xi32, #tpu.memory_space<hbm>> -> memref<18432x896xi32, #tpu.memory_space<hbm>>
    tpu.enqueue_indirect_dma source(%dma_start3A_131 : memref<18432x896xi32, #tpu.memory_space<hbm>>) target(%arg10 : memref<16x896xi32, #tpu.memory_space<vmem>>) offsets(%dma_start3A_128 : memref<16xi32, #tpu.memory_space<vmem>>) semaphore(%arg13 : memref<!tpu.dma_semaphore, #tpu.memory_space<semaphore_mem>>)
    %dma_start3A_132 = arith.constant 3 : i32
    %dma_start3A_133 = arith.constant 0 : i32
    %dma_start3A_134 = tpu.memref_slice %arg8[%dma_start3A_132, %dma_start3A_133] : memref<16x16xi32, #tpu.memory_space<vmem>> -> memref<1x16xi32, #tpu.memory_space<vmem>>
    %dma_start3A_135 = tpu.memref_squeeze %dma_start3A_134 : memref<1x16xi32, #tpu.memory_space<vmem>> -> memref<16xi32, #tpu.memory_space<vmem>>
    %dma_start3A_136 = arith.constant 0 : i32
    %dma_start3A_137 = arith.constant 0 : i32
    %dma_start3A_138 = tpu.memref_slice %arg2[%dma_start3A_136, %dma_start3A_137] : memref<18432x896xi32, #tpu.memory_space<hbm>> -> memref<18432x896xi32, #tpu.memory_space<hbm>>
    tpu.enqueue_indirect_dma source(%dma_start3A_138 : memref<18432x896xi32, #tpu.memory_space<hbm>>) target(%arg12 : memref<16x896xi32, #tpu.memory_space<vmem>>) offsets(%dma_start3A_135 : memref<16xi32, #tpu.memory_space<vmem>>) semaphore(%arg13 : memref<!tpu.dma_semaphore, #tpu.memory_space<semaphore_mem>>)
    %add3A_139 = arith.constant 32 : i32
    %add3A_140 = arith.addi %mul3A_2, %add3A_139 : i32
    %dma_start3A_141 = arith.constant 0 : i32
    %dma_start3A_142 = tpu.memref_slice %arg5[%add3A_140, %dma_start3A_141] : memref<8192x896xi32, #tpu.memory_space<hbm>> -> memref<16x896xi32, #tpu.memory_space<hbm>>
    %dma_start3A_143 = arith.constant 0 : i32
    %dma_start3A_144 = tpu.memref_slice %arg5[%add3A_140, %dma_start3A_143] : memref<8192x896xi32, #tpu.memory_space<hbm>> -> memref<16x896xi32, #tpu.memory_space<hbm>>
    tpu.enqueue_dma source(%arg9 : memref<16x896xi32, #tpu.memory_space<vmem>>) target(%dma_start3A_144 : memref<16x896xi32, #tpu.memory_space<hbm>>) target_semaphore(%arg14 : memref<!tpu.dma_semaphore, #tpu.memory_space<semaphore_mem>>)
    %dma_start3A_145 = arith.constant 0 : i32
    %dma_start3A_146 = tpu.memref_slice %arg6[%add3A_140, %dma_start3A_145] : memref<8192x896xi32, #tpu.memory_space<hbm>> -> memref<16x896xi32, #tpu.memory_space<hbm>>
    %dma_start3A_147 = arith.constant 0 : i32
    %dma_start3A_148 = tpu.memref_slice %arg6[%add3A_140, %dma_start3A_147] : memref<8192x896xi32, #tpu.memory_space<hbm>> -> memref<16x896xi32, #tpu.memory_space<hbm>>
    tpu.enqueue_dma source(%arg11 : memref<16x896xi32, #tpu.memory_space<vmem>>) target(%dma_start3A_148 : memref<16x896xi32, #tpu.memory_space<hbm>>) target_semaphore(%arg14 : memref<!tpu.dma_semaphore, #tpu.memory_space<semaphore_mem>>)
    %dma_wait3A_149 = arith.constant 3 : i32
    %dma_wait3A_150 = arith.constant 0 : i32
    %dma_wait3A_151 = tpu.memref_slice %arg7[%dma_wait3A_149, %dma_wait3A_150] : memref<16x16xi32, #tpu.memory_space<vmem>> -> memref<1x16xi32, #tpu.memory_space<vmem>>
    %dma_wait3A_152 = tpu.memref_squeeze %dma_wait3A_151 : memref<1x16xi32, #tpu.memory_space<vmem>> -> memref<16xi32, #tpu.memory_space<vmem>>
    %dma_wait3A_153 = arith.constant 0 : i32
    %dma_wait3A_154 = arith.constant 0 : i32
    %dma_wait3A_155 = tpu.memref_slice %arg2[%dma_wait3A_153, %dma_wait3A_154] : memref<18432x896xi32, #tpu.memory_space<hbm>> -> memref<18432x896xi32, #tpu.memory_space<hbm>>
    tpu.wait_indirect_dma semaphore(%arg13 : memref<!tpu.dma_semaphore, #tpu.memory_space<semaphore_mem>>) src(%dma_wait3A_155 : memref<18432x896xi32, #tpu.memory_space<hbm>>) dst(%arg10 : memref<16x896xi32, #tpu.memory_space<vmem>>)
    %dma_wait3A_156 = arith.constant 3 : i32
    %dma_wait3A_157 = arith.constant 0 : i32
    %dma_wait3A_158 = tpu.memref_slice %arg8[%dma_wait3A_156, %dma_wait3A_157] : memref<16x16xi32, #tpu.memory_space<vmem>> -> memref<1x16xi32, #tpu.memory_space<vmem>>
    %dma_wait3A_159 = tpu.memref_squeeze %dma_wait3A_158 : memref<1x16xi32, #tpu.memory_space<vmem>> -> memref<16xi32, #tpu.memory_space<vmem>>
    %dma_wait3A_160 = arith.constant 0 : i32
    %dma_wait3A_161 = arith.constant 0 : i32
    %dma_wait3A_162 = tpu.memref_slice %arg2[%dma_wait3A_160, %dma_wait3A_161] : memref<18432x896xi32, #tpu.memory_space<hbm>> -> memref<18432x896xi32, #tpu.memory_space<hbm>>
    tpu.wait_indirect_dma semaphore(%arg13 : memref<!tpu.dma_semaphore, #tpu.memory_space<semaphore_mem>>) src(%dma_wait3A_162 : memref<18432x896xi32, #tpu.memory_space<hbm>>) dst(%arg12 : memref<16x896xi32, #tpu.memory_space<vmem>>)
    %dma_wait3A_163 = arith.constant 0 : i32
    %dma_wait3A_164 = tpu.memref_slice %arg5[%add3A_140, %dma_wait3A_163] : memref<8192x896xi32, #tpu.memory_space<hbm>> -> memref<16x896xi32, #tpu.memory_space<hbm>>
    %dma_wait3A_165 = arith.constant 0 : i32
    %dma_wait3A_166 = tpu.memref_slice %arg5[%add3A_140, %dma_wait3A_165] : memref<8192x896xi32, #tpu.memory_space<hbm>> -> memref<16x896xi32, #tpu.memory_space<hbm>>
    tpu.wait_dma2 semaphore(%arg14 : memref<!tpu.dma_semaphore, #tpu.memory_space<semaphore_mem>>) src(%arg9 : memref<16x896xi32, #tpu.memory_space<vmem>>) dst(%dma_wait3A_166 : memref<16x896xi32, #tpu.memory_space<hbm>>)
    %dma_wait3A_167 = arith.constant 0 : i32
    %dma_wait3A_168 = tpu.memref_slice %arg6[%add3A_140, %dma_wait3A_167] : memref<8192x896xi32, #tpu.memory_space<hbm>> -> memref<16x896xi32, #tpu.memory_space<hbm>>
    %dma_wait3A_169 = arith.constant 0 : i32
    %dma_wait3A_170 = tpu.memref_slice %arg6[%add3A_140, %dma_wait3A_169] : memref<8192x896xi32, #tpu.memory_space<hbm>> -> memref<16x896xi32, #tpu.memory_space<hbm>>
    tpu.wait_dma2 semaphore(%arg14 : memref<!tpu.dma_semaphore, #tpu.memory_space<semaphore_mem>>) src(%arg11 : memref<16x896xi32, #tpu.memory_space<vmem>>) dst(%dma_wait3A_170 : memref<16x896xi32, #tpu.memory_space<hbm>>)
    %dma_start3A_171 = arith.constant 4 : i32
    %dma_start3A_172 = arith.constant 0 : i32
    %dma_start3A_173 = tpu.memref_slice %arg7[%dma_start3A_171, %dma_start3A_172] : memref<16x16xi32, #tpu.memory_space<vmem>> -> memref<1x16xi32, #tpu.memory_space<vmem>>
    %dma_start3A_174 = tpu.memref_squeeze %dma_start3A_173 : memref<1x16xi32, #tpu.memory_space<vmem>> -> memref<16xi32, #tpu.memory_space<vmem>>
    %dma_start3A_175 = arith.constant 0 : i32
    %dma_start3A_176 = arith.constant 0 : i32
    %dma_start3A_177 = tpu.memref_slice %arg2[%dma_start3A_175, %dma_start3A_176] : memref<18432x896xi32, #tpu.memory_space<hbm>> -> memref<18432x896xi32, #tpu.memory_space<hbm>>
    tpu.enqueue_indirect_dma source(%dma_start3A_177 : memref<18432x896xi32, #tpu.memory_space<hbm>>) target(%arg9 : memref<16x896xi32, #tpu.memory_space<vmem>>) offsets(%dma_start3A_174 : memref<16xi32, #tpu.memory_space<vmem>>) semaphore(%arg13 : memref<!tpu.dma_semaphore, #tpu.memory_space<semaphore_mem>>)
    %dma_start3A_178 = arith.constant 4 : i32
    %dma_start3A_179 = arith.constant 0 : i32
    %dma_start3A_180 = tpu.memref_slice %arg8[%dma_start3A_178, %dma_start3A_179] : memref<16x16xi32, #tpu.memory_space<vmem>> -> memref<1x16xi32, #tpu.memory_space<vmem>>
    %dma_start3A_181 = tpu.memref_squeeze %dma_start3A_180 : memref<1x16xi32, #tpu.memory_space<vmem>> -> memref<16xi32, #tpu.memory_space<vmem>>
    %dma_start3A_182 = arith.constant 0 : i32
    %dma_start3A_183 = arith.constant 0 : i32
    %dma_start3A_184 = tpu.memref_slice %arg2[%dma_start3A_182, %dma_start3A_183] : memref<18432x896xi32, #tpu.memory_space<hbm>> -> memref<18432x896xi32, #tpu.memory_space<hbm>>
    tpu.enqueue_indirect_dma source(%dma_start3A_184 : memref<18432x896xi32, #tpu.memory_space<hbm>>) target(%arg11 : memref<16x896xi32, #tpu.memory_space<vmem>>) offsets(%dma_start3A_181 : memref<16xi32, #tpu.memory_space<vmem>>) semaphore(%arg13 : memref<!tpu.dma_semaphore, #tpu.memory_space<semaphore_mem>>)
    %add3A_185 = arith.constant 48 : i32
    %add3A_186 = arith.addi %mul3A_2, %add3A_185 : i32
    %dma_start3A_187 = arith.constant 0 : i32
    %dma_start3A_188 = tpu.memref_slice %arg5[%add3A_186, %dma_start3A_187] : memref<8192x896xi32, #tpu.memory_space<hbm>> -> memref<16x896xi32, #tpu.memory_space<hbm>>
    %dma_start3A_189 = arith.constant 0 : i32
    %dma_start3A_190 = tpu.memref_slice %arg5[%add3A_186, %dma_start3A_189] : memref<8192x896xi32, #tpu.memory_space<hbm>> -> memref<16x896xi32, #tpu.memory_space<hbm>>
    tpu.enqueue_dma source(%arg10 : memref<16x896xi32, #tpu.memory_space<vmem>>) target(%dma_start3A_190 : memref<16x896xi32, #tpu.memory_space<hbm>>) target_semaphore(%arg14 : memref<!tpu.dma_semaphore, #tpu.memory_space<semaphore_mem>>)
    %dma_start3A_191 = arith.constant 0 : i32
    %dma_start3A_192 = tpu.memref_slice %arg6[%add3A_186, %dma_start3A_191] : memref<8192x896xi32, #tpu.memory_space<hbm>> -> memref<16x896xi32, #tpu.memory_space<hbm>>
    %dma_start3A_193 = arith.constant 0 : i32
    %dma_start3A_194 = tpu.memref_slice %arg6[%add3A_186, %dma_start3A_193] : memref<8192x896xi32, #tpu.memory_space<hbm>> -> memref<16x896xi32, #tpu.memory_space<hbm>>
    tpu.enqueue_dma source(%arg12 : memref<16x896xi32, #tpu.memory_space<vmem>>) target(%dma_start3A_194 : memref<16x896xi32, #tpu.memory_space<hbm>>) target_semaphore(%arg14 : memref<!tpu.dma_semaphore, #tpu.memory_space<semaphore_mem>>)
    %dma_wait3A_195 = arith.constant 4 : i32
    %dma_wait3A_196 = arith.constant 0 : i32
    %dma_wait3A_197 = tpu.memref_slice %arg7[%dma_wait3A_195, %dma_wait3A_196] : memref<16x16xi32, #tpu.memory_space<vmem>> -> memref<1x16xi32, #tpu.memory_space<vmem>>
    %dma_wait3A_198 = tpu.memref_squeeze %dma_wait3A_197 : memref<1x16xi32, #tpu.memory_space<vmem>> -> memref<16xi32, #tpu.memory_space<vmem>>
    %dma_wait3A_199 = arith.constant 0 : i32
    %dma_wait3A_200 = arith.constant 0 : i32
    %dma_wait3A_201 = tpu.memref_slice %arg2[%dma_wait3A_199, %dma_wait3A_200] : memref<18432x896xi32, #tpu.memory_space<hbm>> -> memref<18432x896xi32, #tpu.memory_space<hbm>>
    tpu.wait_indirect_dma semaphore(%arg13 : memref<!tpu.dma_semaphore, #tpu.memory_space<semaphore_mem>>) src(%dma_wait3A_201 : memref<18432x896xi32, #tpu.memory_space<hbm>>) dst(%arg9 : memref<16x896xi32, #tpu.memory_space<vmem>>)
    %dma_wait3A_202 = arith.constant 4 : i32
    %dma_wait3A_203 = arith.constant 0 : i32
    %dma_wait3A_204 = tpu.memref_slice %arg8[%dma_wait3A_202, %dma_wait3A_203] : memref<16x16xi32, #tpu.memory_space<vmem>> -> memref<1x16xi32, #tpu.memory_space<vmem>>
    %dma_wait3A_205 = tpu.memref_squeeze %dma_wait3A_204 : memref<1x16xi32, #tpu.memory_space<vmem>> -> memref<16xi32, #tpu.memory_space<vmem>>
    %dma_wait3A_206 = arith.constant 0 : i32
    %dma_wait3A_207 = arith.constant 0 : i32
    %dma_wait3A_208 = tpu.memref_slice %arg2[%dma_wait3A_206, %dma_wait3A_207] : memref<18432x896xi32, #tpu.memory_space<hbm>> -> memref<18432x896xi32, #tpu.memory_space<hbm>>
    tpu.wait_indirect_dma semaphore(%arg13 : memref<!tpu.dma_semaphore, #tpu.memory_space<semaphore_mem>>) src(%dma_wait3A_208 : memref<18432x896xi32, #tpu.memory_space<hbm>>) dst(%arg11 : memref<16x896xi32, #tpu.memory_space<vmem>>)
    %dma_wait3A_209 = arith.constant 0 : i32
    %dma_wait3A_210 = tpu.memref_slice %arg5[%add3A_186, %dma_wait3A_209] : memref<8192x896xi32, #tpu.memory_space<hbm>> -> memref<16x896xi32, #tpu.memory_space<hbm>>
    %dma_wait3A_211 = arith.constant 0 : i32
    %dma_wait3A_212 = tpu.memref_slice %arg5[%add3A_186, %dma_wait3A_211] : memref<8192x896xi32, #tpu.memory_space<hbm>> -> memref<16x896xi32, #tpu.memory_space<hbm>>
    tpu.wait_dma2 semaphore(%arg14 : memref<!tpu.dma_semaphore, #tpu.memory_space<semaphore_mem>>) src(%arg10 : memref<16x896xi32, #tpu.memory_space<vmem>>) dst(%dma_wait3A_212 : memref<16x896xi32, #tpu.memory_space<hbm>>)
    %dma_wait3A_213 = arith.constant 0 : i32
    %dma_wait3A_214 = tpu.memref_slice %arg6[%add3A_186, %dma_wait3A_213] : memref<8192x896xi32, #tpu.memory_space<hbm>> -> memref<16x896xi32, #tpu.memory_space<hbm>>
    %dma_wait3A_215 = arith.constant 0 : i32
    %dma_wait3A_216 = tpu.memref_slice %arg6[%add3A_186, %dma_wait3A_215] : memref<8192x896xi32, #tpu.memory_space<hbm>> -> memref<16x896xi32, #tpu.memory_space<hbm>>
    tpu.wait_dma2 semaphore(%arg14 : memref<!tpu.dma_semaphore, #tpu.memory_space<semaphore_mem>>) src(%arg12 : memref<16x896xi32, #tpu.memory_space<vmem>>) dst(%dma_wait3A_216 : memref<16x896xi32, #tpu.memory_space<hbm>>)
    %dma_start3A_217 = arith.constant 5 : i32
    %dma_start3A_218 = arith.constant 0 : i32
    %dma_start3A_219 = tpu.memref_slice %arg7[%dma_start3A_217, %dma_start3A_218] : memref<16x16xi32, #tpu.memory_space<vmem>> -> memref<1x16xi32, #tpu.memory_space<vmem>>
    %dma_start3A_220 = tpu.memref_squeeze %dma_start3A_219 : memref<1x16xi32, #tpu.memory_space<vmem>> -> memref<16xi32, #tpu.memory_space<vmem>>
    %dma_start3A_221 = arith.constant 0 : i32
    %dma_start3A_222 = arith.constant 0 : i32
    %dma_start3A_223 = tpu.memref_slice %arg2[%dma_start3A_221, %dma_start3A_222] : memref<18432x896xi32, #tpu.memory_space<hbm>> -> memref<18432x896xi32, #tpu.memory_space<hbm>>
    tpu.enqueue_indirect_dma source(%dma_start3A_223 : memref<18432x896xi32, #tpu.memory_space<hbm>>) target(%arg10 : memref<16x896xi32, #tpu.memory_space<vmem>>) offsets(%dma_start3A_220 : memref<16xi32, #tpu.memory_space<vmem>>) semaphore(%arg13 : memref<!tpu.dma_semaphore, #tpu.memory_space<semaphore_mem>>)
    %dma_start3A_224 = arith.constant 5 : i32
    %dma_start3A_225 = arith.constant 0 : i32
    %dma_start3A_226 = tpu.memref_slice %arg8[%dma_start3A_224, %dma_start3A_225] : memref<16x16xi32, #tpu.memory_space<vmem>> -> memref<1x16xi32, #tpu.memory_space<vmem>>
    %dma_start3A_227 = tpu.memref_squeeze %dma_start3A_226 : memref<1x16xi32, #tpu.memory_space<vmem>> -> memref<16xi32, #tpu.memory_space<vmem>>
    %dma_start3A_228 = arith.constant 0 : i32
    %dma_start3A_229 = arith.constant 0 : i32
    %dma_start3A_230 = tpu.memref_slice %arg2[%dma_start3A_228, %dma_start3A_229] : memref<18432x896xi32, #tpu.memory_space<hbm>> -> memref<18432x896xi32, #tpu.memory_space<hbm>>
    tpu.enqueue_indirect_dma source(%dma_start3A_230 : memref<18432x896xi32, #tpu.memory_space<hbm>>) target(%arg12 : memref<16x896xi32, #tpu.memory_space<vmem>>) offsets(%dma_start3A_227 : memref<16xi32, #tpu.memory_space<vmem>>) semaphore(%arg13 : memref<!tpu.dma_semaphore, #tpu.memory_space<semaphore_mem>>)
    %add3A_231 = arith.constant 64 : i32
    %add3A_232 = arith.addi %mul3A_2, %add3A_231 : i32
    %dma_start3A_233 = arith.constant 0 : i32
    %dma_start3A_234 = tpu.memref_slice %arg5[%add3A_232, %dma_start3A_233] : memref<8192x896xi32, #tpu.memory_space<hbm>> -> memref<16x896xi32, #tpu.memory_space<hbm>>
    %dma_start3A_235 = arith.constant 0 : i32
    %dma_start3A_236 = tpu.memref_slice %arg5[%add3A_232, %dma_start3A_235] : memref<8192x896xi32, #tpu.memory_space<hbm>> -> memref<16x896xi32, #tpu.memory_space<hbm>>
    tpu.enqueue_dma source(%arg9 : memref<16x896xi32, #tpu.memory_space<vmem>>) target(%dma_start3A_236 : memref<16x896xi32, #tpu.memory_space<hbm>>) target_semaphore(%arg14 : memref<!tpu.dma_semaphore, #tpu.memory_space<semaphore_mem>>)
    %dma_start3A_237 = arith.constant 0 : i32
    %dma_start3A_238 = tpu.memref_slice %arg6[%add3A_232, %dma_start3A_237] : memref<8192x896xi32, #tpu.memory_space<hbm>> -> memref<16x896xi32, #tpu.memory_space<hbm>>
    %dma_start3A_239 = arith.constant 0 : i32
    %dma_start3A_240 = tpu.memref_slice %arg6[%add3A_232, %dma_start3A_239] : memref<8192x896xi32, #tpu.memory_space<hbm>> -> memref<16x896xi32, #tpu.memory_space<hbm>>
    tpu.enqueue_dma source(%arg11 : memref<16x896xi32, #tpu.memory_space<vmem>>) target(%dma_start3A_240 : memref<16x896xi32, #tpu.memory_space<hbm>>) target_semaphore(%arg14 : memref<!tpu.dma_semaphore, #tpu.memory_space<semaphore_mem>>)
    %dma_wait3A_241 = arith.constant 5 : i32
    %dma_wait3A_242 = arith.constant 0 : i32
    %dma_wait3A_243 = tpu.memref_slice %arg7[%dma_wait3A_241, %dma_wait3A_242] : memref<16x16xi32, #tpu.memory_space<vmem>> -> memref<1x16xi32, #tpu.memory_space<vmem>>
    %dma_wait3A_244 = tpu.memref_squeeze %dma_wait3A_243 : memref<1x16xi32, #tpu.memory_space<vmem>> -> memref<16xi32, #tpu.memory_space<vmem>>
    %dma_wait3A_245 = arith.constant 0 : i32
    %dma_wait3A_246 = arith.constant 0 : i32
    %dma_wait3A_247 = tpu.memref_slice %arg2[%dma_wait3A_245, %dma_wait3A_246] : memref<18432x896xi32, #tpu.memory_space<hbm>> -> memref<18432x896xi32, #tpu.memory_space<hbm>>
    tpu.wait_indirect_dma semaphore(%arg13 : memref<!tpu.dma_semaphore, #tpu.memory_space<semaphore_mem>>) src(%dma_wait3A_247 : memref<18432x896xi32, #tpu.memory_space<hbm>>) dst(%arg10 : memref<16x896xi32, #tpu.memory_space<vmem>>)
    %dma_wait3A_248 = arith.constant 5 : i32
    %dma_wait3A_249 = arith.constant 0 : i32
    %dma_wait3A_250 = tpu.memref_slice %arg8[%dma_wait3A_248, %dma_wait3A_249] : memref<16x16xi32, #tpu.memory_space<vmem>> -> memref<1x16xi32, #tpu.memory_space<vmem>>
    %dma_wait3A_251 = tpu.memref_squeeze %dma_wait3A_250 : memref<1x16xi32, #tpu.memory_space<vmem>> -> memref<16xi32, #tpu.memory_space<vmem>>
    %dma_wait3A_252 = arith.constant 0 : i32
    %dma_wait3A_253 = arith.constant 0 : i32
    %dma_wait3A_254 = tpu.memref_slice %arg2[%dma_wait3A_252, %dma_wait3A_253] : memref<18432x896xi32, #tpu.memory_space<hbm>> -> memref<18432x896xi32, #tpu.memory_space<hbm>>
    tpu.wait_indirect_dma semaphore(%arg13 : memref<!tpu.dma_semaphore, #tpu.memory_space<semaphore_mem>>) src(%dma_wait3A_254 : memref<18432x896xi32, #tpu.memory_space<hbm>>) dst(%arg12 : memref<16x896xi32, #tpu.memory_space<vmem>>)
    %dma_wait3A_255 = arith.constant 0 : i32
    %dma_wait3A_256 = tpu.memref_slice %arg5[%add3A_232, %dma_wait3A_255] : memref<8192x896xi32, #tpu.memory_space<hbm>> -> memref<16x896xi32, #tpu.memory_space<hbm>>
    %dma_wait3A_257 = arith.constant 0 : i32
    %dma_wait3A_258 = tpu.memref_slice %arg5[%add3A_232, %dma_wait3A_257] : memref<8192x896xi32, #tpu.memory_space<hbm>> -> memref<16x896xi32, #tpu.memory_space<hbm>>
    tpu.wait_dma2 semaphore(%arg14 : memref<!tpu.dma_semaphore, #tpu.memory_space<semaphore_mem>>) src(%arg9 : memref<16x896xi32, #tpu.memory_space<vmem>>) dst(%dma_wait3A_258 : memref<16x896xi32, #tpu.memory_space<hbm>>)
    %dma_wait3A_259 = arith.constant 0 : i32
    %dma_wait3A_260 = tpu.memref_slice %arg6[%add3A_232, %dma_wait3A_259] : memref<8192x896xi32, #tpu.memory_space<hbm>> -> memref<16x896xi32, #tpu.memory_space<hbm>>
    %dma_wait3A_261 = arith.constant 0 : i32
    %dma_wait3A_262 = tpu.memref_slice %arg6[%add3A_232, %dma_wait3A_261] : memref<8192x896xi32, #tpu.memory_space<hbm>> -> memref<16x896xi32, #tpu.memory_space<hbm>>
    tpu.wait_dma2 semaphore(%arg14 : memref<!tpu.dma_semaphore, #tpu.memory_space<semaphore_mem>>) src(%arg11 : memref<16x896xi32, #tpu.memory_space<vmem>>) dst(%dma_wait3A_262 : memref<16x896xi32, #tpu.memory_space<hbm>>)
    %dma_start3A_263 = arith.constant 6 : i32
    %dma_start3A_264 = arith.constant 0 : i32
    %dma_start3A_265 = tpu.memref_slice %arg7[%dma_start3A_263, %dma_start3A_264] : memref<16x16xi32, #tpu.memory_space<vmem>> -> memref<1x16xi32, #tpu.memory_space<vmem>>
    %dma_start3A_266 = tpu.memref_squeeze %dma_start3A_265 : memref<1x16xi32, #tpu.memory_space<vmem>> -> memref<16xi32, #tpu.memory_space<vmem>>
    %dma_start3A_267 = arith.constant 0 : i32
    %dma_start3A_268 = arith.constant 0 : i32
    %dma_start3A_269 = tpu.memref_slice %arg2[%dma_start3A_267, %dma_start3A_268] : memref<18432x896xi32, #tpu.memory_space<hbm>> -> memref<18432x896xi32, #tpu.memory_space<hbm>>
    tpu.enqueue_indirect_dma source(%dma_start3A_269 : memref<18432x896xi32, #tpu.memory_space<hbm>>) target(%arg9 : memref<16x896xi32, #tpu.memory_space<vmem>>) offsets(%dma_start3A_266 : memref<16xi32, #tpu.memory_space<vmem>>) semaphore(%arg13 : memref<!tpu.dma_semaphore, #tpu.memory_space<semaphore_mem>>)
    %dma_start3A_270 = arith.constant 6 : i32
    %dma_start3A_271 = arith.constant 0 : i32
    %dma_start3A_272 = tpu.memref_slice %arg8[%dma_start3A_270, %dma_start3A_271] : memref<16x16xi32, #tpu.memory_space<vmem>> -> memref<1x16xi32, #tpu.memory_space<vmem>>
    %dma_start3A_273 = tpu.memref_squeeze %dma_start3A_272 : memref<1x16xi32, #tpu.memory_space<vmem>> -> memref<16xi32, #tpu.memory_space<vmem>>
    %dma_start3A_274 = arith.constant 0 : i32
    %dma_start3A_275 = arith.constant 0 : i32
    %dma_start3A_276 = tpu.memref_slice %arg2[%dma_start3A_274, %dma_start3A_275] : memref<18432x896xi32, #tpu.memory_space<hbm>> -> memref<18432x896xi32, #tpu.memory_space<hbm>>
    tpu.enqueue_indirect_dma source(%dma_start3A_276 : memref<18432x896xi32, #tpu.memory_space<hbm>>) target(%arg11 : memref<16x896xi32, #tpu.memory_space<vmem>>) offsets(%dma_start3A_273 : memref<16xi32, #tpu.memory_space<vmem>>) semaphore(%arg13 : memref<!tpu.dma_semaphore, #tpu.memory_space<semaphore_mem>>)
    %add3A_277 = arith.constant 80 : i32
    %add3A_278 = arith.addi %mul3A_2, %add3A_277 : i32
    %dma_start3A_279 = arith.constant 0 : i32
    %dma_start3A_280 = tpu.memref_slice %arg5[%add3A_278, %dma_start3A_279] : memref<8192x896xi32, #tpu.memory_space<hbm>> -> memref<16x896xi32, #tpu.memory_space<hbm>>
    %dma_start3A_281 = arith.constant 0 : i32
    %dma_start3A_282 = tpu.memref_slice %arg5[%add3A_278, %dma_start3A_281] : memref<8192x896xi32, #tpu.memory_space<hbm>> -> memref<16x896xi32, #tpu.memory_space<hbm>>
    tpu.enqueue_dma source(%arg10 : memref<16x896xi32, #tpu.memory_space<vmem>>) target(%dma_start3A_282 : memref<16x896xi32, #tpu.memory_space<hbm>>) target_semaphore(%arg14 : memref<!tpu.dma_semaphore, #tpu.memory_space<semaphore_mem>>)
    %dma_start3A_283 = arith.constant 0 : i32
    %dma_start3A_284 = tpu.memref_slice %arg6[%add3A_278, %dma_start3A_283] : memref<8192x896xi32, #tpu.memory_space<hbm>> -> memref<16x896xi32, #tpu.memory_space<hbm>>
    %dma_start3A_285 = arith.constant 0 : i32
    %dma_start3A_286 = tpu.memref_slice %arg6[%add3A_278, %dma_start3A_285] : memref<8192x896xi32, #tpu.memory_space<hbm>> -> memref<16x896xi32, #tpu.memory_space<hbm>>
    tpu.enqueue_dma source(%arg12 : memref<16x896xi32, #tpu.memory_space<vmem>>) target(%dma_start3A_286 : memref<16x896xi32, #tpu.memory_space<hbm>>) target_semaphore(%arg14 : memref<!tpu.dma_semaphore, #tpu.memory_space<semaphore_mem>>)
    %dma_wait3A_287 = arith.constant 6 : i32
    %dma_wait3A_288 = arith.constant 0 : i32
    %dma_wait3A_289 = tpu.memref_slice %arg7[%dma_wait3A_287, %dma_wait3A_288] : memref<16x16xi32, #tpu.memory_space<vmem>> -> memref<1x16xi32, #tpu.memory_space<vmem>>
    %dma_wait3A_290 = tpu.memref_squeeze %dma_wait3A_289 : memref<1x16xi32, #tpu.memory_space<vmem>> -> memref<16xi32, #tpu.memory_space<vmem>>
    %dma_wait3A_291 = arith.constant 0 : i32
    %dma_wait3A_292 = arith.constant 0 : i32
    %dma_wait3A_293 = tpu.memref_slice %arg2[%dma_wait3A_291, %dma_wait3A_292] : memref<18432x896xi32, #tpu.memory_space<hbm>> -> memref<18432x896xi32, #tpu.memory_space<hbm>>
    tpu.wait_indirect_dma semaphore(%arg13 : memref<!tpu.dma_semaphore, #tpu.memory_space<semaphore_mem>>) src(%dma_wait3A_293 : memref<18432x896xi32, #tpu.memory_space<hbm>>) dst(%arg9 : memref<16x896xi32, #tpu.memory_space<vmem>>)
    %dma_wait3A_294 = arith.constant 6 : i32
    %dma_wait3A_295 = arith.constant 0 : i32
    %dma_wait3A_296 = tpu.memref_slice %arg8[%dma_wait3A_294, %dma_wait3A_295] : memref<16x16xi32, #tpu.memory_space<vmem>> -> memref<1x16xi32, #tpu.memory_space<vmem>>
    %dma_wait3A_297 = tpu.memref_squeeze %dma_wait3A_296 : memref<1x16xi32, #tpu.memory_space<vmem>> -> memref<16xi32, #tpu.memory_space<vmem>>
    %dma_wait3A_298 = arith.constant 0 : i32
    %dma_wait3A_299 = arith.constant 0 : i32
    %dma_wait3A_300 = tpu.memref_slice %arg2[%dma_wait3A_298, %dma_wait3A_299] : memref<18432x896xi32, #tpu.memory_space<hbm>> -> memref<18432x896xi32, #tpu.memory_space<hbm>>
    tpu.wait_indirect_dma semaphore(%arg13 : memref<!tpu.dma_semaphore, #tpu.memory_space<semaphore_mem>>) src(%dma_wait3A_300 : memref<18432x896xi32, #tpu.memory_space<hbm>>) dst(%arg11 : memref<16x896xi32, #tpu.memory_space<vmem>>)
    %dma_wait3A_301 = arith.constant 0 : i32
    %dma_wait3A_302 = tpu.memref_slice %arg5[%add3A_278, %dma_wait3A_301] : memref<8192x896xi32, #tpu.memory_space<hbm>> -> memref<16x896xi32, #tpu.memory_space<hbm>>
    %dma_wait3A_303 = arith.constant 0 : i32
    %dma_wait3A_304 = tpu.memref_slice %arg5[%add3A_278, %dma_wait3A_303] : memref<8192x896xi32, #tpu.memory_space<hbm>> -> memref<16x896xi32, #tpu.memory_space<hbm>>
    tpu.wait_dma2 semaphore(%arg14 : memref<!tpu.dma_semaphore, #tpu.memory_space<semaphore_mem>>) src(%arg10 : memref<16x896xi32, #tpu.memory_space<vmem>>) dst(%dma_wait3A_304 : memref<16x896xi32, #tpu.memory_space<hbm>>)
    %dma_wait3A_305 = arith.constant 0 : i32
    %dma_wait3A_306 = tpu.memref_slice %arg6[%add3A_278, %dma_wait3A_305] : memref<8192x896xi32, #tpu.memory_space<hbm>> -> memref<16x896xi32, #tpu.memory_space<hbm>>
    %dma_wait3A_307 = arith.constant 0 : i32
    %dma_wait3A_308 = tpu.memref_slice %arg6[%add3A_278, %dma_wait3A_307] : memref<8192x896xi32, #tpu.memory_space<hbm>> -> memref<16x896xi32, #tpu.memory_space<hbm>>
    tpu.wait_dma2 semaphore(%arg14 : memref<!tpu.dma_semaphore, #tpu.memory_space<semaphore_mem>>) src(%arg12 : memref<16x896xi32, #tpu.memory_space<vmem>>) dst(%dma_wait3A_308 : memref<16x896xi32, #tpu.memory_space<hbm>>)
    %dma_start3A_309 = arith.constant 7 : i32
    %dma_start3A_310 = arith.constant 0 : i32
    %dma_start3A_311 = tpu.memref_slice %arg7[%dma_start3A_309, %dma_start3A_310] : memref<16x16xi32, #tpu.memory_space<vmem>> -> memref<1x16xi32, #tpu.memory_space<vmem>>
    %dma_start3A_312 = tpu.memref_squeeze %dma_start3A_311 : memref<1x16xi32, #tpu.memory_space<vmem>> -> memref<16xi32, #tpu.memory_space<vmem>>
    %dma_start3A_313 = arith.constant 0 : i32
    %dma_start3A_314 = arith.constant 0 : i32
    %dma_start3A_315 = tpu.memref_slice %arg2[%dma_start3A_313, %dma_start3A_314] : memref<18432x896xi32, #tpu.memory_space<hbm>> -> memref<18432x896xi32, #tpu.memory_space<hbm>>
    tpu.enqueue_indirect_dma source(%dma_start3A_315 : memref<18432x896xi32, #tpu.memory_space<hbm>>) target(%arg10 : memref<16x896xi32, #tpu.memory_space<vmem>>) offsets(%dma_start3A_312 : memref<16xi32, #tpu.memory_space<vmem>>) semaphore(%arg13 : memref<!tpu.dma_semaphore, #tpu.memory_space<semaphore_mem>>)
    %dma_start3A_316 = arith.constant 7 : i32
    %dma_start3A_317 = arith.constant 0 : i32
    %dma_start3A_318 = tpu.memref_slice %arg8[%dma_start3A_316, %dma_start3A_317] : memref<16x16xi32, #tpu.memory_space<vmem>> -> memref<1x16xi32, #tpu.memory_space<vmem>>
    %dma_start3A_319 = tpu.memref_squeeze %dma_start3A_318 : memref<1x16xi32, #tpu.memory_space<vmem>> -> memref<16xi32, #tpu.memory_space<vmem>>
    %dma_start3A_320 = arith.constant 0 : i32
    %dma_start3A_321 = arith.constant 0 : i32
    %dma_start3A_322 = tpu.memref_slice %arg2[%dma_start3A_320, %dma_start3A_321] : memref<18432x896xi32, #tpu.memory_space<hbm>> -> memref<18432x896xi32, #tpu.memory_space<hbm>>
    tpu.enqueue_indirect_dma source(%dma_start3A_322 : memref<18432x896xi32, #tpu.memory_space<hbm>>) target(%arg12 : memref<16x896xi32, #tpu.memory_space<vmem>>) offsets(%dma_start3A_319 : memref<16xi32, #tpu.memory_space<vmem>>) semaphore(%arg13 : memref<!tpu.dma_semaphore, #tpu.memory_space<semaphore_mem>>)
    %add3A_323 = arith.constant 96 : i32
    %add3A_324 = arith.addi %mul3A_2, %add3A_323 : i32
    %dma_start3A_325 = arith.constant 0 : i32
    %dma_start3A_326 = tpu.memref_slice %arg5[%add3A_324, %dma_start3A_325] : memref<8192x896xi32, #tpu.memory_space<hbm>> -> memref<16x896xi32, #tpu.memory_space<hbm>>
    %dma_start3A_327 = arith.constant 0 : i32
    %dma_start3A_328 = tpu.memref_slice %arg5[%add3A_324, %dma_start3A_327] : memref<8192x896xi32, #tpu.memory_space<hbm>> -> memref<16x896xi32, #tpu.memory_space<hbm>>
    tpu.enqueue_dma source(%arg9 : memref<16x896xi32, #tpu.memory_space<vmem>>) target(%dma_start3A_328 : memref<16x896xi32, #tpu.memory_space<hbm>>) target_semaphore(%arg14 : memref<!tpu.dma_semaphore, #tpu.memory_space<semaphore_mem>>)
    %dma_start3A_329 = arith.constant 0 : i32
    %dma_start3A_330 = tpu.memref_slice %arg6[%add3A_324, %dma_start3A_329] : memref<8192x896xi32, #tpu.memory_space<hbm>> -> memref<16x896xi32, #tpu.memory_space<hbm>>
    %dma_start3A_331 = arith.constant 0 : i32
    %dma_start3A_332 = tpu.memref_slice %arg6[%add3A_324, %dma_start3A_331] : memref<8192x896xi32, #tpu.memory_space<hbm>> -> memref<16x896xi32, #tpu.memory_space<hbm>>
    tpu.enqueue_dma source(%arg11 : memref<16x896xi32, #tpu.memory_space<vmem>>) target(%dma_start3A_332 : memref<16x896xi32, #tpu.memory_space<hbm>>) target_semaphore(%arg14 : memref<!tpu.dma_semaphore, #tpu.memory_space<semaphore_mem>>)
    %dma_wait3A_333 = arith.constant 7 : i32
    %dma_wait3A_334 = arith.constant 0 : i32
    %dma_wait3A_335 = tpu.memref_slice %arg7[%dma_wait3A_333, %dma_wait3A_334] : memref<16x16xi32, #tpu.memory_space<vmem>> -> memref<1x16xi32, #tpu.memory_space<vmem>>
    %dma_wait3A_336 = tpu.memref_squeeze %dma_wait3A_335 : memref<1x16xi32, #tpu.memory_space<vmem>> -> memref<16xi32, #tpu.memory_space<vmem>>
    %dma_wait3A_337 = arith.constant 0 : i32
    %dma_wait3A_338 = arith.constant 0 : i32
    %dma_wait3A_339 = tpu.memref_slice %arg2[%dma_wait3A_337, %dma_wait3A_338] : memref<18432x896xi32, #tpu.memory_space<hbm>> -> memref<18432x896xi32, #tpu.memory_space<hbm>>
    tpu.wait_indirect_dma semaphore(%arg13 : memref<!tpu.dma_semaphore, #tpu.memory_space<semaphore_mem>>) src(%dma_wait3A_339 : memref<18432x896xi32, #tpu.memory_space<hbm>>) dst(%arg10 : memref<16x896xi32, #tpu.memory_space<vmem>>)
    %dma_wait3A_340 = arith.constant 7 : i32
    %dma_wait3A_341 = arith.constant 0 : i32
    %dma_wait3A_342 = tpu.memref_slice %arg8[%dma_wait3A_340, %dma_wait3A_341] : memref<16x16xi32, #tpu.memory_space<vmem>> -> memref<1x16xi32, #tpu.memory_space<vmem>>
    %dma_wait3A_343 = tpu.memref_squeeze %dma_wait3A_342 : memref<1x16xi32, #tpu.memory_space<vmem>> -> memref<16xi32, #tpu.memory_space<vmem>>
    %dma_wait3A_344 = arith.constant 0 : i32
    %dma_wait3A_345 = arith.constant 0 : i32
    %dma_wait3A_346 = tpu.memref_slice %arg2[%dma_wait3A_344, %dma_wait3A_345] : memref<18432x896xi32, #tpu.memory_space<hbm>> -> memref<18432x896xi32, #tpu.memory_space<hbm>>
    tpu.wait_indirect_dma semaphore(%arg13 : memref<!tpu.dma_semaphore, #tpu.memory_space<semaphore_mem>>) src(%dma_wait3A_346 : memref<18432x896xi32, #tpu.memory_space<hbm>>) dst(%arg12 : memref<16x896xi32, #tpu.memory_space<vmem>>)
    %dma_wait3A_347 = arith.constant 0 : i32
    %dma_wait3A_348 = tpu.memref_slice %arg5[%add3A_324, %dma_wait3A_347] : memref<8192x896xi32, #tpu.memory_space<hbm>> -> memref<16x896xi32, #tpu.memory_space<hbm>>
    %dma_wait3A_349 = arith.constant 0 : i32
    %dma_wait3A_350 = tpu.memref_slice %arg5[%add3A_324, %dma_wait3A_349] : memref<8192x896xi32, #tpu.memory_space<hbm>> -> memref<16x896xi32, #tpu.memory_space<hbm>>
    tpu.wait_dma2 semaphore(%arg14 : memref<!tpu.dma_semaphore, #tpu.memory_space<semaphore_mem>>) src(%arg9 : memref<16x896xi32, #tpu.memory_space<vmem>>) dst(%dma_wait3A_350 : memref<16x896xi32, #tpu.memory_space<hbm>>)
    %dma_wait3A_351 = arith.constant 0 : i32
    %dma_wait3A_352 = tpu.memref_slice %arg6[%add3A_324, %dma_wait3A_351] : memref<8192x896xi32, #tpu.memory_space<hbm>> -> memref<16x896xi32, #tpu.memory_space<hbm>>
    %dma_wait3A_353 = arith.constant 0 : i32
    %dma_wait3A_354 = tpu.memref_slice %arg6[%add3A_324, %dma_wait3A_353] : memref<8192x896xi32, #tpu.memory_space<hbm>> -> memref<16x896xi32, #tpu.memory_space<hbm>>
    tpu.wait_dma2 semaphore(%arg14 : memref<!tpu.dma_semaphore, #tpu.memory_space<semaphore_mem>>) src(%arg11 : memref<16x896xi32, #tpu.memory_space<vmem>>) dst(%dma_wait3A_354 : memref<16x896xi32, #tpu.memory_space<hbm>>)
    %dma_start3A_355 = arith.constant 8 : i32
    %dma_start3A_356 = arith.constant 0 : i32
    %dma_start3A_357 = tpu.memref_slice %arg7[%dma_start3A_355, %dma_start3A_356] : memref<16x16xi32, #tpu.memory_space<vmem>> -> memref<1x16xi32, #tpu.memory_space<vmem>>
    %dma_start3A_358 = tpu.memref_squeeze %dma_start3A_357 : memref<1x16xi32, #tpu.memory_space<vmem>> -> memref<16xi32, #tpu.memory_space<vmem>>
    %dma_start3A_359 = arith.constant 0 : i32
    %dma_start3A_360 = arith.constant 0 : i32
    %dma_start3A_361 = tpu.memref_slice %arg2[%dma_start3A_359, %dma_start3A_360] : memref<18432x896xi32, #tpu.memory_space<hbm>> -> memref<18432x896xi32, #tpu.memory_space<hbm>>
    tpu.enqueue_indirect_dma source(%dma_start3A_361 : memref<18432x896xi32, #tpu.memory_space<hbm>>) target(%arg9 : memref<16x896xi32, #tpu.memory_space<vmem>>) offsets(%dma_start3A_358 : memref<16xi32, #tpu.memory_space<vmem>>) semaphore(%arg13 : memref<!tpu.dma_semaphore, #tpu.memory_space<semaphore_mem>>)
    %dma_start3A_362 = arith.constant 8 : i32
    %dma_start3A_363 = arith.constant 0 : i32
    %dma_start3A_364 = tpu.memref_slice %arg8[%dma_start3A_362, %dma_start3A_363] : memref<16x16xi32, #tpu.memory_space<vmem>> -> memref<1x16xi32, #tpu.memory_space<vmem>>
    %dma_start3A_365 = tpu.memref_squeeze %dma_start3A_364 : memref<1x16xi32, #tpu.memory_space<vmem>> -> memref<16xi32, #tpu.memory_space<vmem>>
    %dma_start3A_366 = arith.constant 0 : i32
    %dma_start3A_367 = arith.constant 0 : i32
    %dma_start3A_368 = tpu.memref_slice %arg2[%dma_start3A_366, %dma_start3A_367] : memref<18432x896xi32, #tpu.memory_space<hbm>> -> memref<18432x896xi32, #tpu.memory_space<hbm>>
    tpu.enqueue_indirect_dma source(%dma_start3A_368 : memref<18432x896xi32, #tpu.memory_space<hbm>>) target(%arg11 : memref<16x896xi32, #tpu.memory_space<vmem>>) offsets(%dma_start3A_365 : memref<16xi32, #tpu.memory_space<vmem>>) semaphore(%arg13 : memref<!tpu.dma_semaphore, #tpu.memory_space<semaphore_mem>>)
    %add3A_369 = arith.constant 112 : i32
    %add3A_370 = arith.addi %mul3A_2, %add3A_369 : i32
    %dma_start3A_371 = arith.constant 0 : i32
    %dma_start3A_372 = tpu.memref_slice %arg5[%add3A_370, %dma_start3A_371] : memref<8192x896xi32, #tpu.memory_space<hbm>> -> memref<16x896xi32, #tpu.memory_space<hbm>>
    %dma_start3A_373 = arith.constant 0 : i32
    %dma_start3A_374 = tpu.memref_slice %arg5[%add3A_370, %dma_start3A_373] : memref<8192x896xi32, #tpu.memory_space<hbm>> -> memref<16x896xi32, #tpu.memory_space<hbm>>
    tpu.enqueue_dma source(%arg10 : memref<16x896xi32, #tpu.memory_space<vmem>>) target(%dma_start3A_374 : memref<16x896xi32, #tpu.memory_space<hbm>>) target_semaphore(%arg14 : memref<!tpu.dma_semaphore, #tpu.memory_space<semaphore_mem>>)
    %dma_start3A_375 = arith.constant 0 : i32
    %dma_start3A_376 = tpu.memref_slice %arg6[%add3A_370, %dma_start3A_375] : memref<8192x896xi32, #tpu.memory_space<hbm>> -> memref<16x896xi32, #tpu.memory_space<hbm>>
    %dma_start3A_377 = arith.constant 0 : i32
    %dma_start3A_378 = tpu.memref_slice %arg6[%add3A_370, %dma_start3A_377] : memref<8192x896xi32, #tpu.memory_space<hbm>> -> memref<16x896xi32, #tpu.memory_space<hbm>>
    tpu.enqueue_dma source(%arg12 : memref<16x896xi32, #tpu.memory_space<vmem>>) target(%dma_start3A_378 : memref<16x896xi32, #tpu.memory_space<hbm>>) target_semaphore(%arg14 : memref<!tpu.dma_semaphore, #tpu.memory_space<semaphore_mem>>)
    %dma_wait3A_379 = arith.constant 8 : i32
    %dma_wait3A_380 = arith.constant 0 : i32
    %dma_wait3A_381 = tpu.memref_slice %arg7[%dma_wait3A_379, %dma_wait3A_380] : memref<16x16xi32, #tpu.memory_space<vmem>> -> memref<1x16xi32, #tpu.memory_space<vmem>>
    %dma_wait3A_382 = tpu.memref_squeeze %dma_wait3A_381 : memref<1x16xi32, #tpu.memory_space<vmem>> -> memref<16xi32, #tpu.memory_space<vmem>>
    %dma_wait3A_383 = arith.constant 0 : i32
    %dma_wait3A_384 = arith.constant 0 : i32
    %dma_wait3A_385 = tpu.memref_slice %arg2[%dma_wait3A_383, %dma_wait3A_384] : memref<18432x896xi32, #tpu.memory_space<hbm>> -> memref<18432x896xi32, #tpu.memory_space<hbm>>
    tpu.wait_indirect_dma semaphore(%arg13 : memref<!tpu.dma_semaphore, #tpu.memory_space<semaphore_mem>>) src(%dma_wait3A_385 : memref<18432x896xi32, #tpu.memory_space<hbm>>) dst(%arg9 : memref<16x896xi32, #tpu.memory_space<vmem>>)
    %dma_wait3A_386 = arith.constant 8 : i32
    %dma_wait3A_387 = arith.constant 0 : i32
    %dma_wait3A_388 = tpu.memref_slice %arg8[%dma_wait3A_386, %dma_wait3A_387] : memref<16x16xi32, #tpu.memory_space<vmem>> -> memref<1x16xi32, #tpu.memory_space<vmem>>
    %dma_wait3A_389 = tpu.memref_squeeze %dma_wait3A_388 : memref<1x16xi32, #tpu.memory_space<vmem>> -> memref<16xi32, #tpu.memory_space<vmem>>
    %dma_wait3A_390 = arith.constant 0 : i32
    %dma_wait3A_391 = arith.constant 0 : i32
    %dma_wait3A_392 = tpu.memref_slice %arg2[%dma_wait3A_390, %dma_wait3A_391] : memref<18432x896xi32, #tpu.memory_space<hbm>> -> memref<18432x896xi32, #tpu.memory_space<hbm>>
    tpu.wait_indirect_dma semaphore(%arg13 : memref<!tpu.dma_semaphore, #tpu.memory_space<semaphore_mem>>) src(%dma_wait3A_392 : memref<18432x896xi32, #tpu.memory_space<hbm>>) dst(%arg11 : memref<16x896xi32, #tpu.memory_space<vmem>>)
    %dma_wait3A_393 = arith.constant 0 : i32
    %dma_wait3A_394 = tpu.memref_slice %arg5[%add3A_370, %dma_wait3A_393] : memref<8192x896xi32, #tpu.memory_space<hbm>> -> memref<16x896xi32, #tpu.memory_space<hbm>>
    %dma_wait3A_395 = arith.constant 0 : i32
    %dma_wait3A_396 = tpu.memref_slice %arg5[%add3A_370, %dma_wait3A_395] : memref<8192x896xi32, #tpu.memory_space<hbm>> -> memref<16x896xi32, #tpu.memory_space<hbm>>
    tpu.wait_dma2 semaphore(%arg14 : memref<!tpu.dma_semaphore, #tpu.memory_space<semaphore_mem>>) src(%arg10 : memref<16x896xi32, #tpu.memory_space<vmem>>) dst(%dma_wait3A_396 : memref<16x896xi32, #tpu.memory_space<hbm>>)
    %dma_wait3A_397 = arith.constant 0 : i32
    %dma_wait3A_398 = tpu.memref_slice %arg6[%add3A_370, %dma_wait3A_397] : memref<8192x896xi32, #tpu.memory_space<hbm>> -> memref<16x896xi32, #tpu.memory_space<hbm>>
    %dma_wait3A_399 = arith.constant 0 : i32
    %dma_wait3A_400 = tpu.memref_slice %arg6[%add3A_370, %dma_wait3A_399] : memref<8192x896xi32, #tpu.memory_space<hbm>> -> memref<16x896xi32, #tpu.memory_space<hbm>>
    tpu.wait_dma2 semaphore(%arg14 : memref<!tpu.dma_semaphore, #tpu.memory_space<semaphore_mem>>) src(%arg12 : memref<16x896xi32, #tpu.memory_space<vmem>>) dst(%dma_wait3A_400 : memref<16x896xi32, #tpu.memory_space<hbm>>)
    %dma_start3A_401 = arith.constant 9 : i32
    %dma_start3A_402 = arith.constant 0 : i32
    %dma_start3A_403 = tpu.memref_slice %arg7[%dma_start3A_401, %dma_start3A_402] : memref<16x16xi32, #tpu.memory_space<vmem>> -> memref<1x16xi32, #tpu.memory_space<vmem>>
    %dma_start3A_404 = tpu.memref_squeeze %dma_start3A_403 : memref<1x16xi32, #tpu.memory_space<vmem>> -> memref<16xi32, #tpu.memory_space<vmem>>
    %dma_start3A_405 = arith.constant 0 : i32
    %dma_start3A_406 = arith.constant 0 : i32
    %dma_start3A_407 = tpu.memref_slice %arg2[%dma_start3A_405, %dma_start3A_406] : memref<18432x896xi32, #tpu.memory_space<hbm>> -> memref<18432x896xi32, #tpu.memory_space<hbm>>
    tpu.enqueue_indirect_dma source(%dma_start3A_407 : memref<18432x896xi32, #tpu.memory_space<hbm>>) target(%arg10 : memref<16x896xi32, #tpu.memory_space<vmem>>) offsets(%dma_start3A_404 : memref<16xi32, #tpu.memory_space<vmem>>) semaphore(%arg13 : memref<!tpu.dma_semaphore, #tpu.memory_space<semaphore_mem>>)
    %dma_start3A_408 = arith.constant 9 : i32
    %dma_start3A_409 = arith.constant 0 : i32
    %dma_start3A_410 = tpu.memref_slice %arg8[%dma_start3A_408, %dma_start3A_409] : memref<16x16xi32, #tpu.memory_space<vmem>> -> memref<1x16xi32, #tpu.memory_space<vmem>>
    %dma_start3A_411 = tpu.memref_squeeze %dma_start3A_410 : memref<1x16xi32, #tpu.memory_space<vmem>> -> memref<16xi32, #tpu.memory_space<vmem>>
    %dma_start3A_412 = arith.constant 0 : i32
    %dma_start3A_413 = arith.constant 0 : i32
    %dma_start3A_414 = tpu.memref_slice %arg2[%dma_start3A_412, %dma_start3A_413] : memref<18432x896xi32, #tpu.memory_space<hbm>> -> memref<18432x896xi32, #tpu.memory_space<hbm>>
    tpu.enqueue_indirect_dma source(%dma_start3A_414 : memref<18432x896xi32, #tpu.memory_space<hbm>>) target(%arg12 : memref<16x896xi32, #tpu.memory_space<vmem>>) offsets(%dma_start3A_411 : memref<16xi32, #tpu.memory_space<vmem>>) semaphore(%arg13 : memref<!tpu.dma_semaphore, #tpu.memory_space<semaphore_mem>>)
    %add3A_415 = arith.constant 128 : i32
    %add3A_416 = arith.addi %mul3A_2, %add3A_415 : i32
    %dma_start3A_417 = arith.constant 0 : i32
    %dma_start3A_418 = tpu.memref_slice %arg5[%add3A_416, %dma_start3A_417] : memref<8192x896xi32, #tpu.memory_space<hbm>> -> memref<16x896xi32, #tpu.memory_space<hbm>>
    %dma_start3A_419 = arith.constant 0 : i32
    %dma_start3A_420 = tpu.memref_slice %arg5[%add3A_416, %dma_start3A_419] : memref<8192x896xi32, #tpu.memory_space<hbm>> -> memref<16x896xi32, #tpu.memory_space<hbm>>
    tpu.enqueue_dma source(%arg9 : memref<16x896xi32, #tpu.memory_space<vmem>>) target(%dma_start3A_420 : memref<16x896xi32, #tpu.memory_space<hbm>>) target_semaphore(%arg14 : memref<!tpu.dma_semaphore, #tpu.memory_space<semaphore_mem>>)
    %dma_start3A_421 = arith.constant 0 : i32
    %dma_start3A_422 = tpu.memref_slice %arg6[%add3A_416, %dma_start3A_421] : memref<8192x896xi32, #tpu.memory_space<hbm>> -> memref<16x896xi32, #tpu.memory_space<hbm>>
    %dma_start3A_423 = arith.constant 0 : i32
    %dma_start3A_424 = tpu.memref_slice %arg6[%add3A_416, %dma_start3A_423] : memref<8192x896xi32, #tpu.memory_space<hbm>> -> memref<16x896xi32, #tpu.memory_space<hbm>>
    tpu.enqueue_dma source(%arg11 : memref<16x896xi32, #tpu.memory_space<vmem>>) target(%dma_start3A_424 : memref<16x896xi32, #tpu.memory_space<hbm>>) target_semaphore(%arg14 : memref<!tpu.dma_semaphore, #tpu.memory_space<semaphore_mem>>)
    %dma_wait3A_425 = arith.constant 9 : i32
    %dma_wait3A_426 = arith.constant 0 : i32
    %dma_wait3A_427 = tpu.memref_slice %arg7[%dma_wait3A_425, %dma_wait3A_426] : memref<16x16xi32, #tpu.memory_space<vmem>> -> memref<1x16xi32, #tpu.memory_space<vmem>>
    %dma_wait3A_428 = tpu.memref_squeeze %dma_wait3A_427 : memref<1x16xi32, #tpu.memory_space<vmem>> -> memref<16xi32, #tpu.memory_space<vmem>>
    %dma_wait3A_429 = arith.constant 0 : i32
    %dma_wait3A_430 = arith.constant 0 : i32
    %dma_wait3A_431 = tpu.memref_slice %arg2[%dma_wait3A_429, %dma_wait3A_430] : memref<18432x896xi32, #tpu.memory_space<hbm>> -> memref<18432x896xi32, #tpu.memory_space<hbm>>
    tpu.wait_indirect_dma semaphore(%arg13 : memref<!tpu.dma_semaphore, #tpu.memory_space<semaphore_mem>>) src(%dma_wait3A_431 : memref<18432x896xi32, #tpu.memory_space<hbm>>) dst(%arg10 : memref<16x896xi32, #tpu.memory_space<vmem>>)
    %dma_wait3A_432 = arith.constant 9 : i32
    %dma_wait3A_433 = arith.constant 0 : i32
    %dma_wait3A_434 = tpu.memref_slice %arg8[%dma_wait3A_432, %dma_wait3A_433] : memref<16x16xi32, #tpu.memory_space<vmem>> -> memref<1x16xi32, #tpu.memory_space<vmem>>
    %dma_wait3A_435 = tpu.memref_squeeze %dma_wait3A_434 : memref<1x16xi32, #tpu.memory_space<vmem>> -> memref<16xi32, #tpu.memory_space<vmem>>
    %dma_wait3A_436 = arith.constant 0 : i32
    %dma_wait3A_437 = arith.constant 0 : i32
    %dma_wait3A_438 = tpu.memref_slice %arg2[%dma_wait3A_436, %dma_wait3A_437] : memref<18432x896xi32, #tpu.memory_space<hbm>> -> memref<18432x896xi32, #tpu.memory_space<hbm>>
    tpu.wait_indirect_dma semaphore(%arg13 : memref<!tpu.dma_semaphore, #tpu.memory_space<semaphore_mem>>) src(%dma_wait3A_438 : memref<18432x896xi32, #tpu.memory_space<hbm>>) dst(%arg12 : memref<16x896xi32, #tpu.memory_space<vmem>>)
    %dma_wait3A_439 = arith.constant 0 : i32
    %dma_wait3A_440 = tpu.memref_slice %arg5[%add3A_416, %dma_wait3A_439] : memref<8192x896xi32, #tpu.memory_space<hbm>> -> memref<16x896xi32, #tpu.memory_space<hbm>>
    %dma_wait3A_441 = arith.constant 0 : i32
    %dma_wait3A_442 = tpu.memref_slice %arg5[%add3A_416, %dma_wait3A_441] : memref<8192x896xi32, #tpu.memory_space<hbm>> -> memref<16x896xi32, #tpu.memory_space<hbm>>
    tpu.wait_dma2 semaphore(%arg14 : memref<!tpu.dma_semaphore, #tpu.memory_space<semaphore_mem>>) src(%arg9 : memref<16x896xi32, #tpu.memory_space<vmem>>) dst(%dma_wait3A_442 : memref<16x896xi32, #tpu.memory_space<hbm>>)
    %dma_wait3A_443 = arith.constant 0 : i32
    %dma_wait3A_444 = tpu.memref_slice %arg6[%add3A_416, %dma_wait3A_443] : memref<8192x896xi32, #tpu.memory_space<hbm>> -> memref<16x896xi32, #tpu.memory_space<hbm>>
    %dma_wait3A_445 = arith.constant 0 : i32
    %dma_wait3A_446 = tpu.memref_slice %arg6[%add3A_416, %dma_wait3A_445] : memref<8192x896xi32, #tpu.memory_space<hbm>> -> memref<16x896xi32, #tpu.memory_space<hbm>>
    tpu.wait_dma2 semaphore(%arg14 : memref<!tpu.dma_semaphore, #tpu.memory_space<semaphore_mem>>) src(%arg11 : memref<16x896xi32, #tpu.memory_space<vmem>>) dst(%dma_wait3A_446 : memref<16x896xi32, #tpu.memory_space<hbm>>)
    %dma_start3A_447 = arith.constant 10 : i32
    %dma_start3A_448 = arith.constant 0 : i32
    %dma_start3A_449 = tpu.memref_slice %arg7[%dma_start3A_447, %dma_start3A_448] : memref<16x16xi32, #tpu.memory_space<vmem>> -> memref<1x16xi32, #tpu.memory_space<vmem>>
    %dma_start3A_450 = tpu.memref_squeeze %dma_start3A_449 : memref<1x16xi32, #tpu.memory_space<vmem>> -> memref<16xi32, #tpu.memory_space<vmem>>
    %dma_start3A_451 = arith.constant 0 : i32
    %dma_start3A_452 = arith.constant 0 : i32
    %dma_start3A_453 = tpu.memref_slice %arg2[%dma_start3A_451, %dma_start3A_452] : memref<18432x896xi32, #tpu.memory_space<hbm>> -> memref<18432x896xi32, #tpu.memory_space<hbm>>
    tpu.enqueue_indirect_dma source(%dma_start3A_453 : memref<18432x896xi32, #tpu.memory_space<hbm>>) target(%arg9 : memref<16x896xi32, #tpu.memory_space<vmem>>) offsets(%dma_start3A_450 : memref<16xi32, #tpu.memory_space<vmem>>) semaphore(%arg13 : memref<!tpu.dma_semaphore, #tpu.memory_space<semaphore_mem>>)
    %dma_start3A_454 = arith.constant 10 : i32
    %dma_start3A_455 = arith.constant 0 : i32
    %dma_start3A_456 = tpu.memref_slice %arg8[%dma_start3A_454, %dma_start3A_455] : memref<16x16xi32, #tpu.memory_space<vmem>> -> memref<1x16xi32, #tpu.memory_space<vmem>>
    %dma_start3A_457 = tpu.memref_squeeze %dma_start3A_456 : memref<1x16xi32, #tpu.memory_space<vmem>> -> memref<16xi32, #tpu.memory_space<vmem>>
    %dma_start3A_458 = arith.constant 0 : i32
    %dma_start3A_459 = arith.constant 0 : i32
    %dma_start3A_460 = tpu.memref_slice %arg2[%dma_start3A_458, %dma_start3A_459] : memref<18432x896xi32, #tpu.memory_space<hbm>> -> memref<18432x896xi32, #tpu.memory_space<hbm>>
    tpu.enqueue_indirect_dma source(%dma_start3A_460 : memref<18432x896xi32, #tpu.memory_space<hbm>>) target(%arg11 : memref<16x896xi32, #tpu.memory_space<vmem>>) offsets(%dma_start3A_457 : memref<16xi32, #tpu.memory_space<vmem>>) semaphore(%arg13 : memref<!tpu.dma_semaphore, #tpu.memory_space<semaphore_mem>>)
    %add3A_461 = arith.constant 144 : i32
    %add3A_462 = arith.addi %mul3A_2, %add3A_461 : i32
    %dma_start3A_463 = arith.constant 0 : i32
    %dma_start3A_464 = tpu.memref_slice %arg5[%add3A_462, %dma_start3A_463] : memref<8192x896xi32, #tpu.memory_space<hbm>> -> memref<16x896xi32, #tpu.memory_space<hbm>>
    %dma_start3A_465 = arith.constant 0 : i32
    %dma_start3A_466 = tpu.memref_slice %arg5[%add3A_462, %dma_start3A_465] : memref<8192x896xi32, #tpu.memory_space<hbm>> -> memref<16x896xi32, #tpu.memory_space<hbm>>
    tpu.enqueue_dma source(%arg10 : memref<16x896xi32, #tpu.memory_space<vmem>>) target(%dma_start3A_466 : memref<16x896xi32, #tpu.memory_space<hbm>>) target_semaphore(%arg14 : memref<!tpu.dma_semaphore, #tpu.memory_space<semaphore_mem>>)
    %dma_start3A_467 = arith.constant 0 : i32
    %dma_start3A_468 = tpu.memref_slice %arg6[%add3A_462, %dma_start3A_467] : memref<8192x896xi32, #tpu.memory_space<hbm>> -> memref<16x896xi32, #tpu.memory_space<hbm>>
    %dma_start3A_469 = arith.constant 0 : i32
    %dma_start3A_470 = tpu.memref_slice %arg6[%add3A_462, %dma_start3A_469] : memref<8192x896xi32, #tpu.memory_space<hbm>> -> memref<16x896xi32, #tpu.memory_space<hbm>>
    tpu.enqueue_dma source(%arg12 : memref<16x896xi32, #tpu.memory_space<vmem>>) target(%dma_start3A_470 : memref<16x896xi32, #tpu.memory_space<hbm>>) target_semaphore(%arg14 : memref<!tpu.dma_semaphore, #tpu.memory_space<semaphore_mem>>)
    %dma_wait3A_471 = arith.constant 10 : i32
    %dma_wait3A_472 = arith.constant 0 : i32
    %dma_wait3A_473 = tpu.memref_slice %arg7[%dma_wait3A_471, %dma_wait3A_472] : memref<16x16xi32, #tpu.memory_space<vmem>> -> memref<1x16xi32, #tpu.memory_space<vmem>>
    %dma_wait3A_474 = tpu.memref_squeeze %dma_wait3A_473 : memref<1x16xi32, #tpu.memory_space<vmem>> -> memref<16xi32, #tpu.memory_space<vmem>>
    %dma_wait3A_475 = arith.constant 0 : i32
    %dma_wait3A_476 = arith.constant 0 : i32
    %dma_wait3A_477 = tpu.memref_slice %arg2[%dma_wait3A_475, %dma_wait3A_476] : memref<18432x896xi32, #tpu.memory_space<hbm>> -> memref<18432x896xi32, #tpu.memory_space<hbm>>
    tpu.wait_indirect_dma semaphore(%arg13 : memref<!tpu.dma_semaphore, #tpu.memory_space<semaphore_mem>>) src(%dma_wait3A_477 : memref<18432x896xi32, #tpu.memory_space<hbm>>) dst(%arg9 : memref<16x896xi32, #tpu.memory_space<vmem>>)
    %dma_wait3A_478 = arith.constant 10 : i32
    %dma_wait3A_479 = arith.constant 0 : i32
    %dma_wait3A_480 = tpu.memref_slice %arg8[%dma_wait3A_478, %dma_wait3A_479] : memref<16x16xi32, #tpu.memory_space<vmem>> -> memref<1x16xi32, #tpu.memory_space<vmem>>
    %dma_wait3A_481 = tpu.memref_squeeze %dma_wait3A_480 : memref<1x16xi32, #tpu.memory_space<vmem>> -> memref<16xi32, #tpu.memory_space<vmem>>
    %dma_wait3A_482 = arith.constant 0 : i32
    %dma_wait3A_483 = arith.constant 0 : i32
    %dma_wait3A_484 = tpu.memref_slice %arg2[%dma_wait3A_482, %dma_wait3A_483] : memref<18432x896xi32, #tpu.memory_space<hbm>> -> memref<18432x896xi32, #tpu.memory_space<hbm>>
    tpu.wait_indirect_dma semaphore(%arg13 : memref<!tpu.dma_semaphore, #tpu.memory_space<semaphore_mem>>) src(%dma_wait3A_484 : memref<18432x896xi32, #tpu.memory_space<hbm>>) dst(%arg11 : memref<16x896xi32, #tpu.memory_space<vmem>>)
    %dma_wait3A_485 = arith.constant 0 : i32
    %dma_wait3A_486 = tpu.memref_slice %arg5[%add3A_462, %dma_wait3A_485] : memref<8192x896xi32, #tpu.memory_space<hbm>> -> memref<16x896xi32, #tpu.memory_space<hbm>>
    %dma_wait3A_487 = arith.constant 0 : i32
    %dma_wait3A_488 = tpu.memref_slice %arg5[%add3A_462, %dma_wait3A_487] : memref<8192x896xi32, #tpu.memory_space<hbm>> -> memref<16x896xi32, #tpu.memory_space<hbm>>
    tpu.wait_dma2 semaphore(%arg14 : memref<!tpu.dma_semaphore, #tpu.memory_space<semaphore_mem>>) src(%arg10 : memref<16x896xi32, #tpu.memory_space<vmem>>) dst(%dma_wait3A_488 : memref<16x896xi32, #tpu.memory_space<hbm>>)
    %dma_wait3A_489 = arith.constant 0 : i32
    %dma_wait3A_490 = tpu.memref_slice %arg6[%add3A_462, %dma_wait3A_489] : memref<8192x896xi32, #tpu.memory_space<hbm>> -> memref<16x896xi32, #tpu.memory_space<hbm>>
    %dma_wait3A_491 = arith.constant 0 : i32
    %dma_wait3A_492 = tpu.memref_slice %arg6[%add3A_462, %dma_wait3A_491] : memref<8192x896xi32, #tpu.memory_space<hbm>> -> memref<16x896xi32, #tpu.memory_space<hbm>>
    tpu.wait_dma2 semaphore(%arg14 : memref<!tpu.dma_semaphore, #tpu.memory_space<semaphore_mem>>) src(%arg12 : memref<16x896xi32, #tpu.memory_space<vmem>>) dst(%dma_wait3A_492 : memref<16x896xi32, #tpu.memory_space<hbm>>)
    %dma_start3A_493 = arith.constant 11 : i32
    %dma_start3A_494 = arith.constant 0 : i32
    %dma_start3A_495 = tpu.memref_slice %arg7[%dma_start3A_493, %dma_start3A_494] : memref<16x16xi32, #tpu.memory_space<vmem>> -> memref<1x16xi32, #tpu.memory_space<vmem>>
    %dma_start3A_496 = tpu.memref_squeeze %dma_start3A_495 : memref<1x16xi32, #tpu.memory_space<vmem>> -> memref<16xi32, #tpu.memory_space<vmem>>
    %dma_start3A_497 = arith.constant 0 : i32
    %dma_start3A_498 = arith.constant 0 : i32
    %dma_start3A_499 = tpu.memref_slice %arg2[%dma_start3A_497, %dma_start3A_498] : memref<18432x896xi32, #tpu.memory_space<hbm>> -> memref<18432x896xi32, #tpu.memory_space<hbm>>
    tpu.enqueue_indirect_dma source(%dma_start3A_499 : memref<18432x896xi32, #tpu.memory_space<hbm>>) target(%arg10 : memref<16x896xi32, #tpu.memory_space<vmem>>) offsets(%dma_start3A_496 : memref<16xi32, #tpu.memory_space<vmem>>) semaphore(%arg13 : memref<!tpu.dma_semaphore, #tpu.memory_space<semaphore_mem>>)
    %dma_start3A_500 = arith.constant 11 : i32
    %dma_start3A_501 = arith.constant 0 : i32
    %dma_start3A_502 = tpu.memref_slice %arg8[%dma_start3A_500, %dma_start3A_501] : memref<16x16xi32, #tpu.memory_space<vmem>> -> memref<1x16xi32, #tpu.memory_space<vmem>>
    %dma_start3A_503 = tpu.memref_squeeze %dma_start3A_502 : memref<1x16xi32, #tpu.memory_space<vmem>> -> memref<16xi32, #tpu.memory_space<vmem>>
    %dma_start3A_504 = arith.constant 0 : i32
    %dma_start3A_505 = arith.constant 0 : i32
    %dma_start3A_506 = tpu.memref_slice %arg2[%dma_start3A_504, %dma_start3A_505] : memref<18432x896xi32, #tpu.memory_space<hbm>> -> memref<18432x896xi32, #tpu.memory_space<hbm>>
    tpu.enqueue_indirect_dma source(%dma_start3A_506 : memref<18432x896xi32, #tpu.memory_space<hbm>>) target(%arg12 : memref<16x896xi32, #tpu.memory_space<vmem>>) offsets(%dma_start3A_503 : memref<16xi32, #tpu.memory_space<vmem>>) semaphore(%arg13 : memref<!tpu.dma_semaphore, #tpu.memory_space<semaphore_mem>>)
    %add3A_507 = arith.constant 160 : i32
    %add3A_508 = arith.addi %mul3A_2, %add3A_507 : i32
    %dma_start3A_509 = arith.constant 0 : i32
    %dma_start3A_510 = tpu.memref_slice %arg5[%add3A_508, %dma_start3A_509] : memref<8192x896xi32, #tpu.memory_space<hbm>> -> memref<16x896xi32, #tpu.memory_space<hbm>>
    %dma_start3A_511 = arith.constant 0 : i32
    %dma_start3A_512 = tpu.memref_slice %arg5[%add3A_508, %dma_start3A_511] : memref<8192x896xi32, #tpu.memory_space<hbm>> -> memref<16x896xi32, #tpu.memory_space<hbm>>
    tpu.enqueue_dma source(%arg9 : memref<16x896xi32, #tpu.memory_space<vmem>>) target(%dma_start3A_512 : memref<16x896xi32, #tpu.memory_space<hbm>>) target_semaphore(%arg14 : memref<!tpu.dma_semaphore, #tpu.memory_space<semaphore_mem>>)
    %dma_start3A_513 = arith.constant 0 : i32
    %dma_start3A_514 = tpu.memref_slice %arg6[%add3A_508, %dma_start3A_513] : memref<8192x896xi32, #tpu.memory_space<hbm>> -> memref<16x896xi32, #tpu.memory_space<hbm>>
    %dma_start3A_515 = arith.constant 0 : i32
    %dma_start3A_516 = tpu.memref_slice %arg6[%add3A_508, %dma_start3A_515] : memref<8192x896xi32, #tpu.memory_space<hbm>> -> memref<16x896xi32, #tpu.memory_space<hbm>>
    tpu.enqueue_dma source(%arg11 : memref<16x896xi32, #tpu.memory_space<vmem>>) target(%dma_start3A_516 : memref<16x896xi32, #tpu.memory_space<hbm>>) target_semaphore(%arg14 : memref<!tpu.dma_semaphore, #tpu.memory_space<semaphore_mem>>)
    %dma_wait3A_517 = arith.constant 11 : i32
    %dma_wait3A_518 = arith.constant 0 : i32
    %dma_wait3A_519 = tpu.memref_slice %arg7[%dma_wait3A_517, %dma_wait3A_518] : memref<16x16xi32, #tpu.memory_space<vmem>> -> memref<1x16xi32, #tpu.memory_space<vmem>>
    %dma_wait3A_520 = tpu.memref_squeeze %dma_wait3A_519 : memref<1x16xi32, #tpu.memory_space<vmem>> -> memref<16xi32, #tpu.memory_space<vmem>>
    %dma_wait3A_521 = arith.constant 0 : i32
    %dma_wait3A_522 = arith.constant 0 : i32
    %dma_wait3A_523 = tpu.memref_slice %arg2[%dma_wait3A_521, %dma_wait3A_522] : memref<18432x896xi32, #tpu.memory_space<hbm>> -> memref<18432x896xi32, #tpu.memory_space<hbm>>
    tpu.wait_indirect_dma semaphore(%arg13 : memref<!tpu.dma_semaphore, #tpu.memory_space<semaphore_mem>>) src(%dma_wait3A_523 : memref<18432x896xi32, #tpu.memory_space<hbm>>) dst(%arg10 : memref<16x896xi32, #tpu.memory_space<vmem>>)
    %dma_wait3A_524 = arith.constant 11 : i32
    %dma_wait3A_525 = arith.constant 0 : i32
    %dma_wait3A_526 = tpu.memref_slice %arg8[%dma_wait3A_524, %dma_wait3A_525] : memref<16x16xi32, #tpu.memory_space<vmem>> -> memref<1x16xi32, #tpu.memory_space<vmem>>
    %dma_wait3A_527 = tpu.memref_squeeze %dma_wait3A_526 : memref<1x16xi32, #tpu.memory_space<vmem>> -> memref<16xi32, #tpu.memory_space<vmem>>
    %dma_wait3A_528 = arith.constant 0 : i32
    %dma_wait3A_529 = arith.constant 0 : i32
    %dma_wait3A_530 = tpu.memref_slice %arg2[%dma_wait3A_528, %dma_wait3A_529] : memref<18432x896xi32, #tpu.memory_space<hbm>> -> memref<18432x896xi32, #tpu.memory_space<hbm>>
    tpu.wait_indirect_dma semaphore(%arg13 : memref<!tpu.dma_semaphore, #tpu.memory_space<semaphore_mem>>) src(%dma_wait3A_530 : memref<18432x896xi32, #tpu.memory_space<hbm>>) dst(%arg12 : memref<16x896xi32, #tpu.memory_space<vmem>>)
    %dma_wait3A_531 = arith.constant 0 : i32
    %dma_wait3A_532 = tpu.memref_slice %arg5[%add3A_508, %dma_wait3A_531] : memref<8192x896xi32, #tpu.memory_space<hbm>> -> memref<16x896xi32, #tpu.memory_space<hbm>>
    %dma_wait3A_533 = arith.constant 0 : i32
    %dma_wait3A_534 = tpu.memref_slice %arg5[%add3A_508, %dma_wait3A_533] : memref<8192x896xi32, #tpu.memory_space<hbm>> -> memref<16x896xi32, #tpu.memory_space<hbm>>
    tpu.wait_dma2 semaphore(%arg14 : memref<!tpu.dma_semaphore, #tpu.memory_space<semaphore_mem>>) src(%arg9 : memref<16x896xi32, #tpu.memory_space<vmem>>) dst(%dma_wait3A_534 : memref<16x896xi32, #tpu.memory_space<hbm>>)
    %dma_wait3A_535 = arith.constant 0 : i32
    %dma_wait3A_536 = tpu.memref_slice %arg6[%add3A_508, %dma_wait3A_535] : memref<8192x896xi32, #tpu.memory_space<hbm>> -> memref<16x896xi32, #tpu.memory_space<hbm>>
    %dma_wait3A_537 = arith.constant 0 : i32
    %dma_wait3A_538 = tpu.memref_slice %arg6[%add3A_508, %dma_wait3A_537] : memref<8192x896xi32, #tpu.memory_space<hbm>> -> memref<16x896xi32, #tpu.memory_space<hbm>>
    tpu.wait_dma2 semaphore(%arg14 : memref<!tpu.dma_semaphore, #tpu.memory_space<semaphore_mem>>) src(%arg11 : memref<16x896xi32, #tpu.memory_space<vmem>>) dst(%dma_wait3A_538 : memref<16x896xi32, #tpu.memory_space<hbm>>)
    %dma_start3A_539 = arith.constant 12 : i32
    %dma_start3A_540 = arith.constant 0 : i32
    %dma_start3A_541 = tpu.memref_slice %arg7[%dma_start3A_539, %dma_start3A_540] : memref<16x16xi32, #tpu.memory_space<vmem>> -> memref<1x16xi32, #tpu.memory_space<vmem>>
    %dma_start3A_542 = tpu.memref_squeeze %dma_start3A_541 : memref<1x16xi32, #tpu.memory_space<vmem>> -> memref<16xi32, #tpu.memory_space<vmem>>
    %dma_start3A_543 = arith.constant 0 : i32
    %dma_start3A_544 = arith.constant 0 : i32
    %dma_start3A_545 = tpu.memref_slice %arg2[%dma_start3A_543, %dma_start3A_544] : memref<18432x896xi32, #tpu.memory_space<hbm>> -> memref<18432x896xi32, #tpu.memory_space<hbm>>
    tpu.enqueue_indirect_dma source(%dma_start3A_545 : memref<18432x896xi32, #tpu.memory_space<hbm>>) target(%arg9 : memref<16x896xi32, #tpu.memory_space<vmem>>) offsets(%dma_start3A_542 : memref<16xi32, #tpu.memory_space<vmem>>) semaphore(%arg13 : memref<!tpu.dma_semaphore, #tpu.memory_space<semaphore_mem>>)
    %dma_start3A_546 = arith.constant 12 : i32
    %dma_start3A_547 = arith.constant 0 : i32
    %dma_start3A_548 = tpu.memref_slice %arg8[%dma_start3A_546, %dma_start3A_547] : memref<16x16xi32, #tpu.memory_space<vmem>> -> memref<1x16xi32, #tpu.memory_space<vmem>>
    %dma_start3A_549 = tpu.memref_squeeze %dma_start3A_548 : memref<1x16xi32, #tpu.memory_space<vmem>> -> memref<16xi32, #tpu.memory_space<vmem>>
    %dma_start3A_550 = arith.constant 0 : i32
    %dma_start3A_551 = arith.constant 0 : i32
    %dma_start3A_552 = tpu.memref_slice %arg2[%dma_start3A_550, %dma_start3A_551] : memref<18432x896xi32, #tpu.memory_space<hbm>> -> memref<18432x896xi32, #tpu.memory_space<hbm>>
    tpu.enqueue_indirect_dma source(%dma_start3A_552 : memref<18432x896xi32, #tpu.memory_space<hbm>>) target(%arg11 : memref<16x896xi32, #tpu.memory_space<vmem>>) offsets(%dma_start3A_549 : memref<16xi32, #tpu.memory_space<vmem>>) semaphore(%arg13 : memref<!tpu.dma_semaphore, #tpu.memory_space<semaphore_mem>>)
    %add3A_553 = arith.constant 176 : i32
    %add3A_554 = arith.addi %mul3A_2, %add3A_553 : i32
    %dma_start3A_555 = arith.constant 0 : i32
    %dma_start3A_556 = tpu.memref_slice %arg5[%add3A_554, %dma_start3A_555] : memref<8192x896xi32, #tpu.memory_space<hbm>> -> memref<16x896xi32, #tpu.memory_space<hbm>>
    %dma_start3A_557 = arith.constant 0 : i32
    %dma_start3A_558 = tpu.memref_slice %arg5[%add3A_554, %dma_start3A_557] : memref<8192x896xi32, #tpu.memory_space<hbm>> -> memref<16x896xi32, #tpu.memory_space<hbm>>
    tpu.enqueue_dma source(%arg10 : memref<16x896xi32, #tpu.memory_space<vmem>>) target(%dma_start3A_558 : memref<16x896xi32, #tpu.memory_space<hbm>>) target_semaphore(%arg14 : memref<!tpu.dma_semaphore, #tpu.memory_space<semaphore_mem>>)
    %dma_start3A_559 = arith.constant 0 : i32
    %dma_start3A_560 = tpu.memref_slice %arg6[%add3A_554, %dma_start3A_559] : memref<8192x896xi32, #tpu.memory_space<hbm>> -> memref<16x896xi32, #tpu.memory_space<hbm>>
    %dma_start3A_561 = arith.constant 0 : i32
    %dma_start3A_562 = tpu.memref_slice %arg6[%add3A_554, %dma_start3A_561] : memref<8192x896xi32, #tpu.memory_space<hbm>> -> memref<16x896xi32, #tpu.memory_space<hbm>>
    tpu.enqueue_dma source(%arg12 : memref<16x896xi32, #tpu.memory_space<vmem>>) target(%dma_start3A_562 : memref<16x896xi32, #tpu.memory_space<hbm>>) target_semaphore(%arg14 : memref<!tpu.dma_semaphore, #tpu.memory_space<semaphore_mem>>)
    %dma_wait3A_563 = arith.constant 12 : i32
    %dma_wait3A_564 = arith.constant 0 : i32
    %dma_wait3A_565 = tpu.memref_slice %arg7[%dma_wait3A_563, %dma_wait3A_564] : memref<16x16xi32, #tpu.memory_space<vmem>> -> memref<1x16xi32, #tpu.memory_space<vmem>>
    %dma_wait3A_566 = tpu.memref_squeeze %dma_wait3A_565 : memref<1x16xi32, #tpu.memory_space<vmem>> -> memref<16xi32, #tpu.memory_space<vmem>>
    %dma_wait3A_567 = arith.constant 0 : i32
    %dma_wait3A_568 = arith.constant 0 : i32
    %dma_wait3A_569 = tpu.memref_slice %arg2[%dma_wait3A_567, %dma_wait3A_568] : memref<18432x896xi32, #tpu.memory_space<hbm>> -> memref<18432x896xi32, #tpu.memory_space<hbm>>
    tpu.wait_indirect_dma semaphore(%arg13 : memref<!tpu.dma_semaphore, #tpu.memory_space<semaphore_mem>>) src(%dma_wait3A_569 : memref<18432x896xi32, #tpu.memory_space<hbm>>) dst(%arg9 : memref<16x896xi32, #tpu.memory_space<vmem>>)
    %dma_wait3A_570 = arith.constant 12 : i32
    %dma_wait3A_571 = arith.constant 0 : i32
    %dma_wait3A_572 = tpu.memref_slice %arg8[%dma_wait3A_570, %dma_wait3A_571] : memref<16x16xi32, #tpu.memory_space<vmem>> -> memref<1x16xi32, #tpu.memory_space<vmem>>
    %dma_wait3A_573 = tpu.memref_squeeze %dma_wait3A_572 : memref<1x16xi32, #tpu.memory_space<vmem>> -> memref<16xi32, #tpu.memory_space<vmem>>
    %dma_wait3A_574 = arith.constant 0 : i32
    %dma_wait3A_575 = arith.constant 0 : i32
    %dma_wait3A_576 = tpu.memref_slice %arg2[%dma_wait3A_574, %dma_wait3A_575] : memref<18432x896xi32, #tpu.memory_space<hbm>> -> memref<18432x896xi32, #tpu.memory_space<hbm>>
    tpu.wait_indirect_dma semaphore(%arg13 : memref<!tpu.dma_semaphore, #tpu.memory_space<semaphore_mem>>) src(%dma_wait3A_576 : memref<18432x896xi32, #tpu.memory_space<hbm>>) dst(%arg11 : memref<16x896xi32, #tpu.memory_space<vmem>>)
    %dma_wait3A_577 = arith.constant 0 : i32
    %dma_wait3A_578 = tpu.memref_slice %arg5[%add3A_554, %dma_wait3A_577] : memref<8192x896xi32, #tpu.memory_space<hbm>> -> memref<16x896xi32, #tpu.memory_space<hbm>>
    %dma_wait3A_579 = arith.constant 0 : i32
    %dma_wait3A_580 = tpu.memref_slice %arg5[%add3A_554, %dma_wait3A_579] : memref<8192x896xi32, #tpu.memory_space<hbm>> -> memref<16x896xi32, #tpu.memory_space<hbm>>
    tpu.wait_dma2 semaphore(%arg14 : memref<!tpu.dma_semaphore, #tpu.memory_space<semaphore_mem>>) src(%arg10 : memref<16x896xi32, #tpu.memory_space<vmem>>) dst(%dma_wait3A_580 : memref<16x896xi32, #tpu.memory_space<hbm>>)
    %dma_wait3A_581 = arith.constant 0 : i32
    %dma_wait3A_582 = tpu.memref_slice %arg6[%add3A_554, %dma_wait3A_581] : memref<8192x896xi32, #tpu.memory_space<hbm>> -> memref<16x896xi32, #tpu.memory_space<hbm>>
    %dma_wait3A_583 = arith.constant 0 : i32
    %dma_wait3A_584 = tpu.memref_slice %arg6[%add3A_554, %dma_wait3A_583] : memref<8192x896xi32, #tpu.memory_space<hbm>> -> memref<16x896xi32, #tpu.memory_space<hbm>>
    tpu.wait_dma2 semaphore(%arg14 : memref<!tpu.dma_semaphore, #tpu.memory_space<semaphore_mem>>) src(%arg12 : memref<16x896xi32, #tpu.memory_space<vmem>>) dst(%dma_wait3A_584 : memref<16x896xi32, #tpu.memory_space<hbm>>)
    %dma_start3A_585 = arith.constant 13 : i32
    %dma_start3A_586 = arith.constant 0 : i32
    %dma_start3A_587 = tpu.memref_slice %arg7[%dma_start3A_585, %dma_start3A_586] : memref<16x16xi32, #tpu.memory_space<vmem>> -> memref<1x16xi32, #tpu.memory_space<vmem>>
    %dma_start3A_588 = tpu.memref_squeeze %dma_start3A_587 : memref<1x16xi32, #tpu.memory_space<vmem>> -> memref<16xi32, #tpu.memory_space<vmem>>
    %dma_start3A_589 = arith.constant 0 : i32
    %dma_start3A_590 = arith.constant 0 : i32
    %dma_start3A_591 = tpu.memref_slice %arg2[%dma_start3A_589, %dma_start3A_590] : memref<18432x896xi32, #tpu.memory_space<hbm>> -> memref<18432x896xi32, #tpu.memory_space<hbm>>
    tpu.enqueue_indirect_dma source(%dma_start3A_591 : memref<18432x896xi32, #tpu.memory_space<hbm>>) target(%arg10 : memref<16x896xi32, #tpu.memory_space<vmem>>) offsets(%dma_start3A_588 : memref<16xi32, #tpu.memory_space<vmem>>) semaphore(%arg13 : memref<!tpu.dma_semaphore, #tpu.memory_space<semaphore_mem>>)
    %dma_start3A_592 = arith.constant 13 : i32
    %dma_start3A_593 = arith.constant 0 : i32
    %dma_start3A_594 = tpu.memref_slice %arg8[%dma_start3A_592, %dma_start3A_593] : memref<16x16xi32, #tpu.memory_space<vmem>> -> memref<1x16xi32, #tpu.memory_space<vmem>>
    %dma_start3A_595 = tpu.memref_squeeze %dma_start3A_594 : memref<1x16xi32, #tpu.memory_space<vmem>> -> memref<16xi32, #tpu.memory_space<vmem>>
    %dma_start3A_596 = arith.constant 0 : i32
    %dma_start3A_597 = arith.constant 0 : i32
    %dma_start3A_598 = tpu.memref_slice %arg2[%dma_start3A_596, %dma_start3A_597] : memref<18432x896xi32, #tpu.memory_space<hbm>> -> memref<18432x896xi32, #tpu.memory_space<hbm>>
    tpu.enqueue_indirect_dma source(%dma_start3A_598 : memref<18432x896xi32, #tpu.memory_space<hbm>>) target(%arg12 : memref<16x896xi32, #tpu.memory_space<vmem>>) offsets(%dma_start3A_595 : memref<16xi32, #tpu.memory_space<vmem>>) semaphore(%arg13 : memref<!tpu.dma_semaphore, #tpu.memory_space<semaphore_mem>>)
    %add3A_599 = arith.constant 192 : i32
    %add3A_600 = arith.addi %mul3A_2, %add3A_599 : i32
    %dma_start3A_601 = arith.constant 0 : i32
    %dma_start3A_602 = tpu.memref_slice %arg5[%add3A_600, %dma_start3A_601] : memref<8192x896xi32, #tpu.memory_space<hbm>> -> memref<16x896xi32, #tpu.memory_space<hbm>>
    %dma_start3A_603 = arith.constant 0 : i32
    %dma_start3A_604 = tpu.memref_slice %arg5[%add3A_600, %dma_start3A_603] : memref<8192x896xi32, #tpu.memory_space<hbm>> -> memref<16x896xi32, #tpu.memory_space<hbm>>
    tpu.enqueue_dma source(%arg9 : memref<16x896xi32, #tpu.memory_space<vmem>>) target(%dma_start3A_604 : memref<16x896xi32, #tpu.memory_space<hbm>>) target_semaphore(%arg14 : memref<!tpu.dma_semaphore, #tpu.memory_space<semaphore_mem>>)
    %dma_start3A_605 = arith.constant 0 : i32
    %dma_start3A_606 = tpu.memref_slice %arg6[%add3A_600, %dma_start3A_605] : memref<8192x896xi32, #tpu.memory_space<hbm>> -> memref<16x896xi32, #tpu.memory_space<hbm>>
    %dma_start3A_607 = arith.constant 0 : i32
    %dma_start3A_608 = tpu.memref_slice %arg6[%add3A_600, %dma_start3A_607] : memref<8192x896xi32, #tpu.memory_space<hbm>> -> memref<16x896xi32, #tpu.memory_space<hbm>>
    tpu.enqueue_dma source(%arg11 : memref<16x896xi32, #tpu.memory_space<vmem>>) target(%dma_start3A_608 : memref<16x896xi32, #tpu.memory_space<hbm>>) target_semaphore(%arg14 : memref<!tpu.dma_semaphore, #tpu.memory_space<semaphore_mem>>)
    %dma_wait3A_609 = arith.constant 13 : i32
    %dma_wait3A_610 = arith.constant 0 : i32
    %dma_wait3A_611 = tpu.memref_slice %arg7[%dma_wait3A_609, %dma_wait3A_610] : memref<16x16xi32, #tpu.memory_space<vmem>> -> memref<1x16xi32, #tpu.memory_space<vmem>>
    %dma_wait3A_612 = tpu.memref_squeeze %dma_wait3A_611 : memref<1x16xi32, #tpu.memory_space<vmem>> -> memref<16xi32, #tpu.memory_space<vmem>>
    %dma_wait3A_613 = arith.constant 0 : i32
    %dma_wait3A_614 = arith.constant 0 : i32
    %dma_wait3A_615 = tpu.memref_slice %arg2[%dma_wait3A_613, %dma_wait3A_614] : memref<18432x896xi32, #tpu.memory_space<hbm>> -> memref<18432x896xi32, #tpu.memory_space<hbm>>
    tpu.wait_indirect_dma semaphore(%arg13 : memref<!tpu.dma_semaphore, #tpu.memory_space<semaphore_mem>>) src(%dma_wait3A_615 : memref<18432x896xi32, #tpu.memory_space<hbm>>) dst(%arg10 : memref<16x896xi32, #tpu.memory_space<vmem>>)
    %dma_wait3A_616 = arith.constant 13 : i32
    %dma_wait3A_617 = arith.constant 0 : i32
    %dma_wait3A_618 = tpu.memref_slice %arg8[%dma_wait3A_616, %dma_wait3A_617] : memref<16x16xi32, #tpu.memory_space<vmem>> -> memref<1x16xi32, #tpu.memory_space<vmem>>
    %dma_wait3A_619 = tpu.memref_squeeze %dma_wait3A_618 : memref<1x16xi32, #tpu.memory_space<vmem>> -> memref<16xi32, #tpu.memory_space<vmem>>
    %dma_wait3A_620 = arith.constant 0 : i32
    %dma_wait3A_621 = arith.constant 0 : i32
    %dma_wait3A_622 = tpu.memref_slice %arg2[%dma_wait3A_620, %dma_wait3A_621] : memref<18432x896xi32, #tpu.memory_space<hbm>> -> memref<18432x896xi32, #tpu.memory_space<hbm>>
    tpu.wait_indirect_dma semaphore(%arg13 : memref<!tpu.dma_semaphore, #tpu.memory_space<semaphore_mem>>) src(%dma_wait3A_622 : memref<18432x896xi32, #tpu.memory_space<hbm>>) dst(%arg12 : memref<16x896xi32, #tpu.memory_space<vmem>>)
    %dma_wait3A_623 = arith.constant 0 : i32
    %dma_wait3A_624 = tpu.memref_slice %arg5[%add3A_600, %dma_wait3A_623] : memref<8192x896xi32, #tpu.memory_space<hbm>> -> memref<16x896xi32, #tpu.memory_space<hbm>>
    %dma_wait3A_625 = arith.constant 0 : i32
    %dma_wait3A_626 = tpu.memref_slice %arg5[%add3A_600, %dma_wait3A_625] : memref<8192x896xi32, #tpu.memory_space<hbm>> -> memref<16x896xi32, #tpu.memory_space<hbm>>
    tpu.wait_dma2 semaphore(%arg14 : memref<!tpu.dma_semaphore, #tpu.memory_space<semaphore_mem>>) src(%arg9 : memref<16x896xi32, #tpu.memory_space<vmem>>) dst(%dma_wait3A_626 : memref<16x896xi32, #tpu.memory_space<hbm>>)
    %dma_wait3A_627 = arith.constant 0 : i32
    %dma_wait3A_628 = tpu.memref_slice %arg6[%add3A_600, %dma_wait3A_627] : memref<8192x896xi32, #tpu.memory_space<hbm>> -> memref<16x896xi32, #tpu.memory_space<hbm>>
    %dma_wait3A_629 = arith.constant 0 : i32
    %dma_wait3A_630 = tpu.memref_slice %arg6[%add3A_600, %dma_wait3A_629] : memref<8192x896xi32, #tpu.memory_space<hbm>> -> memref<16x896xi32, #tpu.memory_space<hbm>>
    tpu.wait_dma2 semaphore(%arg14 : memref<!tpu.dma_semaphore, #tpu.memory_space<semaphore_mem>>) src(%arg11 : memref<16x896xi32, #tpu.memory_space<vmem>>) dst(%dma_wait3A_630 : memref<16x896xi32, #tpu.memory_space<hbm>>)
    %dma_start3A_631 = arith.constant 14 : i32
    %dma_start3A_632 = arith.constant 0 : i32
    %dma_start3A_633 = tpu.memref_slice %arg7[%dma_start3A_631, %dma_start3A_632] : memref<16x16xi32, #tpu.memory_space<vmem>> -> memref<1x16xi32, #tpu.memory_space<vmem>>
    %dma_start3A_634 = tpu.memref_squeeze %dma_start3A_633 : memref<1x16xi32, #tpu.memory_space<vmem>> -> memref<16xi32, #tpu.memory_space<vmem>>
    %dma_start3A_635 = arith.constant 0 : i32
    %dma_start3A_636 = arith.constant 0 : i32
    %dma_start3A_637 = tpu.memref_slice %arg2[%dma_start3A_635, %dma_start3A_636] : memref<18432x896xi32, #tpu.memory_space<hbm>> -> memref<18432x896xi32, #tpu.memory_space<hbm>>
    tpu.enqueue_indirect_dma source(%dma_start3A_637 : memref<18432x896xi32, #tpu.memory_space<hbm>>) target(%arg9 : memref<16x896xi32, #tpu.memory_space<vmem>>) offsets(%dma_start3A_634 : memref<16xi32, #tpu.memory_space<vmem>>) semaphore(%arg13 : memref<!tpu.dma_semaphore, #tpu.memory_space<semaphore_mem>>)
    %dma_start3A_638 = arith.constant 14 : i32
    %dma_start3A_639 = arith.constant 0 : i32
    %dma_start3A_640 = tpu.memref_slice %arg8[%dma_start3A_638, %dma_start3A_639] : memref<16x16xi32, #tpu.memory_space<vmem>> -> memref<1x16xi32, #tpu.memory_space<vmem>>
    %dma_start3A_641 = tpu.memref_squeeze %dma_start3A_640 : memref<1x16xi32, #tpu.memory_space<vmem>> -> memref<16xi32, #tpu.memory_space<vmem>>
    %dma_start3A_642 = arith.constant 0 : i32
    %dma_start3A_643 = arith.constant 0 : i32
    %dma_start3A_644 = tpu.memref_slice %arg2[%dma_start3A_642, %dma_start3A_643] : memref<18432x896xi32, #tpu.memory_space<hbm>> -> memref<18432x896xi32, #tpu.memory_space<hbm>>
    tpu.enqueue_indirect_dma source(%dma_start3A_644 : memref<18432x896xi32, #tpu.memory_space<hbm>>) target(%arg11 : memref<16x896xi32, #tpu.memory_space<vmem>>) offsets(%dma_start3A_641 : memref<16xi32, #tpu.memory_space<vmem>>) semaphore(%arg13 : memref<!tpu.dma_semaphore, #tpu.memory_space<semaphore_mem>>)
    %add3A_645 = arith.constant 208 : i32
    %add3A_646 = arith.addi %mul3A_2, %add3A_645 : i32
    %dma_start3A_647 = arith.constant 0 : i32
    %dma_start3A_648 = tpu.memref_slice %arg5[%add3A_646, %dma_start3A_647] : memref<8192x896xi32, #tpu.memory_space<hbm>> -> memref<16x896xi32, #tpu.memory_space<hbm>>
    %dma_start3A_649 = arith.constant 0 : i32
    %dma_start3A_650 = tpu.memref_slice %arg5[%add3A_646, %dma_start3A_649] : memref<8192x896xi32, #tpu.memory_space<hbm>> -> memref<16x896xi32, #tpu.memory_space<hbm>>
    tpu.enqueue_dma source(%arg10 : memref<16x896xi32, #tpu.memory_space<vmem>>) target(%dma_start3A_650 : memref<16x896xi32, #tpu.memory_space<hbm>>) target_semaphore(%arg14 : memref<!tpu.dma_semaphore, #tpu.memory_space<semaphore_mem>>)
    %dma_start3A_651 = arith.constant 0 : i32
    %dma_start3A_652 = tpu.memref_slice %arg6[%add3A_646, %dma_start3A_651] : memref<8192x896xi32, #tpu.memory_space<hbm>> -> memref<16x896xi32, #tpu.memory_space<hbm>>
    %dma_start3A_653 = arith.constant 0 : i32
    %dma_start3A_654 = tpu.memref_slice %arg6[%add3A_646, %dma_start3A_653] : memref<8192x896xi32, #tpu.memory_space<hbm>> -> memref<16x896xi32, #tpu.memory_space<hbm>>
    tpu.enqueue_dma source(%arg12 : memref<16x896xi32, #tpu.memory_space<vmem>>) target(%dma_start3A_654 : memref<16x896xi32, #tpu.memory_space<hbm>>) target_semaphore(%arg14 : memref<!tpu.dma_semaphore, #tpu.memory_space<semaphore_mem>>)
    %dma_wait3A_655 = arith.constant 14 : i32
    %dma_wait3A_656 = arith.constant 0 : i32
    %dma_wait3A_657 = tpu.memref_slice %arg7[%dma_wait3A_655, %dma_wait3A_656] : memref<16x16xi32, #tpu.memory_space<vmem>> -> memref<1x16xi32, #tpu.memory_space<vmem>>
    %dma_wait3A_658 = tpu.memref_squeeze %dma_wait3A_657 : memref<1x16xi32, #tpu.memory_space<vmem>> -> memref<16xi32, #tpu.memory_space<vmem>>
    %dma_wait3A_659 = arith.constant 0 : i32
    %dma_wait3A_660 = arith.constant 0 : i32
    %dma_wait3A_661 = tpu.memref_slice %arg2[%dma_wait3A_659, %dma_wait3A_660] : memref<18432x896xi32, #tpu.memory_space<hbm>> -> memref<18432x896xi32, #tpu.memory_space<hbm>>
    tpu.wait_indirect_dma semaphore(%arg13 : memref<!tpu.dma_semaphore, #tpu.memory_space<semaphore_mem>>) src(%dma_wait3A_661 : memref<18432x896xi32, #tpu.memory_space<hbm>>) dst(%arg9 : memref<16x896xi32, #tpu.memory_space<vmem>>)
    %dma_wait3A_662 = arith.constant 14 : i32
    %dma_wait3A_663 = arith.constant 0 : i32
    %dma_wait3A_664 = tpu.memref_slice %arg8[%dma_wait3A_662, %dma_wait3A_663] : memref<16x16xi32, #tpu.memory_space<vmem>> -> memref<1x16xi32, #tpu.memory_space<vmem>>
    %dma_wait3A_665 = tpu.memref_squeeze %dma_wait3A_664 : memref<1x16xi32, #tpu.memory_space<vmem>> -> memref<16xi32, #tpu.memory_space<vmem>>
    %dma_wait3A_666 = arith.constant 0 : i32
    %dma_wait3A_667 = arith.constant 0 : i32
    %dma_wait3A_668 = tpu.memref_slice %arg2[%dma_wait3A_666, %dma_wait3A_667] : memref<18432x896xi32, #tpu.memory_space<hbm>> -> memref<18432x896xi32, #tpu.memory_space<hbm>>
    tpu.wait_indirect_dma semaphore(%arg13 : memref<!tpu.dma_semaphore, #tpu.memory_space<semaphore_mem>>) src(%dma_wait3A_668 : memref<18432x896xi32, #tpu.memory_space<hbm>>) dst(%arg11 : memref<16x896xi32, #tpu.memory_space<vmem>>)
    %dma_wait3A_669 = arith.constant 0 : i32
    %dma_wait3A_670 = tpu.memref_slice %arg5[%add3A_646, %dma_wait3A_669] : memref<8192x896xi32, #tpu.memory_space<hbm>> -> memref<16x896xi32, #tpu.memory_space<hbm>>
    %dma_wait3A_671 = arith.constant 0 : i32
    %dma_wait3A_672 = tpu.memref_slice %arg5[%add3A_646, %dma_wait3A_671] : memref<8192x896xi32, #tpu.memory_space<hbm>> -> memref<16x896xi32, #tpu.memory_space<hbm>>
    tpu.wait_dma2 semaphore(%arg14 : memref<!tpu.dma_semaphore, #tpu.memory_space<semaphore_mem>>) src(%arg10 : memref<16x896xi32, #tpu.memory_space<vmem>>) dst(%dma_wait3A_672 : memref<16x896xi32, #tpu.memory_space<hbm>>)
    %dma_wait3A_673 = arith.constant 0 : i32
    %dma_wait3A_674 = tpu.memref_slice %arg6[%add3A_646, %dma_wait3A_673] : memref<8192x896xi32, #tpu.memory_space<hbm>> -> memref<16x896xi32, #tpu.memory_space<hbm>>
    %dma_wait3A_675 = arith.constant 0 : i32
    %dma_wait3A_676 = tpu.memref_slice %arg6[%add3A_646, %dma_wait3A_675] : memref<8192x896xi32, #tpu.memory_space<hbm>> -> memref<16x896xi32, #tpu.memory_space<hbm>>
    tpu.wait_dma2 semaphore(%arg14 : memref<!tpu.dma_semaphore, #tpu.memory_space<semaphore_mem>>) src(%arg12 : memref<16x896xi32, #tpu.memory_space<vmem>>) dst(%dma_wait3A_676 : memref<16x896xi32, #tpu.memory_space<hbm>>)
    %dma_start3A_677 = arith.constant 15 : i32
    %dma_start3A_678 = arith.constant 0 : i32
    %dma_start3A_679 = tpu.memref_slice %arg7[%dma_start3A_677, %dma_start3A_678] : memref<16x16xi32, #tpu.memory_space<vmem>> -> memref<1x16xi32, #tpu.memory_space<vmem>>
    %dma_start3A_680 = tpu.memref_squeeze %dma_start3A_679 : memref<1x16xi32, #tpu.memory_space<vmem>> -> memref<16xi32, #tpu.memory_space<vmem>>
    %dma_start3A_681 = arith.constant 0 : i32
    %dma_start3A_682 = arith.constant 0 : i32
    %dma_start3A_683 = tpu.memref_slice %arg2[%dma_start3A_681, %dma_start3A_682] : memref<18432x896xi32, #tpu.memory_space<hbm>> -> memref<18432x896xi32, #tpu.memory_space<hbm>>
    tpu.enqueue_indirect_dma source(%dma_start3A_683 : memref<18432x896xi32, #tpu.memory_space<hbm>>) target(%arg10 : memref<16x896xi32, #tpu.memory_space<vmem>>) offsets(%dma_start3A_680 : memref<16xi32, #tpu.memory_space<vmem>>) semaphore(%arg13 : memref<!tpu.dma_semaphore, #tpu.memory_space<semaphore_mem>>)
    %dma_start3A_684 = arith.constant 15 : i32
    %dma_start3A_685 = arith.constant 0 : i32
    %dma_start3A_686 = tpu.memref_slice %arg8[%dma_start3A_684, %dma_start3A_685] : memref<16x16xi32, #tpu.memory_space<vmem>> -> memref<1x16xi32, #tpu.memory_space<vmem>>
    %dma_start3A_687 = tpu.memref_squeeze %dma_start3A_686 : memref<1x16xi32, #tpu.memory_space<vmem>> -> memref<16xi32, #tpu.memory_space<vmem>>
    %dma_start3A_688 = arith.constant 0 : i32
    %dma_start3A_689 = arith.constant 0 : i32
    %dma_start3A_690 = tpu.memref_slice %arg2[%dma_start3A_688, %dma_start3A_689] : memref<18432x896xi32, #tpu.memory_space<hbm>> -> memref<18432x896xi32, #tpu.memory_space<hbm>>
    tpu.enqueue_indirect_dma source(%dma_start3A_690 : memref<18432x896xi32, #tpu.memory_space<hbm>>) target(%arg12 : memref<16x896xi32, #tpu.memory_space<vmem>>) offsets(%dma_start3A_687 : memref<16xi32, #tpu.memory_space<vmem>>) semaphore(%arg13 : memref<!tpu.dma_semaphore, #tpu.memory_space<semaphore_mem>>)
    %add3A_691 = arith.constant 224 : i32
    %add3A_692 = arith.addi %mul3A_2, %add3A_691 : i32
    %dma_start3A_693 = arith.constant 0 : i32
    %dma_start3A_694 = tpu.memref_slice %arg5[%add3A_692, %dma_start3A_693] : memref<8192x896xi32, #tpu.memory_space<hbm>> -> memref<16x896xi32, #tpu.memory_space<hbm>>
    %dma_start3A_695 = arith.constant 0 : i32
    %dma_start3A_696 = tpu.memref_slice %arg5[%add3A_692, %dma_start3A_695] : memref<8192x896xi32, #tpu.memory_space<hbm>> -> memref<16x896xi32, #tpu.memory_space<hbm>>
    tpu.enqueue_dma source(%arg9 : memref<16x896xi32, #tpu.memory_space<vmem>>) target(%dma_start3A_696 : memref<16x896xi32, #tpu.memory_space<hbm>>) target_semaphore(%arg14 : memref<!tpu.dma_semaphore, #tpu.memory_space<semaphore_mem>>)
    %dma_start3A_697 = arith.constant 0 : i32
    %dma_start3A_698 = tpu.memref_slice %arg6[%add3A_692, %dma_start3A_697] : memref<8192x896xi32, #tpu.memory_space<hbm>> -> memref<16x896xi32, #tpu.memory_space<hbm>>
    %dma_start3A_699 = arith.constant 0 : i32
    %dma_start3A_700 = tpu.memref_slice %arg6[%add3A_692, %dma_start3A_699] : memref<8192x896xi32, #tpu.memory_space<hbm>> -> memref<16x896xi32, #tpu.memory_space<hbm>>
    tpu.enqueue_dma source(%arg11 : memref<16x896xi32, #tpu.memory_space<vmem>>) target(%dma_start3A_700 : memref<16x896xi32, #tpu.memory_space<hbm>>) target_semaphore(%arg14 : memref<!tpu.dma_semaphore, #tpu.memory_space<semaphore_mem>>)
    %dma_wait3A_701 = arith.constant 15 : i32
    %dma_wait3A_702 = arith.constant 0 : i32
    %dma_wait3A_703 = tpu.memref_slice %arg7[%dma_wait3A_701, %dma_wait3A_702] : memref<16x16xi32, #tpu.memory_space<vmem>> -> memref<1x16xi32, #tpu.memory_space<vmem>>
    %dma_wait3A_704 = tpu.memref_squeeze %dma_wait3A_703 : memref<1x16xi32, #tpu.memory_space<vmem>> -> memref<16xi32, #tpu.memory_space<vmem>>
    %dma_wait3A_705 = arith.constant 0 : i32
    %dma_wait3A_706 = arith.constant 0 : i32
    %dma_wait3A_707 = tpu.memref_slice %arg2[%dma_wait3A_705, %dma_wait3A_706] : memref<18432x896xi32, #tpu.memory_space<hbm>> -> memref<18432x896xi32, #tpu.memory_space<hbm>>
    tpu.wait_indirect_dma semaphore(%arg13 : memref<!tpu.dma_semaphore, #tpu.memory_space<semaphore_mem>>) src(%dma_wait3A_707 : memref<18432x896xi32, #tpu.memory_space<hbm>>) dst(%arg10 : memref<16x896xi32, #tpu.memory_space<vmem>>)
    %dma_wait3A_708 = arith.constant 15 : i32
    %dma_wait3A_709 = arith.constant 0 : i32
    %dma_wait3A_710 = tpu.memref_slice %arg8[%dma_wait3A_708, %dma_wait3A_709] : memref<16x16xi32, #tpu.memory_space<vmem>> -> memref<1x16xi32, #tpu.memory_space<vmem>>
    %dma_wait3A_711 = tpu.memref_squeeze %dma_wait3A_710 : memref<1x16xi32, #tpu.memory_space<vmem>> -> memref<16xi32, #tpu.memory_space<vmem>>
    %dma_wait3A_712 = arith.constant 0 : i32
    %dma_wait3A_713 = arith.constant 0 : i32
    %dma_wait3A_714 = tpu.memref_slice %arg2[%dma_wait3A_712, %dma_wait3A_713] : memref<18432x896xi32, #tpu.memory_space<hbm>> -> memref<18432x896xi32, #tpu.memory_space<hbm>>
    tpu.wait_indirect_dma semaphore(%arg13 : memref<!tpu.dma_semaphore, #tpu.memory_space<semaphore_mem>>) src(%dma_wait3A_714 : memref<18432x896xi32, #tpu.memory_space<hbm>>) dst(%arg12 : memref<16x896xi32, #tpu.memory_space<vmem>>)
    %add3A_715 = arith.constant 240 : i32
    %add3A_716 = arith.addi %mul3A_2, %add3A_715 : i32
    %dma_start3A_717 = arith.constant 0 : i32
    %dma_start3A_718 = tpu.memref_slice %arg5[%add3A_716, %dma_start3A_717] : memref<8192x896xi32, #tpu.memory_space<hbm>> -> memref<16x896xi32, #tpu.memory_space<hbm>>
    %dma_start3A_719 = arith.constant 0 : i32
    %dma_start3A_720 = tpu.memref_slice %arg5[%add3A_716, %dma_start3A_719] : memref<8192x896xi32, #tpu.memory_space<hbm>> -> memref<16x896xi32, #tpu.memory_space<hbm>>
    tpu.enqueue_dma source(%arg10 : memref<16x896xi32, #tpu.memory_space<vmem>>) target(%dma_start3A_720 : memref<16x896xi32, #tpu.memory_space<hbm>>) target_semaphore(%arg14 : memref<!tpu.dma_semaphore, #tpu.memory_space<semaphore_mem>>)
    %dma_start3A_721 = arith.constant 0 : i32
    %dma_start3A_722 = tpu.memref_slice %arg6[%add3A_716, %dma_start3A_721] : memref<8192x896xi32, #tpu.memory_space<hbm>> -> memref<16x896xi32, #tpu.memory_space<hbm>>
    %dma_start3A_723 = arith.constant 0 : i32
    %dma_start3A_724 = tpu.memref_slice %arg6[%add3A_716, %dma_start3A_723] : memref<8192x896xi32, #tpu.memory_space<hbm>> -> memref<16x896xi32, #tpu.memory_space<hbm>>
    tpu.enqueue_dma source(%arg12 : memref<16x896xi32, #tpu.memory_space<vmem>>) target(%dma_start3A_724 : memref<16x896xi32, #tpu.memory_space<hbm>>) target_semaphore(%arg14 : memref<!tpu.dma_semaphore, #tpu.memory_space<semaphore_mem>>)
    %dma_wait3A_725 = arith.constant 0 : i32
    %dma_wait3A_726 = tpu.memref_slice %arg5[%add3A_692, %dma_wait3A_725] : memref<8192x896xi32, #tpu.memory_space<hbm>> -> memref<16x896xi32, #tpu.memory_space<hbm>>
    %dma_wait3A_727 = arith.constant 0 : i32
    %dma_wait3A_728 = tpu.memref_slice %arg5[%add3A_692, %dma_wait3A_727] : memref<8192x896xi32, #tpu.memory_space<hbm>> -> memref<16x896xi32, #tpu.memory_space<hbm>>
    tpu.wait_dma2 semaphore(%arg14 : memref<!tpu.dma_semaphore, #tpu.memory_space<semaphore_mem>>) src(%arg9 : memref<16x896xi32, #tpu.memory_space<vmem>>) dst(%dma_wait3A_728 : memref<16x896xi32, #tpu.memory_space<hbm>>)
    %dma_wait3A_729 = arith.constant 0 : i32
    %dma_wait3A_730 = tpu.memref_slice %arg6[%add3A_692, %dma_wait3A_729] : memref<8192x896xi32, #tpu.memory_space<hbm>> -> memref<16x896xi32, #tpu.memory_space<hbm>>
    %dma_wait3A_731 = arith.constant 0 : i32
    %dma_wait3A_732 = tpu.memref_slice %arg6[%add3A_692, %dma_wait3A_731] : memref<8192x896xi32, #tpu.memory_space<hbm>> -> memref<16x896xi32, #tpu.memory_space<hbm>>
    tpu.wait_dma2 semaphore(%arg14 : memref<!tpu.dma_semaphore, #tpu.memory_space<semaphore_mem>>) src(%arg11 : memref<16x896xi32, #tpu.memory_space<vmem>>) dst(%dma_wait3A_732 : memref<16x896xi32, #tpu.memory_space<hbm>>)
    %dma_wait3A_733 = arith.constant 0 : i32
    %dma_wait3A_734 = tpu.memref_slice %arg5[%add3A_716, %dma_wait3A_733] : memref<8192x896xi32, #tpu.memory_space<hbm>> -> memref<16x896xi32, #tpu.memory_space<hbm>>
    %dma_wait3A_735 = arith.constant 0 : i32
    %dma_wait3A_736 = tpu.memref_slice %arg5[%add3A_716, %dma_wait3A_735] : memref<8192x896xi32, #tpu.memory_space<hbm>> -> memref<16x896xi32, #tpu.memory_space<hbm>>
    tpu.wait_dma2 semaphore(%arg14 : memref<!tpu.dma_semaphore, #tpu.memory_space<semaphore_mem>>) src(%arg10 : memref<16x896xi32, #tpu.memory_space<vmem>>) dst(%dma_wait3A_736 : memref<16x896xi32, #tpu.memory_space<hbm>>)
    %dma_wait3A_737 = arith.constant 0 : i32
    %dma_wait3A_738 = tpu.memref_slice %arg6[%add3A_716, %dma_wait3A_737] : memref<8192x896xi32, #tpu.memory_space<hbm>> -> memref<16x896xi32, #tpu.memory_space<hbm>>
    %dma_wait3A_739 = arith.constant 0 : i32
    %dma_wait3A_740 = tpu.memref_slice %arg6[%add3A_716, %dma_wait3A_739] : memref<8192x896xi32, #tpu.memory_space<hbm>> -> memref<16x896xi32, #tpu.memory_space<hbm>>
    tpu.wait_dma2 semaphore(%arg14 : memref<!tpu.dma_semaphore, #tpu.memory_space<semaphore_mem>>) src(%arg12 : memref<16x896xi32, #tpu.memory_space<vmem>>) dst(%dma_wait3A_740 : memref<16x896xi32, #tpu.memory_space<hbm>>)
    return
  }
}

#map = affine_map<(d0, d1) -> (0, 0)>
#map1 = affine_map<(d0, d1) -> (0)>
module attributes {stable_mosaic.version = 14 : i64} {
  func.func @k(%arg0: i32, %arg1: i32, %arg2: memref<8192x512xi32, #tpu.memory_space<hbm>>, %arg3: memref<16384xi32, #tpu.memory_space<hbm>>, %arg4: memref<16384xi32, #tpu.memory_space<hbm>>, %arg5: memref<16xi32, #tpu.memory_space<hbm>>, %arg6: memref<18432x512xi32, #tpu.memory_space<hbm>>, %arg7: memref<512x16xi32, #tpu.memory_space<hbm>>, %arg8: memref<512x16xi32, #tpu.memory_space<hbm>>, %arg9: memref<512xi32, #tpu.memory_space<vmem>>, %arg10: memref<512xi32, #tpu.memory_space<vmem>>, %arg11: memref<16xi32, #tpu.memory_space<vmem>>, %arg12: memref<16x16xi32, #tpu.memory_space<vmem>>, %arg13: memref<16x16xi32, #tpu.memory_space<vmem>>, %arg14: memref<32x512xi32, #tpu.memory_space<vmem>>, %arg15: memref<32x512xi32, #tpu.memory_space<vmem>>, %arg16: memref<!tpu.dma_semaphore, #tpu.memory_space<semaphore_mem>>, %arg17: memref<!tpu.dma_semaphore, #tpu.memory_space<semaphore_mem>>) attributes {dimension_semantics = [#tpu.dimension_semantics<core_parallel>, #tpu.dimension_semantics<subcore_parallel>], iteration_bounds = array<i64: 2, 16>, scalar_prefetch = 0 : i64, scratch_operands = 9 : i64, tpu.core_type = #tpu.core_type<sc_vector_subcore>, window_params = [{transform_indices = #map}, {transform_indices = #map1}, {transform_indices = #map1}, {transform_indices = #map1}, {transform_indices = #map}, {transform_indices = #map}, {transform_indices = #map}]} {
    %mul3A = arith.constant 2 : i32
    %mul3A_0 = arith.muli %arg1, %mul3A : i32
    %add3A = arith.addi %mul3A_0, %arg0 : i32
    %mul3A_1 = arith.constant 512 : i32
    %mul3A_2 = arith.muli %add3A, %mul3A_1 : i32
    %mul3A_3 = arith.constant 256 : i32
    %mul3A_4 = arith.muli %add3A, %mul3A_3 : i32
    "tpu.region"() ({
      %run_scoped3A = tpu.sem_alloc : memref<!tpu.dma_semaphore, #tpu.memory_space<semaphore_mem>>
      %dma_start3A_1126 = tpu.memref_slice %arg3[%mul3A_2] : memref<16384xi32, #tpu.memory_space<hbm>> -> memref<512xi32, #tpu.memory_space<hbm>>
      %dma_start3A_1127 = tpu.memref_slice %arg3[%mul3A_2] : memref<16384xi32, #tpu.memory_space<hbm>> -> memref<512xi32, #tpu.memory_space<hbm>>
      tpu.enqueue_dma source(%dma_start3A_1127 : memref<512xi32, #tpu.memory_space<hbm>>) target(%arg9 : memref<512xi32, #tpu.memory_space<vmem>>) target_semaphore(%run_scoped3A : memref<!tpu.dma_semaphore, #tpu.memory_space<semaphore_mem>>)
      %dma_wait3A_1128 = tpu.memref_slice %arg3[%mul3A_2] : memref<16384xi32, #tpu.memory_space<hbm>> -> memref<512xi32, #tpu.memory_space<hbm>>
      %dma_wait3A_1129 = tpu.memref_slice %arg3[%mul3A_2] : memref<16384xi32, #tpu.memory_space<hbm>> -> memref<512xi32, #tpu.memory_space<hbm>>
      tpu.wait_dma2 semaphore(%run_scoped3A : memref<!tpu.dma_semaphore, #tpu.memory_space<semaphore_mem>>) src(%dma_wait3A_1129 : memref<512xi32, #tpu.memory_space<hbm>>) dst(%arg9 : memref<512xi32, #tpu.memory_space<vmem>>)
      tpu.yield
    }) : () -> ()
    "tpu.region"() ({
      %run_scoped3A = tpu.sem_alloc : memref<!tpu.dma_semaphore, #tpu.memory_space<semaphore_mem>>
      %dma_start3A_1126 = tpu.memref_slice %arg4[%mul3A_2] : memref<16384xi32, #tpu.memory_space<hbm>> -> memref<512xi32, #tpu.memory_space<hbm>>
      %dma_start3A_1127 = tpu.memref_slice %arg4[%mul3A_2] : memref<16384xi32, #tpu.memory_space<hbm>> -> memref<512xi32, #tpu.memory_space<hbm>>
      tpu.enqueue_dma source(%dma_start3A_1127 : memref<512xi32, #tpu.memory_space<hbm>>) target(%arg10 : memref<512xi32, #tpu.memory_space<vmem>>) target_semaphore(%run_scoped3A : memref<!tpu.dma_semaphore, #tpu.memory_space<semaphore_mem>>)
      %dma_wait3A_1128 = tpu.memref_slice %arg4[%mul3A_2] : memref<16384xi32, #tpu.memory_space<hbm>> -> memref<512xi32, #tpu.memory_space<hbm>>
      %dma_wait3A_1129 = tpu.memref_slice %arg4[%mul3A_2] : memref<16384xi32, #tpu.memory_space<hbm>> -> memref<512xi32, #tpu.memory_space<hbm>>
      tpu.wait_dma2 semaphore(%run_scoped3A : memref<!tpu.dma_semaphore, #tpu.memory_space<semaphore_mem>>) src(%dma_wait3A_1129 : memref<512xi32, #tpu.memory_space<hbm>>) dst(%arg10 : memref<512xi32, #tpu.memory_space<vmem>>)
      tpu.yield
    }) : () -> ()
    "tpu.region"() ({
      %run_scoped3A = tpu.sem_alloc : memref<!tpu.dma_semaphore, #tpu.memory_space<semaphore_mem>>
      tpu.enqueue_dma source(%arg5 : memref<16xi32, #tpu.memory_space<hbm>>) target(%arg11 : memref<16xi32, #tpu.memory_space<vmem>>) target_semaphore(%run_scoped3A : memref<!tpu.dma_semaphore, #tpu.memory_space<semaphore_mem>>)
      tpu.wait_dma2 semaphore(%run_scoped3A : memref<!tpu.dma_semaphore, #tpu.memory_space<semaphore_mem>>) src(%arg5 : memref<16xi32, #tpu.memory_space<hbm>>) dst(%arg11 : memref<16xi32, #tpu.memory_space<vmem>>)
      tpu.yield
    }) : () -> ()
    %iota3A = tpu.iota {dimensions = array<i32: 0>} : vector<16xi32>
    %mul3A_5 = arith.constant 2 : i32
    %mul3A_6 = vector.broadcast %mul3A_5 : i32 to vector<16xi32>
    %mul3A_7 = arith.muli %iota3A, %mul3A_6 : vector<16xi32>
    %add3A_8 = arith.constant 0 : i32
    %add3A_9 = vector.broadcast %add3A_8 : i32 to vector<16xi32>
    %add3A_10 = arith.addi %add3A_9, %mul3A_7 : vector<16xi32>
    %gather3A = tpu.vector_load_idx %arg9[%add3A_10] : memref<512xi32, #tpu.memory_space<vmem>>[vector<16xi32>], vector<16xi32>,
    %gather3A_11 = tpu.vector_load_idx %arg10[%add3A_10] : memref<512xi32, #tpu.memory_space<vmem>>[vector<16xi32>], vector<16xi32>,
    %add3A_12 = arith.constant 1 : i32
    %add3A_13 = vector.broadcast %add3A_12 : i32 to vector<16xi32>
    %add3A_14 = arith.addi %add3A_10, %add3A_13 : vector<16xi32>
    %gather3A_15 = tpu.vector_load_idx %arg9[%add3A_14] : memref<512xi32, #tpu.memory_space<vmem>>[vector<16xi32>], vector<16xi32>,
    %add3A_16 = arith.constant 1 : i32
    %add3A_17 = vector.broadcast %add3A_16 : i32 to vector<16xi32>
    %add3A_18 = arith.addi %add3A_10, %add3A_17 : vector<16xi32>
    %gather3A_19 = tpu.vector_load_idx %arg10[%add3A_18] : memref<512xi32, #tpu.memory_space<vmem>>[vector<16xi32>], vector<16xi32>,
    %gather3A_20 = tpu.vector_load_idx %arg11[%gather3A] : memref<16xi32, #tpu.memory_space<vmem>>[vector<16xi32>], vector<16xi32>,
    %add3A_21 = arith.addi %gather3A_20, %gather3A_11 : vector<16xi32>
    %swap3A = arith.constant 0 : i32
    %swap3A_22 = arith.index_cast %swap3A : i32 to index
    %swap3A_23 = arith.constant 0 : index
    %swap3A_24 = tpu.vector_load %arg12[%swap3A_22, %swap3A_23] {strides = array<i32>} : memref<16x16xi32, #tpu.memory_space<vmem>>, vector<16xi32>,
    tpu.vector_store %arg12[%swap3A_22, %swap3A_23], %add3A_21 {strides = array<i32>} : memref<16x16xi32, #tpu.memory_space<vmem>>, vector<16xi32>,
    %gather3A_25 = tpu.vector_load_idx %arg11[%gather3A_15] : memref<16xi32, #tpu.memory_space<vmem>>[vector<16xi32>], vector<16xi32>,
    %add3A_26 = arith.addi %gather3A_25, %gather3A_19 : vector<16xi32>
    %swap3A_27 = arith.constant 0 : i32
    %swap3A_28 = arith.index_cast %swap3A_27 : i32 to index
    %swap3A_29 = arith.constant 0 : index
    %swap3A_30 = tpu.vector_load %arg13[%swap3A_28, %swap3A_29] {strides = array<i32>} : memref<16x16xi32, #tpu.memory_space<vmem>>, vector<16xi32>,
    tpu.vector_store %arg13[%swap3A_28, %swap3A_29], %add3A_26 {strides = array<i32>} : memref<16x16xi32, #tpu.memory_space<vmem>>, vector<16xi32>,
    %add3A_31 = arith.constant 32 : i32
    %add3A_32 = vector.broadcast %add3A_31 : i32 to vector<16xi32>
    %add3A_33 = arith.addi %add3A_32, %mul3A_7 : vector<16xi32>
    %gather3A_34 = tpu.vector_load_idx %arg9[%add3A_33] : memref<512xi32, #tpu.memory_space<vmem>>[vector<16xi32>], vector<16xi32>,
    %gather3A_35 = tpu.vector_load_idx %arg10[%add3A_33] : memref<512xi32, #tpu.memory_space<vmem>>[vector<16xi32>], vector<16xi32>,
    %add3A_36 = arith.constant 1 : i32
    %add3A_37 = vector.broadcast %add3A_36 : i32 to vector<16xi32>
    %add3A_38 = arith.addi %add3A_33, %add3A_37 : vector<16xi32>
    %gather3A_39 = tpu.vector_load_idx %arg9[%add3A_38] : memref<512xi32, #tpu.memory_space<vmem>>[vector<16xi32>], vector<16xi32>,
    %add3A_40 = arith.constant 1 : i32
    %add3A_41 = vector.broadcast %add3A_40 : i32 to vector<16xi32>
    %add3A_42 = arith.addi %add3A_33, %add3A_41 : vector<16xi32>
    %gather3A_43 = tpu.vector_load_idx %arg10[%add3A_42] : memref<512xi32, #tpu.memory_space<vmem>>[vector<16xi32>], vector<16xi32>,
    %gather3A_44 = tpu.vector_load_idx %arg11[%gather3A_34] : memref<16xi32, #tpu.memory_space<vmem>>[vector<16xi32>], vector<16xi32>,
    %add3A_45 = arith.addi %gather3A_44, %gather3A_35 : vector<16xi32>
    %swap3A_46 = arith.constant 1 : i32
    %swap3A_47 = arith.index_cast %swap3A_46 : i32 to index
    %swap3A_48 = arith.constant 0 : index
    %swap3A_49 = tpu.vector_load %arg12[%swap3A_47, %swap3A_48] {strides = array<i32>} : memref<16x16xi32, #tpu.memory_space<vmem>>, vector<16xi32>,
    tpu.vector_store %arg12[%swap3A_47, %swap3A_48], %add3A_45 {strides = array<i32>} : memref<16x16xi32, #tpu.memory_space<vmem>>, vector<16xi32>,
    %gather3A_50 = tpu.vector_load_idx %arg11[%gather3A_39] : memref<16xi32, #tpu.memory_space<vmem>>[vector<16xi32>], vector<16xi32>,
    %add3A_51 = arith.addi %gather3A_50, %gather3A_43 : vector<16xi32>
    %swap3A_52 = arith.constant 1 : i32
    %swap3A_53 = arith.index_cast %swap3A_52 : i32 to index
    %swap3A_54 = arith.constant 0 : index
    %swap3A_55 = tpu.vector_load %arg13[%swap3A_53, %swap3A_54] {strides = array<i32>} : memref<16x16xi32, #tpu.memory_space<vmem>>, vector<16xi32>,
    tpu.vector_store %arg13[%swap3A_53, %swap3A_54], %add3A_51 {strides = array<i32>} : memref<16x16xi32, #tpu.memory_space<vmem>>, vector<16xi32>,
    %add3A_56 = arith.constant 64 : i32
    %add3A_57 = vector.broadcast %add3A_56 : i32 to vector<16xi32>
    %add3A_58 = arith.addi %add3A_57, %mul3A_7 : vector<16xi32>
    %gather3A_59 = tpu.vector_load_idx %arg9[%add3A_58] : memref<512xi32, #tpu.memory_space<vmem>>[vector<16xi32>], vector<16xi32>,
    %gather3A_60 = tpu.vector_load_idx %arg10[%add3A_58] : memref<512xi32, #tpu.memory_space<vmem>>[vector<16xi32>], vector<16xi32>,
    %add3A_61 = arith.constant 1 : i32
    %add3A_62 = vector.broadcast %add3A_61 : i32 to vector<16xi32>
    %add3A_63 = arith.addi %add3A_58, %add3A_62 : vector<16xi32>
    %gather3A_64 = tpu.vector_load_idx %arg9[%add3A_63] : memref<512xi32, #tpu.memory_space<vmem>>[vector<16xi32>], vector<16xi32>,
    %add3A_65 = arith.constant 1 : i32
    %add3A_66 = vector.broadcast %add3A_65 : i32 to vector<16xi32>
    %add3A_67 = arith.addi %add3A_58, %add3A_66 : vector<16xi32>
    %gather3A_68 = tpu.vector_load_idx %arg10[%add3A_67] : memref<512xi32, #tpu.memory_space<vmem>>[vector<16xi32>], vector<16xi32>,
    %gather3A_69 = tpu.vector_load_idx %arg11[%gather3A_59] : memref<16xi32, #tpu.memory_space<vmem>>[vector<16xi32>], vector<16xi32>,
    %add3A_70 = arith.addi %gather3A_69, %gather3A_60 : vector<16xi32>
    %swap3A_71 = arith.constant 2 : i32
    %swap3A_72 = arith.index_cast %swap3A_71 : i32 to index
    %swap3A_73 = arith.constant 0 : index
    %swap3A_74 = tpu.vector_load %arg12[%swap3A_72, %swap3A_73] {strides = array<i32>} : memref<16x16xi32, #tpu.memory_space<vmem>>, vector<16xi32>,
    tpu.vector_store %arg12[%swap3A_72, %swap3A_73], %add3A_70 {strides = array<i32>} : memref<16x16xi32, #tpu.memory_space<vmem>>, vector<16xi32>,
    %gather3A_75 = tpu.vector_load_idx %arg11[%gather3A_64] : memref<16xi32, #tpu.memory_space<vmem>>[vector<16xi32>], vector<16xi32>,
    %add3A_76 = arith.addi %gather3A_75, %gather3A_68 : vector<16xi32>
    %swap3A_77 = arith.constant 2 : i32
    %swap3A_78 = arith.index_cast %swap3A_77 : i32 to index
    %swap3A_79 = arith.constant 0 : index
    %swap3A_80 = tpu.vector_load %arg13[%swap3A_78, %swap3A_79] {strides = array<i32>} : memref<16x16xi32, #tpu.memory_space<vmem>>, vector<16xi32>,
    tpu.vector_store %arg13[%swap3A_78, %swap3A_79], %add3A_76 {strides = array<i32>} : memref<16x16xi32, #tpu.memory_space<vmem>>, vector<16xi32>,
    %add3A_81 = arith.constant 96 : i32
    %add3A_82 = vector.broadcast %add3A_81 : i32 to vector<16xi32>
    %add3A_83 = arith.addi %add3A_82, %mul3A_7 : vector<16xi32>
    %gather3A_84 = tpu.vector_load_idx %arg9[%add3A_83] : memref<512xi32, #tpu.memory_space<vmem>>[vector<16xi32>], vector<16xi32>,
    %gather3A_85 = tpu.vector_load_idx %arg10[%add3A_83] : memref<512xi32, #tpu.memory_space<vmem>>[vector<16xi32>], vector<16xi32>,
    %add3A_86 = arith.constant 1 : i32
    %add3A_87 = vector.broadcast %add3A_86 : i32 to vector<16xi32>
    %add3A_88 = arith.addi %add3A_83, %add3A_87 : vector<16xi32>
    %gather3A_89 = tpu.vector_load_idx %arg9[%add3A_88] : memref<512xi32, #tpu.memory_space<vmem>>[vector<16xi32>], vector<16xi32>,
    %add3A_90 = arith.constant 1 : i32
    %add3A_91 = vector.broadcast %add3A_90 : i32 to vector<16xi32>
    %add3A_92 = arith.addi %add3A_83, %add3A_91 : vector<16xi32>
    %gather3A_93 = tpu.vector_load_idx %arg10[%add3A_92] : memref<512xi32, #tpu.memory_space<vmem>>[vector<16xi32>], vector<16xi32>,
    %gather3A_94 = tpu.vector_load_idx %arg11[%gather3A_84] : memref<16xi32, #tpu.memory_space<vmem>>[vector<16xi32>], vector<16xi32>,
    %add3A_95 = arith.addi %gather3A_94, %gather3A_85 : vector<16xi32>
    %swap3A_96 = arith.constant 3 : i32
    %swap3A_97 = arith.index_cast %swap3A_96 : i32 to index
    %swap3A_98 = arith.constant 0 : index
    %swap3A_99 = tpu.vector_load %arg12[%swap3A_97, %swap3A_98] {strides = array<i32>} : memref<16x16xi32, #tpu.memory_space<vmem>>, vector<16xi32>,
    tpu.vector_store %arg12[%swap3A_97, %swap3A_98], %add3A_95 {strides = array<i32>} : memref<16x16xi32, #tpu.memory_space<vmem>>, vector<16xi32>,
    %gather3A_100 = tpu.vector_load_idx %arg11[%gather3A_89] : memref<16xi32, #tpu.memory_space<vmem>>[vector<16xi32>], vector<16xi32>,
    %add3A_101 = arith.addi %gather3A_100, %gather3A_93 : vector<16xi32>
    %swap3A_102 = arith.constant 3 : i32
    %swap3A_103 = arith.index_cast %swap3A_102 : i32 to index
    %swap3A_104 = arith.constant 0 : index
    %swap3A_105 = tpu.vector_load %arg13[%swap3A_103, %swap3A_104] {strides = array<i32>} : memref<16x16xi32, #tpu.memory_space<vmem>>, vector<16xi32>,
    tpu.vector_store %arg13[%swap3A_103, %swap3A_104], %add3A_101 {strides = array<i32>} : memref<16x16xi32, #tpu.memory_space<vmem>>, vector<16xi32>,
    %add3A_106 = arith.constant 128 : i32
    %add3A_107 = vector.broadcast %add3A_106 : i32 to vector<16xi32>
    %add3A_108 = arith.addi %add3A_107, %mul3A_7 : vector<16xi32>
    %gather3A_109 = tpu.vector_load_idx %arg9[%add3A_108] : memref<512xi32, #tpu.memory_space<vmem>>[vector<16xi32>], vector<16xi32>,
    %gather3A_110 = tpu.vector_load_idx %arg10[%add3A_108] : memref<512xi32, #tpu.memory_space<vmem>>[vector<16xi32>], vector<16xi32>,
    %add3A_111 = arith.constant 1 : i32
    %add3A_112 = vector.broadcast %add3A_111 : i32 to vector<16xi32>
    %add3A_113 = arith.addi %add3A_108, %add3A_112 : vector<16xi32>
    %gather3A_114 = tpu.vector_load_idx %arg9[%add3A_113] : memref<512xi32, #tpu.memory_space<vmem>>[vector<16xi32>], vector<16xi32>,
    %add3A_115 = arith.constant 1 : i32
    %add3A_116 = vector.broadcast %add3A_115 : i32 to vector<16xi32>
    %add3A_117 = arith.addi %add3A_108, %add3A_116 : vector<16xi32>
    %gather3A_118 = tpu.vector_load_idx %arg10[%add3A_117] : memref<512xi32, #tpu.memory_space<vmem>>[vector<16xi32>], vector<16xi32>,
    %gather3A_119 = tpu.vector_load_idx %arg11[%gather3A_109] : memref<16xi32, #tpu.memory_space<vmem>>[vector<16xi32>], vector<16xi32>,
    %add3A_120 = arith.addi %gather3A_119, %gather3A_110 : vector<16xi32>
    %swap3A_121 = arith.constant 4 : i32
    %swap3A_122 = arith.index_cast %swap3A_121 : i32 to index
    %swap3A_123 = arith.constant 0 : index
    %swap3A_124 = tpu.vector_load %arg12[%swap3A_122, %swap3A_123] {strides = array<i32>} : memref<16x16xi32, #tpu.memory_space<vmem>>, vector<16xi32>,
    tpu.vector_store %arg12[%swap3A_122, %swap3A_123], %add3A_120 {strides = array<i32>} : memref<16x16xi32, #tpu.memory_space<vmem>>, vector<16xi32>,
    %gather3A_125 = tpu.vector_load_idx %arg11[%gather3A_114] : memref<16xi32, #tpu.memory_space<vmem>>[vector<16xi32>], vector<16xi32>,
    %add3A_126 = arith.addi %gather3A_125, %gather3A_118 : vector<16xi32>
    %swap3A_127 = arith.constant 4 : i32
    %swap3A_128 = arith.index_cast %swap3A_127 : i32 to index
    %swap3A_129 = arith.constant 0 : index
    %swap3A_130 = tpu.vector_load %arg13[%swap3A_128, %swap3A_129] {strides = array<i32>} : memref<16x16xi32, #tpu.memory_space<vmem>>, vector<16xi32>,
    tpu.vector_store %arg13[%swap3A_128, %swap3A_129], %add3A_126 {strides = array<i32>} : memref<16x16xi32, #tpu.memory_space<vmem>>, vector<16xi32>,
    %add3A_131 = arith.constant 160 : i32
    %add3A_132 = vector.broadcast %add3A_131 : i32 to vector<16xi32>
    %add3A_133 = arith.addi %add3A_132, %mul3A_7 : vector<16xi32>
    %gather3A_134 = tpu.vector_load_idx %arg9[%add3A_133] : memref<512xi32, #tpu.memory_space<vmem>>[vector<16xi32>], vector<16xi32>,
    %gather3A_135 = tpu.vector_load_idx %arg10[%add3A_133] : memref<512xi32, #tpu.memory_space<vmem>>[vector<16xi32>], vector<16xi32>,
    %add3A_136 = arith.constant 1 : i32
    %add3A_137 = vector.broadcast %add3A_136 : i32 to vector<16xi32>
    %add3A_138 = arith.addi %add3A_133, %add3A_137 : vector<16xi32>
    %gather3A_139 = tpu.vector_load_idx %arg9[%add3A_138] : memref<512xi32, #tpu.memory_space<vmem>>[vector<16xi32>], vector<16xi32>,
    %add3A_140 = arith.constant 1 : i32
    %add3A_141 = vector.broadcast %add3A_140 : i32 to vector<16xi32>
    %add3A_142 = arith.addi %add3A_133, %add3A_141 : vector<16xi32>
    %gather3A_143 = tpu.vector_load_idx %arg10[%add3A_142] : memref<512xi32, #tpu.memory_space<vmem>>[vector<16xi32>], vector<16xi32>,
    %gather3A_144 = tpu.vector_load_idx %arg11[%gather3A_134] : memref<16xi32, #tpu.memory_space<vmem>>[vector<16xi32>], vector<16xi32>,
    %add3A_145 = arith.addi %gather3A_144, %gather3A_135 : vector<16xi32>
    %swap3A_146 = arith.constant 5 : i32
    %swap3A_147 = arith.index_cast %swap3A_146 : i32 to index
    %swap3A_148 = arith.constant 0 : index
    %swap3A_149 = tpu.vector_load %arg12[%swap3A_147, %swap3A_148] {strides = array<i32>} : memref<16x16xi32, #tpu.memory_space<vmem>>, vector<16xi32>,
    tpu.vector_store %arg12[%swap3A_147, %swap3A_148], %add3A_145 {strides = array<i32>} : memref<16x16xi32, #tpu.memory_space<vmem>>, vector<16xi32>,
    %gather3A_150 = tpu.vector_load_idx %arg11[%gather3A_139] : memref<16xi32, #tpu.memory_space<vmem>>[vector<16xi32>], vector<16xi32>,
    %add3A_151 = arith.addi %gather3A_150, %gather3A_143 : vector<16xi32>
    %swap3A_152 = arith.constant 5 : i32
    %swap3A_153 = arith.index_cast %swap3A_152 : i32 to index
    %swap3A_154 = arith.constant 0 : index
    %swap3A_155 = tpu.vector_load %arg13[%swap3A_153, %swap3A_154] {strides = array<i32>} : memref<16x16xi32, #tpu.memory_space<vmem>>, vector<16xi32>,
    tpu.vector_store %arg13[%swap3A_153, %swap3A_154], %add3A_151 {strides = array<i32>} : memref<16x16xi32, #tpu.memory_space<vmem>>, vector<16xi32>,
    %add3A_156 = arith.constant 192 : i32
    %add3A_157 = vector.broadcast %add3A_156 : i32 to vector<16xi32>
    %add3A_158 = arith.addi %add3A_157, %mul3A_7 : vector<16xi32>
    %gather3A_159 = tpu.vector_load_idx %arg9[%add3A_158] : memref<512xi32, #tpu.memory_space<vmem>>[vector<16xi32>], vector<16xi32>,
    %gather3A_160 = tpu.vector_load_idx %arg10[%add3A_158] : memref<512xi32, #tpu.memory_space<vmem>>[vector<16xi32>], vector<16xi32>,
    %add3A_161 = arith.constant 1 : i32
    %add3A_162 = vector.broadcast %add3A_161 : i32 to vector<16xi32>
    %add3A_163 = arith.addi %add3A_158, %add3A_162 : vector<16xi32>
    %gather3A_164 = tpu.vector_load_idx %arg9[%add3A_163] : memref<512xi32, #tpu.memory_space<vmem>>[vector<16xi32>], vector<16xi32>,
    %add3A_165 = arith.constant 1 : i32
    %add3A_166 = vector.broadcast %add3A_165 : i32 to vector<16xi32>
    %add3A_167 = arith.addi %add3A_158, %add3A_166 : vector<16xi32>
    %gather3A_168 = tpu.vector_load_idx %arg10[%add3A_167] : memref<512xi32, #tpu.memory_space<vmem>>[vector<16xi32>], vector<16xi32>,
    %gather3A_169 = tpu.vector_load_idx %arg11[%gather3A_159] : memref<16xi32, #tpu.memory_space<vmem>>[vector<16xi32>], vector<16xi32>,
    %add3A_170 = arith.addi %gather3A_169, %gather3A_160 : vector<16xi32>
    %swap3A_171 = arith.constant 6 : i32
    %swap3A_172 = arith.index_cast %swap3A_171 : i32 to index
    %swap3A_173 = arith.constant 0 : index
    %swap3A_174 = tpu.vector_load %arg12[%swap3A_172, %swap3A_173] {strides = array<i32>} : memref<16x16xi32, #tpu.memory_space<vmem>>, vector<16xi32>,
    tpu.vector_store %arg12[%swap3A_172, %swap3A_173], %add3A_170 {strides = array<i32>} : memref<16x16xi32, #tpu.memory_space<vmem>>, vector<16xi32>,
    %gather3A_175 = tpu.vector_load_idx %arg11[%gather3A_164] : memref<16xi32, #tpu.memory_space<vmem>>[vector<16xi32>], vector<16xi32>,
    %add3A_176 = arith.addi %gather3A_175, %gather3A_168 : vector<16xi32>
    %swap3A_177 = arith.constant 6 : i32
    %swap3A_178 = arith.index_cast %swap3A_177 : i32 to index
    %swap3A_179 = arith.constant 0 : index
    %swap3A_180 = tpu.vector_load %arg13[%swap3A_178, %swap3A_179] {strides = array<i32>} : memref<16x16xi32, #tpu.memory_space<vmem>>, vector<16xi32>,
    tpu.vector_store %arg13[%swap3A_178, %swap3A_179], %add3A_176 {strides = array<i32>} : memref<16x16xi32, #tpu.memory_space<vmem>>, vector<16xi32>,
    %add3A_181 = arith.constant 224 : i32
    %add3A_182 = vector.broadcast %add3A_181 : i32 to vector<16xi32>
    %add3A_183 = arith.addi %add3A_182, %mul3A_7 : vector<16xi32>
    %gather3A_184 = tpu.vector_load_idx %arg9[%add3A_183] : memref<512xi32, #tpu.memory_space<vmem>>[vector<16xi32>], vector<16xi32>,
    %gather3A_185 = tpu.vector_load_idx %arg10[%add3A_183] : memref<512xi32, #tpu.memory_space<vmem>>[vector<16xi32>], vector<16xi32>,
    %add3A_186 = arith.constant 1 : i32
    %add3A_187 = vector.broadcast %add3A_186 : i32 to vector<16xi32>
    %add3A_188 = arith.addi %add3A_183, %add3A_187 : vector<16xi32>
    %gather3A_189 = tpu.vector_load_idx %arg9[%add3A_188] : memref<512xi32, #tpu.memory_space<vmem>>[vector<16xi32>], vector<16xi32>,
    %add3A_190 = arith.constant 1 : i32
    %add3A_191 = vector.broadcast %add3A_190 : i32 to vector<16xi32>
    %add3A_192 = arith.addi %add3A_183, %add3A_191 : vector<16xi32>
    %gather3A_193 = tpu.vector_load_idx %arg10[%add3A_192] : memref<512xi32, #tpu.memory_space<vmem>>[vector<16xi32>], vector<16xi32>,
    %gather3A_194 = tpu.vector_load_idx %arg11[%gather3A_184] : memref<16xi32, #tpu.memory_space<vmem>>[vector<16xi32>], vector<16xi32>,
    %add3A_195 = arith.addi %gather3A_194, %gather3A_185 : vector<16xi32>
    %swap3A_196 = arith.constant 7 : i32
    %swap3A_197 = arith.index_cast %swap3A_196 : i32 to index
    %swap3A_198 = arith.constant 0 : index
    %swap3A_199 = tpu.vector_load %arg12[%swap3A_197, %swap3A_198] {strides = array<i32>} : memref<16x16xi32, #tpu.memory_space<vmem>>, vector<16xi32>,
    tpu.vector_store %arg12[%swap3A_197, %swap3A_198], %add3A_195 {strides = array<i32>} : memref<16x16xi32, #tpu.memory_space<vmem>>, vector<16xi32>,
    %gather3A_200 = tpu.vector_load_idx %arg11[%gather3A_189] : memref<16xi32, #tpu.memory_space<vmem>>[vector<16xi32>], vector<16xi32>,
    %add3A_201 = arith.addi %gather3A_200, %gather3A_193 : vector<16xi32>
    %swap3A_202 = arith.constant 7 : i32
    %swap3A_203 = arith.index_cast %swap3A_202 : i32 to index
    %swap3A_204 = arith.constant 0 : index
    %swap3A_205 = tpu.vector_load %arg13[%swap3A_203, %swap3A_204] {strides = array<i32>} : memref<16x16xi32, #tpu.memory_space<vmem>>, vector<16xi32>,
    tpu.vector_store %arg13[%swap3A_203, %swap3A_204], %add3A_201 {strides = array<i32>} : memref<16x16xi32, #tpu.memory_space<vmem>>, vector<16xi32>,
    %add3A_206 = arith.constant 256 : i32
    %add3A_207 = vector.broadcast %add3A_206 : i32 to vector<16xi32>
    %add3A_208 = arith.addi %add3A_207, %mul3A_7 : vector<16xi32>
    %gather3A_209 = tpu.vector_load_idx %arg9[%add3A_208] : memref<512xi32, #tpu.memory_space<vmem>>[vector<16xi32>], vector<16xi32>,
    %gather3A_210 = tpu.vector_load_idx %arg10[%add3A_208] : memref<512xi32, #tpu.memory_space<vmem>>[vector<16xi32>], vector<16xi32>,
    %add3A_211 = arith.constant 1 : i32
    %add3A_212 = vector.broadcast %add3A_211 : i32 to vector<16xi32>
    %add3A_213 = arith.addi %add3A_208, %add3A_212 : vector<16xi32>
    %gather3A_214 = tpu.vector_load_idx %arg9[%add3A_213] : memref<512xi32, #tpu.memory_space<vmem>>[vector<16xi32>], vector<16xi32>,
    %add3A_215 = arith.constant 1 : i32
    %add3A_216 = vector.broadcast %add3A_215 : i32 to vector<16xi32>
    %add3A_217 = arith.addi %add3A_208, %add3A_216 : vector<16xi32>
    %gather3A_218 = tpu.vector_load_idx %arg10[%add3A_217] : memref<512xi32, #tpu.memory_space<vmem>>[vector<16xi32>], vector<16xi32>,
    %gather3A_219 = tpu.vector_load_idx %arg11[%gather3A_209] : memref<16xi32, #tpu.memory_space<vmem>>[vector<16xi32>], vector<16xi32>,
    %add3A_220 = arith.addi %gather3A_219, %gather3A_210 : vector<16xi32>
    %swap3A_221 = arith.constant 8 : i32
    %swap3A_222 = arith.index_cast %swap3A_221 : i32 to index
    %swap3A_223 = arith.constant 0 : index
    %swap3A_224 = tpu.vector_load %arg12[%swap3A_222, %swap3A_223] {strides = array<i32>} : memref<16x16xi32, #tpu.memory_space<vmem>>, vector<16xi32>,
    tpu.vector_store %arg12[%swap3A_222, %swap3A_223], %add3A_220 {strides = array<i32>} : memref<16x16xi32, #tpu.memory_space<vmem>>, vector<16xi32>,
    %gather3A_225 = tpu.vector_load_idx %arg11[%gather3A_214] : memref<16xi32, #tpu.memory_space<vmem>>[vector<16xi32>], vector<16xi32>,
    %add3A_226 = arith.addi %gather3A_225, %gather3A_218 : vector<16xi32>
    %swap3A_227 = arith.constant 8 : i32
    %swap3A_228 = arith.index_cast %swap3A_227 : i32 to index
    %swap3A_229 = arith.constant 0 : index
    %swap3A_230 = tpu.vector_load %arg13[%swap3A_228, %swap3A_229] {strides = array<i32>} : memref<16x16xi32, #tpu.memory_space<vmem>>, vector<16xi32>,
    tpu.vector_store %arg13[%swap3A_228, %swap3A_229], %add3A_226 {strides = array<i32>} : memref<16x16xi32, #tpu.memory_space<vmem>>, vector<16xi32>,
    %add3A_231 = arith.constant 288 : i32
    %add3A_232 = vector.broadcast %add3A_231 : i32 to vector<16xi32>
    %add3A_233 = arith.addi %add3A_232, %mul3A_7 : vector<16xi32>
    %gather3A_234 = tpu.vector_load_idx %arg9[%add3A_233] : memref<512xi32, #tpu.memory_space<vmem>>[vector<16xi32>], vector<16xi32>,
    %gather3A_235 = tpu.vector_load_idx %arg10[%add3A_233] : memref<512xi32, #tpu.memory_space<vmem>>[vector<16xi32>], vector<16xi32>,
    %add3A_236 = arith.constant 1 : i32
    %add3A_237 = vector.broadcast %add3A_236 : i32 to vector<16xi32>
    %add3A_238 = arith.addi %add3A_233, %add3A_237 : vector<16xi32>
    %gather3A_239 = tpu.vector_load_idx %arg9[%add3A_238] : memref<512xi32, #tpu.memory_space<vmem>>[vector<16xi32>], vector<16xi32>,
    %add3A_240 = arith.constant 1 : i32
    %add3A_241 = vector.broadcast %add3A_240 : i32 to vector<16xi32>
    %add3A_242 = arith.addi %add3A_233, %add3A_241 : vector<16xi32>
    %gather3A_243 = tpu.vector_load_idx %arg10[%add3A_242] : memref<512xi32, #tpu.memory_space<vmem>>[vector<16xi32>], vector<16xi32>,
    %gather3A_244 = tpu.vector_load_idx %arg11[%gather3A_234] : memref<16xi32, #tpu.memory_space<vmem>>[vector<16xi32>], vector<16xi32>,
    %add3A_245 = arith.addi %gather3A_244, %gather3A_235 : vector<16xi32>
    %swap3A_246 = arith.constant 9 : i32
    %swap3A_247 = arith.index_cast %swap3A_246 : i32 to index
    %swap3A_248 = arith.constant 0 : index
    %swap3A_249 = tpu.vector_load %arg12[%swap3A_247, %swap3A_248] {strides = array<i32>} : memref<16x16xi32, #tpu.memory_space<vmem>>, vector<16xi32>,
    tpu.vector_store %arg12[%swap3A_247, %swap3A_248], %add3A_245 {strides = array<i32>} : memref<16x16xi32, #tpu.memory_space<vmem>>, vector<16xi32>,
    %gather3A_250 = tpu.vector_load_idx %arg11[%gather3A_239] : memref<16xi32, #tpu.memory_space<vmem>>[vector<16xi32>], vector<16xi32>,
    %add3A_251 = arith.addi %gather3A_250, %gather3A_243 : vector<16xi32>
    %swap3A_252 = arith.constant 9 : i32
    %swap3A_253 = arith.index_cast %swap3A_252 : i32 to index
    %swap3A_254 = arith.constant 0 : index
    %swap3A_255 = tpu.vector_load %arg13[%swap3A_253, %swap3A_254] {strides = array<i32>} : memref<16x16xi32, #tpu.memory_space<vmem>>, vector<16xi32>,
    tpu.vector_store %arg13[%swap3A_253, %swap3A_254], %add3A_251 {strides = array<i32>} : memref<16x16xi32, #tpu.memory_space<vmem>>, vector<16xi32>,
    %add3A_256 = arith.constant 320 : i32
    %add3A_257 = vector.broadcast %add3A_256 : i32 to vector<16xi32>
    %add3A_258 = arith.addi %add3A_257, %mul3A_7 : vector<16xi32>
    %gather3A_259 = tpu.vector_load_idx %arg9[%add3A_258] : memref<512xi32, #tpu.memory_space<vmem>>[vector<16xi32>], vector<16xi32>,
    %gather3A_260 = tpu.vector_load_idx %arg10[%add3A_258] : memref<512xi32, #tpu.memory_space<vmem>>[vector<16xi32>], vector<16xi32>,
    %add3A_261 = arith.constant 1 : i32
    %add3A_262 = vector.broadcast %add3A_261 : i32 to vector<16xi32>
    %add3A_263 = arith.addi %add3A_258, %add3A_262 : vector<16xi32>
    %gather3A_264 = tpu.vector_load_idx %arg9[%add3A_263] : memref<512xi32, #tpu.memory_space<vmem>>[vector<16xi32>], vector<16xi32>,
    %add3A_265 = arith.constant 1 : i32
    %add3A_266 = vector.broadcast %add3A_265 : i32 to vector<16xi32>
    %add3A_267 = arith.addi %add3A_258, %add3A_266 : vector<16xi32>
    %gather3A_268 = tpu.vector_load_idx %arg10[%add3A_267] : memref<512xi32, #tpu.memory_space<vmem>>[vector<16xi32>], vector<16xi32>,
    %gather3A_269 = tpu.vector_load_idx %arg11[%gather3A_259] : memref<16xi32, #tpu.memory_space<vmem>>[vector<16xi32>], vector<16xi32>,
    %add3A_270 = arith.addi %gather3A_269, %gather3A_260 : vector<16xi32>
    %swap3A_271 = arith.constant 10 : i32
    %swap3A_272 = arith.index_cast %swap3A_271 : i32 to index
    %swap3A_273 = arith.constant 0 : index
    %swap3A_274 = tpu.vector_load %arg12[%swap3A_272, %swap3A_273] {strides = array<i32>} : memref<16x16xi32, #tpu.memory_space<vmem>>, vector<16xi32>,
    tpu.vector_store %arg12[%swap3A_272, %swap3A_273], %add3A_270 {strides = array<i32>} : memref<16x16xi32, #tpu.memory_space<vmem>>, vector<16xi32>,
    %gather3A_275 = tpu.vector_load_idx %arg11[%gather3A_264] : memref<16xi32, #tpu.memory_space<vmem>>[vector<16xi32>], vector<16xi32>,
    %add3A_276 = arith.addi %gather3A_275, %gather3A_268 : vector<16xi32>
    %swap3A_277 = arith.constant 10 : i32
    %swap3A_278 = arith.index_cast %swap3A_277 : i32 to index
    %swap3A_279 = arith.constant 0 : index
    %swap3A_280 = tpu.vector_load %arg13[%swap3A_278, %swap3A_279] {strides = array<i32>} : memref<16x16xi32, #tpu.memory_space<vmem>>, vector<16xi32>,
    tpu.vector_store %arg13[%swap3A_278, %swap3A_279], %add3A_276 {strides = array<i32>} : memref<16x16xi32, #tpu.memory_space<vmem>>, vector<16xi32>,
    %add3A_281 = arith.constant 352 : i32
    %add3A_282 = vector.broadcast %add3A_281 : i32 to vector<16xi32>
    %add3A_283 = arith.addi %add3A_282, %mul3A_7 : vector<16xi32>
    %gather3A_284 = tpu.vector_load_idx %arg9[%add3A_283] : memref<512xi32, #tpu.memory_space<vmem>>[vector<16xi32>], vector<16xi32>,
    %gather3A_285 = tpu.vector_load_idx %arg10[%add3A_283] : memref<512xi32, #tpu.memory_space<vmem>>[vector<16xi32>], vector<16xi32>,
    %add3A_286 = arith.constant 1 : i32
    %add3A_287 = vector.broadcast %add3A_286 : i32 to vector<16xi32>
    %add3A_288 = arith.addi %add3A_283, %add3A_287 : vector<16xi32>
    %gather3A_289 = tpu.vector_load_idx %arg9[%add3A_288] : memref<512xi32, #tpu.memory_space<vmem>>[vector<16xi32>], vector<16xi32>,
    %add3A_290 = arith.constant 1 : i32
    %add3A_291 = vector.broadcast %add3A_290 : i32 to vector<16xi32>
    %add3A_292 = arith.addi %add3A_283, %add3A_291 : vector<16xi32>
    %gather3A_293 = tpu.vector_load_idx %arg10[%add3A_292] : memref<512xi32, #tpu.memory_space<vmem>>[vector<16xi32>], vector<16xi32>,
    %gather3A_294 = tpu.vector_load_idx %arg11[%gather3A_284] : memref<16xi32, #tpu.memory_space<vmem>>[vector<16xi32>], vector<16xi32>,
    %add3A_295 = arith.addi %gather3A_294, %gather3A_285 : vector<16xi32>
    %swap3A_296 = arith.constant 11 : i32
    %swap3A_297 = arith.index_cast %swap3A_296 : i32 to index
    %swap3A_298 = arith.constant 0 : index
    %swap3A_299 = tpu.vector_load %arg12[%swap3A_297, %swap3A_298] {strides = array<i32>} : memref<16x16xi32, #tpu.memory_space<vmem>>, vector<16xi32>,
    tpu.vector_store %arg12[%swap3A_297, %swap3A_298], %add3A_295 {strides = array<i32>} : memref<16x16xi32, #tpu.memory_space<vmem>>, vector<16xi32>,
    %gather3A_300 = tpu.vector_load_idx %arg11[%gather3A_289] : memref<16xi32, #tpu.memory_space<vmem>>[vector<16xi32>], vector<16xi32>,
    %add3A_301 = arith.addi %gather3A_300, %gather3A_293 : vector<16xi32>
    %swap3A_302 = arith.constant 11 : i32
    %swap3A_303 = arith.index_cast %swap3A_302 : i32 to index
    %swap3A_304 = arith.constant 0 : index
    %swap3A_305 = tpu.vector_load %arg13[%swap3A_303, %swap3A_304] {strides = array<i32>} : memref<16x16xi32, #tpu.memory_space<vmem>>, vector<16xi32>,
    tpu.vector_store %arg13[%swap3A_303, %swap3A_304], %add3A_301 {strides = array<i32>} : memref<16x16xi32, #tpu.memory_space<vmem>>, vector<16xi32>,
    %add3A_306 = arith.constant 384 : i32
    %add3A_307 = vector.broadcast %add3A_306 : i32 to vector<16xi32>
    %add3A_308 = arith.addi %add3A_307, %mul3A_7 : vector<16xi32>
    %gather3A_309 = tpu.vector_load_idx %arg9[%add3A_308] : memref<512xi32, #tpu.memory_space<vmem>>[vector<16xi32>], vector<16xi32>,
    %gather3A_310 = tpu.vector_load_idx %arg10[%add3A_308] : memref<512xi32, #tpu.memory_space<vmem>>[vector<16xi32>], vector<16xi32>,
    %add3A_311 = arith.constant 1 : i32
    %add3A_312 = vector.broadcast %add3A_311 : i32 to vector<16xi32>
    %add3A_313 = arith.addi %add3A_308, %add3A_312 : vector<16xi32>
    %gather3A_314 = tpu.vector_load_idx %arg9[%add3A_313] : memref<512xi32, #tpu.memory_space<vmem>>[vector<16xi32>], vector<16xi32>,
    %add3A_315 = arith.constant 1 : i32
    %add3A_316 = vector.broadcast %add3A_315 : i32 to vector<16xi32>
    %add3A_317 = arith.addi %add3A_308, %add3A_316 : vector<16xi32>
    %gather3A_318 = tpu.vector_load_idx %arg10[%add3A_317] : memref<512xi32, #tpu.memory_space<vmem>>[vector<16xi32>], vector<16xi32>,
    %gather3A_319 = tpu.vector_load_idx %arg11[%gather3A_309] : memref<16xi32, #tpu.memory_space<vmem>>[vector<16xi32>], vector<16xi32>,
    %add3A_320 = arith.addi %gather3A_319, %gather3A_310 : vector<16xi32>
    %swap3A_321 = arith.constant 12 : i32
    %swap3A_322 = arith.index_cast %swap3A_321 : i32 to index
    %swap3A_323 = arith.constant 0 : index
    %swap3A_324 = tpu.vector_load %arg12[%swap3A_322, %swap3A_323] {strides = array<i32>} : memref<16x16xi32, #tpu.memory_space<vmem>>, vector<16xi32>,
    tpu.vector_store %arg12[%swap3A_322, %swap3A_323], %add3A_320 {strides = array<i32>} : memref<16x16xi32, #tpu.memory_space<vmem>>, vector<16xi32>,
    %gather3A_325 = tpu.vector_load_idx %arg11[%gather3A_314] : memref<16xi32, #tpu.memory_space<vmem>>[vector<16xi32>], vector<16xi32>,
    %add3A_326 = arith.addi %gather3A_325, %gather3A_318 : vector<16xi32>
    %swap3A_327 = arith.constant 12 : i32
    %swap3A_328 = arith.index_cast %swap3A_327 : i32 to index
    %swap3A_329 = arith.constant 0 : index
    %swap3A_330 = tpu.vector_load %arg13[%swap3A_328, %swap3A_329] {strides = array<i32>} : memref<16x16xi32, #tpu.memory_space<vmem>>, vector<16xi32>,
    tpu.vector_store %arg13[%swap3A_328, %swap3A_329], %add3A_326 {strides = array<i32>} : memref<16x16xi32, #tpu.memory_space<vmem>>, vector<16xi32>,
    %add3A_331 = arith.constant 416 : i32
    %add3A_332 = vector.broadcast %add3A_331 : i32 to vector<16xi32>
    %add3A_333 = arith.addi %add3A_332, %mul3A_7 : vector<16xi32>
    %gather3A_334 = tpu.vector_load_idx %arg9[%add3A_333] : memref<512xi32, #tpu.memory_space<vmem>>[vector<16xi32>], vector<16xi32>,
    %gather3A_335 = tpu.vector_load_idx %arg10[%add3A_333] : memref<512xi32, #tpu.memory_space<vmem>>[vector<16xi32>], vector<16xi32>,
    %add3A_336 = arith.constant 1 : i32
    %add3A_337 = vector.broadcast %add3A_336 : i32 to vector<16xi32>
    %add3A_338 = arith.addi %add3A_333, %add3A_337 : vector<16xi32>
    %gather3A_339 = tpu.vector_load_idx %arg9[%add3A_338] : memref<512xi32, #tpu.memory_space<vmem>>[vector<16xi32>], vector<16xi32>,
    %add3A_340 = arith.constant 1 : i32
    %add3A_341 = vector.broadcast %add3A_340 : i32 to vector<16xi32>
    %add3A_342 = arith.addi %add3A_333, %add3A_341 : vector<16xi32>
    %gather3A_343 = tpu.vector_load_idx %arg10[%add3A_342] : memref<512xi32, #tpu.memory_space<vmem>>[vector<16xi32>], vector<16xi32>,
    %gather3A_344 = tpu.vector_load_idx %arg11[%gather3A_334] : memref<16xi32, #tpu.memory_space<vmem>>[vector<16xi32>], vector<16xi32>,
    %add3A_345 = arith.addi %gather3A_344, %gather3A_335 : vector<16xi32>
    %swap3A_346 = arith.constant 13 : i32
    %swap3A_347 = arith.index_cast %swap3A_346 : i32 to index
    %swap3A_348 = arith.constant 0 : index
    %swap3A_349 = tpu.vector_load %arg12[%swap3A_347, %swap3A_348] {strides = array<i32>} : memref<16x16xi32, #tpu.memory_space<vmem>>, vector<16xi32>,
    tpu.vector_store %arg12[%swap3A_347, %swap3A_348], %add3A_345 {strides = array<i32>} : memref<16x16xi32, #tpu.memory_space<vmem>>, vector<16xi32>,
    %gather3A_350 = tpu.vector_load_idx %arg11[%gather3A_339] : memref<16xi32, #tpu.memory_space<vmem>>[vector<16xi32>], vector<16xi32>,
    %add3A_351 = arith.addi %gather3A_350, %gather3A_343 : vector<16xi32>
    %swap3A_352 = arith.constant 13 : i32
    %swap3A_353 = arith.index_cast %swap3A_352 : i32 to index
    %swap3A_354 = arith.constant 0 : index
    %swap3A_355 = tpu.vector_load %arg13[%swap3A_353, %swap3A_354] {strides = array<i32>} : memref<16x16xi32, #tpu.memory_space<vmem>>, vector<16xi32>,
    tpu.vector_store %arg13[%swap3A_353, %swap3A_354], %add3A_351 {strides = array<i32>} : memref<16x16xi32, #tpu.memory_space<vmem>>, vector<16xi32>,
    %add3A_356 = arith.constant 448 : i32
    %add3A_357 = vector.broadcast %add3A_356 : i32 to vector<16xi32>
    %add3A_358 = arith.addi %add3A_357, %mul3A_7 : vector<16xi32>
    %gather3A_359 = tpu.vector_load_idx %arg9[%add3A_358] : memref<512xi32, #tpu.memory_space<vmem>>[vector<16xi32>], vector<16xi32>,
    %gather3A_360 = tpu.vector_load_idx %arg10[%add3A_358] : memref<512xi32, #tpu.memory_space<vmem>>[vector<16xi32>], vector<16xi32>,
    %add3A_361 = arith.constant 1 : i32
    %add3A_362 = vector.broadcast %add3A_361 : i32 to vector<16xi32>
    %add3A_363 = arith.addi %add3A_358, %add3A_362 : vector<16xi32>
    %gather3A_364 = tpu.vector_load_idx %arg9[%add3A_363] : memref<512xi32, #tpu.memory_space<vmem>>[vector<16xi32>], vector<16xi32>,
    %add3A_365 = arith.constant 1 : i32
    %add3A_366 = vector.broadcast %add3A_365 : i32 to vector<16xi32>
    %add3A_367 = arith.addi %add3A_358, %add3A_366 : vector<16xi32>
    %gather3A_368 = tpu.vector_load_idx %arg10[%add3A_367] : memref<512xi32, #tpu.memory_space<vmem>>[vector<16xi32>], vector<16xi32>,
    %gather3A_369 = tpu.vector_load_idx %arg11[%gather3A_359] : memref<16xi32, #tpu.memory_space<vmem>>[vector<16xi32>], vector<16xi32>,
    %add3A_370 = arith.addi %gather3A_369, %gather3A_360 : vector<16xi32>
    %swap3A_371 = arith.constant 14 : i32
    %swap3A_372 = arith.index_cast %swap3A_371 : i32 to index
    %swap3A_373 = arith.constant 0 : index
    %swap3A_374 = tpu.vector_load %arg12[%swap3A_372, %swap3A_373] {strides = array<i32>} : memref<16x16xi32, #tpu.memory_space<vmem>>, vector<16xi32>,
    tpu.vector_store %arg12[%swap3A_372, %swap3A_373], %add3A_370 {strides = array<i32>} : memref<16x16xi32, #tpu.memory_space<vmem>>, vector<16xi32>,
    %gather3A_375 = tpu.vector_load_idx %arg11[%gather3A_364] : memref<16xi32, #tpu.memory_space<vmem>>[vector<16xi32>], vector<16xi32>,
    %add3A_376 = arith.addi %gather3A_375, %gather3A_368 : vector<16xi32>
    %swap3A_377 = arith.constant 14 : i32
    %swap3A_378 = arith.index_cast %swap3A_377 : i32 to index
    %swap3A_379 = arith.constant 0 : index
    %swap3A_380 = tpu.vector_load %arg13[%swap3A_378, %swap3A_379] {strides = array<i32>} : memref<16x16xi32, #tpu.memory_space<vmem>>, vector<16xi32>,
    tpu.vector_store %arg13[%swap3A_378, %swap3A_379], %add3A_376 {strides = array<i32>} : memref<16x16xi32, #tpu.memory_space<vmem>>, vector<16xi32>,
    %add3A_381 = arith.constant 480 : i32
    %add3A_382 = vector.broadcast %add3A_381 : i32 to vector<16xi32>
    %add3A_383 = arith.addi %add3A_382, %mul3A_7 : vector<16xi32>
    %gather3A_384 = tpu.vector_load_idx %arg9[%add3A_383] : memref<512xi32, #tpu.memory_space<vmem>>[vector<16xi32>], vector<16xi32>,
    %gather3A_385 = tpu.vector_load_idx %arg10[%add3A_383] : memref<512xi32, #tpu.memory_space<vmem>>[vector<16xi32>], vector<16xi32>,
    %add3A_386 = arith.constant 1 : i32
    %add3A_387 = vector.broadcast %add3A_386 : i32 to vector<16xi32>
    %add3A_388 = arith.addi %add3A_383, %add3A_387 : vector<16xi32>
    %gather3A_389 = tpu.vector_load_idx %arg9[%add3A_388] : memref<512xi32, #tpu.memory_space<vmem>>[vector<16xi32>], vector<16xi32>,
    %add3A_390 = arith.constant 1 : i32
    %add3A_391 = vector.broadcast %add3A_390 : i32 to vector<16xi32>
    %add3A_392 = arith.addi %add3A_383, %add3A_391 : vector<16xi32>
    %gather3A_393 = tpu.vector_load_idx %arg10[%add3A_392] : memref<512xi32, #tpu.memory_space<vmem>>[vector<16xi32>], vector<16xi32>,
    %gather3A_394 = tpu.vector_load_idx %arg11[%gather3A_384] : memref<16xi32, #tpu.memory_space<vmem>>[vector<16xi32>], vector<16xi32>,
    %add3A_395 = arith.addi %gather3A_394, %gather3A_385 : vector<16xi32>
    %swap3A_396 = arith.constant 15 : i32
    %swap3A_397 = arith.index_cast %swap3A_396 : i32 to index
    %swap3A_398 = arith.constant 0 : index
    %swap3A_399 = tpu.vector_load %arg12[%swap3A_397, %swap3A_398] {strides = array<i32>} : memref<16x16xi32, #tpu.memory_space<vmem>>, vector<16xi32>,
    tpu.vector_store %arg12[%swap3A_397, %swap3A_398], %add3A_395 {strides = array<i32>} : memref<16x16xi32, #tpu.memory_space<vmem>>, vector<16xi32>,
    %gather3A_400 = tpu.vector_load_idx %arg11[%gather3A_389] : memref<16xi32, #tpu.memory_space<vmem>>[vector<16xi32>], vector<16xi32>,
    %add3A_401 = arith.addi %gather3A_400, %gather3A_393 : vector<16xi32>
    %swap3A_402 = arith.constant 15 : i32
    %swap3A_403 = arith.index_cast %swap3A_402 : i32 to index
    %swap3A_404 = arith.constant 0 : index
    %swap3A_405 = tpu.vector_load %arg13[%swap3A_403, %swap3A_404] {strides = array<i32>} : memref<16x16xi32, #tpu.memory_space<vmem>>, vector<16xi32>,
    tpu.vector_store %arg13[%swap3A_403, %swap3A_404], %add3A_401 {strides = array<i32>} : memref<16x16xi32, #tpu.memory_space<vmem>>, vector<16xi32>,
    %dma_start3A = arith.constant 0 : i32
    %dma_start3A_406 = tpu.memref_slice %arg2[%mul3A_4, %dma_start3A] : memref<8192x512xi32, #tpu.memory_space<hbm>> -> memref<32x512xi32, #tpu.memory_space<hbm>>
    %dma_start3A_407 = arith.constant 0 : i32
    %dma_start3A_408 = tpu.memref_slice %arg2[%mul3A_4, %dma_start3A_407] : memref<8192x512xi32, #tpu.memory_space<hbm>> -> memref<32x512xi32, #tpu.memory_space<hbm>>
    tpu.enqueue_dma source(%dma_start3A_408 : memref<32x512xi32, #tpu.memory_space<hbm>>) target(%arg14 : memref<32x512xi32, #tpu.memory_space<vmem>>) target_semaphore(%arg16 : memref<!tpu.dma_semaphore, #tpu.memory_space<semaphore_mem>>)
    %dma_wait3A = arith.constant 0 : i32
    %dma_wait3A_409 = tpu.memref_slice %arg2[%mul3A_4, %dma_wait3A] : memref<8192x512xi32, #tpu.memory_space<hbm>> -> memref<32x512xi32, #tpu.memory_space<hbm>>
    %dma_wait3A_410 = arith.constant 0 : i32
    %dma_wait3A_411 = tpu.memref_slice %arg2[%mul3A_4, %dma_wait3A_410] : memref<8192x512xi32, #tpu.memory_space<hbm>> -> memref<32x512xi32, #tpu.memory_space<hbm>>
    tpu.wait_dma2 semaphore(%arg16 : memref<!tpu.dma_semaphore, #tpu.memory_space<semaphore_mem>>) src(%dma_wait3A_411 : memref<32x512xi32, #tpu.memory_space<hbm>>) dst(%arg14 : memref<32x512xi32, #tpu.memory_space<vmem>>)
    %add3A_412 = arith.constant 32 : i32
    %add3A_413 = arith.addi %mul3A_4, %add3A_412 : i32
    %dma_start3A_414 = arith.constant 0 : i32
    %dma_start3A_415 = tpu.memref_slice %arg2[%add3A_413, %dma_start3A_414] : memref<8192x512xi32, #tpu.memory_space<hbm>> -> memref<32x512xi32, #tpu.memory_space<hbm>>
    %dma_start3A_416 = arith.constant 0 : i32
    %dma_start3A_417 = tpu.memref_slice %arg2[%add3A_413, %dma_start3A_416] : memref<8192x512xi32, #tpu.memory_space<hbm>> -> memref<32x512xi32, #tpu.memory_space<hbm>>
    tpu.enqueue_dma source(%dma_start3A_417 : memref<32x512xi32, #tpu.memory_space<hbm>>) target(%arg15 : memref<32x512xi32, #tpu.memory_space<vmem>>) target_semaphore(%arg16 : memref<!tpu.dma_semaphore, #tpu.memory_space<semaphore_mem>>)
    %dma_start3A_418 = arith.constant 0 : i32
    %dma_start3A_419 = arith.constant 0 : i32
    %dma_start3A_420 = arith.constant 0 : i32
    %dma_start3A_421 = tpu.memref_slice %arg14[%dma_start3A_419, %dma_start3A_420] : memref<32x512xi32, #tpu.memory_space<vmem>> -> memref<16x512xi32, #tpu.memory_space<vmem>>
    %dma_start3A_422 = arith.constant 0 : i32
    %dma_start3A_423 = tpu.memref_slice %arg12[%dma_start3A_418, %dma_start3A_422] : memref<16x16xi32, #tpu.memory_space<vmem>> -> memref<1x16xi32, #tpu.memory_space<vmem>>
    %dma_start3A_424 = tpu.memref_squeeze %dma_start3A_423 : memref<1x16xi32, #tpu.memory_space<vmem>> -> memref<16xi32, #tpu.memory_space<vmem>>
    %dma_start3A_425 = arith.constant 0 : i32
    %dma_start3A_426 = arith.constant 0 : i32
    %dma_start3A_427 = tpu.memref_slice %arg6[%dma_start3A_425, %dma_start3A_426] : memref<18432x512xi32, #tpu.memory_space<hbm>> -> memref<18432x512xi32, #tpu.memory_space<hbm>>
    tpu.enqueue_indirect_dma source(%dma_start3A_421 : memref<16x512xi32, #tpu.memory_space<vmem>>) target(%dma_start3A_427 : memref<18432x512xi32, #tpu.memory_space<hbm>>) offsets(%dma_start3A_424 : memref<16xi32, #tpu.memory_space<vmem>>) semaphore(%arg17 : memref<!tpu.dma_semaphore, #tpu.memory_space<semaphore_mem>>)
    %dma_start3A_428 = arith.constant 0 : i32
    %dma_start3A_429 = arith.constant 0 : i32
    %dma_start3A_430 = arith.constant 0 : i32
    %dma_start3A_431 = tpu.memref_slice %arg14[%dma_start3A_429, %dma_start3A_430] : memref<32x512xi32, #tpu.memory_space<vmem>> -> memref<16x512xi32, #tpu.memory_space<vmem>>
    %dma_start3A_432 = arith.constant 0 : i32
    %dma_start3A_433 = tpu.memref_slice %arg13[%dma_start3A_428, %dma_start3A_432] : memref<16x16xi32, #tpu.memory_space<vmem>> -> memref<1x16xi32, #tpu.memory_space<vmem>>
    %dma_start3A_434 = tpu.memref_squeeze %dma_start3A_433 : memref<1x16xi32, #tpu.memory_space<vmem>> -> memref<16xi32, #tpu.memory_space<vmem>>
    %dma_start3A_435 = arith.constant 0 : i32
    %dma_start3A_436 = arith.constant 0 : i32
    %dma_start3A_437 = tpu.memref_slice %arg6[%dma_start3A_435, %dma_start3A_436] : memref<18432x512xi32, #tpu.memory_space<hbm>> -> memref<18432x512xi32, #tpu.memory_space<hbm>>
    tpu.enqueue_indirect_dma source(%dma_start3A_431 : memref<16x512xi32, #tpu.memory_space<vmem>>) target(%dma_start3A_437 : memref<18432x512xi32, #tpu.memory_space<hbm>>) offsets(%dma_start3A_434 : memref<16xi32, #tpu.memory_space<vmem>>) semaphore(%arg17 : memref<!tpu.dma_semaphore, #tpu.memory_space<semaphore_mem>>)
    %dma_start3A_438 = arith.constant 1 : i32
    %dma_start3A_439 = arith.constant 16 : i32
    %dma_start3A_440 = arith.constant 0 : i32
    %dma_start3A_441 = tpu.memref_slice %arg14[%dma_start3A_439, %dma_start3A_440] : memref<32x512xi32, #tpu.memory_space<vmem>> -> memref<16x512xi32, #tpu.memory_space<vmem>>
    %dma_start3A_442 = arith.constant 0 : i32
    %dma_start3A_443 = tpu.memref_slice %arg12[%dma_start3A_438, %dma_start3A_442] : memref<16x16xi32, #tpu.memory_space<vmem>> -> memref<1x16xi32, #tpu.memory_space<vmem>>
    %dma_start3A_444 = tpu.memref_squeeze %dma_start3A_443 : memref<1x16xi32, #tpu.memory_space<vmem>> -> memref<16xi32, #tpu.memory_space<vmem>>
    %dma_start3A_445 = arith.constant 0 : i32
    %dma_start3A_446 = arith.constant 0 : i32
    %dma_start3A_447 = tpu.memref_slice %arg6[%dma_start3A_445, %dma_start3A_446] : memref<18432x512xi32, #tpu.memory_space<hbm>> -> memref<18432x512xi32, #tpu.memory_space<hbm>>
    tpu.enqueue_indirect_dma source(%dma_start3A_441 : memref<16x512xi32, #tpu.memory_space<vmem>>) target(%dma_start3A_447 : memref<18432x512xi32, #tpu.memory_space<hbm>>) offsets(%dma_start3A_444 : memref<16xi32, #tpu.memory_space<vmem>>) semaphore(%arg17 : memref<!tpu.dma_semaphore, #tpu.memory_space<semaphore_mem>>)
    %dma_start3A_448 = arith.constant 1 : i32
    %dma_start3A_449 = arith.constant 16 : i32
    %dma_start3A_450 = arith.constant 0 : i32
    %dma_start3A_451 = tpu.memref_slice %arg14[%dma_start3A_449, %dma_start3A_450] : memref<32x512xi32, #tpu.memory_space<vmem>> -> memref<16x512xi32, #tpu.memory_space<vmem>>
    %dma_start3A_452 = arith.constant 0 : i32
    %dma_start3A_453 = tpu.memref_slice %arg13[%dma_start3A_448, %dma_start3A_452] : memref<16x16xi32, #tpu.memory_space<vmem>> -> memref<1x16xi32, #tpu.memory_space<vmem>>
    %dma_start3A_454 = tpu.memref_squeeze %dma_start3A_453 : memref<1x16xi32, #tpu.memory_space<vmem>> -> memref<16xi32, #tpu.memory_space<vmem>>
    %dma_start3A_455 = arith.constant 0 : i32
    %dma_start3A_456 = arith.constant 0 : i32
    %dma_start3A_457 = tpu.memref_slice %arg6[%dma_start3A_455, %dma_start3A_456] : memref<18432x512xi32, #tpu.memory_space<hbm>> -> memref<18432x512xi32, #tpu.memory_space<hbm>>
    tpu.enqueue_indirect_dma source(%dma_start3A_451 : memref<16x512xi32, #tpu.memory_space<vmem>>) target(%dma_start3A_457 : memref<18432x512xi32, #tpu.memory_space<hbm>>) offsets(%dma_start3A_454 : memref<16xi32, #tpu.memory_space<vmem>>) semaphore(%arg17 : memref<!tpu.dma_semaphore, #tpu.memory_space<semaphore_mem>>)
    %dma_wait3A_458 = arith.constant 0 : i32
    %dma_wait3A_459 = tpu.memref_slice %arg2[%add3A_413, %dma_wait3A_458] : memref<8192x512xi32, #tpu.memory_space<hbm>> -> memref<32x512xi32, #tpu.memory_space<hbm>>
    %dma_wait3A_460 = arith.constant 0 : i32
    %dma_wait3A_461 = tpu.memref_slice %arg2[%add3A_413, %dma_wait3A_460] : memref<8192x512xi32, #tpu.memory_space<hbm>> -> memref<32x512xi32, #tpu.memory_space<hbm>>
    tpu.wait_dma2 semaphore(%arg16 : memref<!tpu.dma_semaphore, #tpu.memory_space<semaphore_mem>>) src(%dma_wait3A_461 : memref<32x512xi32, #tpu.memory_space<hbm>>) dst(%arg15 : memref<32x512xi32, #tpu.memory_space<vmem>>)
    %dma_wait3A_462 = arith.constant 0 : i32
    %dma_wait3A_463 = arith.constant 0 : i32
    %dma_wait3A_464 = arith.constant 0 : i32
    %dma_wait3A_465 = tpu.memref_slice %arg14[%dma_wait3A_463, %dma_wait3A_464] : memref<32x512xi32, #tpu.memory_space<vmem>> -> memref<16x512xi32, #tpu.memory_space<vmem>>
    %dma_wait3A_466 = arith.constant 0 : i32
    %dma_wait3A_467 = tpu.memref_slice %arg12[%dma_wait3A_462, %dma_wait3A_466] : memref<16x16xi32, #tpu.memory_space<vmem>> -> memref<1x16xi32, #tpu.memory_space<vmem>>
    %dma_wait3A_468 = tpu.memref_squeeze %dma_wait3A_467 : memref<1x16xi32, #tpu.memory_space<vmem>> -> memref<16xi32, #tpu.memory_space<vmem>>
    %dma_wait3A_469 = arith.constant 0 : i32
    %dma_wait3A_470 = arith.constant 0 : i32
    %dma_wait3A_471 = tpu.memref_slice %arg6[%dma_wait3A_469, %dma_wait3A_470] : memref<18432x512xi32, #tpu.memory_space<hbm>> -> memref<18432x512xi32, #tpu.memory_space<hbm>>
    tpu.wait_indirect_dma semaphore(%arg17 : memref<!tpu.dma_semaphore, #tpu.memory_space<semaphore_mem>>) src(%dma_wait3A_465 : memref<16x512xi32, #tpu.memory_space<vmem>>) dst(%dma_wait3A_471 : memref<18432x512xi32, #tpu.memory_space<hbm>>)
    %dma_wait3A_472 = arith.constant 0 : i32
    %dma_wait3A_473 = arith.constant 0 : i32
    %dma_wait3A_474 = arith.constant 0 : i32
    %dma_wait3A_475 = tpu.memref_slice %arg14[%dma_wait3A_473, %dma_wait3A_474] : memref<32x512xi32, #tpu.memory_space<vmem>> -> memref<16x512xi32, #tpu.memory_space<vmem>>
    %dma_wait3A_476 = arith.constant 0 : i32
    %dma_wait3A_477 = tpu.memref_slice %arg13[%dma_wait3A_472, %dma_wait3A_476] : memref<16x16xi32, #tpu.memory_space<vmem>> -> memref<1x16xi32, #tpu.memory_space<vmem>>
    %dma_wait3A_478 = tpu.memref_squeeze %dma_wait3A_477 : memref<1x16xi32, #tpu.memory_space<vmem>> -> memref<16xi32, #tpu.memory_space<vmem>>
    %dma_wait3A_479 = arith.constant 0 : i32
    %dma_wait3A_480 = arith.constant 0 : i32
    %dma_wait3A_481 = tpu.memref_slice %arg6[%dma_wait3A_479, %dma_wait3A_480] : memref<18432x512xi32, #tpu.memory_space<hbm>> -> memref<18432x512xi32, #tpu.memory_space<hbm>>
    tpu.wait_indirect_dma semaphore(%arg17 : memref<!tpu.dma_semaphore, #tpu.memory_space<semaphore_mem>>) src(%dma_wait3A_475 : memref<16x512xi32, #tpu.memory_space<vmem>>) dst(%dma_wait3A_481 : memref<18432x512xi32, #tpu.memory_space<hbm>>)
    %dma_wait3A_482 = arith.constant 1 : i32
    %dma_wait3A_483 = arith.constant 16 : i32
    %dma_wait3A_484 = arith.constant 0 : i32
    %dma_wait3A_485 = tpu.memref_slice %arg14[%dma_wait3A_483, %dma_wait3A_484] : memref<32x512xi32, #tpu.memory_space<vmem>> -> memref<16x512xi32, #tpu.memory_space<vmem>>
    %dma_wait3A_486 = arith.constant 0 : i32
    %dma_wait3A_487 = tpu.memref_slice %arg12[%dma_wait3A_482, %dma_wait3A_486] : memref<16x16xi32, #tpu.memory_space<vmem>> -> memref<1x16xi32, #tpu.memory_space<vmem>>
    %dma_wait3A_488 = tpu.memref_squeeze %dma_wait3A_487 : memref<1x16xi32, #tpu.memory_space<vmem>> -> memref<16xi32, #tpu.memory_space<vmem>>
    %dma_wait3A_489 = arith.constant 0 : i32
    %dma_wait3A_490 = arith.constant 0 : i32
    %dma_wait3A_491 = tpu.memref_slice %arg6[%dma_wait3A_489, %dma_wait3A_490] : memref<18432x512xi32, #tpu.memory_space<hbm>> -> memref<18432x512xi32, #tpu.memory_space<hbm>>
    tpu.wait_indirect_dma semaphore(%arg17 : memref<!tpu.dma_semaphore, #tpu.memory_space<semaphore_mem>>) src(%dma_wait3A_485 : memref<16x512xi32, #tpu.memory_space<vmem>>) dst(%dma_wait3A_491 : memref<18432x512xi32, #tpu.memory_space<hbm>>)
    %dma_wait3A_492 = arith.constant 1 : i32
    %dma_wait3A_493 = arith.constant 16 : i32
    %dma_wait3A_494 = arith.constant 0 : i32
    %dma_wait3A_495 = tpu.memref_slice %arg14[%dma_wait3A_493, %dma_wait3A_494] : memref<32x512xi32, #tpu.memory_space<vmem>> -> memref<16x512xi32, #tpu.memory_space<vmem>>
    %dma_wait3A_496 = arith.constant 0 : i32
    %dma_wait3A_497 = tpu.memref_slice %arg13[%dma_wait3A_492, %dma_wait3A_496] : memref<16x16xi32, #tpu.memory_space<vmem>> -> memref<1x16xi32, #tpu.memory_space<vmem>>
    %dma_wait3A_498 = tpu.memref_squeeze %dma_wait3A_497 : memref<1x16xi32, #tpu.memory_space<vmem>> -> memref<16xi32, #tpu.memory_space<vmem>>
    %dma_wait3A_499 = arith.constant 0 : i32
    %dma_wait3A_500 = arith.constant 0 : i32
    %dma_wait3A_501 = tpu.memref_slice %arg6[%dma_wait3A_499, %dma_wait3A_500] : memref<18432x512xi32, #tpu.memory_space<hbm>> -> memref<18432x512xi32, #tpu.memory_space<hbm>>
    tpu.wait_indirect_dma semaphore(%arg17 : memref<!tpu.dma_semaphore, #tpu.memory_space<semaphore_mem>>) src(%dma_wait3A_495 : memref<16x512xi32, #tpu.memory_space<vmem>>) dst(%dma_wait3A_501 : memref<18432x512xi32, #tpu.memory_space<hbm>>)
    %add3A_502 = arith.constant 64 : i32
    %add3A_503 = arith.addi %mul3A_4, %add3A_502 : i32
    %dma_start3A_504 = arith.constant 0 : i32
    %dma_start3A_505 = tpu.memref_slice %arg2[%add3A_503, %dma_start3A_504] : memref<8192x512xi32, #tpu.memory_space<hbm>> -> memref<32x512xi32, #tpu.memory_space<hbm>>
    %dma_start3A_506 = arith.constant 0 : i32
    %dma_start3A_507 = tpu.memref_slice %arg2[%add3A_503, %dma_start3A_506] : memref<8192x512xi32, #tpu.memory_space<hbm>> -> memref<32x512xi32, #tpu.memory_space<hbm>>
    tpu.enqueue_dma source(%dma_start3A_507 : memref<32x512xi32, #tpu.memory_space<hbm>>) target(%arg14 : memref<32x512xi32, #tpu.memory_space<vmem>>) target_semaphore(%arg16 : memref<!tpu.dma_semaphore, #tpu.memory_space<semaphore_mem>>)
    %dma_start3A_508 = arith.constant 2 : i32
    %dma_start3A_509 = arith.constant 0 : i32
    %dma_start3A_510 = arith.constant 0 : i32
    %dma_start3A_511 = tpu.memref_slice %arg15[%dma_start3A_509, %dma_start3A_510] : memref<32x512xi32, #tpu.memory_space<vmem>> -> memref<16x512xi32, #tpu.memory_space<vmem>>
    %dma_start3A_512 = arith.constant 0 : i32
    %dma_start3A_513 = tpu.memref_slice %arg12[%dma_start3A_508, %dma_start3A_512] : memref<16x16xi32, #tpu.memory_space<vmem>> -> memref<1x16xi32, #tpu.memory_space<vmem>>
    %dma_start3A_514 = tpu.memref_squeeze %dma_start3A_513 : memref<1x16xi32, #tpu.memory_space<vmem>> -> memref<16xi32, #tpu.memory_space<vmem>>
    %dma_start3A_515 = arith.constant 0 : i32
    %dma_start3A_516 = arith.constant 0 : i32
    %dma_start3A_517 = tpu.memref_slice %arg6[%dma_start3A_515, %dma_start3A_516] : memref<18432x512xi32, #tpu.memory_space<hbm>> -> memref<18432x512xi32, #tpu.memory_space<hbm>>
    tpu.enqueue_indirect_dma source(%dma_start3A_511 : memref<16x512xi32, #tpu.memory_space<vmem>>) target(%dma_start3A_517 : memref<18432x512xi32, #tpu.memory_space<hbm>>) offsets(%dma_start3A_514 : memref<16xi32, #tpu.memory_space<vmem>>) semaphore(%arg17 : memref<!tpu.dma_semaphore, #tpu.memory_space<semaphore_mem>>)
    %dma_start3A_518 = arith.constant 2 : i32
    %dma_start3A_519 = arith.constant 0 : i32
    %dma_start3A_520 = arith.constant 0 : i32
    %dma_start3A_521 = tpu.memref_slice %arg15[%dma_start3A_519, %dma_start3A_520] : memref<32x512xi32, #tpu.memory_space<vmem>> -> memref<16x512xi32, #tpu.memory_space<vmem>>
    %dma_start3A_522 = arith.constant 0 : i32
    %dma_start3A_523 = tpu.memref_slice %arg13[%dma_start3A_518, %dma_start3A_522] : memref<16x16xi32, #tpu.memory_space<vmem>> -> memref<1x16xi32, #tpu.memory_space<vmem>>
    %dma_start3A_524 = tpu.memref_squeeze %dma_start3A_523 : memref<1x16xi32, #tpu.memory_space<vmem>> -> memref<16xi32, #tpu.memory_space<vmem>>
    %dma_start3A_525 = arith.constant 0 : i32
    %dma_start3A_526 = arith.constant 0 : i32
    %dma_start3A_527 = tpu.memref_slice %arg6[%dma_start3A_525, %dma_start3A_526] : memref<18432x512xi32, #tpu.memory_space<hbm>> -> memref<18432x512xi32, #tpu.memory_space<hbm>>
    tpu.enqueue_indirect_dma source(%dma_start3A_521 : memref<16x512xi32, #tpu.memory_space<vmem>>) target(%dma_start3A_527 : memref<18432x512xi32, #tpu.memory_space<hbm>>) offsets(%dma_start3A_524 : memref<16xi32, #tpu.memory_space<vmem>>) semaphore(%arg17 : memref<!tpu.dma_semaphore, #tpu.memory_space<semaphore_mem>>)
    %dma_start3A_528 = arith.constant 3 : i32
    %dma_start3A_529 = arith.constant 16 : i32
    %dma_start3A_530 = arith.constant 0 : i32
    %dma_start3A_531 = tpu.memref_slice %arg15[%dma_start3A_529, %dma_start3A_530] : memref<32x512xi32, #tpu.memory_space<vmem>> -> memref<16x512xi32, #tpu.memory_space<vmem>>
    %dma_start3A_532 = arith.constant 0 : i32
    %dma_start3A_533 = tpu.memref_slice %arg12[%dma_start3A_528, %dma_start3A_532] : memref<16x16xi32, #tpu.memory_space<vmem>> -> memref<1x16xi32, #tpu.memory_space<vmem>>
    %dma_start3A_534 = tpu.memref_squeeze %dma_start3A_533 : memref<1x16xi32, #tpu.memory_space<vmem>> -> memref<16xi32, #tpu.memory_space<vmem>>
    %dma_start3A_535 = arith.constant 0 : i32
    %dma_start3A_536 = arith.constant 0 : i32
    %dma_start3A_537 = tpu.memref_slice %arg6[%dma_start3A_535, %dma_start3A_536] : memref<18432x512xi32, #tpu.memory_space<hbm>> -> memref<18432x512xi32, #tpu.memory_space<hbm>>
    tpu.enqueue_indirect_dma source(%dma_start3A_531 : memref<16x512xi32, #tpu.memory_space<vmem>>) target(%dma_start3A_537 : memref<18432x512xi32, #tpu.memory_space<hbm>>) offsets(%dma_start3A_534 : memref<16xi32, #tpu.memory_space<vmem>>) semaphore(%arg17 : memref<!tpu.dma_semaphore, #tpu.memory_space<semaphore_mem>>)
    %dma_start3A_538 = arith.constant 3 : i32
    %dma_start3A_539 = arith.constant 16 : i32
    %dma_start3A_540 = arith.constant 0 : i32
    %dma_start3A_541 = tpu.memref_slice %arg15[%dma_start3A_539, %dma_start3A_540] : memref<32x512xi32, #tpu.memory_space<vmem>> -> memref<16x512xi32, #tpu.memory_space<vmem>>
    %dma_start3A_542 = arith.constant 0 : i32
    %dma_start3A_543 = tpu.memref_slice %arg13[%dma_start3A_538, %dma_start3A_542] : memref<16x16xi32, #tpu.memory_space<vmem>> -> memref<1x16xi32, #tpu.memory_space<vmem>>
    %dma_start3A_544 = tpu.memref_squeeze %dma_start3A_543 : memref<1x16xi32, #tpu.memory_space<vmem>> -> memref<16xi32, #tpu.memory_space<vmem>>
    %dma_start3A_545 = arith.constant 0 : i32
    %dma_start3A_546 = arith.constant 0 : i32
    %dma_start3A_547 = tpu.memref_slice %arg6[%dma_start3A_545, %dma_start3A_546] : memref<18432x512xi32, #tpu.memory_space<hbm>> -> memref<18432x512xi32, #tpu.memory_space<hbm>>
    tpu.enqueue_indirect_dma source(%dma_start3A_541 : memref<16x512xi32, #tpu.memory_space<vmem>>) target(%dma_start3A_547 : memref<18432x512xi32, #tpu.memory_space<hbm>>) offsets(%dma_start3A_544 : memref<16xi32, #tpu.memory_space<vmem>>) semaphore(%arg17 : memref<!tpu.dma_semaphore, #tpu.memory_space<semaphore_mem>>)
    %dma_wait3A_548 = arith.constant 0 : i32
    %dma_wait3A_549 = tpu.memref_slice %arg2[%add3A_503, %dma_wait3A_548] : memref<8192x512xi32, #tpu.memory_space<hbm>> -> memref<32x512xi32, #tpu.memory_space<hbm>>
    %dma_wait3A_550 = arith.constant 0 : i32
    %dma_wait3A_551 = tpu.memref_slice %arg2[%add3A_503, %dma_wait3A_550] : memref<8192x512xi32, #tpu.memory_space<hbm>> -> memref<32x512xi32, #tpu.memory_space<hbm>>
    tpu.wait_dma2 semaphore(%arg16 : memref<!tpu.dma_semaphore, #tpu.memory_space<semaphore_mem>>) src(%dma_wait3A_551 : memref<32x512xi32, #tpu.memory_space<hbm>>) dst(%arg14 : memref<32x512xi32, #tpu.memory_space<vmem>>)
    %dma_wait3A_552 = arith.constant 2 : i32
    %dma_wait3A_553 = arith.constant 0 : i32
    %dma_wait3A_554 = arith.constant 0 : i32
    %dma_wait3A_555 = tpu.memref_slice %arg15[%dma_wait3A_553, %dma_wait3A_554] : memref<32x512xi32, #tpu.memory_space<vmem>> -> memref<16x512xi32, #tpu.memory_space<vmem>>
    %dma_wait3A_556 = arith.constant 0 : i32
    %dma_wait3A_557 = tpu.memref_slice %arg12[%dma_wait3A_552, %dma_wait3A_556] : memref<16x16xi32, #tpu.memory_space<vmem>> -> memref<1x16xi32, #tpu.memory_space<vmem>>
    %dma_wait3A_558 = tpu.memref_squeeze %dma_wait3A_557 : memref<1x16xi32, #tpu.memory_space<vmem>> -> memref<16xi32, #tpu.memory_space<vmem>>
    %dma_wait3A_559 = arith.constant 0 : i32
    %dma_wait3A_560 = arith.constant 0 : i32
    %dma_wait3A_561 = tpu.memref_slice %arg6[%dma_wait3A_559, %dma_wait3A_560] : memref<18432x512xi32, #tpu.memory_space<hbm>> -> memref<18432x512xi32, #tpu.memory_space<hbm>>
    tpu.wait_indirect_dma semaphore(%arg17 : memref<!tpu.dma_semaphore, #tpu.memory_space<semaphore_mem>>) src(%dma_wait3A_555 : memref<16x512xi32, #tpu.memory_space<vmem>>) dst(%dma_wait3A_561 : memref<18432x512xi32, #tpu.memory_space<hbm>>)
    %dma_wait3A_562 = arith.constant 2 : i32
    %dma_wait3A_563 = arith.constant 0 : i32
    %dma_wait3A_564 = arith.constant 0 : i32
    %dma_wait3A_565 = tpu.memref_slice %arg15[%dma_wait3A_563, %dma_wait3A_564] : memref<32x512xi32, #tpu.memory_space<vmem>> -> memref<16x512xi32, #tpu.memory_space<vmem>>
    %dma_wait3A_566 = arith.constant 0 : i32
    %dma_wait3A_567 = tpu.memref_slice %arg13[%dma_wait3A_562, %dma_wait3A_566] : memref<16x16xi32, #tpu.memory_space<vmem>> -> memref<1x16xi32, #tpu.memory_space<vmem>>
    %dma_wait3A_568 = tpu.memref_squeeze %dma_wait3A_567 : memref<1x16xi32, #tpu.memory_space<vmem>> -> memref<16xi32, #tpu.memory_space<vmem>>
    %dma_wait3A_569 = arith.constant 0 : i32
    %dma_wait3A_570 = arith.constant 0 : i32
    %dma_wait3A_571 = tpu.memref_slice %arg6[%dma_wait3A_569, %dma_wait3A_570] : memref<18432x512xi32, #tpu.memory_space<hbm>> -> memref<18432x512xi32, #tpu.memory_space<hbm>>
    tpu.wait_indirect_dma semaphore(%arg17 : memref<!tpu.dma_semaphore, #tpu.memory_space<semaphore_mem>>) src(%dma_wait3A_565 : memref<16x512xi32, #tpu.memory_space<vmem>>) dst(%dma_wait3A_571 : memref<18432x512xi32, #tpu.memory_space<hbm>>)
    %dma_wait3A_572 = arith.constant 3 : i32
    %dma_wait3A_573 = arith.constant 16 : i32
    %dma_wait3A_574 = arith.constant 0 : i32
    %dma_wait3A_575 = tpu.memref_slice %arg15[%dma_wait3A_573, %dma_wait3A_574] : memref<32x512xi32, #tpu.memory_space<vmem>> -> memref<16x512xi32, #tpu.memory_space<vmem>>
    %dma_wait3A_576 = arith.constant 0 : i32
    %dma_wait3A_577 = tpu.memref_slice %arg12[%dma_wait3A_572, %dma_wait3A_576] : memref<16x16xi32, #tpu.memory_space<vmem>> -> memref<1x16xi32, #tpu.memory_space<vmem>>
    %dma_wait3A_578 = tpu.memref_squeeze %dma_wait3A_577 : memref<1x16xi32, #tpu.memory_space<vmem>> -> memref<16xi32, #tpu.memory_space<vmem>>
    %dma_wait3A_579 = arith.constant 0 : i32
    %dma_wait3A_580 = arith.constant 0 : i32
    %dma_wait3A_581 = tpu.memref_slice %arg6[%dma_wait3A_579, %dma_wait3A_580] : memref<18432x512xi32, #tpu.memory_space<hbm>> -> memref<18432x512xi32, #tpu.memory_space<hbm>>
    tpu.wait_indirect_dma semaphore(%arg17 : memref<!tpu.dma_semaphore, #tpu.memory_space<semaphore_mem>>) src(%dma_wait3A_575 : memref<16x512xi32, #tpu.memory_space<vmem>>) dst(%dma_wait3A_581 : memref<18432x512xi32, #tpu.memory_space<hbm>>)
    %dma_wait3A_582 = arith.constant 3 : i32
    %dma_wait3A_583 = arith.constant 16 : i32
    %dma_wait3A_584 = arith.constant 0 : i32
    %dma_wait3A_585 = tpu.memref_slice %arg15[%dma_wait3A_583, %dma_wait3A_584] : memref<32x512xi32, #tpu.memory_space<vmem>> -> memref<16x512xi32, #tpu.memory_space<vmem>>
    %dma_wait3A_586 = arith.constant 0 : i32
    %dma_wait3A_587 = tpu.memref_slice %arg13[%dma_wait3A_582, %dma_wait3A_586] : memref<16x16xi32, #tpu.memory_space<vmem>> -> memref<1x16xi32, #tpu.memory_space<vmem>>
    %dma_wait3A_588 = tpu.memref_squeeze %dma_wait3A_587 : memref<1x16xi32, #tpu.memory_space<vmem>> -> memref<16xi32, #tpu.memory_space<vmem>>
    %dma_wait3A_589 = arith.constant 0 : i32
    %dma_wait3A_590 = arith.constant 0 : i32
    %dma_wait3A_591 = tpu.memref_slice %arg6[%dma_wait3A_589, %dma_wait3A_590] : memref<18432x512xi32, #tpu.memory_space<hbm>> -> memref<18432x512xi32, #tpu.memory_space<hbm>>
    tpu.wait_indirect_dma semaphore(%arg17 : memref<!tpu.dma_semaphore, #tpu.memory_space<semaphore_mem>>) src(%dma_wait3A_585 : memref<16x512xi32, #tpu.memory_space<vmem>>) dst(%dma_wait3A_591 : memref<18432x512xi32, #tpu.memory_space<hbm>>)
    %add3A_592 = arith.constant 96 : i32
    %add3A_593 = arith.addi %mul3A_4, %add3A_592 : i32
    %dma_start3A_594 = arith.constant 0 : i32
    %dma_start3A_595 = tpu.memref_slice %arg2[%add3A_593, %dma_start3A_594] : memref<8192x512xi32, #tpu.memory_space<hbm>> -> memref<32x512xi32, #tpu.memory_space<hbm>>
    %dma_start3A_596 = arith.constant 0 : i32
    %dma_start3A_597 = tpu.memref_slice %arg2[%add3A_593, %dma_start3A_596] : memref<8192x512xi32, #tpu.memory_space<hbm>> -> memref<32x512xi32, #tpu.memory_space<hbm>>
    tpu.enqueue_dma source(%dma_start3A_597 : memref<32x512xi32, #tpu.memory_space<hbm>>) target(%arg15 : memref<32x512xi32, #tpu.memory_space<vmem>>) target_semaphore(%arg16 : memref<!tpu.dma_semaphore, #tpu.memory_space<semaphore_mem>>)
    %dma_start3A_598 = arith.constant 4 : i32
    %dma_start3A_599 = arith.constant 0 : i32
    %dma_start3A_600 = arith.constant 0 : i32
    %dma_start3A_601 = tpu.memref_slice %arg14[%dma_start3A_599, %dma_start3A_600] : memref<32x512xi32, #tpu.memory_space<vmem>> -> memref<16x512xi32, #tpu.memory_space<vmem>>
    %dma_start3A_602 = arith.constant 0 : i32
    %dma_start3A_603 = tpu.memref_slice %arg12[%dma_start3A_598, %dma_start3A_602] : memref<16x16xi32, #tpu.memory_space<vmem>> -> memref<1x16xi32, #tpu.memory_space<vmem>>
    %dma_start3A_604 = tpu.memref_squeeze %dma_start3A_603 : memref<1x16xi32, #tpu.memory_space<vmem>> -> memref<16xi32, #tpu.memory_space<vmem>>
    %dma_start3A_605 = arith.constant 0 : i32
    %dma_start3A_606 = arith.constant 0 : i32
    %dma_start3A_607 = tpu.memref_slice %arg6[%dma_start3A_605, %dma_start3A_606] : memref<18432x512xi32, #tpu.memory_space<hbm>> -> memref<18432x512xi32, #tpu.memory_space<hbm>>
    tpu.enqueue_indirect_dma source(%dma_start3A_601 : memref<16x512xi32, #tpu.memory_space<vmem>>) target(%dma_start3A_607 : memref<18432x512xi32, #tpu.memory_space<hbm>>) offsets(%dma_start3A_604 : memref<16xi32, #tpu.memory_space<vmem>>) semaphore(%arg17 : memref<!tpu.dma_semaphore, #tpu.memory_space<semaphore_mem>>)
    %dma_start3A_608 = arith.constant 4 : i32
    %dma_start3A_609 = arith.constant 0 : i32
    %dma_start3A_610 = arith.constant 0 : i32
    %dma_start3A_611 = tpu.memref_slice %arg14[%dma_start3A_609, %dma_start3A_610] : memref<32x512xi32, #tpu.memory_space<vmem>> -> memref<16x512xi32, #tpu.memory_space<vmem>>
    %dma_start3A_612 = arith.constant 0 : i32
    %dma_start3A_613 = tpu.memref_slice %arg13[%dma_start3A_608, %dma_start3A_612] : memref<16x16xi32, #tpu.memory_space<vmem>> -> memref<1x16xi32, #tpu.memory_space<vmem>>
    %dma_start3A_614 = tpu.memref_squeeze %dma_start3A_613 : memref<1x16xi32, #tpu.memory_space<vmem>> -> memref<16xi32, #tpu.memory_space<vmem>>
    %dma_start3A_615 = arith.constant 0 : i32
    %dma_start3A_616 = arith.constant 0 : i32
    %dma_start3A_617 = tpu.memref_slice %arg6[%dma_start3A_615, %dma_start3A_616] : memref<18432x512xi32, #tpu.memory_space<hbm>> -> memref<18432x512xi32, #tpu.memory_space<hbm>>
    tpu.enqueue_indirect_dma source(%dma_start3A_611 : memref<16x512xi32, #tpu.memory_space<vmem>>) target(%dma_start3A_617 : memref<18432x512xi32, #tpu.memory_space<hbm>>) offsets(%dma_start3A_614 : memref<16xi32, #tpu.memory_space<vmem>>) semaphore(%arg17 : memref<!tpu.dma_semaphore, #tpu.memory_space<semaphore_mem>>)
    %dma_start3A_618 = arith.constant 5 : i32
    %dma_start3A_619 = arith.constant 16 : i32
    %dma_start3A_620 = arith.constant 0 : i32
    %dma_start3A_621 = tpu.memref_slice %arg14[%dma_start3A_619, %dma_start3A_620] : memref<32x512xi32, #tpu.memory_space<vmem>> -> memref<16x512xi32, #tpu.memory_space<vmem>>
    %dma_start3A_622 = arith.constant 0 : i32
    %dma_start3A_623 = tpu.memref_slice %arg12[%dma_start3A_618, %dma_start3A_622] : memref<16x16xi32, #tpu.memory_space<vmem>> -> memref<1x16xi32, #tpu.memory_space<vmem>>
    %dma_start3A_624 = tpu.memref_squeeze %dma_start3A_623 : memref<1x16xi32, #tpu.memory_space<vmem>> -> memref<16xi32, #tpu.memory_space<vmem>>
    %dma_start3A_625 = arith.constant 0 : i32
    %dma_start3A_626 = arith.constant 0 : i32
    %dma_start3A_627 = tpu.memref_slice %arg6[%dma_start3A_625, %dma_start3A_626] : memref<18432x512xi32, #tpu.memory_space<hbm>> -> memref<18432x512xi32, #tpu.memory_space<hbm>>
    tpu.enqueue_indirect_dma source(%dma_start3A_621 : memref<16x512xi32, #tpu.memory_space<vmem>>) target(%dma_start3A_627 : memref<18432x512xi32, #tpu.memory_space<hbm>>) offsets(%dma_start3A_624 : memref<16xi32, #tpu.memory_space<vmem>>) semaphore(%arg17 : memref<!tpu.dma_semaphore, #tpu.memory_space<semaphore_mem>>)
    %dma_start3A_628 = arith.constant 5 : i32
    %dma_start3A_629 = arith.constant 16 : i32
    %dma_start3A_630 = arith.constant 0 : i32
    %dma_start3A_631 = tpu.memref_slice %arg14[%dma_start3A_629, %dma_start3A_630] : memref<32x512xi32, #tpu.memory_space<vmem>> -> memref<16x512xi32, #tpu.memory_space<vmem>>
    %dma_start3A_632 = arith.constant 0 : i32
    %dma_start3A_633 = tpu.memref_slice %arg13[%dma_start3A_628, %dma_start3A_632] : memref<16x16xi32, #tpu.memory_space<vmem>> -> memref<1x16xi32, #tpu.memory_space<vmem>>
    %dma_start3A_634 = tpu.memref_squeeze %dma_start3A_633 : memref<1x16xi32, #tpu.memory_space<vmem>> -> memref<16xi32, #tpu.memory_space<vmem>>
    %dma_start3A_635 = arith.constant 0 : i32
    %dma_start3A_636 = arith.constant 0 : i32
    %dma_start3A_637 = tpu.memref_slice %arg6[%dma_start3A_635, %dma_start3A_636] : memref<18432x512xi32, #tpu.memory_space<hbm>> -> memref<18432x512xi32, #tpu.memory_space<hbm>>
    tpu.enqueue_indirect_dma source(%dma_start3A_631 : memref<16x512xi32, #tpu.memory_space<vmem>>) target(%dma_start3A_637 : memref<18432x512xi32, #tpu.memory_space<hbm>>) offsets(%dma_start3A_634 : memref<16xi32, #tpu.memory_space<vmem>>) semaphore(%arg17 : memref<!tpu.dma_semaphore, #tpu.memory_space<semaphore_mem>>)
    %dma_wait3A_638 = arith.constant 0 : i32
    %dma_wait3A_639 = tpu.memref_slice %arg2[%add3A_593, %dma_wait3A_638] : memref<8192x512xi32, #tpu.memory_space<hbm>> -> memref<32x512xi32, #tpu.memory_space<hbm>>
    %dma_wait3A_640 = arith.constant 0 : i32
    %dma_wait3A_641 = tpu.memref_slice %arg2[%add3A_593, %dma_wait3A_640] : memref<8192x512xi32, #tpu.memory_space<hbm>> -> memref<32x512xi32, #tpu.memory_space<hbm>>
    tpu.wait_dma2 semaphore(%arg16 : memref<!tpu.dma_semaphore, #tpu.memory_space<semaphore_mem>>) src(%dma_wait3A_641 : memref<32x512xi32, #tpu.memory_space<hbm>>) dst(%arg15 : memref<32x512xi32, #tpu.memory_space<vmem>>)
    %dma_wait3A_642 = arith.constant 4 : i32
    %dma_wait3A_643 = arith.constant 0 : i32
    %dma_wait3A_644 = arith.constant 0 : i32
    %dma_wait3A_645 = tpu.memref_slice %arg14[%dma_wait3A_643, %dma_wait3A_644] : memref<32x512xi32, #tpu.memory_space<vmem>> -> memref<16x512xi32, #tpu.memory_space<vmem>>
    %dma_wait3A_646 = arith.constant 0 : i32
    %dma_wait3A_647 = tpu.memref_slice %arg12[%dma_wait3A_642, %dma_wait3A_646] : memref<16x16xi32, #tpu.memory_space<vmem>> -> memref<1x16xi32, #tpu.memory_space<vmem>>
    %dma_wait3A_648 = tpu.memref_squeeze %dma_wait3A_647 : memref<1x16xi32, #tpu.memory_space<vmem>> -> memref<16xi32, #tpu.memory_space<vmem>>
    %dma_wait3A_649 = arith.constant 0 : i32
    %dma_wait3A_650 = arith.constant 0 : i32
    %dma_wait3A_651 = tpu.memref_slice %arg6[%dma_wait3A_649, %dma_wait3A_650] : memref<18432x512xi32, #tpu.memory_space<hbm>> -> memref<18432x512xi32, #tpu.memory_space<hbm>>
    tpu.wait_indirect_dma semaphore(%arg17 : memref<!tpu.dma_semaphore, #tpu.memory_space<semaphore_mem>>) src(%dma_wait3A_645 : memref<16x512xi32, #tpu.memory_space<vmem>>) dst(%dma_wait3A_651 : memref<18432x512xi32, #tpu.memory_space<hbm>>)
    %dma_wait3A_652 = arith.constant 4 : i32
    %dma_wait3A_653 = arith.constant 0 : i32
    %dma_wait3A_654 = arith.constant 0 : i32
    %dma_wait3A_655 = tpu.memref_slice %arg14[%dma_wait3A_653, %dma_wait3A_654] : memref<32x512xi32, #tpu.memory_space<vmem>> -> memref<16x512xi32, #tpu.memory_space<vmem>>
    %dma_wait3A_656 = arith.constant 0 : i32
    %dma_wait3A_657 = tpu.memref_slice %arg13[%dma_wait3A_652, %dma_wait3A_656] : memref<16x16xi32, #tpu.memory_space<vmem>> -> memref<1x16xi32, #tpu.memory_space<vmem>>
    %dma_wait3A_658 = tpu.memref_squeeze %dma_wait3A_657 : memref<1x16xi32, #tpu.memory_space<vmem>> -> memref<16xi32, #tpu.memory_space<vmem>>
    %dma_wait3A_659 = arith.constant 0 : i32
    %dma_wait3A_660 = arith.constant 0 : i32
    %dma_wait3A_661 = tpu.memref_slice %arg6[%dma_wait3A_659, %dma_wait3A_660] : memref<18432x512xi32, #tpu.memory_space<hbm>> -> memref<18432x512xi32, #tpu.memory_space<hbm>>
    tpu.wait_indirect_dma semaphore(%arg17 : memref<!tpu.dma_semaphore, #tpu.memory_space<semaphore_mem>>) src(%dma_wait3A_655 : memref<16x512xi32, #tpu.memory_space<vmem>>) dst(%dma_wait3A_661 : memref<18432x512xi32, #tpu.memory_space<hbm>>)
    %dma_wait3A_662 = arith.constant 5 : i32
    %dma_wait3A_663 = arith.constant 16 : i32
    %dma_wait3A_664 = arith.constant 0 : i32
    %dma_wait3A_665 = tpu.memref_slice %arg14[%dma_wait3A_663, %dma_wait3A_664] : memref<32x512xi32, #tpu.memory_space<vmem>> -> memref<16x512xi32, #tpu.memory_space<vmem>>
    %dma_wait3A_666 = arith.constant 0 : i32
    %dma_wait3A_667 = tpu.memref_slice %arg12[%dma_wait3A_662, %dma_wait3A_666] : memref<16x16xi32, #tpu.memory_space<vmem>> -> memref<1x16xi32, #tpu.memory_space<vmem>>
    %dma_wait3A_668 = tpu.memref_squeeze %dma_wait3A_667 : memref<1x16xi32, #tpu.memory_space<vmem>> -> memref<16xi32, #tpu.memory_space<vmem>>
    %dma_wait3A_669 = arith.constant 0 : i32
    %dma_wait3A_670 = arith.constant 0 : i32
    %dma_wait3A_671 = tpu.memref_slice %arg6[%dma_wait3A_669, %dma_wait3A_670] : memref<18432x512xi32, #tpu.memory_space<hbm>> -> memref<18432x512xi32, #tpu.memory_space<hbm>>
    tpu.wait_indirect_dma semaphore(%arg17 : memref<!tpu.dma_semaphore, #tpu.memory_space<semaphore_mem>>) src(%dma_wait3A_665 : memref<16x512xi32, #tpu.memory_space<vmem>>) dst(%dma_wait3A_671 : memref<18432x512xi32, #tpu.memory_space<hbm>>)
    %dma_wait3A_672 = arith.constant 5 : i32
    %dma_wait3A_673 = arith.constant 16 : i32
    %dma_wait3A_674 = arith.constant 0 : i32
    %dma_wait3A_675 = tpu.memref_slice %arg14[%dma_wait3A_673, %dma_wait3A_674] : memref<32x512xi32, #tpu.memory_space<vmem>> -> memref<16x512xi32, #tpu.memory_space<vmem>>
    %dma_wait3A_676 = arith.constant 0 : i32
    %dma_wait3A_677 = tpu.memref_slice %arg13[%dma_wait3A_672, %dma_wait3A_676] : memref<16x16xi32, #tpu.memory_space<vmem>> -> memref<1x16xi32, #tpu.memory_space<vmem>>
    %dma_wait3A_678 = tpu.memref_squeeze %dma_wait3A_677 : memref<1x16xi32, #tpu.memory_space<vmem>> -> memref<16xi32, #tpu.memory_space<vmem>>
    %dma_wait3A_679 = arith.constant 0 : i32
    %dma_wait3A_680 = arith.constant 0 : i32
    %dma_wait3A_681 = tpu.memref_slice %arg6[%dma_wait3A_679, %dma_wait3A_680] : memref<18432x512xi32, #tpu.memory_space<hbm>> -> memref<18432x512xi32, #tpu.memory_space<hbm>>
    tpu.wait_indirect_dma semaphore(%arg17 : memref<!tpu.dma_semaphore, #tpu.memory_space<semaphore_mem>>) src(%dma_wait3A_675 : memref<16x512xi32, #tpu.memory_space<vmem>>) dst(%dma_wait3A_681 : memref<18432x512xi32, #tpu.memory_space<hbm>>)
    %add3A_682 = arith.constant 128 : i32
    %add3A_683 = arith.addi %mul3A_4, %add3A_682 : i32
    %dma_start3A_684 = arith.constant 0 : i32
    %dma_start3A_685 = tpu.memref_slice %arg2[%add3A_683, %dma_start3A_684] : memref<8192x512xi32, #tpu.memory_space<hbm>> -> memref<32x512xi32, #tpu.memory_space<hbm>>
    %dma_start3A_686 = arith.constant 0 : i32
    %dma_start3A_687 = tpu.memref_slice %arg2[%add3A_683, %dma_start3A_686] : memref<8192x512xi32, #tpu.memory_space<hbm>> -> memref<32x512xi32, #tpu.memory_space<hbm>>
    tpu.enqueue_dma source(%dma_start3A_687 : memref<32x512xi32, #tpu.memory_space<hbm>>) target(%arg14 : memref<32x512xi32, #tpu.memory_space<vmem>>) target_semaphore(%arg16 : memref<!tpu.dma_semaphore, #tpu.memory_space<semaphore_mem>>)
    %dma_start3A_688 = arith.constant 6 : i32
    %dma_start3A_689 = arith.constant 0 : i32
    %dma_start3A_690 = arith.constant 0 : i32
    %dma_start3A_691 = tpu.memref_slice %arg15[%dma_start3A_689, %dma_start3A_690] : memref<32x512xi32, #tpu.memory_space<vmem>> -> memref<16x512xi32, #tpu.memory_space<vmem>>
    %dma_start3A_692 = arith.constant 0 : i32
    %dma_start3A_693 = tpu.memref_slice %arg12[%dma_start3A_688, %dma_start3A_692] : memref<16x16xi32, #tpu.memory_space<vmem>> -> memref<1x16xi32, #tpu.memory_space<vmem>>
    %dma_start3A_694 = tpu.memref_squeeze %dma_start3A_693 : memref<1x16xi32, #tpu.memory_space<vmem>> -> memref<16xi32, #tpu.memory_space<vmem>>
    %dma_start3A_695 = arith.constant 0 : i32
    %dma_start3A_696 = arith.constant 0 : i32
    %dma_start3A_697 = tpu.memref_slice %arg6[%dma_start3A_695, %dma_start3A_696] : memref<18432x512xi32, #tpu.memory_space<hbm>> -> memref<18432x512xi32, #tpu.memory_space<hbm>>
    tpu.enqueue_indirect_dma source(%dma_start3A_691 : memref<16x512xi32, #tpu.memory_space<vmem>>) target(%dma_start3A_697 : memref<18432x512xi32, #tpu.memory_space<hbm>>) offsets(%dma_start3A_694 : memref<16xi32, #tpu.memory_space<vmem>>) semaphore(%arg17 : memref<!tpu.dma_semaphore, #tpu.memory_space<semaphore_mem>>)
    %dma_start3A_698 = arith.constant 6 : i32
    %dma_start3A_699 = arith.constant 0 : i32
    %dma_start3A_700 = arith.constant 0 : i32
    %dma_start3A_701 = tpu.memref_slice %arg15[%dma_start3A_699, %dma_start3A_700] : memref<32x512xi32, #tpu.memory_space<vmem>> -> memref<16x512xi32, #tpu.memory_space<vmem>>
    %dma_start3A_702 = arith.constant 0 : i32
    %dma_start3A_703 = tpu.memref_slice %arg13[%dma_start3A_698, %dma_start3A_702] : memref<16x16xi32, #tpu.memory_space<vmem>> -> memref<1x16xi32, #tpu.memory_space<vmem>>
    %dma_start3A_704 = tpu.memref_squeeze %dma_start3A_703 : memref<1x16xi32, #tpu.memory_space<vmem>> -> memref<16xi32, #tpu.memory_space<vmem>>
    %dma_start3A_705 = arith.constant 0 : i32
    %dma_start3A_706 = arith.constant 0 : i32
    %dma_start3A_707 = tpu.memref_slice %arg6[%dma_start3A_705, %dma_start3A_706] : memref<18432x512xi32, #tpu.memory_space<hbm>> -> memref<18432x512xi32, #tpu.memory_space<hbm>>
    tpu.enqueue_indirect_dma source(%dma_start3A_701 : memref<16x512xi32, #tpu.memory_space<vmem>>) target(%dma_start3A_707 : memref<18432x512xi32, #tpu.memory_space<hbm>>) offsets(%dma_start3A_704 : memref<16xi32, #tpu.memory_space<vmem>>) semaphore(%arg17 : memref<!tpu.dma_semaphore, #tpu.memory_space<semaphore_mem>>)
    %dma_start3A_708 = arith.constant 7 : i32
    %dma_start3A_709 = arith.constant 16 : i32
    %dma_start3A_710 = arith.constant 0 : i32
    %dma_start3A_711 = tpu.memref_slice %arg15[%dma_start3A_709, %dma_start3A_710] : memref<32x512xi32, #tpu.memory_space<vmem>> -> memref<16x512xi32, #tpu.memory_space<vmem>>
    %dma_start3A_712 = arith.constant 0 : i32
    %dma_start3A_713 = tpu.memref_slice %arg12[%dma_start3A_708, %dma_start3A_712] : memref<16x16xi32, #tpu.memory_space<vmem>> -> memref<1x16xi32, #tpu.memory_space<vmem>>
    %dma_start3A_714 = tpu.memref_squeeze %dma_start3A_713 : memref<1x16xi32, #tpu.memory_space<vmem>> -> memref<16xi32, #tpu.memory_space<vmem>>
    %dma_start3A_715 = arith.constant 0 : i32
    %dma_start3A_716 = arith.constant 0 : i32
    %dma_start3A_717 = tpu.memref_slice %arg6[%dma_start3A_715, %dma_start3A_716] : memref<18432x512xi32, #tpu.memory_space<hbm>> -> memref<18432x512xi32, #tpu.memory_space<hbm>>
    tpu.enqueue_indirect_dma source(%dma_start3A_711 : memref<16x512xi32, #tpu.memory_space<vmem>>) target(%dma_start3A_717 : memref<18432x512xi32, #tpu.memory_space<hbm>>) offsets(%dma_start3A_714 : memref<16xi32, #tpu.memory_space<vmem>>) semaphore(%arg17 : memref<!tpu.dma_semaphore, #tpu.memory_space<semaphore_mem>>)
    %dma_start3A_718 = arith.constant 7 : i32
    %dma_start3A_719 = arith.constant 16 : i32
    %dma_start3A_720 = arith.constant 0 : i32
    %dma_start3A_721 = tpu.memref_slice %arg15[%dma_start3A_719, %dma_start3A_720] : memref<32x512xi32, #tpu.memory_space<vmem>> -> memref<16x512xi32, #tpu.memory_space<vmem>>
    %dma_start3A_722 = arith.constant 0 : i32
    %dma_start3A_723 = tpu.memref_slice %arg13[%dma_start3A_718, %dma_start3A_722] : memref<16x16xi32, #tpu.memory_space<vmem>> -> memref<1x16xi32, #tpu.memory_space<vmem>>
    %dma_start3A_724 = tpu.memref_squeeze %dma_start3A_723 : memref<1x16xi32, #tpu.memory_space<vmem>> -> memref<16xi32, #tpu.memory_space<vmem>>
    %dma_start3A_725 = arith.constant 0 : i32
    %dma_start3A_726 = arith.constant 0 : i32
    %dma_start3A_727 = tpu.memref_slice %arg6[%dma_start3A_725, %dma_start3A_726] : memref<18432x512xi32, #tpu.memory_space<hbm>> -> memref<18432x512xi32, #tpu.memory_space<hbm>>
    tpu.enqueue_indirect_dma source(%dma_start3A_721 : memref<16x512xi32, #tpu.memory_space<vmem>>) target(%dma_start3A_727 : memref<18432x512xi32, #tpu.memory_space<hbm>>) offsets(%dma_start3A_724 : memref<16xi32, #tpu.memory_space<vmem>>) semaphore(%arg17 : memref<!tpu.dma_semaphore, #tpu.memory_space<semaphore_mem>>)
    %dma_wait3A_728 = arith.constant 0 : i32
    %dma_wait3A_729 = tpu.memref_slice %arg2[%add3A_683, %dma_wait3A_728] : memref<8192x512xi32, #tpu.memory_space<hbm>> -> memref<32x512xi32, #tpu.memory_space<hbm>>
    %dma_wait3A_730 = arith.constant 0 : i32
    %dma_wait3A_731 = tpu.memref_slice %arg2[%add3A_683, %dma_wait3A_730] : memref<8192x512xi32, #tpu.memory_space<hbm>> -> memref<32x512xi32, #tpu.memory_space<hbm>>
    tpu.wait_dma2 semaphore(%arg16 : memref<!tpu.dma_semaphore, #tpu.memory_space<semaphore_mem>>) src(%dma_wait3A_731 : memref<32x512xi32, #tpu.memory_space<hbm>>) dst(%arg14 : memref<32x512xi32, #tpu.memory_space<vmem>>)
    %dma_wait3A_732 = arith.constant 6 : i32
    %dma_wait3A_733 = arith.constant 0 : i32
    %dma_wait3A_734 = arith.constant 0 : i32
    %dma_wait3A_735 = tpu.memref_slice %arg15[%dma_wait3A_733, %dma_wait3A_734] : memref<32x512xi32, #tpu.memory_space<vmem>> -> memref<16x512xi32, #tpu.memory_space<vmem>>
    %dma_wait3A_736 = arith.constant 0 : i32
    %dma_wait3A_737 = tpu.memref_slice %arg12[%dma_wait3A_732, %dma_wait3A_736] : memref<16x16xi32, #tpu.memory_space<vmem>> -> memref<1x16xi32, #tpu.memory_space<vmem>>
    %dma_wait3A_738 = tpu.memref_squeeze %dma_wait3A_737 : memref<1x16xi32, #tpu.memory_space<vmem>> -> memref<16xi32, #tpu.memory_space<vmem>>
    %dma_wait3A_739 = arith.constant 0 : i32
    %dma_wait3A_740 = arith.constant 0 : i32
    %dma_wait3A_741 = tpu.memref_slice %arg6[%dma_wait3A_739, %dma_wait3A_740] : memref<18432x512xi32, #tpu.memory_space<hbm>> -> memref<18432x512xi32, #tpu.memory_space<hbm>>
    tpu.wait_indirect_dma semaphore(%arg17 : memref<!tpu.dma_semaphore, #tpu.memory_space<semaphore_mem>>) src(%dma_wait3A_735 : memref<16x512xi32, #tpu.memory_space<vmem>>) dst(%dma_wait3A_741 : memref<18432x512xi32, #tpu.memory_space<hbm>>)
    %dma_wait3A_742 = arith.constant 6 : i32
    %dma_wait3A_743 = arith.constant 0 : i32
    %dma_wait3A_744 = arith.constant 0 : i32
    %dma_wait3A_745 = tpu.memref_slice %arg15[%dma_wait3A_743, %dma_wait3A_744] : memref<32x512xi32, #tpu.memory_space<vmem>> -> memref<16x512xi32, #tpu.memory_space<vmem>>
    %dma_wait3A_746 = arith.constant 0 : i32
    %dma_wait3A_747 = tpu.memref_slice %arg13[%dma_wait3A_742, %dma_wait3A_746] : memref<16x16xi32, #tpu.memory_space<vmem>> -> memref<1x16xi32, #tpu.memory_space<vmem>>
    %dma_wait3A_748 = tpu.memref_squeeze %dma_wait3A_747 : memref<1x16xi32, #tpu.memory_space<vmem>> -> memref<16xi32, #tpu.memory_space<vmem>>
    %dma_wait3A_749 = arith.constant 0 : i32
    %dma_wait3A_750 = arith.constant 0 : i32
    %dma_wait3A_751 = tpu.memref_slice %arg6[%dma_wait3A_749, %dma_wait3A_750] : memref<18432x512xi32, #tpu.memory_space<hbm>> -> memref<18432x512xi32, #tpu.memory_space<hbm>>
    tpu.wait_indirect_dma semaphore(%arg17 : memref<!tpu.dma_semaphore, #tpu.memory_space<semaphore_mem>>) src(%dma_wait3A_745 : memref<16x512xi32, #tpu.memory_space<vmem>>) dst(%dma_wait3A_751 : memref<18432x512xi32, #tpu.memory_space<hbm>>)
    %dma_wait3A_752 = arith.constant 7 : i32
    %dma_wait3A_753 = arith.constant 16 : i32
    %dma_wait3A_754 = arith.constant 0 : i32
    %dma_wait3A_755 = tpu.memref_slice %arg15[%dma_wait3A_753, %dma_wait3A_754] : memref<32x512xi32, #tpu.memory_space<vmem>> -> memref<16x512xi32, #tpu.memory_space<vmem>>
    %dma_wait3A_756 = arith.constant 0 : i32
    %dma_wait3A_757 = tpu.memref_slice %arg12[%dma_wait3A_752, %dma_wait3A_756] : memref<16x16xi32, #tpu.memory_space<vmem>> -> memref<1x16xi32, #tpu.memory_space<vmem>>
    %dma_wait3A_758 = tpu.memref_squeeze %dma_wait3A_757 : memref<1x16xi32, #tpu.memory_space<vmem>> -> memref<16xi32, #tpu.memory_space<vmem>>
    %dma_wait3A_759 = arith.constant 0 : i32
    %dma_wait3A_760 = arith.constant 0 : i32
    %dma_wait3A_761 = tpu.memref_slice %arg6[%dma_wait3A_759, %dma_wait3A_760] : memref<18432x512xi32, #tpu.memory_space<hbm>> -> memref<18432x512xi32, #tpu.memory_space<hbm>>
    tpu.wait_indirect_dma semaphore(%arg17 : memref<!tpu.dma_semaphore, #tpu.memory_space<semaphore_mem>>) src(%dma_wait3A_755 : memref<16x512xi32, #tpu.memory_space<vmem>>) dst(%dma_wait3A_761 : memref<18432x512xi32, #tpu.memory_space<hbm>>)
    %dma_wait3A_762 = arith.constant 7 : i32
    %dma_wait3A_763 = arith.constant 16 : i32
    %dma_wait3A_764 = arith.constant 0 : i32
    %dma_wait3A_765 = tpu.memref_slice %arg15[%dma_wait3A_763, %dma_wait3A_764] : memref<32x512xi32, #tpu.memory_space<vmem>> -> memref<16x512xi32, #tpu.memory_space<vmem>>
    %dma_wait3A_766 = arith.constant 0 : i32
    %dma_wait3A_767 = tpu.memref_slice %arg13[%dma_wait3A_762, %dma_wait3A_766] : memref<16x16xi32, #tpu.memory_space<vmem>> -> memref<1x16xi32, #tpu.memory_space<vmem>>
    %dma_wait3A_768 = tpu.memref_squeeze %dma_wait3A_767 : memref<1x16xi32, #tpu.memory_space<vmem>> -> memref<16xi32, #tpu.memory_space<vmem>>
    %dma_wait3A_769 = arith.constant 0 : i32
    %dma_wait3A_770 = arith.constant 0 : i32
    %dma_wait3A_771 = tpu.memref_slice %arg6[%dma_wait3A_769, %dma_wait3A_770] : memref<18432x512xi32, #tpu.memory_space<hbm>> -> memref<18432x512xi32, #tpu.memory_space<hbm>>
    tpu.wait_indirect_dma semaphore(%arg17 : memref<!tpu.dma_semaphore, #tpu.memory_space<semaphore_mem>>) src(%dma_wait3A_765 : memref<16x512xi32, #tpu.memory_space<vmem>>) dst(%dma_wait3A_771 : memref<18432x512xi32, #tpu.memory_space<hbm>>)
    %add3A_772 = arith.constant 160 : i32
    %add3A_773 = arith.addi %mul3A_4, %add3A_772 : i32
    %dma_start3A_774 = arith.constant 0 : i32
    %dma_start3A_775 = tpu.memref_slice %arg2[%add3A_773, %dma_start3A_774] : memref<8192x512xi32, #tpu.memory_space<hbm>> -> memref<32x512xi32, #tpu.memory_space<hbm>>
    %dma_start3A_776 = arith.constant 0 : i32
    %dma_start3A_777 = tpu.memref_slice %arg2[%add3A_773, %dma_start3A_776] : memref<8192x512xi32, #tpu.memory_space<hbm>> -> memref<32x512xi32, #tpu.memory_space<hbm>>
    tpu.enqueue_dma source(%dma_start3A_777 : memref<32x512xi32, #tpu.memory_space<hbm>>) target(%arg15 : memref<32x512xi32, #tpu.memory_space<vmem>>) target_semaphore(%arg16 : memref<!tpu.dma_semaphore, #tpu.memory_space<semaphore_mem>>)
    %dma_start3A_778 = arith.constant 8 : i32
    %dma_start3A_779 = arith.constant 0 : i32
    %dma_start3A_780 = arith.constant 0 : i32
    %dma_start3A_781 = tpu.memref_slice %arg14[%dma_start3A_779, %dma_start3A_780] : memref<32x512xi32, #tpu.memory_space<vmem>> -> memref<16x512xi32, #tpu.memory_space<vmem>>
    %dma_start3A_782 = arith.constant 0 : i32
    %dma_start3A_783 = tpu.memref_slice %arg12[%dma_start3A_778, %dma_start3A_782] : memref<16x16xi32, #tpu.memory_space<vmem>> -> memref<1x16xi32, #tpu.memory_space<vmem>>
    %dma_start3A_784 = tpu.memref_squeeze %dma_start3A_783 : memref<1x16xi32, #tpu.memory_space<vmem>> -> memref<16xi32, #tpu.memory_space<vmem>>
    %dma_start3A_785 = arith.constant 0 : i32
    %dma_start3A_786 = arith.constant 0 : i32
    %dma_start3A_787 = tpu.memref_slice %arg6[%dma_start3A_785, %dma_start3A_786] : memref<18432x512xi32, #tpu.memory_space<hbm>> -> memref<18432x512xi32, #tpu.memory_space<hbm>>
    tpu.enqueue_indirect_dma source(%dma_start3A_781 : memref<16x512xi32, #tpu.memory_space<vmem>>) target(%dma_start3A_787 : memref<18432x512xi32, #tpu.memory_space<hbm>>) offsets(%dma_start3A_784 : memref<16xi32, #tpu.memory_space<vmem>>) semaphore(%arg17 : memref<!tpu.dma_semaphore, #tpu.memory_space<semaphore_mem>>)
    %dma_start3A_788 = arith.constant 8 : i32
    %dma_start3A_789 = arith.constant 0 : i32
    %dma_start3A_790 = arith.constant 0 : i32
    %dma_start3A_791 = tpu.memref_slice %arg14[%dma_start3A_789, %dma_start3A_790] : memref<32x512xi32, #tpu.memory_space<vmem>> -> memref<16x512xi32, #tpu.memory_space<vmem>>
    %dma_start3A_792 = arith.constant 0 : i32
    %dma_start3A_793 = tpu.memref_slice %arg13[%dma_start3A_788, %dma_start3A_792] : memref<16x16xi32, #tpu.memory_space<vmem>> -> memref<1x16xi32, #tpu.memory_space<vmem>>
    %dma_start3A_794 = tpu.memref_squeeze %dma_start3A_793 : memref<1x16xi32, #tpu.memory_space<vmem>> -> memref<16xi32, #tpu.memory_space<vmem>>
    %dma_start3A_795 = arith.constant 0 : i32
    %dma_start3A_796 = arith.constant 0 : i32
    %dma_start3A_797 = tpu.memref_slice %arg6[%dma_start3A_795, %dma_start3A_796] : memref<18432x512xi32, #tpu.memory_space<hbm>> -> memref<18432x512xi32, #tpu.memory_space<hbm>>
    tpu.enqueue_indirect_dma source(%dma_start3A_791 : memref<16x512xi32, #tpu.memory_space<vmem>>) target(%dma_start3A_797 : memref<18432x512xi32, #tpu.memory_space<hbm>>) offsets(%dma_start3A_794 : memref<16xi32, #tpu.memory_space<vmem>>) semaphore(%arg17 : memref<!tpu.dma_semaphore, #tpu.memory_space<semaphore_mem>>)
    %dma_start3A_798 = arith.constant 9 : i32
    %dma_start3A_799 = arith.constant 16 : i32
    %dma_start3A_800 = arith.constant 0 : i32
    %dma_start3A_801 = tpu.memref_slice %arg14[%dma_start3A_799, %dma_start3A_800] : memref<32x512xi32, #tpu.memory_space<vmem>> -> memref<16x512xi32, #tpu.memory_space<vmem>>
    %dma_start3A_802 = arith.constant 0 : i32
    %dma_start3A_803 = tpu.memref_slice %arg12[%dma_start3A_798, %dma_start3A_802] : memref<16x16xi32, #tpu.memory_space<vmem>> -> memref<1x16xi32, #tpu.memory_space<vmem>>
    %dma_start3A_804 = tpu.memref_squeeze %dma_start3A_803 : memref<1x16xi32, #tpu.memory_space<vmem>> -> memref<16xi32, #tpu.memory_space<vmem>>
    %dma_start3A_805 = arith.constant 0 : i32
    %dma_start3A_806 = arith.constant 0 : i32
    %dma_start3A_807 = tpu.memref_slice %arg6[%dma_start3A_805, %dma_start3A_806] : memref<18432x512xi32, #tpu.memory_space<hbm>> -> memref<18432x512xi32, #tpu.memory_space<hbm>>
    tpu.enqueue_indirect_dma source(%dma_start3A_801 : memref<16x512xi32, #tpu.memory_space<vmem>>) target(%dma_start3A_807 : memref<18432x512xi32, #tpu.memory_space<hbm>>) offsets(%dma_start3A_804 : memref<16xi32, #tpu.memory_space<vmem>>) semaphore(%arg17 : memref<!tpu.dma_semaphore, #tpu.memory_space<semaphore_mem>>)
    %dma_start3A_808 = arith.constant 9 : i32
    %dma_start3A_809 = arith.constant 16 : i32
    %dma_start3A_810 = arith.constant 0 : i32
    %dma_start3A_811 = tpu.memref_slice %arg14[%dma_start3A_809, %dma_start3A_810] : memref<32x512xi32, #tpu.memory_space<vmem>> -> memref<16x512xi32, #tpu.memory_space<vmem>>
    %dma_start3A_812 = arith.constant 0 : i32
    %dma_start3A_813 = tpu.memref_slice %arg13[%dma_start3A_808, %dma_start3A_812] : memref<16x16xi32, #tpu.memory_space<vmem>> -> memref<1x16xi32, #tpu.memory_space<vmem>>
    %dma_start3A_814 = tpu.memref_squeeze %dma_start3A_813 : memref<1x16xi32, #tpu.memory_space<vmem>> -> memref<16xi32, #tpu.memory_space<vmem>>
    %dma_start3A_815 = arith.constant 0 : i32
    %dma_start3A_816 = arith.constant 0 : i32
    %dma_start3A_817 = tpu.memref_slice %arg6[%dma_start3A_815, %dma_start3A_816] : memref<18432x512xi32, #tpu.memory_space<hbm>> -> memref<18432x512xi32, #tpu.memory_space<hbm>>
    tpu.enqueue_indirect_dma source(%dma_start3A_811 : memref<16x512xi32, #tpu.memory_space<vmem>>) target(%dma_start3A_817 : memref<18432x512xi32, #tpu.memory_space<hbm>>) offsets(%dma_start3A_814 : memref<16xi32, #tpu.memory_space<vmem>>) semaphore(%arg17 : memref<!tpu.dma_semaphore, #tpu.memory_space<semaphore_mem>>)
    %dma_wait3A_818 = arith.constant 0 : i32
    %dma_wait3A_819 = tpu.memref_slice %arg2[%add3A_773, %dma_wait3A_818] : memref<8192x512xi32, #tpu.memory_space<hbm>> -> memref<32x512xi32, #tpu.memory_space<hbm>>
    %dma_wait3A_820 = arith.constant 0 : i32
    %dma_wait3A_821 = tpu.memref_slice %arg2[%add3A_773, %dma_wait3A_820] : memref<8192x512xi32, #tpu.memory_space<hbm>> -> memref<32x512xi32, #tpu.memory_space<hbm>>
    tpu.wait_dma2 semaphore(%arg16 : memref<!tpu.dma_semaphore, #tpu.memory_space<semaphore_mem>>) src(%dma_wait3A_821 : memref<32x512xi32, #tpu.memory_space<hbm>>) dst(%arg15 : memref<32x512xi32, #tpu.memory_space<vmem>>)
    %dma_wait3A_822 = arith.constant 8 : i32
    %dma_wait3A_823 = arith.constant 0 : i32
    %dma_wait3A_824 = arith.constant 0 : i32
    %dma_wait3A_825 = tpu.memref_slice %arg14[%dma_wait3A_823, %dma_wait3A_824] : memref<32x512xi32, #tpu.memory_space<vmem>> -> memref<16x512xi32, #tpu.memory_space<vmem>>
    %dma_wait3A_826 = arith.constant 0 : i32
    %dma_wait3A_827 = tpu.memref_slice %arg12[%dma_wait3A_822, %dma_wait3A_826] : memref<16x16xi32, #tpu.memory_space<vmem>> -> memref<1x16xi32, #tpu.memory_space<vmem>>
    %dma_wait3A_828 = tpu.memref_squeeze %dma_wait3A_827 : memref<1x16xi32, #tpu.memory_space<vmem>> -> memref<16xi32, #tpu.memory_space<vmem>>
    %dma_wait3A_829 = arith.constant 0 : i32
    %dma_wait3A_830 = arith.constant 0 : i32
    %dma_wait3A_831 = tpu.memref_slice %arg6[%dma_wait3A_829, %dma_wait3A_830] : memref<18432x512xi32, #tpu.memory_space<hbm>> -> memref<18432x512xi32, #tpu.memory_space<hbm>>
    tpu.wait_indirect_dma semaphore(%arg17 : memref<!tpu.dma_semaphore, #tpu.memory_space<semaphore_mem>>) src(%dma_wait3A_825 : memref<16x512xi32, #tpu.memory_space<vmem>>) dst(%dma_wait3A_831 : memref<18432x512xi32, #tpu.memory_space<hbm>>)
    %dma_wait3A_832 = arith.constant 8 : i32
    %dma_wait3A_833 = arith.constant 0 : i32
    %dma_wait3A_834 = arith.constant 0 : i32
    %dma_wait3A_835 = tpu.memref_slice %arg14[%dma_wait3A_833, %dma_wait3A_834] : memref<32x512xi32, #tpu.memory_space<vmem>> -> memref<16x512xi32, #tpu.memory_space<vmem>>
    %dma_wait3A_836 = arith.constant 0 : i32
    %dma_wait3A_837 = tpu.memref_slice %arg13[%dma_wait3A_832, %dma_wait3A_836] : memref<16x16xi32, #tpu.memory_space<vmem>> -> memref<1x16xi32, #tpu.memory_space<vmem>>
    %dma_wait3A_838 = tpu.memref_squeeze %dma_wait3A_837 : memref<1x16xi32, #tpu.memory_space<vmem>> -> memref<16xi32, #tpu.memory_space<vmem>>
    %dma_wait3A_839 = arith.constant 0 : i32
    %dma_wait3A_840 = arith.constant 0 : i32
    %dma_wait3A_841 = tpu.memref_slice %arg6[%dma_wait3A_839, %dma_wait3A_840] : memref<18432x512xi32, #tpu.memory_space<hbm>> -> memref<18432x512xi32, #tpu.memory_space<hbm>>
    tpu.wait_indirect_dma semaphore(%arg17 : memref<!tpu.dma_semaphore, #tpu.memory_space<semaphore_mem>>) src(%dma_wait3A_835 : memref<16x512xi32, #tpu.memory_space<vmem>>) dst(%dma_wait3A_841 : memref<18432x512xi32, #tpu.memory_space<hbm>>)
    %dma_wait3A_842 = arith.constant 9 : i32
    %dma_wait3A_843 = arith.constant 16 : i32
    %dma_wait3A_844 = arith.constant 0 : i32
    %dma_wait3A_845 = tpu.memref_slice %arg14[%dma_wait3A_843, %dma_wait3A_844] : memref<32x512xi32, #tpu.memory_space<vmem>> -> memref<16x512xi32, #tpu.memory_space<vmem>>
    %dma_wait3A_846 = arith.constant 0 : i32
    %dma_wait3A_847 = tpu.memref_slice %arg12[%dma_wait3A_842, %dma_wait3A_846] : memref<16x16xi32, #tpu.memory_space<vmem>> -> memref<1x16xi32, #tpu.memory_space<vmem>>
    %dma_wait3A_848 = tpu.memref_squeeze %dma_wait3A_847 : memref<1x16xi32, #tpu.memory_space<vmem>> -> memref<16xi32, #tpu.memory_space<vmem>>
    %dma_wait3A_849 = arith.constant 0 : i32
    %dma_wait3A_850 = arith.constant 0 : i32
    %dma_wait3A_851 = tpu.memref_slice %arg6[%dma_wait3A_849, %dma_wait3A_850] : memref<18432x512xi32, #tpu.memory_space<hbm>> -> memref<18432x512xi32, #tpu.memory_space<hbm>>
    tpu.wait_indirect_dma semaphore(%arg17 : memref<!tpu.dma_semaphore, #tpu.memory_space<semaphore_mem>>) src(%dma_wait3A_845 : memref<16x512xi32, #tpu.memory_space<vmem>>) dst(%dma_wait3A_851 : memref<18432x512xi32, #tpu.memory_space<hbm>>)
    %dma_wait3A_852 = arith.constant 9 : i32
    %dma_wait3A_853 = arith.constant 16 : i32
    %dma_wait3A_854 = arith.constant 0 : i32
    %dma_wait3A_855 = tpu.memref_slice %arg14[%dma_wait3A_853, %dma_wait3A_854] : memref<32x512xi32, #tpu.memory_space<vmem>> -> memref<16x512xi32, #tpu.memory_space<vmem>>
    %dma_wait3A_856 = arith.constant 0 : i32
    %dma_wait3A_857 = tpu.memref_slice %arg13[%dma_wait3A_852, %dma_wait3A_856] : memref<16x16xi32, #tpu.memory_space<vmem>> -> memref<1x16xi32, #tpu.memory_space<vmem>>
    %dma_wait3A_858 = tpu.memref_squeeze %dma_wait3A_857 : memref<1x16xi32, #tpu.memory_space<vmem>> -> memref<16xi32, #tpu.memory_space<vmem>>
    %dma_wait3A_859 = arith.constant 0 : i32
    %dma_wait3A_860 = arith.constant 0 : i32
    %dma_wait3A_861 = tpu.memref_slice %arg6[%dma_wait3A_859, %dma_wait3A_860] : memref<18432x512xi32, #tpu.memory_space<hbm>> -> memref<18432x512xi32, #tpu.memory_space<hbm>>
    tpu.wait_indirect_dma semaphore(%arg17 : memref<!tpu.dma_semaphore, #tpu.memory_space<semaphore_mem>>) src(%dma_wait3A_855 : memref<16x512xi32, #tpu.memory_space<vmem>>) dst(%dma_wait3A_861 : memref<18432x512xi32, #tpu.memory_space<hbm>>)
    %add3A_862 = arith.constant 192 : i32
    %add3A_863 = arith.addi %mul3A_4, %add3A_862 : i32
    %dma_start3A_864 = arith.constant 0 : i32
    %dma_start3A_865 = tpu.memref_slice %arg2[%add3A_863, %dma_start3A_864] : memref<8192x512xi32, #tpu.memory_space<hbm>> -> memref<32x512xi32, #tpu.memory_space<hbm>>
    %dma_start3A_866 = arith.constant 0 : i32
    %dma_start3A_867 = tpu.memref_slice %arg2[%add3A_863, %dma_start3A_866] : memref<8192x512xi32, #tpu.memory_space<hbm>> -> memref<32x512xi32, #tpu.memory_space<hbm>>
    tpu.enqueue_dma source(%dma_start3A_867 : memref<32x512xi32, #tpu.memory_space<hbm>>) target(%arg14 : memref<32x512xi32, #tpu.memory_space<vmem>>) target_semaphore(%arg16 : memref<!tpu.dma_semaphore, #tpu.memory_space<semaphore_mem>>)
    %dma_start3A_868 = arith.constant 10 : i32
    %dma_start3A_869 = arith.constant 0 : i32
    %dma_start3A_870 = arith.constant 0 : i32
    %dma_start3A_871 = tpu.memref_slice %arg15[%dma_start3A_869, %dma_start3A_870] : memref<32x512xi32, #tpu.memory_space<vmem>> -> memref<16x512xi32, #tpu.memory_space<vmem>>
    %dma_start3A_872 = arith.constant 0 : i32
    %dma_start3A_873 = tpu.memref_slice %arg12[%dma_start3A_868, %dma_start3A_872] : memref<16x16xi32, #tpu.memory_space<vmem>> -> memref<1x16xi32, #tpu.memory_space<vmem>>
    %dma_start3A_874 = tpu.memref_squeeze %dma_start3A_873 : memref<1x16xi32, #tpu.memory_space<vmem>> -> memref<16xi32, #tpu.memory_space<vmem>>
    %dma_start3A_875 = arith.constant 0 : i32
    %dma_start3A_876 = arith.constant 0 : i32
    %dma_start3A_877 = tpu.memref_slice %arg6[%dma_start3A_875, %dma_start3A_876] : memref<18432x512xi32, #tpu.memory_space<hbm>> -> memref<18432x512xi32, #tpu.memory_space<hbm>>
    tpu.enqueue_indirect_dma source(%dma_start3A_871 : memref<16x512xi32, #tpu.memory_space<vmem>>) target(%dma_start3A_877 : memref<18432x512xi32, #tpu.memory_space<hbm>>) offsets(%dma_start3A_874 : memref<16xi32, #tpu.memory_space<vmem>>) semaphore(%arg17 : memref<!tpu.dma_semaphore, #tpu.memory_space<semaphore_mem>>)
    %dma_start3A_878 = arith.constant 10 : i32
    %dma_start3A_879 = arith.constant 0 : i32
    %dma_start3A_880 = arith.constant 0 : i32
    %dma_start3A_881 = tpu.memref_slice %arg15[%dma_start3A_879, %dma_start3A_880] : memref<32x512xi32, #tpu.memory_space<vmem>> -> memref<16x512xi32, #tpu.memory_space<vmem>>
    %dma_start3A_882 = arith.constant 0 : i32
    %dma_start3A_883 = tpu.memref_slice %arg13[%dma_start3A_878, %dma_start3A_882] : memref<16x16xi32, #tpu.memory_space<vmem>> -> memref<1x16xi32, #tpu.memory_space<vmem>>
    %dma_start3A_884 = tpu.memref_squeeze %dma_start3A_883 : memref<1x16xi32, #tpu.memory_space<vmem>> -> memref<16xi32, #tpu.memory_space<vmem>>
    %dma_start3A_885 = arith.constant 0 : i32
    %dma_start3A_886 = arith.constant 0 : i32
    %dma_start3A_887 = tpu.memref_slice %arg6[%dma_start3A_885, %dma_start3A_886] : memref<18432x512xi32, #tpu.memory_space<hbm>> -> memref<18432x512xi32, #tpu.memory_space<hbm>>
    tpu.enqueue_indirect_dma source(%dma_start3A_881 : memref<16x512xi32, #tpu.memory_space<vmem>>) target(%dma_start3A_887 : memref<18432x512xi32, #tpu.memory_space<hbm>>) offsets(%dma_start3A_884 : memref<16xi32, #tpu.memory_space<vmem>>) semaphore(%arg17 : memref<!tpu.dma_semaphore, #tpu.memory_space<semaphore_mem>>)
    %dma_start3A_888 = arith.constant 11 : i32
    %dma_start3A_889 = arith.constant 16 : i32
    %dma_start3A_890 = arith.constant 0 : i32
    %dma_start3A_891 = tpu.memref_slice %arg15[%dma_start3A_889, %dma_start3A_890] : memref<32x512xi32, #tpu.memory_space<vmem>> -> memref<16x512xi32, #tpu.memory_space<vmem>>
    %dma_start3A_892 = arith.constant 0 : i32
    %dma_start3A_893 = tpu.memref_slice %arg12[%dma_start3A_888, %dma_start3A_892] : memref<16x16xi32, #tpu.memory_space<vmem>> -> memref<1x16xi32, #tpu.memory_space<vmem>>
    %dma_start3A_894 = tpu.memref_squeeze %dma_start3A_893 : memref<1x16xi32, #tpu.memory_space<vmem>> -> memref<16xi32, #tpu.memory_space<vmem>>
    %dma_start3A_895 = arith.constant 0 : i32
    %dma_start3A_896 = arith.constant 0 : i32
    %dma_start3A_897 = tpu.memref_slice %arg6[%dma_start3A_895, %dma_start3A_896] : memref<18432x512xi32, #tpu.memory_space<hbm>> -> memref<18432x512xi32, #tpu.memory_space<hbm>>
    tpu.enqueue_indirect_dma source(%dma_start3A_891 : memref<16x512xi32, #tpu.memory_space<vmem>>) target(%dma_start3A_897 : memref<18432x512xi32, #tpu.memory_space<hbm>>) offsets(%dma_start3A_894 : memref<16xi32, #tpu.memory_space<vmem>>) semaphore(%arg17 : memref<!tpu.dma_semaphore, #tpu.memory_space<semaphore_mem>>)
    %dma_start3A_898 = arith.constant 11 : i32
    %dma_start3A_899 = arith.constant 16 : i32
    %dma_start3A_900 = arith.constant 0 : i32
    %dma_start3A_901 = tpu.memref_slice %arg15[%dma_start3A_899, %dma_start3A_900] : memref<32x512xi32, #tpu.memory_space<vmem>> -> memref<16x512xi32, #tpu.memory_space<vmem>>
    %dma_start3A_902 = arith.constant 0 : i32
    %dma_start3A_903 = tpu.memref_slice %arg13[%dma_start3A_898, %dma_start3A_902] : memref<16x16xi32, #tpu.memory_space<vmem>> -> memref<1x16xi32, #tpu.memory_space<vmem>>
    %dma_start3A_904 = tpu.memref_squeeze %dma_start3A_903 : memref<1x16xi32, #tpu.memory_space<vmem>> -> memref<16xi32, #tpu.memory_space<vmem>>
    %dma_start3A_905 = arith.constant 0 : i32
    %dma_start3A_906 = arith.constant 0 : i32
    %dma_start3A_907 = tpu.memref_slice %arg6[%dma_start3A_905, %dma_start3A_906] : memref<18432x512xi32, #tpu.memory_space<hbm>> -> memref<18432x512xi32, #tpu.memory_space<hbm>>
    tpu.enqueue_indirect_dma source(%dma_start3A_901 : memref<16x512xi32, #tpu.memory_space<vmem>>) target(%dma_start3A_907 : memref<18432x512xi32, #tpu.memory_space<hbm>>) offsets(%dma_start3A_904 : memref<16xi32, #tpu.memory_space<vmem>>) semaphore(%arg17 : memref<!tpu.dma_semaphore, #tpu.memory_space<semaphore_mem>>)
    %dma_wait3A_908 = arith.constant 0 : i32
    %dma_wait3A_909 = tpu.memref_slice %arg2[%add3A_863, %dma_wait3A_908] : memref<8192x512xi32, #tpu.memory_space<hbm>> -> memref<32x512xi32, #tpu.memory_space<hbm>>
    %dma_wait3A_910 = arith.constant 0 : i32
    %dma_wait3A_911 = tpu.memref_slice %arg2[%add3A_863, %dma_wait3A_910] : memref<8192x512xi32, #tpu.memory_space<hbm>> -> memref<32x512xi32, #tpu.memory_space<hbm>>
    tpu.wait_dma2 semaphore(%arg16 : memref<!tpu.dma_semaphore, #tpu.memory_space<semaphore_mem>>) src(%dma_wait3A_911 : memref<32x512xi32, #tpu.memory_space<hbm>>) dst(%arg14 : memref<32x512xi32, #tpu.memory_space<vmem>>)
    %dma_wait3A_912 = arith.constant 10 : i32
    %dma_wait3A_913 = arith.constant 0 : i32
    %dma_wait3A_914 = arith.constant 0 : i32
    %dma_wait3A_915 = tpu.memref_slice %arg15[%dma_wait3A_913, %dma_wait3A_914] : memref<32x512xi32, #tpu.memory_space<vmem>> -> memref<16x512xi32, #tpu.memory_space<vmem>>
    %dma_wait3A_916 = arith.constant 0 : i32
    %dma_wait3A_917 = tpu.memref_slice %arg12[%dma_wait3A_912, %dma_wait3A_916] : memref<16x16xi32, #tpu.memory_space<vmem>> -> memref<1x16xi32, #tpu.memory_space<vmem>>
    %dma_wait3A_918 = tpu.memref_squeeze %dma_wait3A_917 : memref<1x16xi32, #tpu.memory_space<vmem>> -> memref<16xi32, #tpu.memory_space<vmem>>
    %dma_wait3A_919 = arith.constant 0 : i32
    %dma_wait3A_920 = arith.constant 0 : i32
    %dma_wait3A_921 = tpu.memref_slice %arg6[%dma_wait3A_919, %dma_wait3A_920] : memref<18432x512xi32, #tpu.memory_space<hbm>> -> memref<18432x512xi32, #tpu.memory_space<hbm>>
    tpu.wait_indirect_dma semaphore(%arg17 : memref<!tpu.dma_semaphore, #tpu.memory_space<semaphore_mem>>) src(%dma_wait3A_915 : memref<16x512xi32, #tpu.memory_space<vmem>>) dst(%dma_wait3A_921 : memref<18432x512xi32, #tpu.memory_space<hbm>>)
    %dma_wait3A_922 = arith.constant 10 : i32
    %dma_wait3A_923 = arith.constant 0 : i32
    %dma_wait3A_924 = arith.constant 0 : i32
    %dma_wait3A_925 = tpu.memref_slice %arg15[%dma_wait3A_923, %dma_wait3A_924] : memref<32x512xi32, #tpu.memory_space<vmem>> -> memref<16x512xi32, #tpu.memory_space<vmem>>
    %dma_wait3A_926 = arith.constant 0 : i32
    %dma_wait3A_927 = tpu.memref_slice %arg13[%dma_wait3A_922, %dma_wait3A_926] : memref<16x16xi32, #tpu.memory_space<vmem>> -> memref<1x16xi32, #tpu.memory_space<vmem>>
    %dma_wait3A_928 = tpu.memref_squeeze %dma_wait3A_927 : memref<1x16xi32, #tpu.memory_space<vmem>> -> memref<16xi32, #tpu.memory_space<vmem>>
    %dma_wait3A_929 = arith.constant 0 : i32
    %dma_wait3A_930 = arith.constant 0 : i32
    %dma_wait3A_931 = tpu.memref_slice %arg6[%dma_wait3A_929, %dma_wait3A_930] : memref<18432x512xi32, #tpu.memory_space<hbm>> -> memref<18432x512xi32, #tpu.memory_space<hbm>>
    tpu.wait_indirect_dma semaphore(%arg17 : memref<!tpu.dma_semaphore, #tpu.memory_space<semaphore_mem>>) src(%dma_wait3A_925 : memref<16x512xi32, #tpu.memory_space<vmem>>) dst(%dma_wait3A_931 : memref<18432x512xi32, #tpu.memory_space<hbm>>)
    %dma_wait3A_932 = arith.constant 11 : i32
    %dma_wait3A_933 = arith.constant 16 : i32
    %dma_wait3A_934 = arith.constant 0 : i32
    %dma_wait3A_935 = tpu.memref_slice %arg15[%dma_wait3A_933, %dma_wait3A_934] : memref<32x512xi32, #tpu.memory_space<vmem>> -> memref<16x512xi32, #tpu.memory_space<vmem>>
    %dma_wait3A_936 = arith.constant 0 : i32
    %dma_wait3A_937 = tpu.memref_slice %arg12[%dma_wait3A_932, %dma_wait3A_936] : memref<16x16xi32, #tpu.memory_space<vmem>> -> memref<1x16xi32, #tpu.memory_space<vmem>>
    %dma_wait3A_938 = tpu.memref_squeeze %dma_wait3A_937 : memref<1x16xi32, #tpu.memory_space<vmem>> -> memref<16xi32, #tpu.memory_space<vmem>>
    %dma_wait3A_939 = arith.constant 0 : i32
    %dma_wait3A_940 = arith.constant 0 : i32
    %dma_wait3A_941 = tpu.memref_slice %arg6[%dma_wait3A_939, %dma_wait3A_940] : memref<18432x512xi32, #tpu.memory_space<hbm>> -> memref<18432x512xi32, #tpu.memory_space<hbm>>
    tpu.wait_indirect_dma semaphore(%arg17 : memref<!tpu.dma_semaphore, #tpu.memory_space<semaphore_mem>>) src(%dma_wait3A_935 : memref<16x512xi32, #tpu.memory_space<vmem>>) dst(%dma_wait3A_941 : memref<18432x512xi32, #tpu.memory_space<hbm>>)
    %dma_wait3A_942 = arith.constant 11 : i32
    %dma_wait3A_943 = arith.constant 16 : i32
    %dma_wait3A_944 = arith.constant 0 : i32
    %dma_wait3A_945 = tpu.memref_slice %arg15[%dma_wait3A_943, %dma_wait3A_944] : memref<32x512xi32, #tpu.memory_space<vmem>> -> memref<16x512xi32, #tpu.memory_space<vmem>>
    %dma_wait3A_946 = arith.constant 0 : i32
    %dma_wait3A_947 = tpu.memref_slice %arg13[%dma_wait3A_942, %dma_wait3A_946] : memref<16x16xi32, #tpu.memory_space<vmem>> -> memref<1x16xi32, #tpu.memory_space<vmem>>
    %dma_wait3A_948 = tpu.memref_squeeze %dma_wait3A_947 : memref<1x16xi32, #tpu.memory_space<vmem>> -> memref<16xi32, #tpu.memory_space<vmem>>
    %dma_wait3A_949 = arith.constant 0 : i32
    %dma_wait3A_950 = arith.constant 0 : i32
    %dma_wait3A_951 = tpu.memref_slice %arg6[%dma_wait3A_949, %dma_wait3A_950] : memref<18432x512xi32, #tpu.memory_space<hbm>> -> memref<18432x512xi32, #tpu.memory_space<hbm>>
    tpu.wait_indirect_dma semaphore(%arg17 : memref<!tpu.dma_semaphore, #tpu.memory_space<semaphore_mem>>) src(%dma_wait3A_945 : memref<16x512xi32, #tpu.memory_space<vmem>>) dst(%dma_wait3A_951 : memref<18432x512xi32, #tpu.memory_space<hbm>>)
    %add3A_952 = arith.constant 224 : i32
    %add3A_953 = arith.addi %mul3A_4, %add3A_952 : i32
    %dma_start3A_954 = arith.constant 0 : i32
    %dma_start3A_955 = tpu.memref_slice %arg2[%add3A_953, %dma_start3A_954] : memref<8192x512xi32, #tpu.memory_space<hbm>> -> memref<32x512xi32, #tpu.memory_space<hbm>>
    %dma_start3A_956 = arith.constant 0 : i32
    %dma_start3A_957 = tpu.memref_slice %arg2[%add3A_953, %dma_start3A_956] : memref<8192x512xi32, #tpu.memory_space<hbm>> -> memref<32x512xi32, #tpu.memory_space<hbm>>
    tpu.enqueue_dma source(%dma_start3A_957 : memref<32x512xi32, #tpu.memory_space<hbm>>) target(%arg15 : memref<32x512xi32, #tpu.memory_space<vmem>>) target_semaphore(%arg16 : memref<!tpu.dma_semaphore, #tpu.memory_space<semaphore_mem>>)
    %dma_start3A_958 = arith.constant 12 : i32
    %dma_start3A_959 = arith.constant 0 : i32
    %dma_start3A_960 = arith.constant 0 : i32
    %dma_start3A_961 = tpu.memref_slice %arg14[%dma_start3A_959, %dma_start3A_960] : memref<32x512xi32, #tpu.memory_space<vmem>> -> memref<16x512xi32, #tpu.memory_space<vmem>>
    %dma_start3A_962 = arith.constant 0 : i32
    %dma_start3A_963 = tpu.memref_slice %arg12[%dma_start3A_958, %dma_start3A_962] : memref<16x16xi32, #tpu.memory_space<vmem>> -> memref<1x16xi32, #tpu.memory_space<vmem>>
    %dma_start3A_964 = tpu.memref_squeeze %dma_start3A_963 : memref<1x16xi32, #tpu.memory_space<vmem>> -> memref<16xi32, #tpu.memory_space<vmem>>
    %dma_start3A_965 = arith.constant 0 : i32
    %dma_start3A_966 = arith.constant 0 : i32
    %dma_start3A_967 = tpu.memref_slice %arg6[%dma_start3A_965, %dma_start3A_966] : memref<18432x512xi32, #tpu.memory_space<hbm>> -> memref<18432x512xi32, #tpu.memory_space<hbm>>
    tpu.enqueue_indirect_dma source(%dma_start3A_961 : memref<16x512xi32, #tpu.memory_space<vmem>>) target(%dma_start3A_967 : memref<18432x512xi32, #tpu.memory_space<hbm>>) offsets(%dma_start3A_964 : memref<16xi32, #tpu.memory_space<vmem>>) semaphore(%arg17 : memref<!tpu.dma_semaphore, #tpu.memory_space<semaphore_mem>>)
    %dma_start3A_968 = arith.constant 12 : i32
    %dma_start3A_969 = arith.constant 0 : i32
    %dma_start3A_970 = arith.constant 0 : i32
    %dma_start3A_971 = tpu.memref_slice %arg14[%dma_start3A_969, %dma_start3A_970] : memref<32x512xi32, #tpu.memory_space<vmem>> -> memref<16x512xi32, #tpu.memory_space<vmem>>
    %dma_start3A_972 = arith.constant 0 : i32
    %dma_start3A_973 = tpu.memref_slice %arg13[%dma_start3A_968, %dma_start3A_972] : memref<16x16xi32, #tpu.memory_space<vmem>> -> memref<1x16xi32, #tpu.memory_space<vmem>>
    %dma_start3A_974 = tpu.memref_squeeze %dma_start3A_973 : memref<1x16xi32, #tpu.memory_space<vmem>> -> memref<16xi32, #tpu.memory_space<vmem>>
    %dma_start3A_975 = arith.constant 0 : i32
    %dma_start3A_976 = arith.constant 0 : i32
    %dma_start3A_977 = tpu.memref_slice %arg6[%dma_start3A_975, %dma_start3A_976] : memref<18432x512xi32, #tpu.memory_space<hbm>> -> memref<18432x512xi32, #tpu.memory_space<hbm>>
    tpu.enqueue_indirect_dma source(%dma_start3A_971 : memref<16x512xi32, #tpu.memory_space<vmem>>) target(%dma_start3A_977 : memref<18432x512xi32, #tpu.memory_space<hbm>>) offsets(%dma_start3A_974 : memref<16xi32, #tpu.memory_space<vmem>>) semaphore(%arg17 : memref<!tpu.dma_semaphore, #tpu.memory_space<semaphore_mem>>)
    %dma_start3A_978 = arith.constant 13 : i32
    %dma_start3A_979 = arith.constant 16 : i32
    %dma_start3A_980 = arith.constant 0 : i32
    %dma_start3A_981 = tpu.memref_slice %arg14[%dma_start3A_979, %dma_start3A_980] : memref<32x512xi32, #tpu.memory_space<vmem>> -> memref<16x512xi32, #tpu.memory_space<vmem>>
    %dma_start3A_982 = arith.constant 0 : i32
    %dma_start3A_983 = tpu.memref_slice %arg12[%dma_start3A_978, %dma_start3A_982] : memref<16x16xi32, #tpu.memory_space<vmem>> -> memref<1x16xi32, #tpu.memory_space<vmem>>
    %dma_start3A_984 = tpu.memref_squeeze %dma_start3A_983 : memref<1x16xi32, #tpu.memory_space<vmem>> -> memref<16xi32, #tpu.memory_space<vmem>>
    %dma_start3A_985 = arith.constant 0 : i32
    %dma_start3A_986 = arith.constant 0 : i32
    %dma_start3A_987 = tpu.memref_slice %arg6[%dma_start3A_985, %dma_start3A_986] : memref<18432x512xi32, #tpu.memory_space<hbm>> -> memref<18432x512xi32, #tpu.memory_space<hbm>>
    tpu.enqueue_indirect_dma source(%dma_start3A_981 : memref<16x512xi32, #tpu.memory_space<vmem>>) target(%dma_start3A_987 : memref<18432x512xi32, #tpu.memory_space<hbm>>) offsets(%dma_start3A_984 : memref<16xi32, #tpu.memory_space<vmem>>) semaphore(%arg17 : memref<!tpu.dma_semaphore, #tpu.memory_space<semaphore_mem>>)
    %dma_start3A_988 = arith.constant 13 : i32
    %dma_start3A_989 = arith.constant 16 : i32
    %dma_start3A_990 = arith.constant 0 : i32
    %dma_start3A_991 = tpu.memref_slice %arg14[%dma_start3A_989, %dma_start3A_990] : memref<32x512xi32, #tpu.memory_space<vmem>> -> memref<16x512xi32, #tpu.memory_space<vmem>>
    %dma_start3A_992 = arith.constant 0 : i32
    %dma_start3A_993 = tpu.memref_slice %arg13[%dma_start3A_988, %dma_start3A_992] : memref<16x16xi32, #tpu.memory_space<vmem>> -> memref<1x16xi32, #tpu.memory_space<vmem>>
    %dma_start3A_994 = tpu.memref_squeeze %dma_start3A_993 : memref<1x16xi32, #tpu.memory_space<vmem>> -> memref<16xi32, #tpu.memory_space<vmem>>
    %dma_start3A_995 = arith.constant 0 : i32
    %dma_start3A_996 = arith.constant 0 : i32
    %dma_start3A_997 = tpu.memref_slice %arg6[%dma_start3A_995, %dma_start3A_996] : memref<18432x512xi32, #tpu.memory_space<hbm>> -> memref<18432x512xi32, #tpu.memory_space<hbm>>
    tpu.enqueue_indirect_dma source(%dma_start3A_991 : memref<16x512xi32, #tpu.memory_space<vmem>>) target(%dma_start3A_997 : memref<18432x512xi32, #tpu.memory_space<hbm>>) offsets(%dma_start3A_994 : memref<16xi32, #tpu.memory_space<vmem>>) semaphore(%arg17 : memref<!tpu.dma_semaphore, #tpu.memory_space<semaphore_mem>>)
    %dma_wait3A_998 = arith.constant 0 : i32
    %dma_wait3A_999 = tpu.memref_slice %arg2[%add3A_953, %dma_wait3A_998] : memref<8192x512xi32, #tpu.memory_space<hbm>> -> memref<32x512xi32, #tpu.memory_space<hbm>>
    %dma_wait3A_1000 = arith.constant 0 : i32
    %dma_wait3A_1001 = tpu.memref_slice %arg2[%add3A_953, %dma_wait3A_1000] : memref<8192x512xi32, #tpu.memory_space<hbm>> -> memref<32x512xi32, #tpu.memory_space<hbm>>
    tpu.wait_dma2 semaphore(%arg16 : memref<!tpu.dma_semaphore, #tpu.memory_space<semaphore_mem>>) src(%dma_wait3A_1001 : memref<32x512xi32, #tpu.memory_space<hbm>>) dst(%arg15 : memref<32x512xi32, #tpu.memory_space<vmem>>)
    %dma_start3A_1002 = arith.constant 14 : i32
    %dma_start3A_1003 = arith.constant 0 : i32
    %dma_start3A_1004 = arith.constant 0 : i32
    %dma_start3A_1005 = tpu.memref_slice %arg15[%dma_start3A_1003, %dma_start3A_1004] : memref<32x512xi32, #tpu.memory_space<vmem>> -> memref<16x512xi32, #tpu.memory_space<vmem>>
    %dma_start3A_1006 = arith.constant 0 : i32
    %dma_start3A_1007 = tpu.memref_slice %arg12[%dma_start3A_1002, %dma_start3A_1006] : memref<16x16xi32, #tpu.memory_space<vmem>> -> memref<1x16xi32, #tpu.memory_space<vmem>>
    %dma_start3A_1008 = tpu.memref_squeeze %dma_start3A_1007 : memref<1x16xi32, #tpu.memory_space<vmem>> -> memref<16xi32, #tpu.memory_space<vmem>>
    %dma_start3A_1009 = arith.constant 0 : i32
    %dma_start3A_1010 = arith.constant 0 : i32
    %dma_start3A_1011 = tpu.memref_slice %arg6[%dma_start3A_1009, %dma_start3A_1010] : memref<18432x512xi32, #tpu.memory_space<hbm>> -> memref<18432x512xi32, #tpu.memory_space<hbm>>
    tpu.enqueue_indirect_dma source(%dma_start3A_1005 : memref<16x512xi32, #tpu.memory_space<vmem>>) target(%dma_start3A_1011 : memref<18432x512xi32, #tpu.memory_space<hbm>>) offsets(%dma_start3A_1008 : memref<16xi32, #tpu.memory_space<vmem>>) semaphore(%arg17 : memref<!tpu.dma_semaphore, #tpu.memory_space<semaphore_mem>>)
    %dma_start3A_1012 = arith.constant 14 : i32
    %dma_start3A_1013 = arith.constant 0 : i32
    %dma_start3A_1014 = arith.constant 0 : i32
    %dma_start3A_1015 = tpu.memref_slice %arg15[%dma_start3A_1013, %dma_start3A_1014] : memref<32x512xi32, #tpu.memory_space<vmem>> -> memref<16x512xi32, #tpu.memory_space<vmem>>
    %dma_start3A_1016 = arith.constant 0 : i32
    %dma_start3A_1017 = tpu.memref_slice %arg13[%dma_start3A_1012, %dma_start3A_1016] : memref<16x16xi32, #tpu.memory_space<vmem>> -> memref<1x16xi32, #tpu.memory_space<vmem>>
    %dma_start3A_1018 = tpu.memref_squeeze %dma_start3A_1017 : memref<1x16xi32, #tpu.memory_space<vmem>> -> memref<16xi32, #tpu.memory_space<vmem>>
    %dma_start3A_1019 = arith.constant 0 : i32
    %dma_start3A_1020 = arith.constant 0 : i32
    %dma_start3A_1021 = tpu.memref_slice %arg6[%dma_start3A_1019, %dma_start3A_1020] : memref<18432x512xi32, #tpu.memory_space<hbm>> -> memref<18432x512xi32, #tpu.memory_space<hbm>>
    tpu.enqueue_indirect_dma source(%dma_start3A_1015 : memref<16x512xi32, #tpu.memory_space<vmem>>) target(%dma_start3A_1021 : memref<18432x512xi32, #tpu.memory_space<hbm>>) offsets(%dma_start3A_1018 : memref<16xi32, #tpu.memory_space<vmem>>) semaphore(%arg17 : memref<!tpu.dma_semaphore, #tpu.memory_space<semaphore_mem>>)
    %dma_start3A_1022 = arith.constant 15 : i32
    %dma_start3A_1023 = arith.constant 16 : i32
    %dma_start3A_1024 = arith.constant 0 : i32
    %dma_start3A_1025 = tpu.memref_slice %arg15[%dma_start3A_1023, %dma_start3A_1024] : memref<32x512xi32, #tpu.memory_space<vmem>> -> memref<16x512xi32, #tpu.memory_space<vmem>>
    %dma_start3A_1026 = arith.constant 0 : i32
    %dma_start3A_1027 = tpu.memref_slice %arg12[%dma_start3A_1022, %dma_start3A_1026] : memref<16x16xi32, #tpu.memory_space<vmem>> -> memref<1x16xi32, #tpu.memory_space<vmem>>
    %dma_start3A_1028 = tpu.memref_squeeze %dma_start3A_1027 : memref<1x16xi32, #tpu.memory_space<vmem>> -> memref<16xi32, #tpu.memory_space<vmem>>
    %dma_start3A_1029 = arith.constant 0 : i32
    %dma_start3A_1030 = arith.constant 0 : i32
    %dma_start3A_1031 = tpu.memref_slice %arg6[%dma_start3A_1029, %dma_start3A_1030] : memref<18432x512xi32, #tpu.memory_space<hbm>> -> memref<18432x512xi32, #tpu.memory_space<hbm>>
    tpu.enqueue_indirect_dma source(%dma_start3A_1025 : memref<16x512xi32, #tpu.memory_space<vmem>>) target(%dma_start3A_1031 : memref<18432x512xi32, #tpu.memory_space<hbm>>) offsets(%dma_start3A_1028 : memref<16xi32, #tpu.memory_space<vmem>>) semaphore(%arg17 : memref<!tpu.dma_semaphore, #tpu.memory_space<semaphore_mem>>)
    %dma_start3A_1032 = arith.constant 15 : i32
    %dma_start3A_1033 = arith.constant 16 : i32
    %dma_start3A_1034 = arith.constant 0 : i32
    %dma_start3A_1035 = tpu.memref_slice %arg15[%dma_start3A_1033, %dma_start3A_1034] : memref<32x512xi32, #tpu.memory_space<vmem>> -> memref<16x512xi32, #tpu.memory_space<vmem>>
    %dma_start3A_1036 = arith.constant 0 : i32
    %dma_start3A_1037 = tpu.memref_slice %arg13[%dma_start3A_1032, %dma_start3A_1036] : memref<16x16xi32, #tpu.memory_space<vmem>> -> memref<1x16xi32, #tpu.memory_space<vmem>>
    %dma_start3A_1038 = tpu.memref_squeeze %dma_start3A_1037 : memref<1x16xi32, #tpu.memory_space<vmem>> -> memref<16xi32, #tpu.memory_space<vmem>>
    %dma_start3A_1039 = arith.constant 0 : i32
    %dma_start3A_1040 = arith.constant 0 : i32
    %dma_start3A_1041 = tpu.memref_slice %arg6[%dma_start3A_1039, %dma_start3A_1040] : memref<18432x512xi32, #tpu.memory_space<hbm>> -> memref<18432x512xi32, #tpu.memory_space<hbm>>
    tpu.enqueue_indirect_dma source(%dma_start3A_1035 : memref<16x512xi32, #tpu.memory_space<vmem>>) target(%dma_start3A_1041 : memref<18432x512xi32, #tpu.memory_space<hbm>>) offsets(%dma_start3A_1038 : memref<16xi32, #tpu.memory_space<vmem>>) semaphore(%arg17 : memref<!tpu.dma_semaphore, #tpu.memory_space<semaphore_mem>>)
    %dma_wait3A_1042 = arith.constant 12 : i32
    %dma_wait3A_1043 = arith.constant 0 : i32
    %dma_wait3A_1044 = arith.constant 0 : i32
    %dma_wait3A_1045 = tpu.memref_slice %arg14[%dma_wait3A_1043, %dma_wait3A_1044] : memref<32x512xi32, #tpu.memory_space<vmem>> -> memref<16x512xi32, #tpu.memory_space<vmem>>
    %dma_wait3A_1046 = arith.constant 0 : i32
    %dma_wait3A_1047 = tpu.memref_slice %arg12[%dma_wait3A_1042, %dma_wait3A_1046] : memref<16x16xi32, #tpu.memory_space<vmem>> -> memref<1x16xi32, #tpu.memory_space<vmem>>
    %dma_wait3A_1048 = tpu.memref_squeeze %dma_wait3A_1047 : memref<1x16xi32, #tpu.memory_space<vmem>> -> memref<16xi32, #tpu.memory_space<vmem>>
    %dma_wait3A_1049 = arith.constant 0 : i32
    %dma_wait3A_1050 = arith.constant 0 : i32
    %dma_wait3A_1051 = tpu.memref_slice %arg6[%dma_wait3A_1049, %dma_wait3A_1050] : memref<18432x512xi32, #tpu.memory_space<hbm>> -> memref<18432x512xi32, #tpu.memory_space<hbm>>
    tpu.wait_indirect_dma semaphore(%arg17 : memref<!tpu.dma_semaphore, #tpu.memory_space<semaphore_mem>>) src(%dma_wait3A_1045 : memref<16x512xi32, #tpu.memory_space<vmem>>) dst(%dma_wait3A_1051 : memref<18432x512xi32, #tpu.memory_space<hbm>>)
    %dma_wait3A_1052 = arith.constant 12 : i32
    %dma_wait3A_1053 = arith.constant 0 : i32
    %dma_wait3A_1054 = arith.constant 0 : i32
    %dma_wait3A_1055 = tpu.memref_slice %arg14[%dma_wait3A_1053, %dma_wait3A_1054] : memref<32x512xi32, #tpu.memory_space<vmem>> -> memref<16x512xi32, #tpu.memory_space<vmem>>
    %dma_wait3A_1056 = arith.constant 0 : i32
    %dma_wait3A_1057 = tpu.memref_slice %arg13[%dma_wait3A_1052, %dma_wait3A_1056] : memref<16x16xi32, #tpu.memory_space<vmem>> -> memref<1x16xi32, #tpu.memory_space<vmem>>
    %dma_wait3A_1058 = tpu.memref_squeeze %dma_wait3A_1057 : memref<1x16xi32, #tpu.memory_space<vmem>> -> memref<16xi32, #tpu.memory_space<vmem>>
    %dma_wait3A_1059 = arith.constant 0 : i32
    %dma_wait3A_1060 = arith.constant 0 : i32
    %dma_wait3A_1061 = tpu.memref_slice %arg6[%dma_wait3A_1059, %dma_wait3A_1060] : memref<18432x512xi32, #tpu.memory_space<hbm>> -> memref<18432x512xi32, #tpu.memory_space<hbm>>
    tpu.wait_indirect_dma semaphore(%arg17 : memref<!tpu.dma_semaphore, #tpu.memory_space<semaphore_mem>>) src(%dma_wait3A_1055 : memref<16x512xi32, #tpu.memory_space<vmem>>) dst(%dma_wait3A_1061 : memref<18432x512xi32, #tpu.memory_space<hbm>>)
    %dma_wait3A_1062 = arith.constant 13 : i32
    %dma_wait3A_1063 = arith.constant 16 : i32
    %dma_wait3A_1064 = arith.constant 0 : i32
    %dma_wait3A_1065 = tpu.memref_slice %arg14[%dma_wait3A_1063, %dma_wait3A_1064] : memref<32x512xi32, #tpu.memory_space<vmem>> -> memref<16x512xi32, #tpu.memory_space<vmem>>
    %dma_wait3A_1066 = arith.constant 0 : i32
    %dma_wait3A_1067 = tpu.memref_slice %arg12[%dma_wait3A_1062, %dma_wait3A_1066] : memref<16x16xi32, #tpu.memory_space<vmem>> -> memref<1x16xi32, #tpu.memory_space<vmem>>
    %dma_wait3A_1068 = tpu.memref_squeeze %dma_wait3A_1067 : memref<1x16xi32, #tpu.memory_space<vmem>> -> memref<16xi32, #tpu.memory_space<vmem>>
    %dma_wait3A_1069 = arith.constant 0 : i32
    %dma_wait3A_1070 = arith.constant 0 : i32
    %dma_wait3A_1071 = tpu.memref_slice %arg6[%dma_wait3A_1069, %dma_wait3A_1070] : memref<18432x512xi32, #tpu.memory_space<hbm>> -> memref<18432x512xi32, #tpu.memory_space<hbm>>
    tpu.wait_indirect_dma semaphore(%arg17 : memref<!tpu.dma_semaphore, #tpu.memory_space<semaphore_mem>>) src(%dma_wait3A_1065 : memref<16x512xi32, #tpu.memory_space<vmem>>) dst(%dma_wait3A_1071 : memref<18432x512xi32, #tpu.memory_space<hbm>>)
    %dma_wait3A_1072 = arith.constant 13 : i32
    %dma_wait3A_1073 = arith.constant 16 : i32
    %dma_wait3A_1074 = arith.constant 0 : i32
    %dma_wait3A_1075 = tpu.memref_slice %arg14[%dma_wait3A_1073, %dma_wait3A_1074] : memref<32x512xi32, #tpu.memory_space<vmem>> -> memref<16x512xi32, #tpu.memory_space<vmem>>
    %dma_wait3A_1076 = arith.constant 0 : i32
    %dma_wait3A_1077 = tpu.memref_slice %arg13[%dma_wait3A_1072, %dma_wait3A_1076] : memref<16x16xi32, #tpu.memory_space<vmem>> -> memref<1x16xi32, #tpu.memory_space<vmem>>
    %dma_wait3A_1078 = tpu.memref_squeeze %dma_wait3A_1077 : memref<1x16xi32, #tpu.memory_space<vmem>> -> memref<16xi32, #tpu.memory_space<vmem>>
    %dma_wait3A_1079 = arith.constant 0 : i32
    %dma_wait3A_1080 = arith.constant 0 : i32
    %dma_wait3A_1081 = tpu.memref_slice %arg6[%dma_wait3A_1079, %dma_wait3A_1080] : memref<18432x512xi32, #tpu.memory_space<hbm>> -> memref<18432x512xi32, #tpu.memory_space<hbm>>
    tpu.wait_indirect_dma semaphore(%arg17 : memref<!tpu.dma_semaphore, #tpu.memory_space<semaphore_mem>>) src(%dma_wait3A_1075 : memref<16x512xi32, #tpu.memory_space<vmem>>) dst(%dma_wait3A_1081 : memref<18432x512xi32, #tpu.memory_space<hbm>>)
    %dma_wait3A_1082 = arith.constant 14 : i32
    %dma_wait3A_1083 = arith.constant 0 : i32
    %dma_wait3A_1084 = arith.constant 0 : i32
    %dma_wait3A_1085 = tpu.memref_slice %arg15[%dma_wait3A_1083, %dma_wait3A_1084] : memref<32x512xi32, #tpu.memory_space<vmem>> -> memref<16x512xi32, #tpu.memory_space<vmem>>
    %dma_wait3A_1086 = arith.constant 0 : i32
    %dma_wait3A_1087 = tpu.memref_slice %arg12[%dma_wait3A_1082, %dma_wait3A_1086] : memref<16x16xi32, #tpu.memory_space<vmem>> -> memref<1x16xi32, #tpu.memory_space<vmem>>
    %dma_wait3A_1088 = tpu.memref_squeeze %dma_wait3A_1087 : memref<1x16xi32, #tpu.memory_space<vmem>> -> memref<16xi32, #tpu.memory_space<vmem>>
    %dma_wait3A_1089 = arith.constant 0 : i32
    %dma_wait3A_1090 = arith.constant 0 : i32
    %dma_wait3A_1091 = tpu.memref_slice %arg6[%dma_wait3A_1089, %dma_wait3A_1090] : memref<18432x512xi32, #tpu.memory_space<hbm>> -> memref<18432x512xi32, #tpu.memory_space<hbm>>
    tpu.wait_indirect_dma semaphore(%arg17 : memref<!tpu.dma_semaphore, #tpu.memory_space<semaphore_mem>>) src(%dma_wait3A_1085 : memref<16x512xi32, #tpu.memory_space<vmem>>) dst(%dma_wait3A_1091 : memref<18432x512xi32, #tpu.memory_space<hbm>>)
    %dma_wait3A_1092 = arith.constant 14 : i32
    %dma_wait3A_1093 = arith.constant 0 : i32
    %dma_wait3A_1094 = arith.constant 0 : i32
    %dma_wait3A_1095 = tpu.memref_slice %arg15[%dma_wait3A_1093, %dma_wait3A_1094] : memref<32x512xi32, #tpu.memory_space<vmem>> -> memref<16x512xi32, #tpu.memory_space<vmem>>
    %dma_wait3A_1096 = arith.constant 0 : i32
    %dma_wait3A_1097 = tpu.memref_slice %arg13[%dma_wait3A_1092, %dma_wait3A_1096] : memref<16x16xi32, #tpu.memory_space<vmem>> -> memref<1x16xi32, #tpu.memory_space<vmem>>
    %dma_wait3A_1098 = tpu.memref_squeeze %dma_wait3A_1097 : memref<1x16xi32, #tpu.memory_space<vmem>> -> memref<16xi32, #tpu.memory_space<vmem>>
    %dma_wait3A_1099 = arith.constant 0 : i32
    %dma_wait3A_1100 = arith.constant 0 : i32
    %dma_wait3A_1101 = tpu.memref_slice %arg6[%dma_wait3A_1099, %dma_wait3A_1100] : memref<18432x512xi32, #tpu.memory_space<hbm>> -> memref<18432x512xi32, #tpu.memory_space<hbm>>
    tpu.wait_indirect_dma semaphore(%arg17 : memref<!tpu.dma_semaphore, #tpu.memory_space<semaphore_mem>>) src(%dma_wait3A_1095 : memref<16x512xi32, #tpu.memory_space<vmem>>) dst(%dma_wait3A_1101 : memref<18432x512xi32, #tpu.memory_space<hbm>>)
    %dma_wait3A_1102 = arith.constant 15 : i32
    %dma_wait3A_1103 = arith.constant 16 : i32
    %dma_wait3A_1104 = arith.constant 0 : i32
    %dma_wait3A_1105 = tpu.memref_slice %arg15[%dma_wait3A_1103, %dma_wait3A_1104] : memref<32x512xi32, #tpu.memory_space<vmem>> -> memref<16x512xi32, #tpu.memory_space<vmem>>
    %dma_wait3A_1106 = arith.constant 0 : i32
    %dma_wait3A_1107 = tpu.memref_slice %arg12[%dma_wait3A_1102, %dma_wait3A_1106] : memref<16x16xi32, #tpu.memory_space<vmem>> -> memref<1x16xi32, #tpu.memory_space<vmem>>
    %dma_wait3A_1108 = tpu.memref_squeeze %dma_wait3A_1107 : memref<1x16xi32, #tpu.memory_space<vmem>> -> memref<16xi32, #tpu.memory_space<vmem>>
    %dma_wait3A_1109 = arith.constant 0 : i32
    %dma_wait3A_1110 = arith.constant 0 : i32
    %dma_wait3A_1111 = tpu.memref_slice %arg6[%dma_wait3A_1109, %dma_wait3A_1110] : memref<18432x512xi32, #tpu.memory_space<hbm>> -> memref<18432x512xi32, #tpu.memory_space<hbm>>
    tpu.wait_indirect_dma semaphore(%arg17 : memref<!tpu.dma_semaphore, #tpu.memory_space<semaphore_mem>>) src(%dma_wait3A_1105 : memref<16x512xi32, #tpu.memory_space<vmem>>) dst(%dma_wait3A_1111 : memref<18432x512xi32, #tpu.memory_space<hbm>>)
    %dma_wait3A_1112 = arith.constant 15 : i32
    %dma_wait3A_1113 = arith.constant 16 : i32
    %dma_wait3A_1114 = arith.constant 0 : i32
    %dma_wait3A_1115 = tpu.memref_slice %arg15[%dma_wait3A_1113, %dma_wait3A_1114] : memref<32x512xi32, #tpu.memory_space<vmem>> -> memref<16x512xi32, #tpu.memory_space<vmem>>
    %dma_wait3A_1116 = arith.constant 0 : i32
    %dma_wait3A_1117 = tpu.memref_slice %arg13[%dma_wait3A_1112, %dma_wait3A_1116] : memref<16x16xi32, #tpu.memory_space<vmem>> -> memref<1x16xi32, #tpu.memory_space<vmem>>
    %dma_wait3A_1118 = tpu.memref_squeeze %dma_wait3A_1117 : memref<1x16xi32, #tpu.memory_space<vmem>> -> memref<16xi32, #tpu.memory_space<vmem>>
    %dma_wait3A_1119 = arith.constant 0 : i32
    %dma_wait3A_1120 = arith.constant 0 : i32
    %dma_wait3A_1121 = tpu.memref_slice %arg6[%dma_wait3A_1119, %dma_wait3A_1120] : memref<18432x512xi32, #tpu.memory_space<hbm>> -> memref<18432x512xi32, #tpu.memory_space<hbm>>
    tpu.wait_indirect_dma semaphore(%arg17 : memref<!tpu.dma_semaphore, #tpu.memory_space<semaphore_mem>>) src(%dma_wait3A_1115 : memref<16x512xi32, #tpu.memory_space<vmem>>) dst(%dma_wait3A_1121 : memref<18432x512xi32, #tpu.memory_space<hbm>>)
    %mul3A_1122 = arith.constant 16 : i32
    %mul3A_1123 = arith.muli %add3A, %mul3A_1122 : i32
    "tpu.region"() ({
      %run_scoped3A = tpu.sem_alloc : memref<!tpu.dma_semaphore, #tpu.memory_space<semaphore_mem>>
      %dma_start3A_1126 = arith.constant 0 : i32
      %dma_start3A_1127 = tpu.memref_slice %arg7[%mul3A_1123, %dma_start3A_1126] : memref<512x16xi32, #tpu.memory_space<hbm>> -> memref<16x16xi32, #tpu.memory_space<hbm>>
      %dma_start3A_1128 = arith.constant 0 : i32
      %dma_start3A_1129 = tpu.memref_slice %arg7[%mul3A_1123, %dma_start3A_1128] : memref<512x16xi32, #tpu.memory_space<hbm>> -> memref<16x16xi32, #tpu.memory_space<hbm>>
      tpu.enqueue_dma source(%arg12 : memref<16x16xi32, #tpu.memory_space<vmem>>) target(%dma_start3A_1129 : memref<16x16xi32, #tpu.memory_space<hbm>>) target_semaphore(%run_scoped3A : memref<!tpu.dma_semaphore, #tpu.memory_space<semaphore_mem>>)
      %dma_wait3A_1130 = arith.constant 0 : i32
      %dma_wait3A_1131 = tpu.memref_slice %arg7[%mul3A_1123, %dma_wait3A_1130] : memref<512x16xi32, #tpu.memory_space<hbm>> -> memref<16x16xi32, #tpu.memory_space<hbm>>
      %dma_wait3A_1132 = arith.constant 0 : i32
      %dma_wait3A_1133 = tpu.memref_slice %arg7[%mul3A_1123, %dma_wait3A_1132] : memref<512x16xi32, #tpu.memory_space<hbm>> -> memref<16x16xi32, #tpu.memory_space<hbm>>
      tpu.wait_dma2 semaphore(%run_scoped3A : memref<!tpu.dma_semaphore, #tpu.memory_space<semaphore_mem>>) src(%arg12 : memref<16x16xi32, #tpu.memory_space<vmem>>) dst(%dma_wait3A_1133 : memref<16x16xi32, #tpu.memory_space<hbm>>)
      tpu.yield
    }) : () -> ()
    %mul3A_1124 = arith.constant 16 : i32
    %mul3A_1125 = arith.muli %add3A, %mul3A_1124 : i32
    "tpu.region"() ({
      %run_scoped3A = tpu.sem_alloc : memref<!tpu.dma_semaphore, #tpu.memory_space<semaphore_mem>>
      %dma_start3A_1126 = arith.constant 0 : i32
      %dma_start3A_1127 = tpu.memref_slice %arg8[%mul3A_1125, %dma_start3A_1126] : memref<512x16xi32, #tpu.memory_space<hbm>> -> memref<16x16xi32, #tpu.memory_space<hbm>>
      %dma_start3A_1128 = arith.constant 0 : i32
      %dma_start3A_1129 = tpu.memref_slice %arg8[%mul3A_1125, %dma_start3A_1128] : memref<512x16xi32, #tpu.memory_space<hbm>> -> memref<16x16xi32, #tpu.memory_space<hbm>>
      tpu.enqueue_dma source(%arg13 : memref<16x16xi32, #tpu.memory_space<vmem>>) target(%dma_start3A_1129 : memref<16x16xi32, #tpu.memory_space<hbm>>) target_semaphore(%run_scoped3A : memref<!tpu.dma_semaphore, #tpu.memory_space<semaphore_mem>>)
      %dma_wait3A_1130 = arith.constant 0 : i32
      %dma_wait3A_1131 = tpu.memref_slice %arg8[%mul3A_1125, %dma_wait3A_1130] : memref<512x16xi32, #tpu.memory_space<hbm>> -> memref<16x16xi32, #tpu.memory_space<hbm>>
      %dma_wait3A_1132 = arith.constant 0 : i32
      %dma_wait3A_1133 = tpu.memref_slice %arg8[%mul3A_1125, %dma_wait3A_1132] : memref<512x16xi32, #tpu.memory_space<hbm>> -> memref<16x16xi32, #tpu.memory_space<hbm>>
      tpu.wait_dma2 semaphore(%run_scoped3A : memref<!tpu.dma_semaphore, #tpu.memory_space<semaphore_mem>>) src(%arg13 : memref<16x16xi32, #tpu.memory_space<vmem>>) dst(%dma_wait3A_1133 : memref<16x16xi32, #tpu.memory_space<hbm>>)
      tpu.yield
    }) : () -> ()
    return
  }
}

module attributes {stable_mosaic.version = 14 : i64} {
  func.func @_router_body(%arg0: i32, %arg1: memref<1024x1024xf32, #tpu.memory_space<vmem>>, %arg2: memref<1024x8xf32, #tpu.memory_space<vmem>>, %arg3: memref<1x8xf32, #tpu.memory_space<vmem>>, %arg4: memref<1024x2xi32, #tpu.memory_space<vmem>>, %arg5: memref<1024x1xf32, #tpu.memory_space<vmem>>, %arg6: memref<1024x1xf32, #tpu.memory_space<vmem>>, %arg7: memref<1024x2xi32, #tpu.memory_space<vmem>>, %arg8: memref<1x8xi32, #tpu.memory_space<vmem>>, %arg9: memref<1024x512xi32, #tpu.memory_space<vmem>>, %arg10: memref<1x8xf32, #tpu.memory_space<vmem>>) attributes {dimension_semantics = [#tpu.dimension_semantics<arbitrary>], iteration_bounds = array<i64: 8>, scalar_prefetch = 0 : i64, scratch_operands = 1 : i64, tpu.core_type = #tpu.core_type<tc>, window_params = [{transform_indices = @transform_0, window_bounds = array<i64: 1024, 1024>}, {pipeline_mode = #tpu.pipeline_mode<synchronous>, transform_indices = @transform_1, window_bounds = array<i64: 1024, 8>}, {pipeline_mode = #tpu.pipeline_mode<synchronous>, transform_indices = @transform_2, window_bounds = array<i64: 1, 8>}, {transform_indices = @transform_3, window_bounds = array<i64: 1024, 2>}, {transform_indices = @transform_4, window_bounds = array<i64: 1024, 1>}, {transform_indices = @transform_5, window_bounds = array<i64: 1024, 1>}, {transform_indices = @transform_6, window_bounds = array<i64: 1024, 2>}, {pipeline_mode = #tpu.pipeline_mode<synchronous>, transform_indices = @transform_7, window_bounds = array<i64: 1, 8>}, {transform_indices = @transform_8, window_bounds = array<i64: 1024, 512>}]} {
    %get3A = arith.constant 0 : index
    %get3A_0 = arith.constant 0 : index
    %get3A_1 = vector.load %arg1[%get3A, %get3A_0] : memref<1024x1024xf32, #tpu.memory_space<vmem>>, vector<1024x1024xf32>
    %bitcast_convert_type3A = tpu.bitcast %get3A_1 : vector<1024x1024xf32> -> vector<1024x1024xi32>
    %add3A = arith.constant 32767 : i32
    %add3A_2 = vector.broadcast %add3A : i32 to vector<1024x1024xi32>
    %add3A_3 = arith.addi %bitcast_convert_type3A, %add3A_2 : vector<1024x1024xi32>
    %shift_right_logical3A = arith.constant 16 : i32
    %shift_right_logical3A_4 = vector.broadcast %shift_right_logical3A : i32 to vector<1024x1024xi32>
    %shift_right_logical3A_5 = arith.shrui %bitcast_convert_type3A, %shift_right_logical3A_4 : vector<1024x1024xi32>
    %and3A = arith.constant 1 : i32
    %and3A_6 = vector.broadcast %and3A : i32 to vector<1024x1024xi32>
    %and3A_7 = arith.andi %shift_right_logical3A_5, %and3A_6 : vector<1024x1024xi32>
    %add3A_8 = arith.addi %add3A_3, %and3A_7 : vector<1024x1024xi32>
    %shift_right_logical3A_9 = arith.constant 16 : i32
    %shift_right_logical3A_10 = vector.broadcast %shift_right_logical3A_9 : i32 to vector<1024x1024xi32>
    %shift_right_logical3A_11 = arith.shrui %add3A_8, %shift_right_logical3A_10 : vector<1024x1024xi32>
    %slice3A = vector.extract_strided_slice %shift_right_logical3A_11 {offsets = [0, 0], sizes = [1024, 512], strides = [1, 1]} : vector<1024x1024xi32> to vector<1024x512xi32>
    %slice3A_12 = vector.extract_strided_slice %shift_right_logical3A_11 {offsets = [0, 512], sizes = [1024, 512], strides = [1, 1]} : vector<1024x1024xi32> to vector<1024x512xi32>
    %shift_left3A = arith.constant 16 : i32
    %shift_left3A_13 = vector.broadcast %shift_left3A : i32 to vector<1024x512xi32>
    %shift_left3A_14 = arith.shli %slice3A_12, %shift_left3A_13 : vector<1024x512xi32>
    %or3A = arith.ori %slice3A, %shift_left3A_14 : vector<1024x512xi32>
    %bitcast_convert_type3A_15 = tpu.bitcast %or3A : vector<1024x512xi32> -> vector<1024x512xi32>
    %swap3A = arith.constant 0 : index
    %swap3A_16 = arith.constant 0 : index
    %swap3A_17 = vector.load %arg9[%swap3A, %swap3A_16] : memref<1024x512xi32, #tpu.memory_space<vmem>>, vector<1024x512xi32>
    tpu.vector_store %arg9[%swap3A, %swap3A_16], %bitcast_convert_type3A_15 {strides = array<i32>} : memref<1024x512xi32, #tpu.memory_space<vmem>>, vector<1024x512xi32>,
    %eq3A = arith.constant 0 : i32
    %eq3A_18 = arith.cmpi eq, %arg0, %eq3A : i32
    %convert_element_type3A = arith.extui %eq3A_18 : i1 to i32
    %cond3A = arith.constant 0 : i32
    %cond3A_19 = arith.cmpi ne, %convert_element_type3A, %cond3A : i32
    scf.if %cond3A_19 {
      %broadcast_in_dim3A_135 = arith.constant 0.000000e+00 : f32
      %broadcast_in_dim3A_136 = vector.broadcast %broadcast_in_dim3A_135 : f32 to vector<1x8xf32>
      %swap3A_137 = arith.constant 0 : index
      %swap3A_138 = arith.constant 0 : index
      %swap3A_139 = vector.load %arg10[%swap3A_137, %swap3A_138] : memref<1x8xf32, #tpu.memory_space<vmem>>, vector<1x8xf32>
      tpu.vector_store %arg10[%swap3A_137, %swap3A_138], %broadcast_in_dim3A_136 {strides = array<i32>} : memref<1x8xf32, #tpu.memory_space<vmem>>, vector<1x8xf32>,
    } else {
    }
    %get3A_20 = arith.constant 0 : index
    %get3A_21 = arith.constant 0 : index
    %get3A_22 = vector.load %arg1[%get3A_20, %get3A_21] : memref<1024x1024xf32, #tpu.memory_space<vmem>>, vector<1024x1024xf32>
    %get3A_23 = arith.constant 0 : index
    %get3A_24 = arith.constant 0 : index
    %get3A_25 = vector.load %arg2[%get3A_23, %get3A_24] : memref<1024x8xf32, #tpu.memory_space<vmem>>, vector<1024x8xf32>
    %dot_general3A = arith.constant dense<0.000000e+00> : vector<1024x8xf32>
    %dot_general3A_26 = tpu.matmul %get3A_22, %get3A_25, %dot_general3A {dimension_numbers = #tpu.dot_dimension_numbers<[1], [0], [0], [1], [0, 0, 1, 1], [], []>, transpose_lhs_hint = false} : vector<1024x1024xf32>, vector<1024x8xf32>, vector<1024x8xf32> -> vector<1024x8xf32>
    %get3A_27 = arith.constant 0 : index
    %get3A_28 = arith.constant 0 : index
    %get3A_29 = vector.load %arg3[%get3A_27, %get3A_28] : memref<1x8xf32, #tpu.memory_space<vmem>>, vector<1x8xf32>
    %add3A_30 = vector.broadcast %get3A_29 : vector<1x8xf32> to vector<1024x8xf32>
    %add3A_31 = arith.addf %dot_general3A_26, %add3A_30 : vector<1024x8xf32>
    %iota3A = tpu.iota {dimensions = array<i32: 1>} : vector<1024x8xi32>
    %reduce_max3A = arith.constant dense<0xFF800000> : vector<1024xf32>
    %reduce_max3A_32 = vector.multi_reduction <maximumf>, %add3A_31, %reduce_max3A [1] : vector<1024x8xf32> to vector<1024xf32>
    %broadcast_in_dim3A = vector.shape_cast %reduce_max3A_32 : vector<1024xf32> to vector<1024x1xf32>
    %eq3A_33 = vector.broadcast %broadcast_in_dim3A : vector<1024x1xf32> to vector<1024x8xf32>
    %eq3A_34 = arith.cmpf oeq, %add3A_31, %eq3A_33 : vector<1024x8xf32>
    %jit3A = arith.constant 8 : i32
    %broadcast_in_dim3A_35 = vector.broadcast %jit3A : i32 to vector<1024x8xi32>
    %select_n3A = arith.select %eq3A_34, %iota3A, %broadcast_in_dim3A_35 : vector<1024x8xi1>, vector<1024x8xi32>
    %reduce_min3A = arith.constant dense<2147483647> : vector<1024xi32>
    %reduce_min3A_36 = vector.multi_reduction <minsi>, %select_n3A, %reduce_min3A [1] : vector<1024x8xi32> to vector<1024xi32>
    %broadcast_in_dim3A_37 = vector.shape_cast %reduce_min3A_36 : vector<1024xi32> to vector<1024x1xi32>
    %eq3A_38 = vector.broadcast %broadcast_in_dim3A_37 : vector<1024x1xi32> to vector<1024x8xi32>
    %eq3A_39 = arith.cmpi eq, %iota3A, %eq3A_38 : vector<1024x8xi32>
    %jit3A_40 = arith.constant 0xFF800000 : f32
    %broadcast_in_dim3A_41 = vector.broadcast %jit3A_40 : f32 to vector<1024x8xf32>
    %select_n3A_42 = arith.select %eq3A_39, %broadcast_in_dim3A_41, %add3A_31 : vector<1024x8xi1>, vector<1024x8xf32>
    %reduce_max3A_43 = arith.constant dense<0xFF800000> : vector<1024xf32>
    %reduce_max3A_44 = vector.multi_reduction <maximumf>, %select_n3A_42, %reduce_max3A_43 [1] : vector<1024x8xf32> to vector<1024xf32>
    %broadcast_in_dim3A_45 = vector.shape_cast %reduce_max3A_44 : vector<1024xf32> to vector<1024x1xf32>
    %eq3A_46 = vector.broadcast %broadcast_in_dim3A_45 : vector<1024x1xf32> to vector<1024x8xf32>
    %eq3A_47 = arith.cmpf oeq, %select_n3A_42, %eq3A_46 : vector<1024x8xf32>
    %jit3A_48 = arith.constant 8 : i32
    %broadcast_in_dim3A_49 = vector.broadcast %jit3A_48 : i32 to vector<1024x8xi32>
    %select_n3A_50 = arith.select %eq3A_47, %iota3A, %broadcast_in_dim3A_49 : vector<1024x8xi1>, vector<1024x8xi32>
    %reduce_min3A_51 = arith.constant dense<2147483647> : vector<1024xi32>
    %reduce_min3A_52 = vector.multi_reduction <minsi>, %select_n3A_50, %reduce_min3A_51 [1] : vector<1024x8xi32> to vector<1024xi32>
    %broadcast_in_dim3A_53 = vector.shape_cast %reduce_min3A_52 : vector<1024xi32> to vector<1024x1xi32>
    %sub3A = arith.subf %broadcast_in_dim3A_45, %broadcast_in_dim3A : vector<1024x1xf32>
    %exp3A = math.exp %sub3A : vector<1024x1xf32>
    %add3A_54 = arith.constant 1.000000e+00 : f32
    %add3A_55 = vector.broadcast %add3A_54 : f32 to vector<1024x1xf32>
    %add3A_56 = arith.addf %add3A_55, %exp3A : vector<1024x1xf32>
    %div3A = arith.constant 1.000000e+00 : f32
    %div3A_57 = vector.broadcast %div3A : f32 to vector<1024x1xf32>
    %div3A_58 = arith.divf %div3A_57, %add3A_56 : vector<1024x1xf32>
    %eq3A_59 = vector.broadcast %broadcast_in_dim3A_37 : vector<1024x1xi32> to vector<1024x8xi32>
    %eq3A_60 = arith.cmpi eq, %iota3A, %eq3A_59 : vector<1024x8xi32>
    %jit3A_61 = arith.constant 1.000000e+00 : f32
    %jit3A_62 = arith.constant 0.000000e+00 : f32
    %broadcast_in_dim3A_63 = vector.broadcast %jit3A_61 : f32 to vector<1024x8xf32>
    %broadcast_in_dim3A_64 = vector.broadcast %jit3A_62 : f32 to vector<1024x8xf32>
    %select_n3A_65 = arith.select %eq3A_60, %broadcast_in_dim3A_63, %broadcast_in_dim3A_64 : vector<1024x8xi1>, vector<1024x8xf32>
    %eq3A_66 = vector.broadcast %broadcast_in_dim3A_53 : vector<1024x1xi32> to vector<1024x8xi32>
    %eq3A_67 = arith.cmpi eq, %iota3A, %eq3A_66 : vector<1024x8xi32>
    %jit3A_68 = arith.constant 1.000000e+00 : f32
    %jit3A_69 = arith.constant 0.000000e+00 : f32
    %broadcast_in_dim3A_70 = vector.broadcast %jit3A_68 : f32 to vector<1024x8xf32>
    %broadcast_in_dim3A_71 = vector.broadcast %jit3A_69 : f32 to vector<1024x8xf32>
    %select_n3A_72 = arith.select %eq3A_67, %broadcast_in_dim3A_70, %broadcast_in_dim3A_71 : vector<1024x8xi1>, vector<1024x8xf32>
    %add3A_73 = arith.addf %select_n3A_65, %select_n3A_72 : vector<1024x8xf32>
    %iota3A_74 = tpu.iota {dimensions = array<i32: 0>} : vector<1024x1024xi32>
    %iota3A_75 = tpu.iota {dimensions = array<i32: 1>} : vector<1024x1024xi32>
    %gt3A = arith.cmpi sgt, %iota3A_74, %iota3A_75 : vector<1024x1024xi32>
    %jit3A_76 = arith.constant 1.000000e+00 : f32
    %jit3A_77 = arith.constant 0.000000e+00 : f32
    %broadcast_in_dim3A_78 = vector.broadcast %jit3A_76 : f32 to vector<1024x1024xf32>
    %broadcast_in_dim3A_79 = vector.broadcast %jit3A_77 : f32 to vector<1024x1024xf32>
    %select_n3A_80 = arith.select %gt3A, %broadcast_in_dim3A_78, %broadcast_in_dim3A_79 : vector<1024x1024xi1>, vector<1024x1024xf32>
    %dot_general3A_81 = arith.constant dense<0.000000e+00> : vector<1024x8xf32>
    %dot_general3A_82 = tpu.matmul %select_n3A_80, %add3A_73, %dot_general3A_81 {dimension_numbers = #tpu.dot_dimension_numbers<[1], [0], [0], [1], [0, 0, 1, 1], [], []>, transpose_lhs_hint = false} : vector<1024x1024xf32>, vector<1024x8xf32>, vector<1024x8xf32> -> vector<1024x8xf32>
    %get3A_83 = arith.constant 0 : index
    %get3A_84 = arith.constant 0 : index
    %get3A_85 = vector.load %arg10[%get3A_83, %get3A_84] : memref<1x8xf32, #tpu.memory_space<vmem>>, vector<1x8xf32>
    %add3A_86 = vector.broadcast %get3A_85 : vector<1x8xf32> to vector<1024x8xf32>
    %add3A_87 = arith.addf %dot_general3A_82, %add3A_86 : vector<1024x8xf32>
    %eq3A_88 = vector.broadcast %broadcast_in_dim3A_37 : vector<1024x1xi32> to vector<1024x8xi32>
    %eq3A_89 = arith.cmpi eq, %iota3A, %eq3A_88 : vector<1024x8xi32>
    %jit3A_90 = arith.constant 0.000000e+00 : f32
    %broadcast_in_dim3A_91 = vector.broadcast %jit3A_90 : f32 to vector<1024x8xf32>
    %select_n3A_92 = arith.select %eq3A_89, %add3A_87, %broadcast_in_dim3A_91 : vector<1024x8xi1>, vector<1024x8xf32>
    %reduce_sum3A = arith.constant dense<0.000000e+00> : vector<1024xf32>
    %reduce_sum3A_93 = vector.multi_reduction <add>, %select_n3A_92, %reduce_sum3A [1] : vector<1024x8xf32> to vector<1024xf32>
    %broadcast_in_dim3A_94 = vector.shape_cast %reduce_sum3A_93 : vector<1024xf32> to vector<1024x1xf32>
    %eq3A_95 = vector.broadcast %broadcast_in_dim3A_53 : vector<1024x1xi32> to vector<1024x8xi32>
    %eq3A_96 = arith.cmpi eq, %iota3A, %eq3A_95 : vector<1024x8xi32>
    %jit3A_97 = arith.constant 0.000000e+00 : f32
    %broadcast_in_dim3A_98 = vector.broadcast %jit3A_97 : f32 to vector<1024x8xf32>
    %select_n3A_99 = arith.select %eq3A_96, %add3A_87, %broadcast_in_dim3A_98 : vector<1024x8xi1>, vector<1024x8xf32>
    %reduce_sum3A_100 = arith.constant dense<0.000000e+00> : vector<1024xf32>
    %reduce_sum3A_101 = vector.multi_reduction <add>, %select_n3A_99, %reduce_sum3A_100 [1] : vector<1024x8xf32> to vector<1024xf32>
    %broadcast_in_dim3A_102 = vector.shape_cast %reduce_sum3A_101 : vector<1024xf32> to vector<1024x1xf32>
    %concatenate3A = tpu.concatenate %broadcast_in_dim3A_37, %broadcast_in_dim3A_53 in 1 : vector<1024x1xi32>, vector<1024x1xi32> -> vector<1024x2xi32>
    %swap3A_103 = arith.constant 0 : index
    %swap3A_104 = arith.constant 0 : index
    %swap3A_105 = vector.load %arg4[%swap3A_103, %swap3A_104] : memref<1024x2xi32, #tpu.memory_space<vmem>>, vector<1024x2xi32>
    tpu.vector_store %arg4[%swap3A_103, %swap3A_104], %concatenate3A {strides = array<i32>} : memref<1024x2xi32, #tpu.memory_space<vmem>>, vector<1024x2xi32>,
    %swap3A_106 = arith.constant 0 : index
    %swap3A_107 = arith.constant 0 : index
    %swap3A_108 = vector.load %arg5[%swap3A_106, %swap3A_107] : memref<1024x1xf32, #tpu.memory_space<vmem>>, vector<1024x1xf32>
    tpu.vector_store %arg5[%swap3A_106, %swap3A_107], %div3A_58 {strides = array<i32>} : memref<1024x1xf32, #tpu.memory_space<vmem>>, vector<1024x1xf32>,
    %sub3A_109 = arith.constant 1.000000e+00 : f32
    %sub3A_110 = vector.broadcast %sub3A_109 : f32 to vector<1024x1xf32>
    %sub3A_111 = arith.subf %sub3A_110, %div3A_58 : vector<1024x1xf32>
    %swap3A_112 = arith.constant 0 : index
    %swap3A_113 = arith.constant 0 : index
    %swap3A_114 = vector.load %arg6[%swap3A_112, %swap3A_113] : memref<1024x1xf32, #tpu.memory_space<vmem>>, vector<1024x1xf32>
    tpu.vector_store %arg6[%swap3A_112, %swap3A_113], %sub3A_111 {strides = array<i32>} : memref<1024x1xf32, #tpu.memory_space<vmem>>, vector<1024x1xf32>,
    %concatenate3A_115 = tpu.concatenate %broadcast_in_dim3A_94, %broadcast_in_dim3A_102 in 1 : vector<1024x1xf32>, vector<1024x1xf32> -> vector<1024x2xf32>
    %convert_element_type3A_116 = arith.fptosi %concatenate3A_115 : vector<1024x2xf32> to vector<1024x2xi32>
    %swap3A_117 = arith.constant 0 : index
    %swap3A_118 = arith.constant 0 : index
    %swap3A_119 = vector.load %arg7[%swap3A_117, %swap3A_118] : memref<1024x2xi32, #tpu.memory_space<vmem>>, vector<1024x2xi32>
    tpu.vector_store %arg7[%swap3A_117, %swap3A_118], %convert_element_type3A_116 {strides = array<i32>} : memref<1024x2xi32, #tpu.memory_space<vmem>>, vector<1024x2xi32>,
    %get3A_120 = arith.constant 0 : index
    %get3A_121 = arith.constant 0 : index
    %get3A_122 = vector.load %arg10[%get3A_120, %get3A_121] : memref<1x8xf32, #tpu.memory_space<vmem>>, vector<1x8xf32>
    %reduce_sum3A_123 = arith.constant dense<0.000000e+00> : vector<8xf32>
    %reduce_sum3A_124 = vector.multi_reduction <add>, %add3A_73, %reduce_sum3A_123 [0] : vector<1024x8xf32> to vector<8xf32>
    %broadcast_in_dim3A_125 = vector.shape_cast %reduce_sum3A_124 : vector<8xf32> to vector<1x8xf32>
    %add3A_126 = arith.addf %get3A_122, %broadcast_in_dim3A_125 : vector<1x8xf32>
    %swap3A_127 = arith.constant 0 : index
    %swap3A_128 = arith.constant 0 : index
    %swap3A_129 = vector.load %arg10[%swap3A_127, %swap3A_128] : memref<1x8xf32, #tpu.memory_space<vmem>>, vector<1x8xf32>
    tpu.vector_store %arg10[%swap3A_127, %swap3A_128], %add3A_126 {strides = array<i32>} : memref<1x8xf32, #tpu.memory_space<vmem>>, vector<1x8xf32>,
    %eq3A_130 = arith.constant 7 : i32
    %eq3A_131 = arith.cmpi eq, %arg0, %eq3A_130 : i32
    %convert_element_type3A_132 = arith.extui %eq3A_131 : i1 to i32
    %cond3A_133 = arith.constant 0 : i32
    %cond3A_134 = arith.cmpi ne, %convert_element_type3A_132, %cond3A_133 : i32
    scf.if %cond3A_134 {
      %convert_element_type3A_135 = arith.fptosi %add3A_126 : vector<1x8xf32> to vector<1x8xi32>
      %swap3A_136 = arith.constant 0 : index
      %swap3A_137 = arith.constant 0 : index
      %swap3A_138 = vector.load %arg8[%swap3A_136, %swap3A_137] : memref<1x8xi32, #tpu.memory_space<vmem>>, vector<1x8xi32>
      tpu.vector_store %arg8[%swap3A_136, %swap3A_137], %convert_element_type3A_135 {strides = array<i32>} : memref<1x8xi32, #tpu.memory_space<vmem>>, vector<1x8xi32>,
    } else {
    }
    return
  }
  func.func @transform_0(%arg0: i32) -> (i32, i32) {
    %c0_i32 = arith.constant 0 : i32
    %c0_i32_0 = arith.constant 0 : i32
    return %arg0, %c0_i32 : i32, i32
  }
  func.func @transform_1(%arg0: i32) -> (i32, i32) {
    %c0_i32 = arith.constant 0 : i32
    %c0_i32_0 = arith.constant 0 : i32
    %c0_i32_1 = arith.constant 0 : i32
    return %c0_i32, %c0_i32_0 : i32, i32
  }
  func.func @transform_2(%arg0: i32) -> (i32, i32) {
    %c0_i32 = arith.constant 0 : i32
    %c0_i32_0 = arith.constant 0 : i32
    %c0_i32_1 = arith.constant 0 : i32
    return %c0_i32, %c0_i32_0 : i32, i32
  }
  func.func @transform_3(%arg0: i32) -> (i32, i32) {
    %c0_i32 = arith.constant 0 : i32
    %c0_i32_0 = arith.constant 0 : i32
    return %arg0, %c0_i32 : i32, i32
  }
  func.func @transform_4(%arg0: i32) -> (i32, i32) {
    %c0_i32 = arith.constant 0 : i32
    %c0_i32_0 = arith.constant 0 : i32
    return %arg0, %c0_i32 : i32, i32
  }
  func.func @transform_5(%arg0: i32) -> (i32, i32) {
    %c0_i32 = arith.constant 0 : i32
    %c0_i32_0 = arith.constant 0 : i32
    return %arg0, %c0_i32 : i32, i32
  }
  func.func @transform_6(%arg0: i32) -> (i32, i32) {
    %c0_i32 = arith.constant 0 : i32
    %c0_i32_0 = arith.constant 0 : i32
    return %arg0, %c0_i32 : i32, i32
  }
  func.func @transform_7(%arg0: i32) -> (i32, i32) {
    %c0_i32 = arith.constant 0 : i32
    %c0_i32_0 = arith.constant 0 : i32
    %c0_i32_1 = arith.constant 0 : i32
    return %c0_i32, %c0_i32_0 : i32, i32
  }
  func.func @transform_8(%arg0: i32) -> (i32, i32) {
    %c0_i32 = arith.constant 0 : i32
    %c0_i32_0 = arith.constant 0 : i32
    return %arg0, %c0_i32 : i32, i32
  }
}

module attributes {stable_mosaic.version = 14 : i64} {
  func.func @_gffn_body(%arg0: i32, %arg1: memref<72xi32, #tpu.memory_space<smem>>, %arg2: memref<256x512xi32, #tpu.memory_space<vmem>>, %arg3: memref<1x1024x2048xf32, #tpu.memory_space<vmem>>, %arg4: memref<1x1x2048xf32, #tpu.memory_space<vmem>>, %arg5: memref<1x2048x1792xf32, #tpu.memory_space<vmem>>, %arg6: memref<1x1x1792xf32, #tpu.memory_space<vmem>>, %arg7: memref<256x896xi32, #tpu.memory_space<vmem>>) attributes {dimension_semantics = [#tpu.dimension_semantics<arbitrary>], iteration_bounds = array<i64: 72>, scalar_prefetch = 1 : i64, scratch_operands = 0 : i64, tpu.core_type = #tpu.core_type<tc>, window_params = [{transform_indices = @transform_0, window_bounds = array<i64: 256, 512>}, {transform_indices = @transform_1, window_bounds = array<i64: 1, 1024, 2048>}, {transform_indices = @transform_2, window_bounds = array<i64: 1, 1, 2048>}, {transform_indices = @transform_3, window_bounds = array<i64: 1, 2048, 1792>}, {transform_indices = @transform_4, window_bounds = array<i64: 1, 1, 1792>}, {transform_indices = @transform_5, window_bounds = array<i64: 256, 896>}]} {
    %get3A = arith.constant 0 : index
    %get3A_0 = arith.constant 0 : index
    %get3A_1 = vector.load %arg2[%get3A, %get3A_0] : memref<256x512xi32, #tpu.memory_space<vmem>>, vector<256x512xi32>
    %bitcast_convert_type3A = tpu.bitcast %get3A_1 : vector<256x512xi32> -> vector<256x512xi32>
    %and3A = arith.constant 65535 : i32
    %and3A_2 = vector.broadcast %and3A : i32 to vector<256x512xi32>
    %and3A_3 = arith.andi %bitcast_convert_type3A, %and3A_2 : vector<256x512xi32>
    %shift_left3A = arith.constant 16 : i32
    %shift_left3A_4 = vector.broadcast %shift_left3A : i32 to vector<256x512xi32>
    %shift_left3A_5 = arith.shli %and3A_3, %shift_left3A_4 : vector<256x512xi32>
    %bitcast_convert_type3A_6 = tpu.bitcast %shift_left3A_5 : vector<256x512xi32> -> vector<256x512xf32>
    %and3A_7 = arith.constant -65536 : i32
    %and3A_8 = vector.broadcast %and3A_7 : i32 to vector<256x512xi32>
    %and3A_9 = arith.andi %bitcast_convert_type3A, %and3A_8 : vector<256x512xi32>
    %bitcast_convert_type3A_10 = tpu.bitcast %and3A_9 : vector<256x512xi32> -> vector<256x512xf32>
    %concatenate3A = tpu.concatenate %bitcast_convert_type3A_6, %bitcast_convert_type3A_10 in 1 : vector<256x512xf32>, vector<256x512xf32> -> vector<256x1024xf32>
    %get3A_11 = arith.constant 0 : index
    %get3A_12 = arith.constant 0 : index
    %get3A_13 = arith.constant 0 : index
    %get3A_14 = vector.load %arg3[%get3A_11, %get3A_12, %get3A_13] : memref<1x1024x2048xf32, #tpu.memory_space<vmem>>, vector<1x1024x2048xf32>
    %get3A_15 = vector.shape_cast %get3A_14 : vector<1x1024x2048xf32> to vector<1024x2048xf32>
    %dot_general3A = arith.constant dense<0.000000e+00> : vector<256x2048xf32>
    %dot_general3A_16 = tpu.matmul %concatenate3A, %get3A_15, %dot_general3A {dimension_numbers = #tpu.dot_dimension_numbers<[1], [0], [0], [1], [0, 0, 1, 1], [], []>, transpose_lhs_hint = false} : vector<256x1024xf32>, vector<1024x2048xf32>, vector<256x2048xf32> -> vector<256x2048xf32>
    %get3A_17 = arith.constant 0 : index
    %get3A_18 = arith.constant 0 : index
    %get3A_19 = arith.constant 0 : index
    %get3A_20 = vector.load %arg4[%get3A_17, %get3A_18, %get3A_19] : memref<1x1x2048xf32, #tpu.memory_space<vmem>>, vector<1x1x2048xf32>
    %get3A_21 = vector.shape_cast %get3A_20 : vector<1x1x2048xf32> to vector<1x2048xf32>
    %add3A = vector.broadcast %get3A_21 : vector<1x2048xf32> to vector<256x2048xf32>
    %add3A_22 = arith.addf %dot_general3A_16, %add3A : vector<256x2048xf32>
    %mul3A = arith.constant 5.000000e-01 : f32
    %mul3A_23 = vector.broadcast %mul3A : f32 to vector<256x2048xf32>
    %mul3A_24 = arith.mulf %mul3A_23, %add3A_22 : vector<256x2048xf32>
    %mul3A_25 = arith.constant 0.707106769 : f32
    %mul3A_26 = vector.broadcast %mul3A_25 : f32 to vector<256x2048xf32>
    %mul3A_27 = arith.mulf %add3A_22, %mul3A_26 : vector<256x2048xf32>
    %erf3A = math.erf %mul3A_27 : vector<256x2048xf32>
    %add3A_28 = arith.constant 1.000000e+00 : f32
    %add3A_29 = vector.broadcast %add3A_28 : f32 to vector<256x2048xf32>
    %add3A_30 = arith.addf %add3A_29, %erf3A : vector<256x2048xf32>
    %mul3A_31 = arith.mulf %mul3A_24, %add3A_30 : vector<256x2048xf32>
    %get3A_32 = arith.constant 0 : index
    %get3A_33 = arith.constant 0 : index
    %get3A_34 = arith.constant 0 : index
    %get3A_35 = vector.load %arg5[%get3A_32, %get3A_33, %get3A_34] : memref<1x2048x1792xf32, #tpu.memory_space<vmem>>, vector<1x2048x1792xf32>
    %get3A_36 = vector.shape_cast %get3A_35 : vector<1x2048x1792xf32> to vector<2048x1792xf32>
    %dot_general3A_37 = arith.constant dense<0.000000e+00> : vector<256x1792xf32>
    %dot_general3A_38 = tpu.matmul %mul3A_31, %get3A_36, %dot_general3A_37 {dimension_numbers = #tpu.dot_dimension_numbers<[1], [0], [0], [1], [0, 0, 1, 1], [], []>, transpose_lhs_hint = false} : vector<256x2048xf32>, vector<2048x1792xf32>, vector<256x1792xf32> -> vector<256x1792xf32>
    %get3A_39 = arith.constant 0 : index
    %get3A_40 = arith.constant 0 : index
    %get3A_41 = arith.constant 0 : index
    %get3A_42 = vector.load %arg6[%get3A_39, %get3A_40, %get3A_41] : memref<1x1x1792xf32, #tpu.memory_space<vmem>>, vector<1x1x1792xf32>
    %get3A_43 = vector.shape_cast %get3A_42 : vector<1x1x1792xf32> to vector<1x1792xf32>
    %add3A_44 = vector.broadcast %get3A_43 : vector<1x1792xf32> to vector<256x1792xf32>
    %add3A_45 = arith.addf %dot_general3A_38, %add3A_44 : vector<256x1792xf32>
    %bitcast_convert_type3A_46 = tpu.bitcast %add3A_45 : vector<256x1792xf32> -> vector<256x1792xi32>
    %add3A_47 = arith.constant 32767 : i32
    %add3A_48 = vector.broadcast %add3A_47 : i32 to vector<256x1792xi32>
    %add3A_49 = arith.addi %bitcast_convert_type3A_46, %add3A_48 : vector<256x1792xi32>
    %shift_right_logical3A = arith.constant 16 : i32
    %shift_right_logical3A_50 = vector.broadcast %shift_right_logical3A : i32 to vector<256x1792xi32>
    %shift_right_logical3A_51 = arith.shrui %bitcast_convert_type3A_46, %shift_right_logical3A_50 : vector<256x1792xi32>
    %and3A_52 = arith.constant 1 : i32
    %and3A_53 = vector.broadcast %and3A_52 : i32 to vector<256x1792xi32>
    %and3A_54 = arith.andi %shift_right_logical3A_51, %and3A_53 : vector<256x1792xi32>
    %add3A_55 = arith.addi %add3A_49, %and3A_54 : vector<256x1792xi32>
    %shift_right_logical3A_56 = arith.constant 16 : i32
    %shift_right_logical3A_57 = vector.broadcast %shift_right_logical3A_56 : i32 to vector<256x1792xi32>
    %shift_right_logical3A_58 = arith.shrui %add3A_55, %shift_right_logical3A_57 : vector<256x1792xi32>
    %slice3A = vector.extract_strided_slice %shift_right_logical3A_58 {offsets = [0, 0], sizes = [256, 896], strides = [1, 1]} : vector<256x1792xi32> to vector<256x896xi32>
    %slice3A_59 = vector.extract_strided_slice %shift_right_logical3A_58 {offsets = [0, 896], sizes = [256, 896], strides = [1, 1]} : vector<256x1792xi32> to vector<256x896xi32>
    %shift_left3A_60 = arith.constant 16 : i32
    %shift_left3A_61 = vector.broadcast %shift_left3A_60 : i32 to vector<256x896xi32>
    %shift_left3A_62 = arith.shli %slice3A_59, %shift_left3A_61 : vector<256x896xi32>
    %or3A = arith.ori %slice3A, %shift_left3A_62 : vector<256x896xi32>
    %bitcast_convert_type3A_63 = tpu.bitcast %or3A : vector<256x896xi32> -> vector<256x896xi32>
    %swap3A = arith.constant 0 : index
    %swap3A_64 = arith.constant 0 : index
    %swap3A_65 = vector.load %arg7[%swap3A, %swap3A_64] : memref<256x896xi32, #tpu.memory_space<vmem>>, vector<256x896xi32>
    tpu.vector_store %arg7[%swap3A, %swap3A_64], %bitcast_convert_type3A_63 {strides = array<i32>} : memref<256x896xi32, #tpu.memory_space<vmem>>, vector<256x896xi32>,
    return
  }
  func.func @transform_0(%arg0: i32, %arg1: memref<72xi32, #tpu.memory_space<smem>>) -> (i32, i32) {
    %c0_i32 = arith.constant 0 : i32
    %c0_i32_0 = arith.constant 0 : i32
    return %arg0, %c0_i32 : i32, i32
  }
  func.func @transform_1(%arg0: i32, %arg1: memref<72xi32, #tpu.memory_space<smem>>) -> (i32, i32, i32) {
    %get3A = arith.index_cast %arg0 : i32 to index
    %get3A_0 = memref.load %arg1[%get3A] : memref<72xi32, #tpu.memory_space<smem>>
    %c0_i32 = arith.constant 0 : i32
    %c0_i32_1 = arith.constant 0 : i32
    %c0_i32_2 = arith.constant 0 : i32
    return %get3A_0, %c0_i32, %c0_i32_1 : i32, i32, i32
  }
  func.func @transform_2(%arg0: i32, %arg1: memref<72xi32, #tpu.memory_space<smem>>) -> (i32, i32, i32) {
    %get3A = arith.index_cast %arg0 : i32 to index
    %get3A_0 = memref.load %arg1[%get3A] : memref<72xi32, #tpu.memory_space<smem>>
    %c0_i32 = arith.constant 0 : i32
    %c0_i32_1 = arith.constant 0 : i32
    %c0_i32_2 = arith.constant 0 : i32
    return %get3A_0, %c0_i32, %c0_i32_1 : i32, i32, i32
  }
  func.func @transform_3(%arg0: i32, %arg1: memref<72xi32, #tpu.memory_space<smem>>) -> (i32, i32, i32) {
    %get3A = arith.index_cast %arg0 : i32 to index
    %get3A_0 = memref.load %arg1[%get3A] : memref<72xi32, #tpu.memory_space<smem>>
    %c0_i32 = arith.constant 0 : i32
    %c0_i32_1 = arith.constant 0 : i32
    %c0_i32_2 = arith.constant 0 : i32
    return %get3A_0, %c0_i32, %c0_i32_1 : i32, i32, i32
  }
  func.func @transform_4(%arg0: i32, %arg1: memref<72xi32, #tpu.memory_space<smem>>) -> (i32, i32, i32) {
    %get3A = arith.index_cast %arg0 : i32 to index
    %get3A_0 = memref.load %arg1[%get3A] : memref<72xi32, #tpu.memory_space<smem>>
    %c0_i32 = arith.constant 0 : i32
    %c0_i32_1 = arith.constant 0 : i32
    %c0_i32_2 = arith.constant 0 : i32
    return %get3A_0, %c0_i32, %c0_i32_1 : i32, i32, i32
  }
  func.func @transform_5(%arg0: i32, %arg1: memref<72xi32, #tpu.memory_space<smem>>) -> (i32, i32) {
    %c0_i32 = arith.constant 0 : i32
    %c0_i32_0 = arith.constant 0 : i32
    return %arg0, %c0_i32 : i32, i32
  }
}

module attributes {stable_mosaic.version = 14 : i64} {
  func.func @_final_body(%arg0: i32, %arg1: memref<512x896xi32, #tpu.memory_space<vmem>>, %arg2: memref<512x896xi32, #tpu.memory_space<vmem>>, %arg3: memref<512x1xf32, #tpu.memory_space<vmem>>, %arg4: memref<512x1xf32, #tpu.memory_space<vmem>>, %arg5: memref<7x512x256xf32, #tpu.memory_space<vmem>>) attributes {dimension_semantics = [#tpu.dimension_semantics<arbitrary>], iteration_bounds = array<i64: 16>, scalar_prefetch = 0 : i64, scratch_operands = 0 : i64, tpu.core_type = #tpu.core_type<tc>, window_params = [{transform_indices = @transform_0, window_bounds = array<i64: 512, 896>}, {transform_indices = @transform_1, window_bounds = array<i64: 512, 896>}, {transform_indices = @transform_2, window_bounds = array<i64: 512, 1>}, {transform_indices = @transform_3, window_bounds = array<i64: 512, 1>}, {transform_indices = @transform_4, window_bounds = array<i64: 7, 512, 256>}]} {
    %get3A = arith.constant 0 : index
    %get3A_0 = arith.constant 0 : index
    %get3A_1 = vector.load %arg3[%get3A, %get3A_0] : memref<512x1xf32, #tpu.memory_space<vmem>>, vector<512x1xf32>
    %get3A_2 = arith.constant 0 : index
    %get3A_3 = arith.constant 0 : index
    %get3A_4 = vector.load %arg1[%get3A_2, %get3A_3] : memref<512x896xi32, #tpu.memory_space<vmem>>, vector<512x896xi32>
    %bitcast_convert_type3A = tpu.bitcast %get3A_4 : vector<512x896xi32> -> vector<512x896xi32>
    %and3A = arith.constant 65535 : i32
    %and3A_5 = vector.broadcast %and3A : i32 to vector<512x896xi32>
    %and3A_6 = arith.andi %bitcast_convert_type3A, %and3A_5 : vector<512x896xi32>
    %shift_left3A = arith.constant 16 : i32
    %shift_left3A_7 = vector.broadcast %shift_left3A : i32 to vector<512x896xi32>
    %shift_left3A_8 = arith.shli %and3A_6, %shift_left3A_7 : vector<512x896xi32>
    %bitcast_convert_type3A_9 = tpu.bitcast %shift_left3A_8 : vector<512x896xi32> -> vector<512x896xf32>
    %and3A_10 = arith.constant -65536 : i32
    %and3A_11 = vector.broadcast %and3A_10 : i32 to vector<512x896xi32>
    %and3A_12 = arith.andi %bitcast_convert_type3A, %and3A_11 : vector<512x896xi32>
    %bitcast_convert_type3A_13 = tpu.bitcast %and3A_12 : vector<512x896xi32> -> vector<512x896xf32>
    %concatenate3A = tpu.concatenate %bitcast_convert_type3A_9, %bitcast_convert_type3A_13 in 1 : vector<512x896xf32>, vector<512x896xf32> -> vector<512x1792xf32>
    %mul3A = vector.broadcast %get3A_1 : vector<512x1xf32> to vector<512x1792xf32>
    %mul3A_14 = arith.mulf %mul3A, %concatenate3A : vector<512x1792xf32>
    %get3A_15 = arith.constant 0 : index
    %get3A_16 = arith.constant 0 : index
    %get3A_17 = vector.load %arg4[%get3A_15, %get3A_16] : memref<512x1xf32, #tpu.memory_space<vmem>>, vector<512x1xf32>
    %get3A_18 = arith.constant 0 : index
    %get3A_19 = arith.constant 0 : index
    %get3A_20 = vector.load %arg2[%get3A_18, %get3A_19] : memref<512x896xi32, #tpu.memory_space<vmem>>, vector<512x896xi32>
    %bitcast_convert_type3A_21 = tpu.bitcast %get3A_20 : vector<512x896xi32> -> vector<512x896xi32>
    %and3A_22 = arith.constant 65535 : i32
    %and3A_23 = vector.broadcast %and3A_22 : i32 to vector<512x896xi32>
    %and3A_24 = arith.andi %bitcast_convert_type3A_21, %and3A_23 : vector<512x896xi32>
    %shift_left3A_25 = arith.constant 16 : i32
    %shift_left3A_26 = vector.broadcast %shift_left3A_25 : i32 to vector<512x896xi32>
    %shift_left3A_27 = arith.shli %and3A_24, %shift_left3A_26 : vector<512x896xi32>
    %bitcast_convert_type3A_28 = tpu.bitcast %shift_left3A_27 : vector<512x896xi32> -> vector<512x896xf32>
    %and3A_29 = arith.constant -65536 : i32
    %and3A_30 = vector.broadcast %and3A_29 : i32 to vector<512x896xi32>
    %and3A_31 = arith.andi %bitcast_convert_type3A_21, %and3A_30 : vector<512x896xi32>
    %bitcast_convert_type3A_32 = tpu.bitcast %and3A_31 : vector<512x896xi32> -> vector<512x896xf32>
    %concatenate3A_33 = tpu.concatenate %bitcast_convert_type3A_28, %bitcast_convert_type3A_32 in 1 : vector<512x896xf32>, vector<512x896xf32> -> vector<512x1792xf32>
    %mul3A_34 = vector.broadcast %get3A_17 : vector<512x1xf32> to vector<512x1792xf32>
    %mul3A_35 = arith.mulf %mul3A_34, %concatenate3A_33 : vector<512x1792xf32>
    %add3A = arith.addf %mul3A_14, %mul3A_35 : vector<512x1792xf32>
    %slice3A = vector.extract_strided_slice %add3A {offsets = [0, 0], sizes = [512, 256], strides = [1, 1]} : vector<512x1792xf32> to vector<512x256xf32>
    %swap3A = arith.constant 0 : index
    %swap3A_36 = arith.constant 0 : index
    %swap3A_37 = arith.constant 0 : index
    %swap3A_38 = vector.load %arg5[%swap3A, %swap3A_36, %swap3A_37] : memref<7x512x256xf32, #tpu.memory_space<vmem>>, vector<1x512x256xf32>
    %swap3A_39 = vector.shape_cast %swap3A_38 : vector<1x512x256xf32> to vector<512x256xf32>
    %swap3A_40 = vector.shape_cast %slice3A : vector<512x256xf32> to vector<1x512x256xf32>
    tpu.vector_store %arg5[%swap3A, %swap3A_36, %swap3A_37], %swap3A_40 {strides = array<i32>} : memref<7x512x256xf32, #tpu.memory_space<vmem>>, vector<1x512x256xf32>,
    %slice3A_41 = vector.extract_strided_slice %add3A {offsets = [0, 256], sizes = [512, 256], strides = [1, 1]} : vector<512x1792xf32> to vector<512x256xf32>
    %swap3A_42 = arith.constant 1 : index
    %swap3A_43 = arith.constant 0 : index
    %swap3A_44 = arith.constant 0 : index
    %swap3A_45 = vector.load %arg5[%swap3A_42, %swap3A_43, %swap3A_44] : memref<7x512x256xf32, #tpu.memory_space<vmem>>, vector<1x512x256xf32>
    %swap3A_46 = vector.shape_cast %swap3A_45 : vector<1x512x256xf32> to vector<512x256xf32>
    %swap3A_47 = vector.shape_cast %slice3A_41 : vector<512x256xf32> to vector<1x512x256xf32>
    tpu.vector_store %arg5[%swap3A_42, %swap3A_43, %swap3A_44], %swap3A_47 {strides = array<i32>} : memref<7x512x256xf32, #tpu.memory_space<vmem>>, vector<1x512x256xf32>,
    %slice3A_48 = vector.extract_strided_slice %add3A {offsets = [0, 512], sizes = [512, 256], strides = [1, 1]} : vector<512x1792xf32> to vector<512x256xf32>
    %swap3A_49 = arith.constant 2 : index
    %swap3A_50 = arith.constant 0 : index
    %swap3A_51 = arith.constant 0 : index
    %swap3A_52 = vector.load %arg5[%swap3A_49, %swap3A_50, %swap3A_51] : memref<7x512x256xf32, #tpu.memory_space<vmem>>, vector<1x512x256xf32>
    %swap3A_53 = vector.shape_cast %swap3A_52 : vector<1x512x256xf32> to vector<512x256xf32>
    %swap3A_54 = vector.shape_cast %slice3A_48 : vector<512x256xf32> to vector<1x512x256xf32>
    tpu.vector_store %arg5[%swap3A_49, %swap3A_50, %swap3A_51], %swap3A_54 {strides = array<i32>} : memref<7x512x256xf32, #tpu.memory_space<vmem>>, vector<1x512x256xf32>,
    %slice3A_55 = vector.extract_strided_slice %add3A {offsets = [0, 768], sizes = [512, 256], strides = [1, 1]} : vector<512x1792xf32> to vector<512x256xf32>
    %swap3A_56 = arith.constant 3 : index
    %swap3A_57 = arith.constant 0 : index
    %swap3A_58 = arith.constant 0 : index
    %swap3A_59 = vector.load %arg5[%swap3A_56, %swap3A_57, %swap3A_58] : memref<7x512x256xf32, #tpu.memory_space<vmem>>, vector<1x512x256xf32>
    %swap3A_60 = vector.shape_cast %swap3A_59 : vector<1x512x256xf32> to vector<512x256xf32>
    %swap3A_61 = vector.shape_cast %slice3A_55 : vector<512x256xf32> to vector<1x512x256xf32>
    tpu.vector_store %arg5[%swap3A_56, %swap3A_57, %swap3A_58], %swap3A_61 {strides = array<i32>} : memref<7x512x256xf32, #tpu.memory_space<vmem>>, vector<1x512x256xf32>,
    %slice3A_62 = vector.extract_strided_slice %add3A {offsets = [0, 1024], sizes = [512, 256], strides = [1, 1]} : vector<512x1792xf32> to vector<512x256xf32>
    %swap3A_63 = arith.constant 4 : index
    %swap3A_64 = arith.constant 0 : index
    %swap3A_65 = arith.constant 0 : index
    %swap3A_66 = vector.load %arg5[%swap3A_63, %swap3A_64, %swap3A_65] : memref<7x512x256xf32, #tpu.memory_space<vmem>>, vector<1x512x256xf32>
    %swap3A_67 = vector.shape_cast %swap3A_66 : vector<1x512x256xf32> to vector<512x256xf32>
    %swap3A_68 = vector.shape_cast %slice3A_62 : vector<512x256xf32> to vector<1x512x256xf32>
    tpu.vector_store %arg5[%swap3A_63, %swap3A_64, %swap3A_65], %swap3A_68 {strides = array<i32>} : memref<7x512x256xf32, #tpu.memory_space<vmem>>, vector<1x512x256xf32>,
    %slice3A_69 = vector.extract_strided_slice %add3A {offsets = [0, 1280], sizes = [512, 256], strides = [1, 1]} : vector<512x1792xf32> to vector<512x256xf32>
    %swap3A_70 = arith.constant 5 : index
    %swap3A_71 = arith.constant 0 : index
    %swap3A_72 = arith.constant 0 : index
    %swap3A_73 = vector.load %arg5[%swap3A_70, %swap3A_71, %swap3A_72] : memref<7x512x256xf32, #tpu.memory_space<vmem>>, vector<1x512x256xf32>
    %swap3A_74 = vector.shape_cast %swap3A_73 : vector<1x512x256xf32> to vector<512x256xf32>
    %swap3A_75 = vector.shape_cast %slice3A_69 : vector<512x256xf32> to vector<1x512x256xf32>
    tpu.vector_store %arg5[%swap3A_70, %swap3A_71, %swap3A_72], %swap3A_75 {strides = array<i32>} : memref<7x512x256xf32, #tpu.memory_space<vmem>>, vector<1x512x256xf32>,
    %slice3A_76 = vector.extract_strided_slice %add3A {offsets = [0, 1536], sizes = [512, 256], strides = [1, 1]} : vector<512x1792xf32> to vector<512x256xf32>
    %swap3A_77 = arith.constant 6 : index
    %swap3A_78 = arith.constant 0 : index
    %swap3A_79 = arith.constant 0 : index
    %swap3A_80 = vector.load %arg5[%swap3A_77, %swap3A_78, %swap3A_79] : memref<7x512x256xf32, #tpu.memory_space<vmem>>, vector<1x512x256xf32>
    %swap3A_81 = vector.shape_cast %swap3A_80 : vector<1x512x256xf32> to vector<512x256xf32>
    %swap3A_82 = vector.shape_cast %slice3A_76 : vector<512x256xf32> to vector<1x512x256xf32>
    tpu.vector_store %arg5[%swap3A_77, %swap3A_78, %swap3A_79], %swap3A_82 {strides = array<i32>} : memref<7x512x256xf32, #tpu.memory_space<vmem>>, vector<1x512x256xf32>,
    return
  }
  func.func @transform_0(%arg0: i32) -> (i32, i32) {
    %c0_i32 = arith.constant 0 : i32
    %c0_i32_0 = arith.constant 0 : i32
    return %arg0, %c0_i32 : i32, i32
  }
  func.func @transform_1(%arg0: i32) -> (i32, i32) {
    %c0_i32 = arith.constant 0 : i32
    %c0_i32_0 = arith.constant 0 : i32
    return %arg0, %c0_i32 : i32, i32
  }
  func.func @transform_2(%arg0: i32) -> (i32, i32) {
    %c0_i32 = arith.constant 0 : i32
    %c0_i32_0 = arith.constant 0 : i32
    return %arg0, %c0_i32 : i32, i32
  }
  func.func @transform_3(%arg0: i32) -> (i32, i32) {
    %c0_i32 = arith.constant 0 : i32
    %c0_i32_0 = arith.constant 0 : i32
    return %arg0, %c0_i32 : i32, i32
  }
  func.func @transform_4(%arg0: i32) -> (i32, i32, i32) {
    %c0_i32 = arith.constant 0 : i32
    %c0_i32_0 = arith.constant 0 : i32
    %c0_i32_1 = arith.constant 0 : i32
    return %c0_i32, %arg0, %c0_i32_0 : i32, i32, i32
  }
}

</mosaic_0001>

<sc_bundles>
// kernel: kernel.10.cloned.1.call-start
scs
__scs_entry_jumppad:
0x0: {  	(pc) =	sbr.rel $0x88, $3  }
0x1: {  	(tag) =	ssettag $0x0;
	lr =	simm.s32 $0x1  }
0x2: {  	[smem:$0x3F9A] =	sst lr;
	_ =	strace $0xD0000000  }
0x3: {  	_ = 	snop  }
0x4: {  	_ = 	snop  }
0x5: {  	_ = 	snop  }
0x6: {  	_ = 	snop  }
0x7: {  	_ = 	snop  }
__scs_overlays_trampoline_lowered:
0x8: {  	[smem:$0x3FA9] =	sst s0  }
0x9: {  	[smem:$0x3FAA] =	sst s1  }
0xa: {  	[smem:$0x3FAB] =	sst s2  }
0xb: {  	[smem:$0x3FAC] =	sst s3  }
0xc: {  	[smem:$0x3FAD] =	sst s4  }
0xd: {  	[smem:$0x3FAE] =	sst s5  }
0xe: {  	[smem:$0x3FAF] =	sst s6  }
0xf: {  	[smem:$0x3FB0] =	sst s7  }
0x10: {  	[smem:$0x3FB1] =	sst s8  }
0x11: {  	[smem:$0x3FB2] =	sst s9;
	s0 =	simm.s32 @!p0 $0x0  }
0x12: {  	s1 =	sld [smem:$0x3F98];
	s0 =	simm.s32 @p0 $0x1  }
0x13: {  	[smem:$0x3FB3] =	sst s0;
	s0 =	simm.s32 @!p1 $0x0  }
0x14: {  	s2 =	sld [smem:$0x3F97];
	s0 =	simm.s32 @p1 $0x1  }
0x15: {  	[smem:$0x3FB4] =	sst s0;
	s0 =	simm.s32 @!p2 $0x0  }
0x16: {  	s3 =	sld [smem:$0x3FDB];
	s0 =	simm.s32 @p2 $0x1  }
0x17: {  	s4 =	simm.s32 $0x1BF5;
	[smem:$0x3FB6] =	sst s0  }
0x18: {  	s0 =	sld [smem:$0x3F99];
	_ =	swait.ge [sflag:s4], $0x0  }
0x19: {  	s7 =	sld [smem:$0x3F9A]  }
0x1a: {  	s8 =	sadd.s32 $0xFFFFE003, lr  }
0x1b: {  	s9 =	sadd.s32 $0xFFFFFEF7, lr;
	s5 =	simm.s32 $0xFFFFFFFF;
	p2 =	slt.u32 s8, $0xFFFFF086  }
0x1c: {  	p1 =	slt.u32 s9, $0xF7A;
	s5 =	simm.s32 @!p2 $0x0  }
0x1d: {  	s5 =	simm.s32 @p1 $0x1;
	p0 =	seq.s32 s7, s2  }
0x1e: {  	s7 =	smul.u32 @!p0 $0xF7A, s2;
	p2 =	seq.s32 @!p0 s5, $0x0  }
0x1f: {  	s9 =	smul.u32 $0xF7A, s1;
	s8 =	simm.s32 @!p0 $0x1BF5;
	p2 =	por !p2, p0  }
0x20: {  	[sflag:s8] =	ssyncset.s32 @!p0 $0xFFFFF086;
	s6 =	sadd.s32 @!p0 s3, s7;
	s7 =	simm.s32 @!p0 $0x108  }
0x21: {  	s3 =	sadd.s32 s3, s9;
	s6 =	sadd.s32 @!p0 $0x88, s6;
	s7 =	simm.s32 @p2 $0x1082  }
0x22: {  	[simem:s7], [sflag:s8] =	dma.local @!p0 [hbm:s6], $0xF7A  }
0x23: {  	s9 =	sor.u32 $0xD0000000, s2;
	s6 =	simm.s32 $0x108;
	_ =	swait.ge @!p0 [sflag:s8], $0x0  }
0x24: {  	s3 =	sadd.s32 $0x88, s3;
	s6 =	simm.s32 @!p1 $0x1082;
	[sflag:s4] =	ssyncset.s32 $0xFFFFF086  }
0x25: {  	[simem:s6], [sflag:s4] =	dma.local [hbm:s3], $0xF7A  }
0x26: {  	[smem:$0x3F9A] =	sst s1;
	(tag) =	ssettag s2;
	_ =	strace s9  }
0x27: {  	s1 =	sld [smem:$0x3FAA]  }
0x28: {  	s2 =	sld [smem:$0x3FAB]  }
0x29: {  	s4 =	sld [smem:$0x3FAD]  }
0x2a: {  	p0 =	seq.s32 s5, $0x0;
	s5 =	sld [smem:$0x3FAE]  }
0x2b: {  	s6 =	sld [smem:$0x3FAF]  }
0x2c: {  	s7 =	sld [smem:$0x3FB0]  }
0x2d: {  	s3 =	simm.s32 $0x108;
	s8 =	sld [smem:$0x3FB1]  }
0x2e: {  	s3 =	simm.s32 @!p0 $0x1082;
	s9 =	sld [smem:$0x3FB2]  }
0x2f: {  	lr =	sadd.s32 s0, s3;
	s0 =	sld [smem:$0x3FA9]  }
0x30: {  	s3 =	sld [smem:$0x3FAC]  }
0x31: {  	[smem:$0x3FB5] =	sst s10  }
0x32: {  	s10 =	sld [smem:$0x3FB3];
	_ =	sdelay $0x3  }
0x33: {  	p0 =	seq.s32 s10, $0x1;
	s10 =	sld [smem:$0x3FB5];
	_ =	sdelay $0x3  }
0x34: {  	[smem:$0x3FB5] =	sst s10  }
0x35: {  	s10 =	sld [smem:$0x3FB4];
	_ =	sdelay $0x3  }
0x36: {  	p1 =	seq.s32 s10, $0x1;
	s10 =	sld [smem:$0x3FB5];
	_ =	sdelay $0x3  }
0x37: {  	[smem:$0x3FB5] =	sst s10  }
0x38: {  	s10 =	sld [smem:$0x3FB6]  }
0x39: {  	_ = 	snop;
	(pc) =	sbr.ind lr, $3  }
0x3a: {  	_ = 	snop  }
0x3b: {  	_ = 	snop  }
0x3c: {  	p2 =	seq.s32 s10, $0x1;
	s10 =	sld [smem:$0x3FB5]  }
0x3d: {  	_ =	shalt  }
0x3e: {  	_ =	shalt  }
0x3f: {  	_ =	shalt  }
0x40: {  	_ =	shalt  }
0x41: {  	_ =	shalt  }
0x42: {  	_ =	shalt  }
0x43: {  	_ =	shalt  }
0x44: {  	_ =	shalt  }
0x45: {  	_ =	shalt  }
0x46: {  	_ =	shalt  }
0x47: {  	_ =	shalt  }
0x48: {  	_ =	shalt  }
0x49: {  	_ =	shalt  }
0x4a: {  	_ =	shalt  }
0x4b: {  	_ =	shalt  }
0x4c: {  	_ =	shalt  }
0x4d: {  	_ =	shalt  }
0x4e: {  	_ =	shalt  }
0x4f: {  	_ =	shalt  }
0x50: {  	_ =	shalt  }
0x51: {  	_ =	shalt  }
0x52: {  	_ =	shalt  }
0x53: {  	_ =	shalt  }
0x54: {  	_ =	shalt  }
0x55: {  	_ =	shalt  }
0x56: {  	_ =	shalt  }
0x57: {  	_ =	shalt  }
0x58: {  	_ =	shalt  }
0x59: {  	_ =	shalt  }
0x5a: {  	_ =	shalt  }
0x5b: {  	_ =	shalt  }
0x5c: {  	_ =	shalt  }
0x5d: {  	_ =	shalt  }
0x5e: {  	_ =	shalt  }
0x5f: {  	_ =	shalt  }
0x60: {  	_ =	shalt  }
0x61: {  	_ =	shalt  }
0x62: {  	_ =	shalt  }
0x63: {  	_ =	shalt  }
0x64: {  	_ =	shalt  }
0x65: {  	_ =	shalt  }
0x66: {  	_ =	shalt  }
0x67: {  	_ =	shalt  }
0x68: {  	_ =	shalt  }
0x69: {  	_ =	shalt  }
0x6a: {  	_ =	shalt  }
0x6b: {  	_ =	shalt  }
0x6c: {  	_ =	shalt  }
0x6d: {  	_ =	shalt  }
0x6e: {  	_ =	shalt  }
0x6f: {  	_ =	shalt  }
0x70: {  	_ =	shalt  }
0x71: {  	_ =	shalt  }
0x72: {  	_ =	shalt  }
0x73: {  	_ =	shalt  }
0x74: {  	_ =	shalt  }
0x75: {  	_ =	shalt  }
0x76: {  	_ =	shalt  }
0x77: {  	_ =	shalt  }
0x78: {  	_ =	shalt  }
0x79: {  	_ =	shalt  }
0x7a: {  	_ =	shalt  }
0x7b: {  	_ =	shalt  }
0x7c: {  	_ =	shalt  }
0x7d: {  	_ =	shalt  }
0x7e: {  	_ =	shalt  }
0x7f: {  	_ =	shalt  }
0x80: {  	_ =	shalt  }
0x81: {  	_ =	shalt  }
0x82: {  	_ =	shalt  }
0x83: {  	_ =	shalt  }
0x84: {  	_ =	shalt  }
0x85: {  	_ =	shalt  }
0x86: {  	_ =	shalt  }
0x87: {  	_ =	shalt  }
.Lfunc_end0:
.L_simem_size_0:
called_computation.1_lowered:
.L_overlay_start_0:
0x88: {  	s2 =	sld [smem:$0x3FD9]  }
0x89: {  	s3 =	sld [smem:$0x3FFE];
	_ =	sdelay $0x1  }
0x8a: {  	s1 =	srdreg.scid  }
0x8b: {  	s0 =	sand.u32 $0x1, s1  }
0x8c: {  	s16 =	sshll.u32 s0, $0xA;
	s2 =	sadd.s32 s3, s2  }
0x8d: {  	s2 =	sadd.s32 s2, s16  }
0x8e: {  	[smem:$0x3FC1] =	sst s2  }
0x8f: {  	_ = 	snop  }
0x90: {  	(tm) =	ssettm $0x1  }
0x91: {  	s17 =	sld [smem:$0x3FFB];
	_ =	sdelay $0x3  }
0x92: {  	_ =	strace s17  }
0x93: {  	s2 =	sld [smem:$0x3FFC];
	_ =	sdelay $0x3  }
0x94: {  	_ =	strace s2  }
0x95: {  	s2 =	sld [smem:$0x3FFD];
	_ =	sdelay $0x3  }
0x96: {  	_ =	strace s2  }
0x97: {  	_ =	strace $0x8FFFFFFF  }
0x98: {  	s18 =	sld [smem:$0x3FDB];
	_ =	sdelay $0x1  }
0x99: {  	s19 =	simm.s32 $_scs_section_size  }
0x9a: {  	s4 =	simm.s32 $_size__tile_overlayer_lowered;
	s5 =	simm.s32 $_tile_overlayer_lowered  }
0x9b: {  	s22 =	simm.s32 $0x1BFF;
	s21 =	sshll.u32 s5, $0x1;
	s2 =	sadd.s32 s19, s18  }
0x9c: {  	s6 =	simm.s32 $0x0;
	s20 =	sshll.u32 s4, $0x1;
	s4 =	sadd.s32 s21, s2  }
0x9d: {  	[timem:s6], [sflag:s22] =	dma.local [hbm:s4], s20  }
0x9e: {  	_ =	swait.ge [sflag:s22], s20  }
0x9f: {  	s3 =	ssub.s32 $0x0, s20;
	[sflag:s22] =	ssyncset.done $0x0  }
0xa0: {  	[sflag:s22] =	ssyncadd.s32 s3;
	_ =	sdelay $0x1  }
0xa1: {  	s23 =	simm.s32 $0x1B8B  }
0xa2: {  	_ =	swait.ge [sflag:s23], $0x1  }
0xa3: {  	[sflag:s23] =	ssyncset.done $0x0  }
0xa4: {  	s25 =	simm.s32 $0x1B8E;
	s24 =	sld [smem:$0x3FFE];
	[sflag:s23] =	ssyncadd.s32 $0xFFFFFFFF  }
0xa5: {  	s26 =	simm.s32 $execute0_lowered;
	[smem:$0x3FD2] =	sst s25  }
0xa6: {  	s4 =	sshll.u32 s26, $0x1;
	_ =	strace $0x80000049;
	[dreg:$0x1] =	wrdreg $0xFFFFFFFF  }
0xa7: {  	s28 =	simm.s32 $_size_execute0_lowered;
	s2 =	sadd.s32 s2, s4;
	[dreg:$0x0] =	wrdreg $0x0  }
0xa8: {  	s4 =	sshll.u32 s28, $0x1;
	[dreg:$0x2] =	wrdreg s2  }
0xa9: {  	[dreg:$0x3] =	wrdreg s4  }
0xaa: {  	[dreg:$0x4] =	wrdreg $0xC0  }
0xab: {  	_ =	task [dreg:s6], $0x5FFFF  }
0xac: {  	[dreg:$0x1] =	wrdreg $0xFFFFFFFF  }
0xad: {  	[dreg:$0x0] =	wrdreg $0x60  }
0xae: {  	[dreg:$0x2] =	wrdreg s24  }
0xaf: {  	[dreg:$0x3] =	wrdreg $0x9  }
0xb0: {  	_ =	task.clear_ibuf [dreg:s6], $0x4FFFF;
	_ =	strace $0x90000049  }
0xb1: {  	s29 =	simm.s32 $0x9;
	_ =	strace $0x8000004B  }
0xb2: {  	_ =	swait.ge [sflag:s29], $0x1  }
0xb3: {  	[sflag:s29] =	ssyncadd.s32 $0xFFFFFFFF  }
0xb4: {  	_ =	strace $0x9000004B  }
0xb5: {  	_ =	sfence  }
0xb6: {  	s30 =	sld [smem:$0x0];
	_ =	sdelay $0x2  }
0xb7: {  	s31 =	sshll.u32 s1, $0xD;
	s1 =	sshrl.u32 s1, $0x2  }
0xb8: {  	s3 =	sand.u32 $0x4000, s31;
	s1 =	sadd.s32 s1, s30  }
0xb9: {  	s0 =	sor.u32 s3, s0;
	s1 =	sshll.u32 s1, $0x11  }
0xba: {  	s0 =	sor.u32 s1, s0  }
0xbb: {  	s0 =	sadd.s32 $0x8F2B, s0  }
0xbc: {  	[sflag:s0] =	ssyncadd.remote.s32 $0x1  }
0xbd: {  	_ =	sfence.sel $0xFFFF  }
0xbe: {  	[dreg:$0x0] =	wrdreg $0xFFFFFFFF;
	(pc) =	sbr.abs _section_cstart, $3  }
0xbf: {  	[dreg:$0x1] =	wrdreg $0xFFFFFFFF  }
0xc0: {  	_ =	task.clear_ibuf [dreg:s6], $0x2FFFF;
	_ =	strace $0x9FFFFFFF  }
0xc1: {  	(tm) =	ssettm $0x7FFFFFFF  }
tec
execute0_lowered:
.L_overlay_start_1:
0x0: {  	(tag) =	ssettag $0x1  }
0x1: {  	s0 =	srdreg.scid;
	s1 =	stileid.u32  }
0x2: {  	s4 =	sand.u32 $0x1, s0;
	s1 =	sshll.u32 s1, $0x1  }
0x3: {  	s3 =	sor.u32 s4, s1  }
0x4: {  	s2 =	simm.s32 $0x0;
	s0 =	rddreg [dreg:$0x0];
	s1 =	sshll.u32 s3, $0x8  }
0x5: {  	[smem:$0x7FF] =	sst s2;
	s5 =	sadd.s32 s1, s0  }
0x6: {  	_ =	strace $0x8000004A;
	s8 =	smul.u32 $0x7000, s3;
	s6 =	sadd.s32 $0xC2800, s5  }
0x7: {  	s1 =	sadd.s32 $0x2BFA00, s0;
	s5 =	sadd.s32 $0xC4800, s5;
	[dreg:$0x2] =	wrdreg s6  }
0x8: {  	s7 =	sadd.s32 $0x39FA00, s0;
	s10 =	sadd.s32 s1, s8;
	[dreg:$0x3] =	wrdreg s5  }
0x9: {  	s11 =	sadd.s32 s7, s8;
	s12 =	sor.u32 $0x700, s8;
	[dreg:$0x4] =	wrdreg s10  }
0xa: {  	s3 =	smul.u32 $0x38000, s3;
	[dreg:$0x5] =	wrdreg s11;
	s13 =	sadd.s32 s1, s12  }
0xb: {  	s15 =	sor.u32 $0xE00, s8;
	s14 =	sadd.s32 s7, s12;
	[dreg:$0x6] =	wrdreg s13  }
0xc: {  	s8 =	sadd.s32 s1, s15;
	s5 =	sshrl.u32 s3, $0x3;
	[dreg:$0x7] =	wrdreg s14  }
0xd: {  	s16 =	sadd.s32 s7, s15;
	[dreg:$0x8] =	wrdreg s8;
	s17 =	sadd.s32 $0x1500, s5  }
0xe: {  	[dreg:$0x9] =	wrdreg s16;
	s18 =	sadd.s32 s1, s17  }
0xf: {  	s20 =	sadd.s32 $0x1C00, s5;
	s19 =	sadd.s32 s7, s17;
	[dreg:$0xa] =	wrdreg s18  }
0x10: {  	s21 =	sadd.s32 s1, s20;
	[dreg:$0xb] =	wrdreg s19  }
0x11: {  	s23 =	sadd.s32 $0x2300, s5;
	s22 =	sadd.s32 s7, s20;
	[dreg:$0xc] =	wrdreg s21  }
0x12: {  	s24 =	sadd.s32 s1, s23;
	[dreg:$0xd] =	wrdreg s22  }
0x13: {  	s26 =	sadd.s32 $0x2A00, s5;
	s25 =	sadd.s32 s7, s23;
	[dreg:$0xe] =	wrdreg s24  }
0x14: {  	s28 =	sadd.s32 s1, s26;
	[dreg:$0xf] =	wrdreg s25  }
0x15: {  	s30 =	sadd.s32 $0x3100, s5;
	s29 =	sadd.s32 s7, s26;
	[dreg:$0x10] =	wrdreg s28  }
0x16: {  	s31 =	sadd.s32 s1, s30;
	[dreg:$0x11] =	wrdreg s29  }
0x17: {  	s8 =	sadd.s32 $0x3800, s5;
	s6 =	sadd.s32 s7, s30;
	[dreg:$0x12] =	wrdreg s31  }
0x18: {  	s9 =	sadd.s32 s1, s8;
	[dreg:$0x13] =	wrdreg s6  }
0x19: {  	s11 =	sadd.s32 $0x3F00, s5;
	s10 =	sadd.s32 s7, s8;
	[dreg:$0x14] =	wrdreg s9  }
0x1a: {  	s13 =	sadd.s32 $0x4600, s5;
	s12 =	sadd.s32 s1, s11;
	[dreg:$0x15] =	wrdreg s10  }
0x1b: {  	s4 =	ssub.s32 $0x2, s4;
	s14 =	sadd.s32 s1, s13;
	[dreg:$0x16] =	wrdreg s12  }
0x1c: {  	s16 =	sadd.s32 $0x4D00, s5;
	s15 =	sadd.s32 s7, s13;
	[dreg:$0x18] =	wrdreg s14  }
0x1d: {  	s3 =	sadd.s32 $0xC7A00, s0;
	s17 =	sadd.s32 s1, s16;
	[dreg:$0x19] =	wrdreg s15  }
0x1e: {  	s6 =	sadd.s32 s7, s11;
	[dreg:$0x1a] =	wrdreg s17;
	s18 =	sadd.s32 s7, s16  }
0x1f: {  	s19 =	sadd.s32 $0x5400, s5;
	s9 =	sshrl.u32 s4, $0x1;
	[dreg:$0x17] =	wrdreg s6  }
0x20: {  	s22 =	sadd.s32 $0x5B00, s5;
	s31 =	simm.s32 $0x800;
	[dreg:$0x1b] =	wrdreg s18  }
0x21: {  	s25 =	sadd.s32 $0x6200, s5;
	s20 =	sadd.s32 s1, s19;
	[smem:$0x7FD] =	sst s31  }
0x22: {  	s29 =	sadd.s32 $0x6900, s5;
	s21 =	sadd.s32 s7, s19;
	[dreg:$0x1c] =	wrdreg s20  }
0x23: {  	s5 =	sadd.s32 $0xC7C00, s0;
	s23 =	sadd.s32 s1, s22;
	[dreg:$0x1d] =	wrdreg s21  }
0x24: {  	s17 =	simm.s32 $0x8000;
	s24 =	sadd.s32 s7, s22;
	[dreg:$0x1e] =	wrdreg s23  }
0x25: {  	s10 =	simm.s32 $0xB800;
	s26 =	sadd.s32 s1, s25;
	[dreg:$0x1f] =	wrdreg s24  }
0x26: {  	s9 =	ssub.s32 s4, s9;
	s28 =	sadd.s32 s7, s25;
	[smem:$0x7F9] =	sst s26  }
0x27: {  	s4 =	sadd.s32 $0xC7B00, s0;
	s1 =	sadd.s32 s1, s29;
	[smem:$0x7FA] =	sst s28  }
0x28: {  	v2 =	vlaneseq.u32;
	s6 =	sadd.s32 $0xC7D00, s0;
	s30 =	sadd.s32 s7, s29;
	[smem:$0x7FB] =	sst s1  }
0x29: {  	vm0 =	vmmov $0xffff;
	vm1 =	vmmov $0xff;
	v1 =	vshrl.u32 v2, $0x3;
	s25 =	simm.s32 $0x1;
	s19 =	simm.s32 $0x2;
	[smem:$0x7FC] =	sst s30  }
0x2a: {  	v0 =	vand.u32 $0x7, v2;
	v2 =	vor.u32 $0x8, v2;
	v1 =	vmul.u32 $0x8, v1;
	s1 =	smax.u32 s9, $0x1;
	s9 =	simm.s32 $0x1000;
	s26 =	simm.s32 $0x4800  }
.LBB2_1:
0x2b: {  	[smem:$0x7F8] =	sst s1  }
0x2c: {  	s20 =	rddreg [dreg:$0x2];
	s22 =	simm.s32 $0x3  }
0x2d: {  	[tilespmem:s2], [sflag:$0x3] =	stream.linear.gather [hbm4b:s20+s2], $0x800, $0x38;
	[tilespmem:$0xF000] =	vst v63  }
0x2e: {  	_ =	swait.ge [sflag:s22], $0x800  }
0x2f: {  	s21 =	sld [smem:$0x7FD]  }
0x30: {  	[sflag:s22] =	ssyncset.done $0x0  }
0x31: {  	s12 =	rddreg [dreg:$0x3];
	[sflag:s22] =	ssyncadd.s32 $0xFFFFF800  }
0x32: {  	[tilespmem:s21], [sflag:$0x3] =	stream.linear.gather [hbm4b:s12+s2], $0x800, $0x38;
	[tilespmem:$0xF000] =	vst v63  }
0x33: {  	_ =	swait.ge [sflag:s22], $0x800  }
0x34: {  	[sflag:s22] =	ssyncset.done $0x0  }
0x35: {  	[sflag:s22] =	ssyncadd.s32 $0xFFFFF800  }
0x36: {  	v3 =	vld [tilespmem:$0x0];
	_ =	sdelay $0x4  }
0x37: {  	v4 =	vshrl.u32 v3, $0x3  }
0x38: {  	v4 =	vmul.u32 $0x38, v4  }
0x39: {  	v3 =	vand.u32 $0x7, v3  }
0x3a: {  	v3 =	vor.u32 v3, v4  }
0x3b: {  	v4 =	vperm.xlane v3, v0;
	_ =	sdelay $0x1  }
0x3c: {  	v4 =	vadd.s32 v1, v4;
	_ =	sdelay $0x4  }
0x3d: {  	[tilespmem:s9], [sflag:$0x1] =	stream.indirect_vreg.gather [hbm4b:s3+s2], $0x80, v4, vm0, $0xb8;
	[tilespmem:$0xF000] =	vst v63  }
0x3e: {  	s0 =	simm.s32 $0x1800;
	v3 =	vperm.xlane v3, v2  }
0x3f: {  	[tilespmem:s0], [sflag:$0x1] =	stream.indirect_vreg.gather [hbm4b:s4+s2], $0x80, v4, vm0, $0xb8;
	[tilespmem:$0xF000] =	vst v63  }
0x40: {  	s13 =	simm.s32 $0x2000;
	v3 =	vadd.s32 v1, v3  }
0x41: {  	[tilespmem:s13], [sflag:$0x1] =	stream.indirect_vreg.gather [hbm4b:s5+s2], $0x80, v4, vm0, $0xb8;
	[tilespmem:$0xF000] =	vst v63  }
0x42: {  	s14 =	simm.s32 $0x2800  }
0x43: {  	[tilespmem:s14], [sflag:$0x1] =	stream.indirect_vreg.gather [hbm4b:s6+s2], $0x80, v4, vm1, $0xb8;
	[tilespmem:$0xF000] =	vst v63  }
0x44: {  	s15 =	simm.s32 $0x2C00  }
0x45: {  	[tilespmem:s15], [sflag:$0x1] =	stream.indirect_vreg.gather [hbm4b:s3+s2], $0x80, v3, vm0, $0xb8;
	[tilespmem:$0xF000] =	vst v63  }
0x46: {  	s16 =	simm.s32 $0x3400  }
0x47: {  	[tilespmem:s16], [sflag:$0x1] =	stream.indirect_vreg.gather [hbm4b:s4+s2], $0x80, v3, vm0, $0xb8;
	[tilespmem:$0xF000] =	vst v63  }
0x48: {  	s18 =	simm.s32 $0x3C00  }
0x49: {  	[tilespmem:s18], [sflag:$0x1] =	stream.indirect_vreg.gather [hbm4b:s5+s2], $0x80, v3, vm0, $0xb8;
	[tilespmem:$0xF000] =	vst v63  }
0x4a: {  	s20 =	simm.s32 $0x4400  }
0x4b: {  	[tilespmem:s20], [sflag:$0x1] =	stream.indirect_vreg.gather [hbm4b:s6+s2], $0x80, v3, vm1, $0xb8;
	[tilespmem:$0xF000] =	vst v63  }
0x4c: {  	v3 =	vld [tilespmem:$0x800];
	_ =	sdelay $0x4  }
0x4d: {  	v33 =	vshrl.u32 v3, $0x3  }
0x4e: {  	v4 =	vmul.u32 $0x38, v33  }
0x4f: {  	v3 =	vand.u32 $0x7, v3  }
0x50: {  	v3 =	vor.u32 v3, v4  }
0x51: {  	v4 =	vperm.xlane v3, v0;
	_ =	sdelay $0x1  }
0x52: {  	v4 =	vadd.s32 v1, v4;
	_ =	sdelay $0x4  }
0x53: {  	[tilespmem:s17], [sflag:$0x1] =	stream.indirect_vreg.gather [hbm4b:s3+s2], $0x80, v4, vm0, $0xb8;
	[tilespmem:$0xF000] =	vst v63  }
0x54: {  	s21 =	simm.s32 $0x8800;
	v3 =	vperm.xlane v3, v2  }
0x55: {  	[tilespmem:s21], [sflag:$0x1] =	stream.indirect_vreg.gather [hbm4b:s4+s2], $0x80, v4, vm0, $0xb8;
	[tilespmem:$0xF000] =	vst v63  }
0x56: {  	s22 =	simm.s32 $0x9000;
	v3 =	vadd.s32 v1, v3  }
0x57: {  	[tilespmem:s22], [sflag:$0x1] =	stream.indirect_vreg.gather [hbm4b:s5+s2], $0x80, v4, vm0, $0xb8;
	[tilespmem:$0xF000] =	vst v63  }
0x58: {  	s23 =	simm.s32 $0x9800  }
0x59: {  	[tilespmem:s23], [sflag:$0x1] =	stream.indirect_vreg.gather [hbm4b:s6+s2], $0x80, v4, vm1, $0xb8;
	[tilespmem:$0xF000] =	vst v63  }
0x5a: {  	s24 =	simm.s32 $0x9C00  }
0x5b: {  	[tilespmem:s24], [sflag:$0x1] =	stream.indirect_vreg.gather [hbm4b:s3+s2], $0x80, v3, vm0, $0xb8;
	[tilespmem:$0xF000] =	vst v63  }
0x5c: {  	s30 =	simm.s32 $0xA400  }
0x5d: {  	[tilespmem:s30], [sflag:$0x1] =	stream.indirect_vreg.gather [hbm4b:s4+s2], $0x80, v3, vm0, $0xb8;
	[tilespmem:$0xF000] =	vst v63  }
0x5e: {  	s11 =	simm.s32 $0xAC00  }
0x5f: {  	[tilespmem:s11], [sflag:$0x1] =	stream.indirect_vreg.gather [hbm4b:s5+s2], $0x80, v3, vm0, $0xb8;
	[tilespmem:$0xF000] =	vst v63  }
0x60: {  	s12 =	simm.s32 $0xB400  }
0x61: {  	[tilespmem:s12], [sflag:$0x1] =	stream.indirect_vreg.gather [hbm4b:s6+s2], $0x80, v3, vm1, $0xb8;
	[tilespmem:$0xF000] =	vst v63  }
0x62: {  	_ =	swait.ge [sflag:s25], $0x3800  }
0x63: {  	[sflag:s25] =	ssyncset.done $0x0  }
0x64: {  	[sflag:s25] =	ssyncadd.s32 $0xFFFFC800  }
0x65: {  	_ =	swait.ge [sflag:s25], $0x3800  }
0x66: {  	[sflag:s25] =	ssyncset.done $0x0  }
0x67: {  	[sflag:s25] =	ssyncadd.s32 $0xFFFFC800  }
0x68: {  	v3 =	vld [tilespmem:$0x80];
	_ =	sdelay $0x4  }
0x69: {  	v34 =	vshrl.u32 v3, $0x3  }
0x6a: {  	v4 =	vmul.u32 $0x38, v34  }
0x6b: {  	v3 =	vand.u32 $0x7, v3  }
0x6c: {  	v3 =	vor.u32 v3, v4  }
0x6d: {  	v4 =	vperm.xlane v3, v0;
	_ =	sdelay $0x1  }
0x6e: {  	v4 =	vadd.s32 v1, v4;
	_ =	sdelay $0x4  }
0x6f: {  	[tilespmem:s26], [sflag:$0x1] =	stream.indirect_vreg.gather [hbm4b:s3+s2], $0x80, v4, vm0, $0xb8;
	[tilespmem:$0xF000] =	vst v63  }
0x70: {  	s13 =	simm.s32 $0x5000;
	v3 =	vperm.xlane v3, v2  }
0x71: {  	[tilespmem:s13], [sflag:$0x1] =	stream.indirect_vreg.gather [hbm4b:s4+s2], $0x80, v4, vm0, $0xb8;
	[tilespmem:$0xF000] =	vst v63  }
0x72: {  	s14 =	simm.s32 $0x5800;
	v3 =	vadd.s32 v1, v3  }
0x73: {  	[tilespmem:s14], [sflag:$0x1] =	stream.indirect_vreg.gather [hbm4b:s5+s2], $0x80, v4, vm0, $0xb8;
	[tilespmem:$0xF000] =	vst v63  }
0x74: {  	s15 =	simm.s32 $0x6000  }
0x75: {  	[tilespmem:s15], [sflag:$0x1] =	stream.indirect_vreg.gather [hbm4b:s6+s2], $0x80, v4, vm1, $0xb8;
	[tilespmem:$0xF000] =	vst v63  }
0x76: {  	s16 =	simm.s32 $0x6400  }
0x77: {  	[tilespmem:s16], [sflag:$0x1] =	stream.indirect_vreg.gather [hbm4b:s3+s2], $0x80, v3, vm0, $0xb8;
	[tilespmem:$0xF000] =	vst v63  }
0x78: {  	s21 =	simm.s32 $0x6C00  }
0x79: {  	[tilespmem:s21], [sflag:$0x1] =	stream.indirect_vreg.gather [hbm4b:s4+s2], $0x80, v3, vm0, $0xb8;
	[tilespmem:$0xF000] =	vst v63  }
0x7a: {  	s23 =	simm.s32 $0x7400  }
0x7b: {  	[tilespmem:s23], [sflag:$0x1] =	stream.indirect_vreg.gather [hbm4b:s5+s2], $0x80, v3, vm0, $0xb8;
	[tilespmem:$0xF000] =	vst v63  }
0x7c: {  	s24 =	simm.s32 $0x7C00  }
0x7d: {  	[tilespmem:s24], [sflag:$0x1] =	stream.indirect_vreg.gather [hbm4b:s6+s2], $0x80, v3, vm1, $0xb8;
	[tilespmem:$0xF000] =	vst v63  }
0x7e: {  	v3 =	vld [tilespmem:$0x880];
	_ =	sdelay $0x4  }
0x7f: {  	v35 =	vshrl.u32 v3, $0x3  }
0x80: {  	v4 =	vmul.u32 $0x38, v35  }
0x81: {  	v3 =	vand.u32 $0x7, v3  }
0x82: {  	v3 =	vor.u32 v3, v4  }
0x83: {  	v4 =	vperm.xlane v3, v0;
	_ =	sdelay $0x1  }
0x84: {  	v4 =	vadd.s32 v1, v4;
	_ =	sdelay $0x4  }
0x85: {  	[tilespmem:s10], [sflag:$0x1] =	stream.indirect_vreg.gather [hbm4b:s3+s2], $0x80, v4, vm0, $0xb8;
	[tilespmem:$0xF000] =	vst v63  }
0x86: {  	s30 =	simm.s32 $0xC000;
	v3 =	vperm.xlane v3, v2  }
0x87: {  	[tilespmem:s30], [sflag:$0x1] =	stream.indirect_vreg.gather [hbm4b:s4+s2], $0x80, v4, vm0, $0xb8;
	[tilespmem:$0xF000] =	vst v63  }
0x88: {  	s0 =	simm.s32 $0xC800;
	v3 =	vadd.s32 v1, v3  }
0x89: {  	[tilespmem:s0], [sflag:$0x1] =	stream.indirect_vreg.gather [hbm4b:s5+s2], $0x80, v4, vm0, $0xb8;
	[tilespmem:$0xF000] =	vst v63  }
0x8a: {  	s11 =	simm.s32 $0xD000  }
0x8b: {  	[tilespmem:s11], [sflag:$0x1] =	stream.indirect_vreg.gather [hbm4b:s6+s2], $0x80, v4, vm1, $0xb8;
	[tilespmem:$0xF000] =	vst v63  }
0x8c: {  	s21 =	simm.s32 $0xD400  }
0x8d: {  	[tilespmem:s21], [sflag:$0x1] =	stream.indirect_vreg.gather [hbm4b:s3+s2], $0x80, v3, vm0, $0xb8;
	[tilespmem:$0xF000] =	vst v63  }
0x8e: {  	s23 =	simm.s32 $0xDC00  }
0x8f: {  	[tilespmem:s23], [sflag:$0x1] =	stream.indirect_vreg.gather [hbm4b:s4+s2], $0x80, v3, vm0, $0xb8;
	[tilespmem:$0xF000] =	vst v63  }
0x90: {  	s24 =	simm.s32 $0xE400  }
0x91: {  	[tilespmem:s24], [sflag:$0x1] =	stream.indirect_vreg.gather [hbm4b:s5+s2], $0x80, v3, vm0, $0xb8;
	[tilespmem:$0xF000] =	vst v63  }
0x92: {  	s0 =	simm.s32 $0xEC00  }
0x93: {  	[tilespmem:s0], [sflag:$0x1] =	stream.indirect_vreg.gather [hbm4b:s6+s2], $0x80, v3, vm1, $0xb8;
	[tilespmem:$0xF000] =	vst v63  }
0x94: {  	s30 =	rddreg [dreg:$0x4]  }
0x95: {  	[hbm4b:s30+s2] =	stream.linear.scatter [tilespmem:s9], [sflag:$0x2], $0x3800, $0x38;
	[tilespmem:$0xF000] =	vst v63  }
0x96: {  	s11 =	rddreg [dreg:$0x5]  }
0x97: {  	[hbm4b:s11+s2] =	stream.linear.scatter [tilespmem:s17], [sflag:$0x2], $0x3800, $0x38;
	[tilespmem:$0xF000] =	vst v63  }
0x98: {  	_ =	swait.ge [sflag:s25], $0x3800  }
0x99: {  	[sflag:s25] =	ssyncset.done $0x0  }
0x9a: {  	[sflag:s25] =	ssyncadd.s32 $0xFFFFC800  }
0x9b: {  	_ =	swait.ge [sflag:s25], $0x3800  }
0x9c: {  	[sflag:s25] =	ssyncset.done $0x0  }
0x9d: {  	[sflag:s25] =	ssyncadd.s32 $0xFFFFC800  }
0x9e: {  	_ =	swait.ge [sflag:s19], $0x3800  }
0x9f: {  	[sflag:s19] =	ssyncset.done $0x0  }
0xa0: {  	[sflag:s19] =	ssyncadd.s32 $0xFFFFC800  }
0xa1: {  	_ =	swait.ge [sflag:s19], $0x3800  }
0xa2: {  	[sflag:s19] =	ssyncset.done $0x0  }
0xa3: {  	[sflag:s19] =	ssyncadd.s32 $0xFFFFC800  }
0xa4: {  	v3 =	vld [tilespmem:$0x100];
	_ =	sdelay $0x4  }
0xa5: {  	v36 =	vshrl.u32 v3, $0x3  }
0xa6: {  	v4 =	vmul.u32 $0x38, v36  }
0xa7: {  	v3 =	vand.u32 $0x7, v3  }
0xa8: {  	v3 =	vor.u32 v3, v4  }
0xa9: {  	v4 =	vperm.xlane v3, v0;
	_ =	sdelay $0x1  }
0xaa: {  	v4 =	vadd.s32 v1, v4;
	_ =	sdelay $0x4  }
0xab: {  	[tilespmem:s9], [sflag:$0x1] =	stream.indirect_vreg.gather [hbm4b:s3+s2], $0x80, v4, vm0, $0xb8;
	[tilespmem:$0xF000] =	vst v63  }
0xac: {  	s29 =	simm.s32 $0x1800;
	v3 =	vperm.xlane v3, v2  }
0xad: {  	[tilespmem:s29], [sflag:$0x1] =	stream.indirect_vreg.gather [hbm4b:s4+s2], $0x80, v4, vm0, $0xb8;
	[tilespmem:$0xF000] =	vst v63  }
0xae: {  	s28 =	simm.s32 $0x2000;
	v3 =	vadd.s32 v1, v3  }
0xaf: {  	[tilespmem:s28], [sflag:$0x1] =	stream.indirect_vreg.gather [hbm4b:s5+s2], $0x80, v4, vm0, $0xb8;
	[tilespmem:$0xF000] =	vst v63  }
0xb0: {  	s29 =	simm.s32 $0x2800  }
0xb1: {  	[tilespmem:s29], [sflag:$0x1] =	stream.indirect_vreg.gather [hbm4b:s6+s2], $0x80, v4, vm1, $0xb8;
	[tilespmem:$0xF000] =	vst v63  }
0xb2: {  	s30 =	simm.s32 $0x2C00  }
0xb3: {  	[tilespmem:s30], [sflag:$0x1] =	stream.indirect_vreg.gather [hbm4b:s3+s2], $0x80, v3, vm0, $0xb8;
	[tilespmem:$0xF000] =	vst v63  }
0xb4: {  	s1 =	simm.s32 $0x3400  }
0xb5: {  	[tilespmem:s1], [sflag:$0x1] =	stream.indirect_vreg.gather [hbm4b:s4+s2], $0x80, v3, vm0, $0xb8;
	[tilespmem:$0xF000] =	vst v63  }
0xb6: {  	s7 =	simm.s32 $0x3C00  }
0xb7: {  	[tilespmem:s7], [sflag:$0x1] =	stream.indirect_vreg.gather [hbm4b:s5+s2], $0x80, v3, vm0, $0xb8;
	[tilespmem:$0xF000] =	vst v63  }
0xb8: {  	s31 =	simm.s32 $0x4400  }
0xb9: {  	[tilespmem:s31], [sflag:$0x1] =	stream.indirect_vreg.gather [hbm4b:s6+s2], $0x80, v3, vm1, $0xb8;
	[tilespmem:$0xF000] =	vst v63  }
0xba: {  	v3 =	vld [tilespmem:$0x900];
	_ =	sdelay $0x4  }
0xbb: {  	v37 =	vshrl.u32 v3, $0x3  }
0xbc: {  	v4 =	vmul.u32 $0x38, v37  }
0xbd: {  	v3 =	vand.u32 $0x7, v3  }
0xbe: {  	v3 =	vor.u32 v3, v4  }
0xbf: {  	v4 =	vperm.xlane v3, v0;
	_ =	sdelay $0x1  }
0xc0: {  	v4 =	vadd.s32 v1, v4;
	_ =	sdelay $0x4  }
0xc1: {  	[tilespmem:s17], [sflag:$0x1] =	stream.indirect_vreg.gather [hbm4b:s3+s2], $0x80, v4, vm0, $0xb8;
	[tilespmem:$0xF000] =	vst v63  }
0xc2: {  	s8 =	simm.s32 $0x8800;
	v3 =	vperm.xlane v3, v2  }
0xc3: {  	[tilespmem:s8], [sflag:$0x1] =	stream.indirect_vreg.gather [hbm4b:s4+s2], $0x80, v4, vm0, $0xb8;
	[tilespmem:$0xF000] =	vst v63  }
0xc4: {  	s31 =	simm.s32 $0x9000;
	v3 =	vadd.s32 v1, v3  }
0xc5: {  	[tilespmem:s31], [sflag:$0x1] =	stream.indirect_vreg.gather [hbm4b:s5+s2], $0x80, v4, vm0, $0xb8;
	[tilespmem:$0xF000] =	vst v63  }
0xc6: {  	s0 =	simm.s32 $0x9800  }
0xc7: {  	[tilespmem:s0], [sflag:$0x1] =	stream.indirect_vreg.gather [hbm4b:s6+s2], $0x80, v4, vm1, $0xb8;
	[tilespmem:$0xF000] =	vst v63  }
0xc8: {  	s1 =	simm.s32 $0x9C00  }
0xc9: {  	[tilespmem:s1], [sflag:$0x1] =	stream.indirect_vreg.gather [hbm4b:s3+s2], $0x80, v3, vm0, $0xb8;
	[tilespmem:$0xF000] =	vst v63  }
0xca: {  	s7 =	simm.s32 $0xA400  }
0xcb: {  	[tilespmem:s7], [sflag:$0x1] =	stream.indirect_vreg.gather [hbm4b:s4+s2], $0x80, v3, vm0, $0xb8;
	[tilespmem:$0xF000] =	vst v63  }
0xcc: {  	s8 =	simm.s32 $0xAC00  }
0xcd: {  	[tilespmem:s8], [sflag:$0x1] =	stream.indirect_vreg.gather [hbm4b:s5+s2], $0x80, v3, vm0, $0xb8;
	[tilespmem:$0xF000] =	vst v63  }
0xce: {  	s28 =	simm.s32 $0xB400  }
0xcf: {  	[tilespmem:s28], [sflag:$0x1] =	stream.indirect_vreg.gather [hbm4b:s6+s2], $0x80, v3, vm1, $0xb8;
	[tilespmem:$0xF000] =	vst v63  }
0xd0: {  	s21 =	rddreg [dreg:$0x6]  }
0xd1: {  	[hbm4b:s21+s2] =	stream.linear.scatter [tilespmem:s26], [sflag:$0x2], $0x3800, $0x38;
	[tilespmem:$0xF000] =	vst v63  }
0xd2: {  	s11 =	rddreg [dreg:$0x7]  }
0xd3: {  	[hbm4b:s11+s2] =	stream.linear.scatter [tilespmem:s10], [sflag:$0x2], $0x3800, $0x38;
	[tilespmem:$0xF000] =	vst v63  }
0xd4: {  	_ =	swait.ge [sflag:s25], $0x3800  }
0xd5: {  	[sflag:s25] =	ssyncset.done $0x0  }
0xd6: {  	[sflag:s25] =	ssyncadd.s32 $0xFFFFC800  }
0xd7: {  	_ =	swait.ge [sflag:s25], $0x3800  }
0xd8: {  	[sflag:s25] =	ssyncset.done $0x0  }
0xd9: {  	[sflag:s25] =	ssyncadd.s32 $0xFFFFC800  }
0xda: {  	_ =	swait.ge [sflag:s19], $0x3800  }
0xdb: {  	[sflag:s19] =	ssyncset.done $0x0  }
0xdc: {  	[sflag:s19] =	ssyncadd.s32 $0xFFFFC800  }
0xdd: {  	_ =	swait.ge [sflag:s19], $0x3800  }
0xde: {  	[sflag:s19] =	ssyncset.done $0x0  }
0xdf: {  	[sflag:s19] =	ssyncadd.s32 $0xFFFFC800  }
0xe0: {  	v3 =	vld [tilespmem:$0x180];
	_ =	sdelay $0x4  }
0xe1: {  	v38 =	vshrl.u32 v3, $0x3  }
0xe2: {  	v4 =	vmul.u32 $0x38, v38  }
0xe3: {  	v3 =	vand.u32 $0x7, v3  }
0xe4: {  	v3 =	vor.u32 v3, v4  }
0xe5: {  	v4 =	vperm.xlane v3, v0;
	_ =	sdelay $0x1  }
0xe6: {  	v4 =	vadd.s32 v1, v4;
	_ =	sdelay $0x4  }
0xe7: {  	[tilespmem:s26], [sflag:$0x1] =	stream.indirect_vreg.gather [hbm4b:s3+s2], $0x80, v4, vm0, $0xb8;
	[tilespmem:$0xF000] =	vst v63  }
0xe8: {  	s18 =	simm.s32 $0x5000;
	v3 =	vperm.xlane v3, v2  }
0xe9: {  	[tilespmem:s18], [sflag:$0x1] =	stream.indirect_vreg.gather [hbm4b:s4+s2], $0x80, v4, vm0, $0xb8;
	[tilespmem:$0xF000] =	vst v63  }
0xea: {  	v3 =	vadd.s32 v1, v3;
	s18 =	simm.s32 $0x5800  }
0xeb: {  	[tilespmem:s18], [sflag:$0x1] =	stream.indirect_vreg.gather [hbm4b:s5+s2], $0x80, v4, vm0, $0xb8;
	[tilespmem:$0xF000] =	vst v63  }
0xec: {  	s14 =	simm.s32 $0x6000  }
0xed: {  	[tilespmem:s14], [sflag:$0x1] =	stream.indirect_vreg.gather [hbm4b:s6+s2], $0x80, v4, vm1, $0xb8;
	[tilespmem:$0xF000] =	vst v63  }
0xee: {  	s22 =	simm.s32 $0x6400  }
0xef: {  	[tilespmem:s22], [sflag:$0x1] =	stream.indirect_vreg.gather [hbm4b:s3+s2], $0x80, v3, vm0, $0xb8;
	[tilespmem:$0xF000] =	vst v63  }
0xf0: {  	s12 =	simm.s32 $0x6C00  }
0xf1: {  	[tilespmem:s12], [sflag:$0x1] =	stream.indirect_vreg.gather [hbm4b:s4+s2], $0x80, v3, vm0, $0xb8;
	[tilespmem:$0xF000] =	vst v63  }
0xf2: {  	s13 =	simm.s32 $0x7400  }
0xf3: {  	[tilespmem:s13], [sflag:$0x1] =	stream.indirect_vreg.gather [hbm4b:s5+s2], $0x80, v3, vm0, $0xb8;
	[tilespmem:$0xF000] =	vst v63  }
0xf4: {  	s15 =	simm.s32 $0x7C00  }
0xf5: {  	[tilespmem:s15], [sflag:$0x1] =	stream.indirect_vreg.gather [hbm4b:s6+s2], $0x80, v3, vm1, $0xb8;
	[tilespmem:$0xF000] =	vst v63  }
0xf6: {  	v3 =	vld [tilespmem:$0x980];
	_ =	sdelay $0x4  }
0xf7: {  	v39 =	vshrl.u32 v3, $0x3  }
0xf8: {  	v4 =	vmul.u32 $0x38, v39  }
0xf9: {  	v3 =	vand.u32 $0x7, v3  }
0xfa: {  	v3 =	vor.u32 v3, v4  }
0xfb: {  	v4 =	vperm.xlane v3, v0;
	_ =	sdelay $0x1  }
0xfc: {  	v4 =	vadd.s32 v1, v4;
	_ =	sdelay $0x4  }
0xfd: {  	[tilespmem:s10], [sflag:$0x1] =	stream.indirect_vreg.gather [hbm4b:s3+s2], $0x80, v4, vm0, $0xb8;
	[tilespmem:$0xF000] =	vst v63  }
0xfe: {  	s16 =	simm.s32 $0xC000;
	v3 =	vperm.xlane v3, v2  }
0xff: {  	[tilespmem:s16], [sflag:$0x1] =	stream.indirect_vreg.gather [hbm4b:s4+s2], $0x80, v4, vm0, $0xb8;
	[tilespmem:$0xF000] =	vst v63  }
0x100: {  	v3 =	vadd.s32 v1, v3;
	s16 =	simm.s32 $0xC800  }
0x101: {  	[tilespmem:s16], [sflag:$0x1] =	stream.indirect_vreg.gather [hbm4b:s5+s2], $0x80, v4, vm0, $0xb8;
	[tilespmem:$0xF000] =	vst v63  }
0x102: {  	s20 =	simm.s32 $0xD000  }
0x103: {  	[tilespmem:s20], [sflag:$0x1] =	stream.indirect_vreg.gather [hbm4b:s6+s2], $0x80, v4, vm1, $0xb8;
	[tilespmem:$0xF000] =	vst v63  }
0x104: {  	s21 =	simm.s32 $0xD400  }
0x105: {  	[tilespmem:s21], [sflag:$0x1] =	stream.indirect_vreg.gather [hbm4b:s3+s2], $0x80, v3, vm0, $0xb8;
	[tilespmem:$0xF000] =	vst v63  }
0x106: {  	s22 =	simm.s32 $0xDC00  }
0x107: {  	[tilespmem:s22], [sflag:$0x1] =	stream.indirect_vreg.gather [hbm4b:s4+s2], $0x80, v3, vm0, $0xb8;
	[tilespmem:$0xF000] =	vst v63  }
0x108: {  	s23 =	simm.s32 $0xE400  }
0x109: {  	[tilespmem:s23], [sflag:$0x1] =	stream.indirect_vreg.gather [hbm4b:s5+s2], $0x80, v3, vm0, $0xb8;
	[tilespmem:$0xF000] =	vst v63  }
0x10a: {  	s24 =	simm.s32 $0xEC00  }
0x10b: {  	[tilespmem:s24], [sflag:$0x1] =	stream.indirect_vreg.gather [hbm4b:s6+s2], $0x80, v3, vm1, $0xb8;
	[tilespmem:$0xF000] =	vst v63  }
0x10c: {  	s20 =	rddreg [dreg:$0x8]  }
0x10d: {  	[hbm4b:s20+s2] =	stream.linear.scatter [tilespmem:s9], [sflag:$0x2], $0x3800, $0x38;
	[tilespmem:$0xF000] =	vst v63  }
0x10e: {  	s21 =	rddreg [dreg:$0x9]  }
0x10f: {  	[hbm4b:s21+s2] =	stream.linear.scatter [tilespmem:s17], [sflag:$0x2], $0x3800, $0x38;
	[tilespmem:$0xF000] =	vst v63  }
0x110: {  	_ =	swait.ge [sflag:s25], $0x3800  }
0x111: {  	[sflag:s25] =	ssyncset.done $0x0  }
0x112: {  	[sflag:s25] =	ssyncadd.s32 $0xFFFFC800  }
0x113: {  	_ =	swait.ge [sflag:s25], $0x3800  }
0x114: {  	[sflag:s25] =	ssyncset.done $0x0  }
0x115: {  	[sflag:s25] =	ssyncadd.s32 $0xFFFFC800  }
0x116: {  	_ =	swait.ge [sflag:s19], $0x3800  }
0x117: {  	[sflag:s19] =	ssyncset.done $0x0  }
0x118: {  	[sflag:s19] =	ssyncadd.s32 $0xFFFFC800  }
0x119: {  	_ =	swait.ge [sflag:s19], $0x3800  }
0x11a: {  	[sflag:s19] =	ssyncset.done $0x0  }
0x11b: {  	[sflag:s19] =	ssyncadd.s32 $0xFFFFC800  }
0x11c: {  	v3 =	vld [tilespmem:$0x200];
	_ =	sdelay $0x4  }
0x11d: {  	v40 =	vshrl.u32 v3, $0x3  }
0x11e: {  	v4 =	vmul.u32 $0x38, v40  }
0x11f: {  	v3 =	vand.u32 $0x7, v3  }
0x120: {  	v3 =	vor.u32 v3, v4  }
0x121: {  	v4 =	vperm.xlane v3, v0;
	_ =	sdelay $0x1  }
0x122: {  	v4 =	vadd.s32 v1, v4;
	_ =	sdelay $0x4  }
0x123: {  	[tilespmem:s9], [sflag:$0x1] =	stream.indirect_vreg.gather [hbm4b:s3+s2], $0x80, v4, vm0, $0xb8;
	[tilespmem:$0xF000] =	vst v63  }
0x124: {  	s21 =	simm.s32 $0x1800;
	v3 =	vperm.xlane v3, v2  }
0x125: {  	[tilespmem:s21], [sflag:$0x1] =	stream.indirect_vreg.gather [hbm4b:s4+s2], $0x80, v4, vm0, $0xb8;
	[tilespmem:$0xF000] =	vst v63  }
0x126: {  	v3 =	vadd.s32 v1, v3;
	s21 =	simm.s32 $0x2000  }
0x127: {  	[tilespmem:s21], [sflag:$0x1] =	stream.indirect_vreg.gather [hbm4b:s5+s2], $0x80, v4, vm0, $0xb8;
	[tilespmem:$0xF000] =	vst v63  }
0x128: {  	_ = 	snop  }
0x129: {  	[tilespmem:s29], [sflag:$0x1] =	stream.indirect_vreg.gather [hbm4b:s6+s2], $0x80, v4, vm1, $0xb8;
	[tilespmem:$0xF000] =	vst v63  }
0x12a: {  	_ = 	snop  }
0x12b: {  	[tilespmem:s30], [sflag:$0x1] =	stream.indirect_vreg.gather [hbm4b:s3+s2], $0x80, v3, vm0, $0xb8;
	[tilespmem:$0xF000] =	vst v63  }
0x12c: {  	s21 =	simm.s32 $0x3400  }
0x12d: {  	[tilespmem:s21], [sflag:$0x1] =	stream.indirect_vreg.gather [hbm4b:s4+s2], $0x80, v3, vm0, $0xb8;
	[tilespmem:$0xF000] =	vst v63  }
0x12e: {  	s21 =	simm.s32 $0x3C00  }
0x12f: {  	[tilespmem:s21], [sflag:$0x1] =	stream.indirect_vreg.gather [hbm4b:s5+s2], $0x80, v3, vm0, $0xb8;
	[tilespmem:$0xF000] =	vst v63  }
0x130: {  	s21 =	simm.s32 $0x4400  }
0x131: {  	[tilespmem:s21], [sflag:$0x1] =	stream.indirect_vreg.gather [hbm4b:s6+s2], $0x80, v3, vm1, $0xb8;
	[tilespmem:$0xF000] =	vst v63  }
0x132: {  	v3 =	vld [tilespmem:$0xA00];
	_ =	sdelay $0x4  }
0x133: {  	v41 =	vshrl.u32 v3, $0x3  }
0x134: {  	v4 =	vmul.u32 $0x38, v41  }
0x135: {  	v3 =	vand.u32 $0x7, v3  }
0x136: {  	v3 =	vor.u32 v3, v4  }
0x137: {  	v4 =	vperm.xlane v3, v0;
	_ =	sdelay $0x1  }
0x138: {  	v4 =	vadd.s32 v1, v4;
	_ =	sdelay $0x4  }
0x139: {  	[tilespmem:s17], [sflag:$0x1] =	stream.indirect_vreg.gather [hbm4b:s3+s2], $0x80, v4, vm0, $0xb8;
	[tilespmem:$0xF000] =	vst v63  }
0x13a: {  	s21 =	simm.s32 $0x8800;
	v3 =	vperm.xlane v3, v2  }
0x13b: {  	[tilespmem:s21], [sflag:$0x1] =	stream.indirect_vreg.gather [hbm4b:s4+s2], $0x80, v4, vm0, $0xb8;
	[tilespmem:$0xF000] =	vst v63  }
0x13c: {  	v3 =	vadd.s32 v1, v3  }
0x13d: {  	[tilespmem:s31], [sflag:$0x1] =	stream.indirect_vreg.gather [hbm4b:s5+s2], $0x80, v4, vm0, $0xb8;
	[tilespmem:$0xF000] =	vst v63  }
0x13e: {  	_ = 	snop  }
0x13f: {  	[tilespmem:s0], [sflag:$0x1] =	stream.indirect_vreg.gather [hbm4b:s6+s2], $0x80, v4, vm1, $0xb8;
	[tilespmem:$0xF000] =	vst v63  }
0x140: {  	_ = 	snop  }
0x141: {  	[tilespmem:s1], [sflag:$0x1] =	stream.indirect_vreg.gather [hbm4b:s3+s2], $0x80, v3, vm0, $0xb8;
	[tilespmem:$0xF000] =	vst v63  }
0x142: {  	_ = 	snop  }
0x143: {  	[tilespmem:s7], [sflag:$0x1] =	stream.indirect_vreg.gather [hbm4b:s4+s2], $0x80, v3, vm0, $0xb8;
	[tilespmem:$0xF000] =	vst v63  }
0x144: {  	_ = 	snop  }
0x145: {  	[tilespmem:s8], [sflag:$0x1] =	stream.indirect_vreg.gather [hbm4b:s5+s2], $0x80, v3, vm0, $0xb8;
	[tilespmem:$0xF000] =	vst v63  }
0x146: {  	_ = 	snop  }
0x147: {  	[tilespmem:s28], [sflag:$0x1] =	stream.indirect_vreg.gather [hbm4b:s6+s2], $0x80, v3, vm1, $0xb8;
	[tilespmem:$0xF000] =	vst v63  }
0x148: {  	s21 =	rddreg [dreg:$0xa]  }
0x149: {  	[hbm4b:s21+s2] =	stream.linear.scatter [tilespmem:s26], [sflag:$0x2], $0x3800, $0x38;
	[tilespmem:$0xF000] =	vst v63  }
0x14a: {  	s28 =	rddreg [dreg:$0xb]  }
0x14b: {  	[hbm4b:s28+s2] =	stream.linear.scatter [tilespmem:s10], [sflag:$0x2], $0x3800, $0x38;
	[tilespmem:$0xF000] =	vst v63  }
0x14c: {  	_ =	swait.ge [sflag:s25], $0x3800  }
0x14d: {  	[sflag:s25] =	ssyncset.done $0x0  }
0x14e: {  	[sflag:s25] =	ssyncadd.s32 $0xFFFFC800  }
0x14f: {  	_ =	swait.ge [sflag:s25], $0x3800  }
0x150: {  	[sflag:s25] =	ssyncset.done $0x0  }
0x151: {  	[sflag:s25] =	ssyncadd.s32 $0xFFFFC800  }
0x152: {  	_ =	swait.ge [sflag:s19], $0x3800  }
0x153: {  	[sflag:s19] =	ssyncset.done $0x0  }
0x154: {  	[sflag:s19] =	ssyncadd.s32 $0xFFFFC800  }
0x155: {  	_ =	swait.ge [sflag:s19], $0x3800  }
0x156: {  	[sflag:s19] =	ssyncset.done $0x0  }
0x157: {  	[sflag:s19] =	ssyncadd.s32 $0xFFFFC800  }
0x158: {  	v3 =	vld [tilespmem:$0x280];
	_ =	sdelay $0x4  }
0x159: {  	v42 =	vshrl.u32 v3, $0x3  }
0x15a: {  	v4 =	vmul.u32 $0x38, v42  }
0x15b: {  	v3 =	vand.u32 $0x7, v3  }
0x15c: {  	v3 =	vor.u32 v3, v4  }
0x15d: {  	v4 =	vperm.xlane v3, v0;
	_ =	sdelay $0x1  }
0x15e: {  	v4 =	vadd.s32 v1, v4;
	_ =	sdelay $0x4  }
0x15f: {  	[tilespmem:s26], [sflag:$0x1] =	stream.indirect_vreg.gather [hbm4b:s3+s2], $0x80, v4, vm0, $0xb8;
	[tilespmem:$0xF000] =	vst v63  }
0x160: {  	s21 =	simm.s32 $0x5000;
	v3 =	vperm.xlane v3, v2  }
0x161: {  	[tilespmem:s21], [sflag:$0x1] =	stream.indirect_vreg.gather [hbm4b:s4+s2], $0x80, v4, vm0, $0xb8;
	[tilespmem:$0xF000] =	vst v63  }
0x162: {  	v3 =	vadd.s32 v1, v3  }
0x163: {  	[tilespmem:s18], [sflag:$0x1] =	stream.indirect_vreg.gather [hbm4b:s5+s2], $0x80, v4, vm0, $0xb8;
	[tilespmem:$0xF000] =	vst v63  }
0x164: {  	s28 =	simm.s32 $0x6000  }
0x165: {  	[tilespmem:s28], [sflag:$0x1] =	stream.indirect_vreg.gather [hbm4b:s6+s2], $0x80, v4, vm1, $0xb8;
	[tilespmem:$0xF000] =	vst v63  }
0x166: {  	s11 =	simm.s32 $0x6400  }
0x167: {  	[tilespmem:s11], [sflag:$0x1] =	stream.indirect_vreg.gather [hbm4b:s3+s2], $0x80, v3, vm0, $0xb8;
	[tilespmem:$0xF000] =	vst v63  }
0x168: {  	s12 =	simm.s32 $0x6C00  }
0x169: {  	[tilespmem:s12], [sflag:$0x1] =	stream.indirect_vreg.gather [hbm4b:s4+s2], $0x80, v3, vm0, $0xb8;
	[tilespmem:$0xF000] =	vst v63  }
0x16a: {  	s13 =	simm.s32 $0x7400  }
0x16b: {  	[tilespmem:s13], [sflag:$0x1] =	stream.indirect_vreg.gather [hbm4b:s5+s2], $0x80, v3, vm0, $0xb8;
	[tilespmem:$0xF000] =	vst v63  }
0x16c: {  	s21 =	simm.s32 $0x7C00  }
0x16d: {  	[tilespmem:s21], [sflag:$0x1] =	stream.indirect_vreg.gather [hbm4b:s6+s2], $0x80, v3, vm1, $0xb8;
	[tilespmem:$0xF000] =	vst v63  }
0x16e: {  	v3 =	vld [tilespmem:$0xA80];
	_ =	sdelay $0x4  }
0x16f: {  	v43 =	vshrl.u32 v3, $0x3  }
0x170: {  	v4 =	vmul.u32 $0x38, v43  }
0x171: {  	v3 =	vand.u32 $0x7, v3  }
0x172: {  	v3 =	vor.u32 v3, v4  }
0x173: {  	v4 =	vperm.xlane v3, v0;
	_ =	sdelay $0x1  }
0x174: {  	v4 =	vadd.s32 v1, v4;
	_ =	sdelay $0x4  }
0x175: {  	[tilespmem:s10], [sflag:$0x1] =	stream.indirect_vreg.gather [hbm4b:s3+s2], $0x80, v4, vm0, $0xb8;
	[tilespmem:$0xF000] =	vst v63  }
0x176: {  	s21 =	simm.s32 $0xC000;
	v3 =	vperm.xlane v3, v2  }
0x177: {  	[tilespmem:s21], [sflag:$0x1] =	stream.indirect_vreg.gather [hbm4b:s4+s2], $0x80, v4, vm0, $0xb8;
	[tilespmem:$0xF000] =	vst v63  }
0x178: {  	s14 =	simm.s32 $0xC800;
	v3 =	vadd.s32 v1, v3  }
0x179: {  	[tilespmem:s14], [sflag:$0x1] =	stream.indirect_vreg.gather [hbm4b:s5+s2], $0x80, v4, vm0, $0xb8;
	[tilespmem:$0xF000] =	vst v63  }
0x17a: {  	s15 =	simm.s32 $0xD000  }
0x17b: {  	[tilespmem:s15], [sflag:$0x1] =	stream.indirect_vreg.gather [hbm4b:s6+s2], $0x80, v4, vm1, $0xb8;
	[tilespmem:$0xF000] =	vst v63  }
0x17c: {  	s16 =	simm.s32 $0xD400  }
0x17d: {  	[tilespmem:s16], [sflag:$0x1] =	stream.indirect_vreg.gather [hbm4b:s3+s2], $0x80, v3, vm0, $0xb8;
	[tilespmem:$0xF000] =	vst v63  }
0x17e: {  	s22 =	simm.s32 $0xDC00  }
0x17f: {  	[tilespmem:s22], [sflag:$0x1] =	stream.indirect_vreg.gather [hbm4b:s4+s2], $0x80, v3, vm0, $0xb8;
	[tilespmem:$0xF000] =	vst v63  }
0x180: {  	s23 =	simm.s32 $0xE400  }
0x181: {  	[tilespmem:s23], [sflag:$0x1] =	stream.indirect_vreg.gather [hbm4b:s5+s2], $0x80, v3, vm0, $0xb8;
	[tilespmem:$0xF000] =	vst v63  }
0x182: {  	s24 =	simm.s32 $0xEC00  }
0x183: {  	[tilespmem:s24], [sflag:$0x1] =	stream.indirect_vreg.gather [hbm4b:s6+s2], $0x80, v3, vm1, $0xb8;
	[tilespmem:$0xF000] =	vst v63  }
0x184: {  	s20 =	rddreg [dreg:$0xc]  }
0x185: {  	[hbm4b:s20+s2] =	stream.linear.scatter [tilespmem:s9], [sflag:$0x2], $0x3800, $0x38;
	[tilespmem:$0xF000] =	vst v63  }
0x186: {  	s21 =	rddreg [dreg:$0xd]  }
0x187: {  	[hbm4b:s21+s2] =	stream.linear.scatter [tilespmem:s17], [sflag:$0x2], $0x3800, $0x38;
	[tilespmem:$0xF000] =	vst v63  }
0x188: {  	_ =	swait.ge [sflag:s25], $0x3800  }
0x189: {  	[sflag:s25] =	ssyncset.done $0x0  }
0x18a: {  	[sflag:s25] =	ssyncadd.s32 $0xFFFFC800  }
0x18b: {  	_ =	swait.ge [sflag:s25], $0x3800  }
0x18c: {  	[sflag:s25] =	ssyncset.done $0x0  }
0x18d: {  	[sflag:s25] =	ssyncadd.s32 $0xFFFFC800  }
0x18e: {  	_ =	swait.ge [sflag:s19], $0x3800  }
0x18f: {  	[sflag:s19] =	ssyncset.done $0x0  }
0x190: {  	[sflag:s19] =	ssyncadd.s32 $0xFFFFC800  }
0x191: {  	_ =	swait.ge [sflag:s19], $0x3800  }
0x192: {  	[sflag:s19] =	ssyncset.done $0x0  }
0x193: {  	[sflag:s19] =	ssyncadd.s32 $0xFFFFC800  }
0x194: {  	v3 =	vld [tilespmem:$0x300];
	_ =	sdelay $0x4  }
0x195: {  	v44 =	vshrl.u32 v3, $0x3  }
0x196: {  	v4 =	vmul.u32 $0x38, v44  }
0x197: {  	v3 =	vand.u32 $0x7, v3  }
0x198: {  	v3 =	vor.u32 v3, v4  }
0x199: {  	v4 =	vperm.xlane v3, v0;
	_ =	sdelay $0x1  }
0x19a: {  	v4 =	vadd.s32 v1, v4;
	_ =	sdelay $0x4  }
0x19b: {  	[tilespmem:s9], [sflag:$0x1] =	stream.indirect_vreg.gather [hbm4b:s3+s2], $0x80, v4, vm0, $0xb8;
	[tilespmem:$0xF000] =	vst v63  }
0x19c: {  	s21 =	simm.s32 $0x1800;
	v3 =	vperm.xlane v3, v2  }
0x19d: {  	[tilespmem:s21], [sflag:$0x1] =	stream.indirect_vreg.gather [hbm4b:s4+s2], $0x80, v4, vm0, $0xb8;
	[tilespmem:$0xF000] =	vst v63  }
0x19e: {  	v3 =	vadd.s32 v1, v3;
	s21 =	simm.s32 $0x2000  }
0x19f: {  	[tilespmem:s21], [sflag:$0x1] =	stream.indirect_vreg.gather [hbm4b:s5+s2], $0x80, v4, vm0, $0xb8;
	[tilespmem:$0xF000] =	vst v63  }
0x1a0: {  	s29 =	simm.s32 $0x2800  }
0x1a1: {  	[tilespmem:s29], [sflag:$0x1] =	stream.indirect_vreg.gather [hbm4b:s6+s2], $0x80, v4, vm1, $0xb8;
	[tilespmem:$0xF000] =	vst v63  }
0x1a2: {  	s30 =	simm.s32 $0x2C00  }
0x1a3: {  	[tilespmem:s30], [sflag:$0x1] =	stream.indirect_vreg.gather [hbm4b:s3+s2], $0x80, v3, vm0, $0xb8;
	[tilespmem:$0xF000] =	vst v63  }
0x1a4: {  	s21 =	simm.s32 $0x3400  }
0x1a5: {  	[tilespmem:s21], [sflag:$0x1] =	stream.indirect_vreg.gather [hbm4b:s4+s2], $0x80, v3, vm0, $0xb8;
	[tilespmem:$0xF000] =	vst v63  }
0x1a6: {  	s21 =	simm.s32 $0x3C00  }
0x1a7: {  	[tilespmem:s21], [sflag:$0x1] =	stream.indirect_vreg.gather [hbm4b:s5+s2], $0x80, v3, vm0, $0xb8;
	[tilespmem:$0xF000] =	vst v63  }
0x1a8: {  	s21 =	simm.s32 $0x4400  }
0x1a9: {  	[tilespmem:s21], [sflag:$0x1] =	stream.indirect_vreg.gather [hbm4b:s6+s2], $0x80, v3, vm1, $0xb8;
	[tilespmem:$0xF000] =	vst v63  }
0x1aa: {  	v3 =	vld [tilespmem:$0xB00];
	_ =	sdelay $0x4  }
0x1ab: {  	v45 =	vshrl.u32 v3, $0x3  }
0x1ac: {  	v4 =	vmul.u32 $0x38, v45  }
0x1ad: {  	v3 =	vand.u32 $0x7, v3  }
0x1ae: {  	v3 =	vor.u32 v3, v4  }
0x1af: {  	v4 =	vperm.xlane v3, v0;
	_ =	sdelay $0x1  }
0x1b0: {  	v4 =	vadd.s32 v1, v4;
	_ =	sdelay $0x4  }
0x1b1: {  	[tilespmem:s17], [sflag:$0x1] =	stream.indirect_vreg.gather [hbm4b:s3+s2], $0x80, v4, vm0, $0xb8;
	[tilespmem:$0xF000] =	vst v63  }
0x1b2: {  	s21 =	simm.s32 $0x8800;
	v3 =	vperm.xlane v3, v2  }
0x1b3: {  	[tilespmem:s21], [sflag:$0x1] =	stream.indirect_vreg.gather [hbm4b:s4+s2], $0x80, v4, vm0, $0xb8;
	[tilespmem:$0xF000] =	vst v63  }
0x1b4: {  	s31 =	simm.s32 $0x9000;
	v3 =	vadd.s32 v1, v3  }
0x1b5: {  	[tilespmem:s31], [sflag:$0x1] =	stream.indirect_vreg.gather [hbm4b:s5+s2], $0x80, v4, vm0, $0xb8;
	[tilespmem:$0xF000] =	vst v63  }
0x1b6: {  	s21 =	simm.s32 $0x9800  }
0x1b7: {  	[tilespmem:s21], [sflag:$0x1] =	stream.indirect_vreg.gather [hbm4b:s6+s2], $0x80, v4, vm1, $0xb8;
	[tilespmem:$0xF000] =	vst v63  }
0x1b8: {  	s1 =	simm.s32 $0x9C00  }
0x1b9: {  	[tilespmem:s1], [sflag:$0x1] =	stream.indirect_vreg.gather [hbm4b:s3+s2], $0x80, v3, vm0, $0xb8;
	[tilespmem:$0xF000] =	vst v63  }
0x1ba: {  	s7 =	simm.s32 $0xA400  }
0x1bb: {  	[tilespmem:s7], [sflag:$0x1] =	stream.indirect_vreg.gather [hbm4b:s4+s2], $0x80, v3, vm0, $0xb8;
	[tilespmem:$0xF000] =	vst v63  }
0x1bc: {  	s8 =	simm.s32 $0xAC00  }
0x1bd: {  	[tilespmem:s8], [sflag:$0x1] =	stream.indirect_vreg.gather [hbm4b:s5+s2], $0x80, v3, vm0, $0xb8;
	[tilespmem:$0xF000] =	vst v63  }
0x1be: {  	s0 =	simm.s32 $0xB400  }
0x1bf: {  	[tilespmem:s0], [sflag:$0x1] =	stream.indirect_vreg.gather [hbm4b:s6+s2], $0x80, v3, vm1, $0xb8;
	[tilespmem:$0xF000] =	vst v63  }
0x1c0: {  	s20 =	rddreg [dreg:$0xe]  }
0x1c1: {  	[hbm4b:s20+s2] =	stream.linear.scatter [tilespmem:s26], [sflag:$0x2], $0x3800, $0x38;
	[tilespmem:$0xF000] =	vst v63  }
0x1c2: {  	s21 =	rddreg [dreg:$0xf]  }
0x1c3: {  	[hbm4b:s21+s2] =	stream.linear.scatter [tilespmem:s10], [sflag:$0x2], $0x3800, $0x38;
	[tilespmem:$0xF000] =	vst v63  }
0x1c4: {  	_ =	swait.ge [sflag:s25], $0x3800  }
0x1c5: {  	[sflag:s25] =	ssyncset.done $0x0  }
0x1c6: {  	[sflag:s25] =	ssyncadd.s32 $0xFFFFC800  }
0x1c7: {  	_ =	swait.ge [sflag:s25], $0x3800  }
0x1c8: {  	[sflag:s25] =	ssyncset.done $0x0  }
0x1c9: {  	[sflag:s25] =	ssyncadd.s32 $0xFFFFC800  }
0x1ca: {  	_ =	swait.ge [sflag:s19], $0x3800  }
0x1cb: {  	[sflag:s19] =	ssyncset.done $0x0  }
0x1cc: {  	[sflag:s19] =	ssyncadd.s32 $0xFFFFC800  }
0x1cd: {  	_ =	swait.ge [sflag:s19], $0x3800  }
0x1ce: {  	[sflag:s19] =	ssyncset.done $0x0  }
0x1cf: {  	[sflag:s19] =	ssyncadd.s32 $0xFFFFC800  }
0x1d0: {  	v3 =	vld [tilespmem:$0x380];
	_ =	sdelay $0x4  }
0x1d1: {  	v46 =	vshrl.u32 v3, $0x3  }
0x1d2: {  	v4 =	vmul.u32 $0x38, v46  }
0x1d3: {  	v3 =	vand.u32 $0x7, v3  }
0x1d4: {  	v3 =	vor.u32 v3, v4  }
0x1d5: {  	v4 =	vperm.xlane v3, v0;
	_ =	sdelay $0x1  }
0x1d6: {  	v4 =	vadd.s32 v1, v4;
	_ =	sdelay $0x4  }
0x1d7: {  	[tilespmem:s26], [sflag:$0x1] =	stream.indirect_vreg.gather [hbm4b:s3+s2], $0x80, v4, vm0, $0xb8;
	[tilespmem:$0xF000] =	vst v63  }
0x1d8: {  	s21 =	simm.s32 $0x5000;
	v3 =	vperm.xlane v3, v2  }
0x1d9: {  	[tilespmem:s21], [sflag:$0x1] =	stream.indirect_vreg.gather [hbm4b:s4+s2], $0x80, v4, vm0, $0xb8;
	[tilespmem:$0xF000] =	vst v63  }
0x1da: {  	s18 =	simm.s32 $0x5800;
	v3 =	vadd.s32 v1, v3  }
0x1db: {  	[tilespmem:s18], [sflag:$0x1] =	stream.indirect_vreg.gather [hbm4b:s5+s2], $0x80, v4, vm0, $0xb8;
	[tilespmem:$0xF000] =	vst v63  }
0x1dc: {  	s28 =	simm.s32 $0x6000  }
0x1dd: {  	[tilespmem:s28], [sflag:$0x1] =	stream.indirect_vreg.gather [hbm4b:s6+s2], $0x80, v4, vm1, $0xb8;
	[tilespmem:$0xF000] =	vst v63  }
0x1de: {  	s11 =	simm.s32 $0x6400  }
0x1df: {  	[tilespmem:s11], [sflag:$0x1] =	stream.indirect_vreg.gather [hbm4b:s3+s2], $0x80, v3, vm0, $0xb8;
	[tilespmem:$0xF000] =	vst v63  }
0x1e0: {  	s12 =	simm.s32 $0x6C00  }
0x1e1: {  	[tilespmem:s12], [sflag:$0x1] =	stream.indirect_vreg.gather [hbm4b:s4+s2], $0x80, v3, vm0, $0xb8;
	[tilespmem:$0xF000] =	vst v63  }
0x1e2: {  	s13 =	simm.s32 $0x7400  }
0x1e3: {  	[tilespmem:s13], [sflag:$0x1] =	stream.indirect_vreg.gather [hbm4b:s5+s2], $0x80, v3, vm0, $0xb8;
	[tilespmem:$0xF000] =	vst v63  }
0x1e4: {  	s21 =	simm.s32 $0x7C00  }
0x1e5: {  	[tilespmem:s21], [sflag:$0x1] =	stream.indirect_vreg.gather [hbm4b:s6+s2], $0x80, v3, vm1, $0xb8;
	[tilespmem:$0xF000] =	vst v63  }
0x1e6: {  	v3 =	vld [tilespmem:$0xB80];
	_ =	sdelay $0x4  }
0x1e7: {  	v47 =	vshrl.u32 v3, $0x3  }
0x1e8: {  	v4 =	vmul.u32 $0x38, v47  }
0x1e9: {  	v3 =	vand.u32 $0x7, v3  }
0x1ea: {  	v3 =	vor.u32 v3, v4  }
0x1eb: {  	v4 =	vperm.xlane v3, v0;
	_ =	sdelay $0x1  }
0x1ec: {  	v4 =	vadd.s32 v1, v4;
	_ =	sdelay $0x4  }
0x1ed: {  	[tilespmem:s10], [sflag:$0x1] =	stream.indirect_vreg.gather [hbm4b:s3+s2], $0x80, v4, vm0, $0xb8;
	[tilespmem:$0xF000] =	vst v63  }
0x1ee: {  	s20 =	simm.s32 $0xC000;
	v3 =	vperm.xlane v3, v2  }
0x1ef: {  	[tilespmem:s20], [sflag:$0x1] =	stream.indirect_vreg.gather [hbm4b:s4+s2], $0x80, v4, vm0, $0xb8;
	[tilespmem:$0xF000] =	vst v63  }
0x1f0: {  	s14 =	simm.s32 $0xC800;
	v3 =	vadd.s32 v1, v3  }
0x1f1: {  	[tilespmem:s14], [sflag:$0x1] =	stream.indirect_vreg.gather [hbm4b:s5+s2], $0x80, v4, vm0, $0xb8;
	[tilespmem:$0xF000] =	vst v63  }
0x1f2: {  	s15 =	simm.s32 $0xD000  }
0x1f3: {  	[tilespmem:s15], [sflag:$0x1] =	stream.indirect_vreg.gather [hbm4b:s6+s2], $0x80, v4, vm1, $0xb8;
	[tilespmem:$0xF000] =	vst v63  }
0x1f4: {  	s16 =	simm.s32 $0xD400  }
0x1f5: {  	[tilespmem:s16], [sflag:$0x1] =	stream.indirect_vreg.gather [hbm4b:s3+s2], $0x80, v3, vm0, $0xb8;
	[tilespmem:$0xF000] =	vst v63  }
0x1f6: {  	s22 =	simm.s32 $0xDC00  }
0x1f7: {  	[tilespmem:s22], [sflag:$0x1] =	stream.indirect_vreg.gather [hbm4b:s4+s2], $0x80, v3, vm0, $0xb8;
	[tilespmem:$0xF000] =	vst v63  }
0x1f8: {  	s23 =	simm.s32 $0xE400  }
0x1f9: {  	[tilespmem:s23], [sflag:$0x1] =	stream.indirect_vreg.gather [hbm4b:s5+s2], $0x80, v3, vm0, $0xb8;
	[tilespmem:$0xF000] =	vst v63  }
0x1fa: {  	s24 =	simm.s32 $0xEC00  }
0x1fb: {  	[tilespmem:s24], [sflag:$0x1] =	stream.indirect_vreg.gather [hbm4b:s6+s2], $0x80, v3, vm1, $0xb8;
	[tilespmem:$0xF000] =	vst v63  }
0x1fc: {  	s21 =	rddreg [dreg:$0x10]  }
0x1fd: {  	[hbm4b:s21+s2] =	stream.linear.scatter [tilespmem:s9], [sflag:$0x2], $0x3800, $0x38;
	[tilespmem:$0xF000] =	vst v63  }
0x1fe: {  	s24 =	rddreg [dreg:$0x11]  }
0x1ff: {  	[hbm4b:s24+s2] =	stream.linear.scatter [tilespmem:s17], [sflag:$0x2], $0x3800, $0x38;
	[tilespmem:$0xF000] =	vst v63  }
0x200: {  	_ =	swait.ge [sflag:s25], $0x3800  }
0x201: {  	[sflag:s25] =	ssyncset.done $0x0  }
0x202: {  	[sflag:s25] =	ssyncadd.s32 $0xFFFFC800  }
0x203: {  	_ =	swait.ge [sflag:s25], $0x3800  }
0x204: {  	[sflag:s25] =	ssyncset.done $0x0  }
0x205: {  	[sflag:s25] =	ssyncadd.s32 $0xFFFFC800  }
0x206: {  	_ =	swait.ge [sflag:s19], $0x3800  }
0x207: {  	[sflag:s19] =	ssyncset.done $0x0  }
0x208: {  	[sflag:s19] =	ssyncadd.s32 $0xFFFFC800  }
0x209: {  	_ =	swait.ge [sflag:s19], $0x3800  }
0x20a: {  	[sflag:s19] =	ssyncset.done $0x0  }
0x20b: {  	[sflag:s19] =	ssyncadd.s32 $0xFFFFC800  }
0x20c: {  	v3 =	vld [tilespmem:$0x400];
	_ =	sdelay $0x4  }
0x20d: {  	v48 =	vshrl.u32 v3, $0x3  }
0x20e: {  	v4 =	vmul.u32 $0x38, v48  }
0x20f: {  	v3 =	vand.u32 $0x7, v3  }
0x210: {  	v3 =	vor.u32 v3, v4  }
0x211: {  	v4 =	vperm.xlane v3, v0;
	_ =	sdelay $0x1  }
0x212: {  	v4 =	vadd.s32 v1, v4;
	_ =	sdelay $0x4  }
0x213: {  	[tilespmem:s9], [sflag:$0x1] =	stream.indirect_vreg.gather [hbm4b:s3+s2], $0x80, v4, vm0, $0xb8;
	[tilespmem:$0xF000] =	vst v63  }
0x214: {  	s24 =	simm.s32 $0x1800;
	v3 =	vperm.xlane v3, v2  }
0x215: {  	[tilespmem:s24], [sflag:$0x1] =	stream.indirect_vreg.gather [hbm4b:s4+s2], $0x80, v4, vm0, $0xb8;
	[tilespmem:$0xF000] =	vst v63  }
0x216: {  	s21 =	simm.s32 $0x2000;
	v3 =	vadd.s32 v1, v3  }
0x217: {  	[tilespmem:s21], [sflag:$0x1] =	stream.indirect_vreg.gather [hbm4b:s5+s2], $0x80, v4, vm0, $0xb8;
	[tilespmem:$0xF000] =	vst v63  }
0x218: {  	s29 =	simm.s32 $0x2800  }
0x219: {  	[tilespmem:s29], [sflag:$0x1] =	stream.indirect_vreg.gather [hbm4b:s6+s2], $0x80, v4, vm1, $0xb8;
	[tilespmem:$0xF000] =	vst v63  }
0x21a: {  	s30 =	simm.s32 $0x2C00  }
0x21b: {  	[tilespmem:s30], [sflag:$0x1] =	stream.indirect_vreg.gather [hbm4b:s3+s2], $0x80, v3, vm0, $0xb8;
	[tilespmem:$0xF000] =	vst v63  }
0x21c: {  	s24 =	simm.s32 $0x3400  }
0x21d: {  	[tilespmem:s24], [sflag:$0x1] =	stream.indirect_vreg.gather [hbm4b:s4+s2], $0x80, v3, vm0, $0xb8;
	[tilespmem:$0xF000] =	vst v63  }
0x21e: {  	s21 =	simm.s32 $0x3C00  }
0x21f: {  	[tilespmem:s21], [sflag:$0x1] =	stream.indirect_vreg.gather [hbm4b:s5+s2], $0x80, v3, vm0, $0xb8;
	[tilespmem:$0xF000] =	vst v63  }
0x220: {  	s24 =	simm.s32 $0x4400  }
0x221: {  	[tilespmem:s24], [sflag:$0x1] =	stream.indirect_vreg.gather [hbm4b:s6+s2], $0x80, v3, vm1, $0xb8;
	[tilespmem:$0xF000] =	vst v63  }
0x222: {  	v3 =	vld [tilespmem:$0xC00];
	_ =	sdelay $0x4  }
0x223: {  	v49 =	vshrl.u32 v3, $0x3  }
0x224: {  	v4 =	vmul.u32 $0x38, v49  }
0x225: {  	v3 =	vand.u32 $0x7, v3  }
0x226: {  	v3 =	vor.u32 v3, v4  }
0x227: {  	v4 =	vperm.xlane v3, v0;
	_ =	sdelay $0x1  }
0x228: {  	v4 =	vadd.s32 v1, v4;
	_ =	sdelay $0x4  }
0x229: {  	[tilespmem:s17], [sflag:$0x1] =	stream.indirect_vreg.gather [hbm4b:s3+s2], $0x80, v4, vm0, $0xb8;
	[tilespmem:$0xF000] =	vst v63  }
0x22a: {  	s21 =	simm.s32 $0x8800;
	v3 =	vperm.xlane v3, v2  }
0x22b: {  	[tilespmem:s21], [sflag:$0x1] =	stream.indirect_vreg.gather [hbm4b:s4+s2], $0x80, v4, vm0, $0xb8;
	[tilespmem:$0xF000] =	vst v63  }
0x22c: {  	s31 =	simm.s32 $0x9000;
	v3 =	vadd.s32 v1, v3  }
0x22d: {  	[tilespmem:s31], [sflag:$0x1] =	stream.indirect_vreg.gather [hbm4b:s5+s2], $0x80, v4, vm0, $0xb8;
	[tilespmem:$0xF000] =	vst v63  }
0x22e: {  	s24 =	simm.s32 $0x9800  }
0x22f: {  	[tilespmem:s24], [sflag:$0x1] =	stream.indirect_vreg.gather [hbm4b:s6+s2], $0x80, v4, vm1, $0xb8;
	[tilespmem:$0xF000] =	vst v63  }
0x230: {  	s1 =	simm.s32 $0x9C00  }
0x231: {  	[tilespmem:s1], [sflag:$0x1] =	stream.indirect_vreg.gather [hbm4b:s3+s2], $0x80, v3, vm0, $0xb8;
	[tilespmem:$0xF000] =	vst v63  }
0x232: {  	s7 =	simm.s32 $0xA400  }
0x233: {  	[tilespmem:s7], [sflag:$0x1] =	stream.indirect_vreg.gather [hbm4b:s4+s2], $0x80, v3, vm0, $0xb8;
	[tilespmem:$0xF000] =	vst v63  }
0x234: {  	s8 =	simm.s32 $0xAC00  }
0x235: {  	[tilespmem:s8], [sflag:$0x1] =	stream.indirect_vreg.gather [hbm4b:s5+s2], $0x80, v3, vm0, $0xb8;
	[tilespmem:$0xF000] =	vst v63  }
0x236: {  	s0 =	simm.s32 $0xB400  }
0x237: {  	[tilespmem:s0], [sflag:$0x1] =	stream.indirect_vreg.gather [hbm4b:s6+s2], $0x80, v3, vm1, $0xb8;
	[tilespmem:$0xF000] =	vst v63  }
0x238: {  	s21 =	rddreg [dreg:$0x12]  }
0x239: {  	[hbm4b:s21+s2] =	stream.linear.scatter [tilespmem:s26], [sflag:$0x2], $0x3800, $0x38;
	[tilespmem:$0xF000] =	vst v63  }
0x23a: {  	s1 =	rddreg [dreg:$0x13]  }
0x23b: {  	[hbm4b:s1+s2] =	stream.linear.scatter [tilespmem:s10], [sflag:$0x2], $0x3800, $0x38;
	[tilespmem:$0xF000] =	vst v63  }
0x23c: {  	_ =	swait.ge [sflag:s25], $0x3800  }
0x23d: {  	[sflag:s25] =	ssyncset.done $0x0  }
0x23e: {  	[sflag:s25] =	ssyncadd.s32 $0xFFFFC800  }
0x23f: {  	_ =	swait.ge [sflag:s25], $0x3800  }
0x240: {  	[sflag:s25] =	ssyncset.done $0x0  }
0x241: {  	[sflag:s25] =	ssyncadd.s32 $0xFFFFC800  }
0x242: {  	_ =	swait.ge [sflag:s19], $0x3800  }
0x243: {  	[sflag:s19] =	ssyncset.done $0x0  }
0x244: {  	[sflag:s19] =	ssyncadd.s32 $0xFFFFC800  }
0x245: {  	_ =	swait.ge [sflag:s19], $0x3800  }
0x246: {  	[sflag:s19] =	ssyncset.done $0x0  }
0x247: {  	[sflag:s19] =	ssyncadd.s32 $0xFFFFC800  }
0x248: {  	v3 =	vld [tilespmem:$0x480];
	_ =	sdelay $0x4  }
0x249: {  	v50 =	vshrl.u32 v3, $0x3  }
0x24a: {  	v4 =	vmul.u32 $0x38, v50  }
0x24b: {  	v3 =	vand.u32 $0x7, v3  }
0x24c: {  	v3 =	vor.u32 v3, v4  }
0x24d: {  	v4 =	vperm.xlane v3, v0;
	_ =	sdelay $0x1  }
0x24e: {  	v4 =	vadd.s32 v1, v4;
	_ =	sdelay $0x4  }
0x24f: {  	[tilespmem:s26], [sflag:$0x1] =	stream.indirect_vreg.gather [hbm4b:s3+s2], $0x80, v4, vm0, $0xb8;
	[tilespmem:$0xF000] =	vst v63  }
0x250: {  	s21 =	simm.s32 $0x5000;
	v3 =	vperm.xlane v3, v2  }
0x251: {  	[tilespmem:s21], [sflag:$0x1] =	stream.indirect_vreg.gather [hbm4b:s4+s2], $0x80, v4, vm0, $0xb8;
	[tilespmem:$0xF000] =	vst v63  }
0x252: {  	s20 =	simm.s32 $0x5800;
	v3 =	vadd.s32 v1, v3  }
0x253: {  	[tilespmem:s20], [sflag:$0x1] =	stream.indirect_vreg.gather [hbm4b:s5+s2], $0x80, v4, vm0, $0xb8;
	[tilespmem:$0xF000] =	vst v63  }
0x254: {  	s28 =	simm.s32 $0x6000  }
0x255: {  	[tilespmem:s28], [sflag:$0x1] =	stream.indirect_vreg.gather [hbm4b:s6+s2], $0x80, v4, vm1, $0xb8;
	[tilespmem:$0xF000] =	vst v63  }
0x256: {  	s11 =	simm.s32 $0x6400  }
0x257: {  	[tilespmem:s11], [sflag:$0x1] =	stream.indirect_vreg.gather [hbm4b:s3+s2], $0x80, v3, vm0, $0xb8;
	[tilespmem:$0xF000] =	vst v63  }
0x258: {  	s12 =	simm.s32 $0x6C00  }
0x259: {  	[tilespmem:s12], [sflag:$0x1] =	stream.indirect_vreg.gather [hbm4b:s4+s2], $0x80, v3, vm0, $0xb8;
	[tilespmem:$0xF000] =	vst v63  }
0x25a: {  	s13 =	simm.s32 $0x7400  }
0x25b: {  	[tilespmem:s13], [sflag:$0x1] =	stream.indirect_vreg.gather [hbm4b:s5+s2], $0x80, v3, vm0, $0xb8;
	[tilespmem:$0xF000] =	vst v63  }
0x25c: {  	s21 =	simm.s32 $0x7C00  }
0x25d: {  	[tilespmem:s21], [sflag:$0x1] =	stream.indirect_vreg.gather [hbm4b:s6+s2], $0x80, v3, vm1, $0xb8;
	[tilespmem:$0xF000] =	vst v63  }
0x25e: {  	v3 =	vld [tilespmem:$0xC80];
	_ =	sdelay $0x4  }
0x25f: {  	v51 =	vshrl.u32 v3, $0x3  }
0x260: {  	v4 =	vmul.u32 $0x38, v51  }
0x261: {  	v3 =	vand.u32 $0x7, v3  }
0x262: {  	v3 =	vor.u32 v3, v4  }
0x263: {  	v4 =	vperm.xlane v3, v0;
	_ =	sdelay $0x1  }
0x264: {  	v4 =	vadd.s32 v1, v4;
	_ =	sdelay $0x4  }
0x265: {  	[tilespmem:s10], [sflag:$0x1] =	stream.indirect_vreg.gather [hbm4b:s3+s2], $0x80, v4, vm0, $0xb8;
	[tilespmem:$0xF000] =	vst v63  }
0x266: {  	s20 =	simm.s32 $0xC000;
	v3 =	vperm.xlane v3, v2  }
0x267: {  	[tilespmem:s20], [sflag:$0x1] =	stream.indirect_vreg.gather [hbm4b:s4+s2], $0x80, v4, vm0, $0xb8;
	[tilespmem:$0xF000] =	vst v63  }
0x268: {  	s14 =	simm.s32 $0xC800;
	v3 =	vadd.s32 v1, v3  }
0x269: {  	[tilespmem:s14], [sflag:$0x1] =	stream.indirect_vreg.gather [hbm4b:s5+s2], $0x80, v4, vm0, $0xb8;
	[tilespmem:$0xF000] =	vst v63  }
0x26a: {  	s15 =	simm.s32 $0xD000  }
0x26b: {  	[tilespmem:s15], [sflag:$0x1] =	stream.indirect_vreg.gather [hbm4b:s6+s2], $0x80, v4, vm1, $0xb8;
	[tilespmem:$0xF000] =	vst v63  }
0x26c: {  	s16 =	simm.s32 $0xD400  }
0x26d: {  	[tilespmem:s16], [sflag:$0x1] =	stream.indirect_vreg.gather [hbm4b:s3+s2], $0x80, v3, vm0, $0xb8;
	[tilespmem:$0xF000] =	vst v63  }
0x26e: {  	s18 =	simm.s32 $0xDC00  }
0x26f: {  	[tilespmem:s18], [sflag:$0x1] =	stream.indirect_vreg.gather [hbm4b:s4+s2], $0x80, v3, vm0, $0xb8;
	[tilespmem:$0xF000] =	vst v63  }
0x270: {  	s22 =	simm.s32 $0xE400  }
0x271: {  	[tilespmem:s22], [sflag:$0x1] =	stream.indirect_vreg.gather [hbm4b:s5+s2], $0x80, v3, vm0, $0xb8;
	[tilespmem:$0xF000] =	vst v63  }
0x272: {  	s23 =	simm.s32 $0xEC00  }
0x273: {  	[tilespmem:s23], [sflag:$0x1] =	stream.indirect_vreg.gather [hbm4b:s6+s2], $0x80, v3, vm1, $0xb8;
	[tilespmem:$0xF000] =	vst v63  }
0x274: {  	s21 =	rddreg [dreg:$0x14]  }
0x275: {  	[hbm4b:s21+s2] =	stream.linear.scatter [tilespmem:s9], [sflag:$0x2], $0x3800, $0x38;
	[tilespmem:$0xF000] =	vst v63  }
0x276: {  	s23 =	rddreg [dreg:$0x15]  }
0x277: {  	[hbm4b:s23+s2] =	stream.linear.scatter [tilespmem:s17], [sflag:$0x2], $0x3800, $0x38;
	[tilespmem:$0xF000] =	vst v63  }
0x278: {  	_ =	swait.ge [sflag:s25], $0x3800  }
0x279: {  	[sflag:s25] =	ssyncset.done $0x0  }
0x27a: {  	[sflag:s25] =	ssyncadd.s32 $0xFFFFC800  }
0x27b: {  	_ =	swait.ge [sflag:s25], $0x3800  }
0x27c: {  	[sflag:s25] =	ssyncset.done $0x0  }
0x27d: {  	[sflag:s25] =	ssyncadd.s32 $0xFFFFC800  }
0x27e: {  	_ =	swait.ge [sflag:s19], $0x3800  }
0x27f: {  	[sflag:s19] =	ssyncset.done $0x0  }
0x280: {  	[sflag:s19] =	ssyncadd.s32 $0xFFFFC800  }
0x281: {  	_ =	swait.ge [sflag:s19], $0x3800  }
0x282: {  	[sflag:s19] =	ssyncset.done $0x0  }
0x283: {  	[sflag:s19] =	ssyncadd.s32 $0xFFFFC800  }
0x284: {  	v3 =	vld [tilespmem:$0x500];
	_ =	sdelay $0x4  }
0x285: {  	v52 =	vshrl.u32 v3, $0x3  }
0x286: {  	v4 =	vmul.u32 $0x38, v52  }
0x287: {  	v3 =	vand.u32 $0x7, v3  }
0x288: {  	v3 =	vor.u32 v3, v4  }
0x289: {  	v4 =	vperm.xlane v3, v0;
	_ =	sdelay $0x1  }
0x28a: {  	v4 =	vadd.s32 v1, v4;
	_ =	sdelay $0x4  }
0x28b: {  	[tilespmem:s9], [sflag:$0x1] =	stream.indirect_vreg.gather [hbm4b:s3+s2], $0x80, v4, vm0, $0xb8;
	[tilespmem:$0xF000] =	vst v63  }
0x28c: {  	s23 =	simm.s32 $0x1800;
	v3 =	vperm.xlane v3, v2  }
0x28d: {  	[tilespmem:s23], [sflag:$0x1] =	stream.indirect_vreg.gather [hbm4b:s4+s2], $0x80, v4, vm0, $0xb8;
	[tilespmem:$0xF000] =	vst v63  }
0x28e: {  	s21 =	simm.s32 $0x2000;
	v3 =	vadd.s32 v1, v3  }
0x28f: {  	[tilespmem:s21], [sflag:$0x1] =	stream.indirect_vreg.gather [hbm4b:s5+s2], $0x80, v4, vm0, $0xb8;
	[tilespmem:$0xF000] =	vst v63  }
0x290: {  	s29 =	simm.s32 $0x2800  }
0x291: {  	[tilespmem:s29], [sflag:$0x1] =	stream.indirect_vreg.gather [hbm4b:s6+s2], $0x80, v4, vm1, $0xb8;
	[tilespmem:$0xF000] =	vst v63  }
0x292: {  	s30 =	simm.s32 $0x2C00  }
0x293: {  	[tilespmem:s30], [sflag:$0x1] =	stream.indirect_vreg.gather [hbm4b:s3+s2], $0x80, v3, vm0, $0xb8;
	[tilespmem:$0xF000] =	vst v63  }
0x294: {  	s23 =	simm.s32 $0x3400  }
0x295: {  	[tilespmem:s23], [sflag:$0x1] =	stream.indirect_vreg.gather [hbm4b:s4+s2], $0x80, v3, vm0, $0xb8;
	[tilespmem:$0xF000] =	vst v63  }
0x296: {  	s21 =	simm.s32 $0x3C00  }
0x297: {  	[tilespmem:s21], [sflag:$0x1] =	stream.indirect_vreg.gather [hbm4b:s5+s2], $0x80, v3, vm0, $0xb8;
	[tilespmem:$0xF000] =	vst v63  }
0x298: {  	s23 =	simm.s32 $0x4400  }
0x299: {  	[tilespmem:s23], [sflag:$0x1] =	stream.indirect_vreg.gather [hbm4b:s6+s2], $0x80, v3, vm1, $0xb8;
	[tilespmem:$0xF000] =	vst v63  }
0x29a: {  	v3 =	vld [tilespmem:$0xD00];
	_ =	sdelay $0x4  }
0x29b: {  	v53 =	vshrl.u32 v3, $0x3  }
0x29c: {  	v4 =	vmul.u32 $0x38, v53  }
0x29d: {  	v3 =	vand.u32 $0x7, v3  }
0x29e: {  	v3 =	vor.u32 v3, v4  }
0x29f: {  	v4 =	vperm.xlane v3, v0;
	_ =	sdelay $0x1  }
0x2a0: {  	v4 =	vadd.s32 v1, v4;
	_ =	sdelay $0x4  }
0x2a1: {  	[tilespmem:s17], [sflag:$0x1] =	stream.indirect_vreg.gather [hbm4b:s3+s2], $0x80, v4, vm0, $0xb8;
	[tilespmem:$0xF000] =	vst v63  }
0x2a2: {  	s21 =	simm.s32 $0x8800;
	v3 =	vperm.xlane v3, v2  }
0x2a3: {  	[tilespmem:s21], [sflag:$0x1] =	stream.indirect_vreg.gather [hbm4b:s4+s2], $0x80, v4, vm0, $0xb8;
	[tilespmem:$0xF000] =	vst v63  }
0x2a4: {  	s31 =	simm.s32 $0x9000;
	v3 =	vadd.s32 v1, v3  }
0x2a5: {  	[tilespmem:s31], [sflag:$0x1] =	stream.indirect_vreg.gather [hbm4b:s5+s2], $0x80, v4, vm0, $0xb8;
	[tilespmem:$0xF000] =	vst v63  }
0x2a6: {  	s23 =	simm.s32 $0x9800  }
0x2a7: {  	[tilespmem:s23], [sflag:$0x1] =	stream.indirect_vreg.gather [hbm4b:s6+s2], $0x80, v4, vm1, $0xb8;
	[tilespmem:$0xF000] =	vst v63  }
0x2a8: {  	s24 =	simm.s32 $0x9C00  }
0x2a9: {  	[tilespmem:s24], [sflag:$0x1] =	stream.indirect_vreg.gather [hbm4b:s3+s2], $0x80, v3, vm0, $0xb8;
	[tilespmem:$0xF000] =	vst v63  }
0x2aa: {  	s7 =	simm.s32 $0xA400  }
0x2ab: {  	[tilespmem:s7], [sflag:$0x1] =	stream.indirect_vreg.gather [hbm4b:s4+s2], $0x80, v3, vm0, $0xb8;
	[tilespmem:$0xF000] =	vst v63  }
0x2ac: {  	s8 =	simm.s32 $0xAC00  }
0x2ad: {  	[tilespmem:s8], [sflag:$0x1] =	stream.indirect_vreg.gather [hbm4b:s5+s2], $0x80, v3, vm0, $0xb8;
	[tilespmem:$0xF000] =	vst v63  }
0x2ae: {  	s0 =	simm.s32 $0xB400  }
0x2af: {  	[tilespmem:s0], [sflag:$0x1] =	stream.indirect_vreg.gather [hbm4b:s6+s2], $0x80, v3, vm1, $0xb8;
	[tilespmem:$0xF000] =	vst v63  }
0x2b0: {  	s24 =	rddreg [dreg:$0x16]  }
0x2b1: {  	[hbm4b:s24+s2] =	stream.linear.scatter [tilespmem:s26], [sflag:$0x2], $0x3800, $0x38;
	[tilespmem:$0xF000] =	vst v63  }
0x2b2: {  	s7 =	rddreg [dreg:$0x17]  }
0x2b3: {  	[hbm4b:s7+s2] =	stream.linear.scatter [tilespmem:s10], [sflag:$0x2], $0x3800, $0x38;
	[tilespmem:$0xF000] =	vst v63  }
0x2b4: {  	_ =	swait.ge [sflag:s25], $0x3800  }
0x2b5: {  	[sflag:s25] =	ssyncset.done $0x0  }
0x2b6: {  	[sflag:s25] =	ssyncadd.s32 $0xFFFFC800  }
0x2b7: {  	_ =	swait.ge [sflag:s25], $0x3800  }
0x2b8: {  	[sflag:s25] =	ssyncset.done $0x0  }
0x2b9: {  	[sflag:s25] =	ssyncadd.s32 $0xFFFFC800  }
0x2ba: {  	_ =	swait.ge [sflag:s19], $0x3800  }
0x2bb: {  	[sflag:s19] =	ssyncset.done $0x0  }
0x2bc: {  	[sflag:s19] =	ssyncadd.s32 $0xFFFFC800  }
0x2bd: {  	_ =	swait.ge [sflag:s19], $0x3800  }
0x2be: {  	[sflag:s19] =	ssyncset.done $0x0  }
0x2bf: {  	[sflag:s19] =	ssyncadd.s32 $0xFFFFC800  }
0x2c0: {  	v3 =	vld [tilespmem:$0x580];
	_ =	sdelay $0x4  }
0x2c1: {  	v54 =	vshrl.u32 v3, $0x3  }
0x2c2: {  	v4 =	vmul.u32 $0x38, v54  }
0x2c3: {  	v3 =	vand.u32 $0x7, v3  }
0x2c4: {  	v3 =	vor.u32 v3, v4  }
0x2c5: {  	v4 =	vperm.xlane v3, v0;
	_ =	sdelay $0x1  }
0x2c6: {  	v4 =	vadd.s32 v1, v4;
	_ =	sdelay $0x4  }
0x2c7: {  	[tilespmem:s26], [sflag:$0x1] =	stream.indirect_vreg.gather [hbm4b:s3+s2], $0x80, v4, vm0, $0xb8;
	[tilespmem:$0xF000] =	vst v63  }
0x2c8: {  	s24 =	simm.s32 $0x5000;
	v3 =	vperm.xlane v3, v2  }
0x2c9: {  	[tilespmem:s24], [sflag:$0x1] =	stream.indirect_vreg.gather [hbm4b:s4+s2], $0x80, v4, vm0, $0xb8;
	[tilespmem:$0xF000] =	vst v63  }
0x2ca: {  	s20 =	simm.s32 $0x5800;
	v3 =	vadd.s32 v1, v3  }
0x2cb: {  	[tilespmem:s20], [sflag:$0x1] =	stream.indirect_vreg.gather [hbm4b:s5+s2], $0x80, v4, vm0, $0xb8;
	[tilespmem:$0xF000] =	vst v63  }
0x2cc: {  	s28 =	simm.s32 $0x6000  }
0x2cd: {  	[tilespmem:s28], [sflag:$0x1] =	stream.indirect_vreg.gather [hbm4b:s6+s2], $0x80, v4, vm1, $0xb8;
	[tilespmem:$0xF000] =	vst v63  }
0x2ce: {  	s1 =	simm.s32 $0x6400  }
0x2cf: {  	[tilespmem:s1], [sflag:$0x1] =	stream.indirect_vreg.gather [hbm4b:s3+s2], $0x80, v3, vm0, $0xb8;
	[tilespmem:$0xF000] =	vst v63  }
0x2d0: {  	s11 =	simm.s32 $0x6C00  }
0x2d1: {  	[tilespmem:s11], [sflag:$0x1] =	stream.indirect_vreg.gather [hbm4b:s4+s2], $0x80, v3, vm0, $0xb8;
	[tilespmem:$0xF000] =	vst v63  }
0x2d2: {  	s12 =	simm.s32 $0x7400  }
0x2d3: {  	[tilespmem:s12], [sflag:$0x1] =	stream.indirect_vreg.gather [hbm4b:s5+s2], $0x80, v3, vm0, $0xb8;
	[tilespmem:$0xF000] =	vst v63  }
0x2d4: {  	s21 =	simm.s32 $0x7C00  }
0x2d5: {  	[tilespmem:s21], [sflag:$0x1] =	stream.indirect_vreg.gather [hbm4b:s6+s2], $0x80, v3, vm1, $0xb8;
	[tilespmem:$0xF000] =	vst v63  }
0x2d6: {  	v3 =	vld [tilespmem:$0xD80];
	_ =	sdelay $0x4  }
0x2d7: {  	v55 =	vshrl.u32 v3, $0x3  }
0x2d8: {  	v4 =	vmul.u32 $0x38, v55  }
0x2d9: {  	v3 =	vand.u32 $0x7, v3  }
0x2da: {  	v3 =	vor.u32 v3, v4  }
0x2db: {  	v4 =	vperm.xlane v3, v0;
	_ =	sdelay $0x1  }
0x2dc: {  	v4 =	vadd.s32 v1, v4;
	_ =	sdelay $0x4  }
0x2dd: {  	[tilespmem:s10], [sflag:$0x1] =	stream.indirect_vreg.gather [hbm4b:s3+s2], $0x80, v4, vm0, $0xb8;
	[tilespmem:$0xF000] =	vst v63  }
0x2de: {  	s28 =	simm.s32 $0xC000;
	v3 =	vperm.xlane v3, v2  }
0x2df: {  	[tilespmem:s28], [sflag:$0x1] =	stream.indirect_vreg.gather [hbm4b:s4+s2], $0x80, v4, vm0, $0xb8;
	[tilespmem:$0xF000] =	vst v63  }
0x2e0: {  	s13 =	simm.s32 $0xC800;
	v3 =	vadd.s32 v1, v3  }
0x2e1: {  	[tilespmem:s13], [sflag:$0x1] =	stream.indirect_vreg.gather [hbm4b:s5+s2], $0x80, v4, vm0, $0xb8;
	[tilespmem:$0xF000] =	vst v63  }
0x2e2: {  	s14 =	simm.s32 $0xD000  }
0x2e3: {  	[tilespmem:s14], [sflag:$0x1] =	stream.indirect_vreg.gather [hbm4b:s6+s2], $0x80, v4, vm1, $0xb8;
	[tilespmem:$0xF000] =	vst v63  }
0x2e4: {  	s15 =	simm.s32 $0xD400  }
0x2e5: {  	[tilespmem:s15], [sflag:$0x1] =	stream.indirect_vreg.gather [hbm4b:s3+s2], $0x80, v3, vm0, $0xb8;
	[tilespmem:$0xF000] =	vst v63  }
0x2e6: {  	s16 =	simm.s32 $0xDC00  }
0x2e7: {  	[tilespmem:s16], [sflag:$0x1] =	stream.indirect_vreg.gather [hbm4b:s4+s2], $0x80, v3, vm0, $0xb8;
	[tilespmem:$0xF000] =	vst v63  }
0x2e8: {  	s18 =	simm.s32 $0xE400  }
0x2e9: {  	[tilespmem:s18], [sflag:$0x1] =	stream.indirect_vreg.gather [hbm4b:s5+s2], $0x80, v3, vm0, $0xb8;
	[tilespmem:$0xF000] =	vst v63  }
0x2ea: {  	s22 =	simm.s32 $0xEC00  }
0x2eb: {  	[tilespmem:s22], [sflag:$0x1] =	stream.indirect_vreg.gather [hbm4b:s6+s2], $0x80, v3, vm1, $0xb8;
	[tilespmem:$0xF000] =	vst v63  }
0x2ec: {  	s7 =	rddreg [dreg:$0x18]  }
0x2ed: {  	[hbm4b:s7+s2] =	stream.linear.scatter [tilespmem:s9], [sflag:$0x2], $0x3800, $0x38;
	[tilespmem:$0xF000] =	vst v63  }
0x2ee: {  	s18 =	rddreg [dreg:$0x19]  }
0x2ef: {  	[hbm4b:s18+s2] =	stream.linear.scatter [tilespmem:s17], [sflag:$0x2], $0x3800, $0x38;
	[tilespmem:$0xF000] =	vst v63  }
0x2f0: {  	_ =	swait.ge [sflag:s25], $0x3800  }
0x2f1: {  	[sflag:s25] =	ssyncset.done $0x0  }
0x2f2: {  	[sflag:s25] =	ssyncadd.s32 $0xFFFFC800  }
0x2f3: {  	_ =	swait.ge [sflag:s25], $0x3800  }
0x2f4: {  	[sflag:s25] =	ssyncset.done $0x0  }
0x2f5: {  	[sflag:s25] =	ssyncadd.s32 $0xFFFFC800  }
0x2f6: {  	_ =	swait.ge [sflag:s19], $0x3800  }
0x2f7: {  	[sflag:s19] =	ssyncset.done $0x0  }
0x2f8: {  	[sflag:s19] =	ssyncadd.s32 $0xFFFFC800  }
0x2f9: {  	_ =	swait.ge [sflag:s19], $0x3800  }
0x2fa: {  	[sflag:s19] =	ssyncset.done $0x0  }
0x2fb: {  	[sflag:s19] =	ssyncadd.s32 $0xFFFFC800  }
0x2fc: {  	v3 =	vld [tilespmem:$0x600];
	_ =	sdelay $0x4  }
0x2fd: {  	v56 =	vshrl.u32 v3, $0x3  }
0x2fe: {  	v4 =	vmul.u32 $0x38, v56  }
0x2ff: {  	v3 =	vand.u32 $0x7, v3  }
0x300: {  	v3 =	vor.u32 v3, v4  }
0x301: {  	v4 =	vperm.xlane v3, v0;
	_ =	sdelay $0x1  }
0x302: {  	v4 =	vadd.s32 v1, v4;
	_ =	sdelay $0x4  }
0x303: {  	[tilespmem:s9], [sflag:$0x1] =	stream.indirect_vreg.gather [hbm4b:s3+s2], $0x80, v4, vm0, $0xb8;
	[tilespmem:$0xF000] =	vst v63  }
0x304: {  	s21 =	simm.s32 $0x1800;
	v3 =	vperm.xlane v3, v2  }
0x305: {  	[tilespmem:s21], [sflag:$0x1] =	stream.indirect_vreg.gather [hbm4b:s4+s2], $0x80, v4, vm0, $0xb8;
	[tilespmem:$0xF000] =	vst v63  }
0x306: {  	s22 =	simm.s32 $0x2000;
	v3 =	vadd.s32 v1, v3  }
0x307: {  	[tilespmem:s22], [sflag:$0x1] =	stream.indirect_vreg.gather [hbm4b:s5+s2], $0x80, v4, vm0, $0xb8;
	[tilespmem:$0xF000] =	vst v63  }
0x308: {  	s29 =	simm.s32 $0x2800  }
0x309: {  	[tilespmem:s29], [sflag:$0x1] =	stream.indirect_vreg.gather [hbm4b:s6+s2], $0x80, v4, vm1, $0xb8;
	[tilespmem:$0xF000] =	vst v63  }
0x30a: {  	s30 =	simm.s32 $0x2C00  }
0x30b: {  	[tilespmem:s30], [sflag:$0x1] =	stream.indirect_vreg.gather [hbm4b:s3+s2], $0x80, v3, vm0, $0xb8;
	[tilespmem:$0xF000] =	vst v63  }
0x30c: {  	s28 =	simm.s32 $0x3400  }
0x30d: {  	[tilespmem:s28], [sflag:$0x1] =	stream.indirect_vreg.gather [hbm4b:s4+s2], $0x80, v3, vm0, $0xb8;
	[tilespmem:$0xF000] =	vst v63  }
0x30e: {  	s30 =	simm.s32 $0x3C00  }
0x30f: {  	[tilespmem:s30], [sflag:$0x1] =	stream.indirect_vreg.gather [hbm4b:s5+s2], $0x80, v3, vm0, $0xb8;
	[tilespmem:$0xF000] =	vst v63  }
0x310: {  	s20 =	simm.s32 $0x4400  }
0x311: {  	[tilespmem:s20], [sflag:$0x1] =	stream.indirect_vreg.gather [hbm4b:s6+s2], $0x80, v3, vm1, $0xb8;
	[tilespmem:$0xF000] =	vst v63  }
0x312: {  	v3 =	vld [tilespmem:$0xE00];
	_ =	sdelay $0x4  }
0x313: {  	v57 =	vshrl.u32 v3, $0x3  }
0x314: {  	v4 =	vmul.u32 $0x38, v57  }
0x315: {  	v3 =	vand.u32 $0x7, v3  }
0x316: {  	v3 =	vor.u32 v3, v4  }
0x317: {  	v4 =	vperm.xlane v3, v0;
	_ =	sdelay $0x1  }
0x318: {  	v4 =	vadd.s32 v1, v4;
	_ =	sdelay $0x4  }
0x319: {  	[tilespmem:s17], [sflag:$0x1] =	stream.indirect_vreg.gather [hbm4b:s3+s2], $0x80, v4, vm0, $0xb8;
	[tilespmem:$0xF000] =	vst v63  }
0x31a: {  	s21 =	simm.s32 $0x8800;
	v3 =	vperm.xlane v3, v2  }
0x31b: {  	[tilespmem:s21], [sflag:$0x1] =	stream.indirect_vreg.gather [hbm4b:s4+s2], $0x80, v4, vm0, $0xb8;
	[tilespmem:$0xF000] =	vst v63  }
0x31c: {  	s31 =	simm.s32 $0x9000;
	v3 =	vadd.s32 v1, v3  }
0x31d: {  	[tilespmem:s31], [sflag:$0x1] =	stream.indirect_vreg.gather [hbm4b:s5+s2], $0x80, v4, vm0, $0xb8;
	[tilespmem:$0xF000] =	vst v63  }
0x31e: {  	s22 =	simm.s32 $0x9800  }
0x31f: {  	[tilespmem:s22], [sflag:$0x1] =	stream.indirect_vreg.gather [hbm4b:s6+s2], $0x80, v4, vm1, $0xb8;
	[tilespmem:$0xF000] =	vst v63  }
0x320: {  	s23 =	simm.s32 $0x9C00  }
0x321: {  	[tilespmem:s23], [sflag:$0x1] =	stream.indirect_vreg.gather [hbm4b:s3+s2], $0x80, v3, vm0, $0xb8;
	[tilespmem:$0xF000] =	vst v63  }
0x322: {  	s28 =	simm.s32 $0xA400  }
0x323: {  	[tilespmem:s28], [sflag:$0x1] =	stream.indirect_vreg.gather [hbm4b:s4+s2], $0x80, v3, vm0, $0xb8;
	[tilespmem:$0xF000] =	vst v63  }
0x324: {  	s8 =	simm.s32 $0xAC00  }
0x325: {  	[tilespmem:s8], [sflag:$0x1] =	stream.indirect_vreg.gather [hbm4b:s5+s2], $0x80, v3, vm0, $0xb8;
	[tilespmem:$0xF000] =	vst v63  }
0x326: {  	s0 =	simm.s32 $0xB400  }
0x327: {  	[tilespmem:s0], [sflag:$0x1] =	stream.indirect_vreg.gather [hbm4b:s6+s2], $0x80, v3, vm1, $0xb8;
	[tilespmem:$0xF000] =	vst v63  }
0x328: {  	s21 =	rddreg [dreg:$0x1a]  }
0x329: {  	[hbm4b:s21+s2] =	stream.linear.scatter [tilespmem:s26], [sflag:$0x2], $0x3800, $0x38;
	[tilespmem:$0xF000] =	vst v63  }
0x32a: {  	s0 =	rddreg [dreg:$0x1b]  }
0x32b: {  	[hbm4b:s0+s2] =	stream.linear.scatter [tilespmem:s10], [sflag:$0x2], $0x3800, $0x38;
	[tilespmem:$0xF000] =	vst v63  }
0x32c: {  	_ =	swait.ge [sflag:s25], $0x3800  }
0x32d: {  	[sflag:s25] =	ssyncset.done $0x0  }
0x32e: {  	[sflag:s25] =	ssyncadd.s32 $0xFFFFC800  }
0x32f: {  	_ =	swait.ge [sflag:s25], $0x3800  }
0x330: {  	[sflag:s25] =	ssyncset.done $0x0  }
0x331: {  	[sflag:s25] =	ssyncadd.s32 $0xFFFFC800  }
0x332: {  	_ =	swait.ge [sflag:s19], $0x3800  }
0x333: {  	[sflag:s19] =	ssyncset.done $0x0  }
0x334: {  	[sflag:s19] =	ssyncadd.s32 $0xFFFFC800  }
0x335: {  	_ =	swait.ge [sflag:s19], $0x3800  }
0x336: {  	[sflag:s19] =	ssyncset.done $0x0  }
0x337: {  	[sflag:s19] =	ssyncadd.s32 $0xFFFFC800  }
0x338: {  	v3 =	vld [tilespmem:$0x680];
	_ =	sdelay $0x4  }
0x339: {  	v58 =	vshrl.u32 v3, $0x3  }
0x33a: {  	v4 =	vmul.u32 $0x38, v58  }
0x33b: {  	v3 =	vand.u32 $0x7, v3  }
0x33c: {  	v3 =	vor.u32 v3, v4  }
0x33d: {  	v4 =	vperm.xlane v3, v0;
	_ =	sdelay $0x1  }
0x33e: {  	v4 =	vadd.s32 v1, v4;
	_ =	sdelay $0x4  }
0x33f: {  	[tilespmem:s26], [sflag:$0x1] =	stream.indirect_vreg.gather [hbm4b:s3+s2], $0x80, v4, vm0, $0xb8;
	[tilespmem:$0xF000] =	vst v63  }
0x340: {  	s8 =	simm.s32 $0x5000;
	v3 =	vperm.xlane v3, v2  }
0x341: {  	[tilespmem:s8], [sflag:$0x1] =	stream.indirect_vreg.gather [hbm4b:s4+s2], $0x80, v4, vm0, $0xb8;
	[tilespmem:$0xF000] =	vst v63  }
0x342: {  	s24 =	simm.s32 $0x5800;
	v3 =	vadd.s32 v1, v3  }
0x343: {  	[tilespmem:s24], [sflag:$0x1] =	stream.indirect_vreg.gather [hbm4b:s5+s2], $0x80, v4, vm0, $0xb8;
	[tilespmem:$0xF000] =	vst v63  }
0x344: {  	s20 =	simm.s32 $0x6000  }
0x345: {  	[tilespmem:s20], [sflag:$0x1] =	stream.indirect_vreg.gather [hbm4b:s6+s2], $0x80, v4, vm1, $0xb8;
	[tilespmem:$0xF000] =	vst v63  }
0x346: {  	s1 =	simm.s32 $0x6400  }
0x347: {  	[tilespmem:s1], [sflag:$0x1] =	stream.indirect_vreg.gather [hbm4b:s3+s2], $0x80, v3, vm0, $0xb8;
	[tilespmem:$0xF000] =	vst v63  }
0x348: {  	s11 =	simm.s32 $0x6C00  }
0x349: {  	[tilespmem:s11], [sflag:$0x1] =	stream.indirect_vreg.gather [hbm4b:s4+s2], $0x80, v3, vm0, $0xb8;
	[tilespmem:$0xF000] =	vst v63  }
0x34a: {  	s12 =	simm.s32 $0x7400  }
0x34b: {  	[tilespmem:s12], [sflag:$0x1] =	stream.indirect_vreg.gather [hbm4b:s5+s2], $0x80, v3, vm0, $0xb8;
	[tilespmem:$0xF000] =	vst v63  }
0x34c: {  	s21 =	simm.s32 $0x7C00  }
0x34d: {  	[tilespmem:s21], [sflag:$0x1] =	stream.indirect_vreg.gather [hbm4b:s6+s2], $0x80, v3, vm1, $0xb8;
	[tilespmem:$0xF000] =	vst v63  }
0x34e: {  	v3 =	vld [tilespmem:$0xE80];
	_ =	sdelay $0x4  }
0x34f: {  	v59 =	vshrl.u32 v3, $0x3  }
0x350: {  	v4 =	vmul.u32 $0x38, v59  }
0x351: {  	v3 =	vand.u32 $0x7, v3  }
0x352: {  	v3 =	vor.u32 v3, v4  }
0x353: {  	v4 =	vperm.xlane v3, v0;
	_ =	sdelay $0x1  }
0x354: {  	v4 =	vadd.s32 v1, v4;
	_ =	sdelay $0x4  }
0x355: {  	[tilespmem:s10], [sflag:$0x1] =	stream.indirect_vreg.gather [hbm4b:s3+s2], $0x80, v4, vm0, $0xb8;
	[tilespmem:$0xF000] =	vst v63  }
0x356: {  	s12 =	simm.s32 $0xC000;
	v3 =	vperm.xlane v3, v2  }
0x357: {  	[tilespmem:s12], [sflag:$0x1] =	stream.indirect_vreg.gather [hbm4b:s4+s2], $0x80, v4, vm0, $0xb8;
	[tilespmem:$0xF000] =	vst v63  }
0x358: {  	s13 =	simm.s32 $0xC800;
	v3 =	vadd.s32 v1, v3  }
0x359: {  	[tilespmem:s13], [sflag:$0x1] =	stream.indirect_vreg.gather [hbm4b:s5+s2], $0x80, v4, vm0, $0xb8;
	[tilespmem:$0xF000] =	vst v63  }
0x35a: {  	s14 =	simm.s32 $0xD000  }
0x35b: {  	[tilespmem:s14], [sflag:$0x1] =	stream.indirect_vreg.gather [hbm4b:s6+s2], $0x80, v4, vm1, $0xb8;
	[tilespmem:$0xF000] =	vst v63  }
0x35c: {  	s15 =	simm.s32 $0xD400  }
0x35d: {  	[tilespmem:s15], [sflag:$0x1] =	stream.indirect_vreg.gather [hbm4b:s3+s2], $0x80, v3, vm0, $0xb8;
	[tilespmem:$0xF000] =	vst v63  }
0x35e: {  	s16 =	simm.s32 $0xDC00  }
0x35f: {  	[tilespmem:s16], [sflag:$0x1] =	stream.indirect_vreg.gather [hbm4b:s4+s2], $0x80, v3, vm0, $0xb8;
	[tilespmem:$0xF000] =	vst v63  }
0x360: {  	s20 =	simm.s32 $0xE400  }
0x361: {  	[tilespmem:s20], [sflag:$0x1] =	stream.indirect_vreg.gather [hbm4b:s5+s2], $0x80, v3, vm0, $0xb8;
	[tilespmem:$0xF000] =	vst v63  }
0x362: {  	s21 =	simm.s32 $0xEC00  }
0x363: {  	[tilespmem:s21], [sflag:$0x1] =	stream.indirect_vreg.gather [hbm4b:s6+s2], $0x80, v3, vm1, $0xb8;
	[tilespmem:$0xF000] =	vst v63  }
0x364: {  	s20 =	rddreg [dreg:$0x1c]  }
0x365: {  	[hbm4b:s20+s2] =	stream.linear.scatter [tilespmem:s9], [sflag:$0x2], $0x3800, $0x38;
	[tilespmem:$0xF000] =	vst v63  }
0x366: {  	s21 =	rddreg [dreg:$0x1d]  }
0x367: {  	[hbm4b:s21+s2] =	stream.linear.scatter [tilespmem:s17], [sflag:$0x2], $0x3800, $0x38;
	[tilespmem:$0xF000] =	vst v63  }
0x368: {  	_ =	swait.ge [sflag:s25], $0x3800  }
0x369: {  	[sflag:s25] =	ssyncset.done $0x0  }
0x36a: {  	[sflag:s25] =	ssyncadd.s32 $0xFFFFC800  }
0x36b: {  	_ =	swait.ge [sflag:s25], $0x3800  }
0x36c: {  	[sflag:s25] =	ssyncset.done $0x0  }
0x36d: {  	[sflag:s25] =	ssyncadd.s32 $0xFFFFC800  }
0x36e: {  	_ =	swait.ge [sflag:s19], $0x3800  }
0x36f: {  	[sflag:s19] =	ssyncset.done $0x0  }
0x370: {  	[sflag:s19] =	ssyncadd.s32 $0xFFFFC800  }
0x371: {  	_ =	swait.ge [sflag:s19], $0x3800  }
0x372: {  	[sflag:s19] =	ssyncset.done $0x0  }
0x373: {  	[sflag:s19] =	ssyncadd.s32 $0xFFFFC800  }
0x374: {  	v3 =	vld [tilespmem:$0x700];
	_ =	sdelay $0x4  }
0x375: {  	v60 =	vshrl.u32 v3, $0x3  }
0x376: {  	v4 =	vmul.u32 $0x38, v60  }
0x377: {  	v3 =	vand.u32 $0x7, v3  }
0x378: {  	v3 =	vor.u32 v3, v4  }
0x379: {  	v4 =	vperm.xlane v3, v0;
	_ =	sdelay $0x1  }
0x37a: {  	v4 =	vadd.s32 v1, v4;
	_ =	sdelay $0x4  }
0x37b: {  	[tilespmem:s9], [sflag:$0x1] =	stream.indirect_vreg.gather [hbm4b:s3+s2], $0x80, v4, vm0, $0xb8;
	[tilespmem:$0xF000] =	vst v63  }
0x37c: {  	s21 =	simm.s32 $0x1800;
	v3 =	vperm.xlane v3, v2  }
0x37d: {  	[tilespmem:s21], [sflag:$0x1] =	stream.indirect_vreg.gather [hbm4b:s4+s2], $0x80, v4, vm0, $0xb8;
	[tilespmem:$0xF000] =	vst v63  }
0x37e: {  	v3 =	vadd.s32 v1, v3;
	s21 =	simm.s32 $0x2000  }
0x37f: {  	[tilespmem:s21], [sflag:$0x1] =	stream.indirect_vreg.gather [hbm4b:s5+s2], $0x80, v4, vm0, $0xb8;
	[tilespmem:$0xF000] =	vst v63  }
0x380: {  	s7 =	simm.s32 $0x2800  }
0x381: {  	[tilespmem:s7], [sflag:$0x1] =	stream.indirect_vreg.gather [hbm4b:s6+s2], $0x80, v4, vm1, $0xb8;
	[tilespmem:$0xF000] =	vst v63  }
0x382: {  	s29 =	simm.s32 $0x2C00  }
0x383: {  	[tilespmem:s29], [sflag:$0x1] =	stream.indirect_vreg.gather [hbm4b:s3+s2], $0x80, v3, vm0, $0xb8;
	[tilespmem:$0xF000] =	vst v63  }
0x384: {  	s29 =	simm.s32 $0x3400  }
0x385: {  	[tilespmem:s29], [sflag:$0x1] =	stream.indirect_vreg.gather [hbm4b:s4+s2], $0x80, v3, vm0, $0xb8;
	[tilespmem:$0xF000] =	vst v63  }
0x386: {  	s20 =	simm.s32 $0x3C00  }
0x387: {  	[tilespmem:s20], [sflag:$0x1] =	stream.indirect_vreg.gather [hbm4b:s5+s2], $0x80, v3, vm0, $0xb8;
	[tilespmem:$0xF000] =	vst v63  }
0x388: {  	s21 =	simm.s32 $0x4400  }
0x389: {  	[tilespmem:s21], [sflag:$0x1] =	stream.indirect_vreg.gather [hbm4b:s6+s2], $0x80, v3, vm1, $0xb8;
	[tilespmem:$0xF000] =	vst v63  }
0x38a: {  	v3 =	vld [tilespmem:$0xF00];
	_ =	sdelay $0x4  }
0x38b: {  	v61 =	vshrl.u32 v3, $0x3  }
0x38c: {  	v4 =	vmul.u32 $0x38, v61  }
0x38d: {  	v3 =	vand.u32 $0x7, v3  }
0x38e: {  	v3 =	vor.u32 v3, v4  }
0x38f: {  	v4 =	vperm.xlane v3, v0;
	_ =	sdelay $0x1  }
0x390: {  	v4 =	vadd.s32 v1, v4;
	_ =	sdelay $0x4  }
0x391: {  	[tilespmem:s17], [sflag:$0x1] =	stream.indirect_vreg.gather [hbm4b:s3+s2], $0x80, v4, vm0, $0xb8;
	[tilespmem:$0xF000] =	vst v63  }
0x392: {  	s29 =	simm.s32 $0x8800;
	v3 =	vperm.xlane v3, v2  }
0x393: {  	[tilespmem:s29], [sflag:$0x1] =	stream.indirect_vreg.gather [hbm4b:s4+s2], $0x80, v4, vm0, $0xb8;
	[tilespmem:$0xF000] =	vst v63  }
0x394: {  	s30 =	simm.s32 $0x9000;
	v3 =	vadd.s32 v1, v3  }
0x395: {  	[tilespmem:s30], [sflag:$0x1] =	stream.indirect_vreg.gather [hbm4b:s5+s2], $0x80, v4, vm0, $0xb8;
	[tilespmem:$0xF000] =	vst v63  }
0x396: {  	s31 =	simm.s32 $0x9800  }
0x397: {  	[tilespmem:s31], [sflag:$0x1] =	stream.indirect_vreg.gather [hbm4b:s6+s2], $0x80, v4, vm1, $0xb8;
	[tilespmem:$0xF000] =	vst v63  }
0x398: {  	s18 =	simm.s32 $0x9C00  }
0x399: {  	[tilespmem:s18], [sflag:$0x1] =	stream.indirect_vreg.gather [hbm4b:s3+s2], $0x80, v3, vm0, $0xb8;
	[tilespmem:$0xF000] =	vst v63  }
0x39a: {  	s28 =	simm.s32 $0xA400  }
0x39b: {  	[tilespmem:s28], [sflag:$0x1] =	stream.indirect_vreg.gather [hbm4b:s4+s2], $0x80, v3, vm0, $0xb8;
	[tilespmem:$0xF000] =	vst v63  }
0x39c: {  	s23 =	simm.s32 $0xAC00  }
0x39d: {  	[tilespmem:s23], [sflag:$0x1] =	stream.indirect_vreg.gather [hbm4b:s5+s2], $0x80, v3, vm0, $0xb8;
	[tilespmem:$0xF000] =	vst v63  }
0x39e: {  	s22 =	simm.s32 $0xB400  }
0x39f: {  	[tilespmem:s22], [sflag:$0x1] =	stream.indirect_vreg.gather [hbm4b:s6+s2], $0x80, v3, vm1, $0xb8;
	[tilespmem:$0xF000] =	vst v63  }
0x3a0: {  	s7 =	rddreg [dreg:$0x1e]  }
0x3a1: {  	[hbm4b:s7+s2] =	stream.linear.scatter [tilespmem:s26], [sflag:$0x2], $0x3800, $0x38;
	[tilespmem:$0xF000] =	vst v63  }
0x3a2: {  	s18 =	rddreg [dreg:$0x1f]  }
0x3a3: {  	[hbm4b:s18+s2] =	stream.linear.scatter [tilespmem:s10], [sflag:$0x2], $0x3800, $0x38;
	[tilespmem:$0xF000] =	vst v63  }
0x3a4: {  	_ =	swait.ge [sflag:s25], $0x3800  }
0x3a5: {  	[sflag:s25] =	ssyncset.done $0x0  }
0x3a6: {  	[sflag:s25] =	ssyncadd.s32 $0xFFFFC800  }
0x3a7: {  	_ =	swait.ge [sflag:s25], $0x3800  }
0x3a8: {  	[sflag:s25] =	ssyncset.done $0x0  }
0x3a9: {  	[sflag:s25] =	ssyncadd.s32 $0xFFFFC800  }
0x3aa: {  	_ =	swait.ge [sflag:s19], $0x3800  }
0x3ab: {  	[sflag:s19] =	ssyncset.done $0x0  }
0x3ac: {  	[sflag:s19] =	ssyncadd.s32 $0xFFFFC800  }
0x3ad: {  	_ =	swait.ge [sflag:s19], $0x3800  }
0x3ae: {  	[sflag:s19] =	ssyncset.done $0x0  }
0x3af: {  	[sflag:s19] =	ssyncadd.s32 $0xFFFFC800  }
0x3b0: {  	v3 =	vld [tilespmem:$0x780];
	_ =	sdelay $0x4  }
0x3b1: {  	v62 =	vshrl.u32 v3, $0x3  }
0x3b2: {  	v4 =	vmul.u32 $0x38, v62  }
0x3b3: {  	v3 =	vand.u32 $0x7, v3  }
0x3b4: {  	v3 =	vor.u32 v3, v4  }
0x3b5: {  	v4 =	vperm.xlane v3, v0;
	_ =	sdelay $0x1  }
0x3b6: {  	v4 =	vadd.s32 v1, v4;
	_ =	sdelay $0x4  }
0x3b7: {  	[tilespmem:s26], [sflag:$0x1] =	stream.indirect_vreg.gather [hbm4b:s3+s2], $0x80, v4, vm0, $0xb8;
	[tilespmem:$0xF000] =	vst v63  }
0x3b8: {  	s20 =	simm.s32 $0x5000;
	v3 =	vperm.xlane v3, v2  }
0x3b9: {  	[tilespmem:s20], [sflag:$0x1] =	stream.indirect_vreg.gather [hbm4b:s4+s2], $0x80, v4, vm0, $0xb8;
	[tilespmem:$0xF000] =	vst v63  }
0x3ba: {  	s24 =	simm.s32 $0x5800;
	v3 =	vadd.s32 v1, v3  }
0x3bb: {  	[tilespmem:s24], [sflag:$0x1] =	stream.indirect_vreg.gather [hbm4b:s5+s2], $0x80, v4, vm0, $0xb8;
	[tilespmem:$0xF000] =	vst v63  }
0x3bc: {  	s21 =	simm.s32 $0x6000  }
0x3bd: {  	[tilespmem:s21], [sflag:$0x1] =	stream.indirect_vreg.gather [hbm4b:s6+s2], $0x80, v4, vm1, $0xb8;
	[tilespmem:$0xF000] =	vst v63  }
0x3be: {  	s0 =	simm.s32 $0x6400  }
0x3bf: {  	[tilespmem:s0], [sflag:$0x1] =	stream.indirect_vreg.gather [hbm4b:s3+s2], $0x80, v3, vm0, $0xb8;
	[tilespmem:$0xF000] =	vst v63  }
0x3c0: {  	s1 =	simm.s32 $0x6C00  }
0x3c1: {  	[tilespmem:s1], [sflag:$0x1] =	stream.indirect_vreg.gather [hbm4b:s4+s2], $0x80, v3, vm0, $0xb8;
	[tilespmem:$0xF000] =	vst v63  }
0x3c2: {  	s8 =	simm.s32 $0x7400  }
0x3c3: {  	[tilespmem:s8], [sflag:$0x1] =	stream.indirect_vreg.gather [hbm4b:s5+s2], $0x80, v3, vm0, $0xb8;
	[tilespmem:$0xF000] =	vst v63  }
0x3c4: {  	s23 =	simm.s32 $0x7C00  }
0x3c5: {  	[tilespmem:s23], [sflag:$0x1] =	stream.indirect_vreg.gather [hbm4b:s6+s2], $0x80, v3, vm1, $0xb8;
	[tilespmem:$0xF000] =	vst v63  }
0x3c6: {  	v3 =	vld [tilespmem:$0xF80];
	_ =	sdelay $0x4  }
0x3c7: {  	v63 =	vshrl.u32 v3, $0x3  }
0x3c8: {  	v4 =	vmul.u32 $0x38, v63  }
0x3c9: {  	v3 =	vand.u32 $0x7, v3  }
0x3ca: {  	v3 =	vor.u32 v3, v4  }
0x3cb: {  	v4 =	vperm.xlane v3, v0;
	_ =	sdelay $0x1  }
0x3cc: {  	v4 =	vadd.s32 v1, v4;
	_ =	sdelay $0x4  }
0x3cd: {  	[tilespmem:s10], [sflag:$0x1] =	stream.indirect_vreg.gather [hbm4b:s3+s2], $0x80, v4, vm0, $0xb8;
	[tilespmem:$0xF000] =	vst v63  }
0x3ce: {  	s24 =	simm.s32 $0xC000;
	v3 =	vperm.xlane v3, v2  }
0x3cf: {  	[tilespmem:s24], [sflag:$0x1] =	stream.indirect_vreg.gather [hbm4b:s4+s2], $0x80, v4, vm0, $0xb8;
	[tilespmem:$0xF000] =	vst v63  }
0x3d0: {  	s11 =	simm.s32 $0xC800;
	v3 =	vadd.s32 v1, v3  }
0x3d1: {  	[tilespmem:s11], [sflag:$0x1] =	stream.indirect_vreg.gather [hbm4b:s5+s2], $0x80, v4, vm0, $0xb8;
	[tilespmem:$0xF000] =	vst v63  }
0x3d2: {  	s12 =	simm.s32 $0xD000  }
0x3d3: {  	[tilespmem:s12], [sflag:$0x1] =	stream.indirect_vreg.gather [hbm4b:s6+s2], $0x80, v4, vm1, $0xb8;
	[tilespmem:$0xF000] =	vst v63  }
0x3d4: {  	s13 =	simm.s32 $0xD400  }
0x3d5: {  	[tilespmem:s13], [sflag:$0x1] =	stream.indirect_vreg.gather [hbm4b:s3+s2], $0x80, v3, vm0, $0xb8;
	[tilespmem:$0xF000] =	vst v63  }
0x3d6: {  	s14 =	simm.s32 $0xDC00  }
0x3d7: {  	[tilespmem:s14], [sflag:$0x1] =	stream.indirect_vreg.gather [hbm4b:s4+s2], $0x80, v3, vm0, $0xb8;
	[tilespmem:$0xF000] =	vst v63  }
0x3d8: {  	s15 =	simm.s32 $0xE400  }
0x3d9: {  	[tilespmem:s15], [sflag:$0x1] =	stream.indirect_vreg.gather [hbm4b:s5+s2], $0x80, v3, vm0, $0xb8;
	[tilespmem:$0xF000] =	vst v63  }
0x3da: {  	s16 =	simm.s32 $0xEC00;
	s28 =	sld [smem:$0x7F9]  }
0x3db: {  	[tilespmem:s16], [sflag:$0x1] =	stream.indirect_vreg.gather [hbm4b:s6+s2], $0x80, v3, vm1, $0xb8;
	[tilespmem:$0xF000] =	vst v63  }
0x3dc: {  	s29 =	sld [smem:$0x7FA]  }
0x3dd: {  	[hbm4b:s28+s2] =	stream.linear.scatter [tilespmem:s9], [sflag:$0x2], $0x3800, $0x38;
	[tilespmem:$0xF000] =	vst v63  }
0x3de: {  	_ = 	snop  }
0x3df: {  	[hbm4b:s29+s2] =	stream.linear.scatter [tilespmem:s17], [sflag:$0x2], $0x3800, $0x38;
	[tilespmem:$0xF000] =	vst v63  }
0x3e0: {  	s22 =	sld [smem:$0x7F8];
	_ =	swait.ge [sflag:s25], $0x3800  }
0x3e1: {  	[sflag:s25] =	ssyncset.done $0x0  }
0x3e2: {  	[sflag:s25] =	ssyncadd.s32 $0xFFFFC800  }
0x3e3: {  	_ =	swait.ge [sflag:s25], $0x3800  }
0x3e4: {  	s30 =	sld [smem:$0x7FB]  }
0x3e5: {  	[sflag:s25] =	ssyncset.done $0x0  }
0x3e6: {  	s31 =	sld [smem:$0x7FC];
	[sflag:s25] =	ssyncadd.s32 $0xFFFFC800  }
0x3e7: {  	[hbm4b:s30+s2] =	stream.linear.scatter [tilespmem:s26], [sflag:$0x2], $0x3800, $0x38;
	[tilespmem:$0xF000] =	vst v63  }
0x3e8: {  	_ = 	snop  }
0x3e9: {  	[hbm4b:s31+s2] =	stream.linear.scatter [tilespmem:s10], [sflag:$0x2], $0x3800, $0x38;
	[tilespmem:$0xF000] =	vst v63  }
0x3ea: {  	_ =	swait.ge [sflag:s19], $0x3800  }
0x3eb: {  	[sflag:s19] =	ssyncset.done $0x0  }
0x3ec: {  	[sflag:s19] =	ssyncadd.s32 $0xFFFFC800  }
0x3ed: {  	_ =	swait.ge [sflag:s19], $0x3800  }
0x3ee: {  	[sflag:s19] =	ssyncset.done $0x0  }
0x3ef: {  	[sflag:s19] =	ssyncadd.s32 $0xFFFFC800  }
0x3f0: {  	p0 =	sne.s32 s22, $0x1;
	_ =	swait.ge [sflag:s19], $0x3800  }
.Ltmp0:
0x3f1: {  	[sflag:s19] =	ssyncset.done $0x0;
	(pc) =	sbr.rel @p0 .LBB2_1-.Ltmp0, $4  }
0x3f2: {  	[sflag:s19] =	ssyncadd.s32 $0xFFFFC800  }
0x3f3: {  	_ =	swait.ge [sflag:s19], $0x3800  }
0x3f4: {  	[sflag:s19] =	ssyncset.done $0x0  }
0x3f5: {  	s1 =	sadd.s32 $0xFFFFFFFF, s22;
	[sflag:s19] =	ssyncadd.s32 $0xFFFFC800  }
0x3f6: {  	_ =	sfence.sel $0x180000  }
0x3f7: {  	[bflag:$0x0] =	sbarrier.arrive $0xFFFF  }
0x3f8: {  	_ =	strace $0x9000004A  }
0x3f9: {  	s0 =	stileid.u32;
	[bflag:$0x2] =	sbarrier.arrive $0xFFFF  }
0x3fa: {  	p0 =	sne.s32 s0, $0x0;
	s0 =	rddreg [dreg:$0x1]  }
0x3fb: {  	s0 =	sadd.s32 @!p0 $0x100000, s0  }
0x3fc: {  	[sflag:s0] =	ssyncadd.tile.s32 @!p0 $0x1;
	_ =	shalt  }
.Lfunc_end2:
_tile_overlayer_lowered:
.L_overlay_start_2:
0x3fd: {  	(tag) =	ssettag $0x2  }
0x3fe: {  	s0 =	rddreg [dreg:$0x0];
	s2 =	stileid.u32  }
0x3ff: {  	s1 =	rddreg [dreg:$0x1];
	p0 =	sne.s32 s2, $0x0  }
0x400: {  	s3 =	rddreg [dreg:$0x2];
	[bflag:$0x3] =	sbarrier.arrive $0xFFFF;
	s2 =	simm.s32 @!p0 $0x1C03  }
0x401: {  	[timem:s3], [sflag:s2] =	dma.local @!p0 [hbm:s0], s1  }
0x402: {  	s0 =	simm.s32 @!p0 $0x3  }
0x403: {  	_ =	swait.ge @!p0 [sflag:s0], s1  }
0x404: {  	s1 =	ssub.s32 @!p0 $0x0, s1;
	[sflag:s0] =	ssyncset.done @!p0 $0x0  }
0x405: {  	[sflag:s0] =	ssyncadd.s32 @!p0 s1  }
0x406: {  	[bflag:$0x3] =	sbarrier.arrive $0xFFFF  }
0x407: {  	_ =	shalt  }

// kernel: kernel.7.cloned.1.call-start
scs
__scs_entry_jumppad:
0x0: {  	(pc) =	sbr.rel $0x88, $3  }
0x1: {  	(tag) =	ssettag $0x0;
	lr =	simm.s32 $0x1  }
0x2: {  	[smem:$0x3F9A] =	sst lr;
	_ =	strace $0xD0000000  }
0x3: {  	_ = 	snop  }
0x4: {  	_ = 	snop  }
0x5: {  	_ = 	snop  }
0x6: {  	_ = 	snop  }
0x7: {  	_ = 	snop  }
__scs_overlays_trampoline_lowered:
0x8: {  	[smem:$0x3FA9] =	sst s0  }
0x9: {  	[smem:$0x3FAA] =	sst s1  }
0xa: {  	[smem:$0x3FAB] =	sst s2  }
0xb: {  	[smem:$0x3FAC] =	sst s3  }
0xc: {  	[smem:$0x3FAD] =	sst s4  }
0xd: {  	[smem:$0x3FAE] =	sst s5  }
0xe: {  	[smem:$0x3FAF] =	sst s6  }
0xf: {  	[smem:$0x3FB0] =	sst s7  }
0x10: {  	[smem:$0x3FB1] =	sst s8  }
0x11: {  	[smem:$0x3FB2] =	sst s9;
	s0 =	simm.s32 @!p0 $0x0  }
0x12: {  	s1 =	sld [smem:$0x3F98];
	s0 =	simm.s32 @p0 $0x1  }
0x13: {  	[smem:$0x3FB3] =	sst s0;
	s0 =	simm.s32 @!p1 $0x0  }
0x14: {  	s2 =	sld [smem:$0x3F97];
	s0 =	simm.s32 @p1 $0x1  }
0x15: {  	[smem:$0x3FB4] =	sst s0;
	s0 =	simm.s32 @!p2 $0x0  }
0x16: {  	s3 =	sld [smem:$0x3FDB];
	s0 =	simm.s32 @p2 $0x1  }
0x17: {  	s4 =	simm.s32 $0x1BF5;
	[smem:$0x3FB6] =	sst s0  }
0x18: {  	s0 =	sld [smem:$0x3F99];
	_ =	swait.ge [sflag:s4], $0x0  }
0x19: {  	s7 =	sld [smem:$0x3F9A]  }
0x1a: {  	s8 =	sadd.s32 $0xFFFFE003, lr  }
0x1b: {  	s9 =	sadd.s32 $0xFFFFFEF7, lr;
	s5 =	simm.s32 $0xFFFFFFFF;
	p2 =	slt.u32 s8, $0xFFFFF086  }
0x1c: {  	p1 =	slt.u32 s9, $0xF7A;
	s5 =	simm.s32 @!p2 $0x0  }
0x1d: {  	s5 =	simm.s32 @p1 $0x1;
	p0 =	seq.s32 s7, s2  }
0x1e: {  	s7 =	smul.u32 @!p0 $0xF7A, s2;
	p2 =	seq.s32 @!p0 s5, $0x0  }
0x1f: {  	s9 =	smul.u32 $0xF7A, s1;
	s8 =	simm.s32 @!p0 $0x1BF5;
	p2 =	por !p2, p0  }
0x20: {  	[sflag:s8] =	ssyncset.s32 @!p0 $0xFFFFF086;
	s6 =	sadd.s32 @!p0 s3, s7;
	s7 =	simm.s32 @!p0 $0x108  }
0x21: {  	s3 =	sadd.s32 s3, s9;
	s6 =	sadd.s32 @!p0 $0x88, s6;
	s7 =	simm.s32 @p2 $0x1082  }
0x22: {  	[simem:s7], [sflag:s8] =	dma.local @!p0 [hbm:s6], $0xF7A  }
0x23: {  	s9 =	sor.u32 $0xD0000000, s2;
	s6 =	simm.s32 $0x108;
	_ =	swait.ge @!p0 [sflag:s8], $0x0  }
0x24: {  	s3 =	sadd.s32 $0x88, s3;
	s6 =	simm.s32 @!p1 $0x1082;
	[sflag:s4] =	ssyncset.s32 $0xFFFFF086  }
0x25: {  	[simem:s6], [sflag:s4] =	dma.local [hbm:s3], $0xF7A  }
0x26: {  	[smem:$0x3F9A] =	sst s1;
	(tag) =	ssettag s2;
	_ =	strace s9  }
0x27: {  	s1 =	sld [smem:$0x3FAA]  }
0x28: {  	s2 =	sld [smem:$0x3FAB]  }
0x29: {  	s4 =	sld [smem:$0x3FAD]  }
0x2a: {  	p0 =	seq.s32 s5, $0x0;
	s5 =	sld [smem:$0x3FAE]  }
0x2b: {  	s6 =	sld [smem:$0x3FAF]  }
0x2c: {  	s7 =	sld [smem:$0x3FB0]  }
0x2d: {  	s3 =	simm.s32 $0x108;
	s8 =	sld [smem:$0x3FB1]  }
0x2e: {  	s3 =	simm.s32 @!p0 $0x1082;
	s9 =	sld [smem:$0x3FB2]  }
0x2f: {  	lr =	sadd.s32 s0, s3;
	s0 =	sld [smem:$0x3FA9]  }
0x30: {  	s3 =	sld [smem:$0x3FAC]  }
0x31: {  	[smem:$0x3FB5] =	sst s10  }
0x32: {  	s10 =	sld [smem:$0x3FB3];
	_ =	sdelay $0x3  }
0x33: {  	p0 =	seq.s32 s10, $0x1;
	s10 =	sld [smem:$0x3FB5];
	_ =	sdelay $0x3  }
0x34: {  	[smem:$0x3FB5] =	sst s10  }
0x35: {  	s10 =	sld [smem:$0x3FB4];
	_ =	sdelay $0x3  }
0x36: {  	p1 =	seq.s32 s10, $0x1;
	s10 =	sld [smem:$0x3FB5];
	_ =	sdelay $0x3  }
0x37: {  	[smem:$0x3FB5] =	sst s10  }
0x38: {  	s10 =	sld [smem:$0x3FB6]  }
0x39: {  	_ = 	snop;
	(pc) =	sbr.ind lr, $3  }
0x3a: {  	_ = 	snop  }
0x3b: {  	_ = 	snop  }
0x3c: {  	p2 =	seq.s32 s10, $0x1;
	s10 =	sld [smem:$0x3FB5]  }
0x3d: {  	_ =	shalt  }
0x3e: {  	_ =	shalt  }
0x3f: {  	_ =	shalt  }
0x40: {  	_ =	shalt  }
0x41: {  	_ =	shalt  }
0x42: {  	_ =	shalt  }
0x43: {  	_ =	shalt  }
0x44: {  	_ =	shalt  }
0x45: {  	_ =	shalt  }
0x46: {  	_ =	shalt  }
0x47: {  	_ =	shalt  }
0x48: {  	_ =	shalt  }
0x49: {  	_ =	shalt  }
0x4a: {  	_ =	shalt  }
0x4b: {  	_ =	shalt  }
0x4c: {  	_ =	shalt  }
0x4d: {  	_ =	shalt  }
0x4e: {  	_ =	shalt  }
0x4f: {  	_ =	shalt  }
0x50: {  	_ =	shalt  }
0x51: {  	_ =	shalt  }
0x52: {  	_ =	shalt  }
0x53: {  	_ =	shalt  }
0x54: {  	_ =	shalt  }
0x55: {  	_ =	shalt  }
0x56: {  	_ =	shalt  }
0x57: {  	_ =	shalt  }
0x58: {  	_ =	shalt  }
0x59: {  	_ =	shalt  }
0x5a: {  	_ =	shalt  }
0x5b: {  	_ =	shalt  }
0x5c: {  	_ =	shalt  }
0x5d: {  	_ =	shalt  }
0x5e: {  	_ =	shalt  }
0x5f: {  	_ =	shalt  }
0x60: {  	_ =	shalt  }
0x61: {  	_ =	shalt  }
0x62: {  	_ =	shalt  }
0x63: {  	_ =	shalt  }
0x64: {  	_ =	shalt  }
0x65: {  	_ =	shalt  }
0x66: {  	_ =	shalt  }
0x67: {  	_ =	shalt  }
0x68: {  	_ =	shalt  }
0x69: {  	_ =	shalt  }
0x6a: {  	_ =	shalt  }
0x6b: {  	_ =	shalt  }
0x6c: {  	_ =	shalt  }
0x6d: {  	_ =	shalt  }
0x6e: {  	_ =	shalt  }
0x6f: {  	_ =	shalt  }
0x70: {  	_ =	shalt  }
0x71: {  	_ =	shalt  }
0x72: {  	_ =	shalt  }
0x73: {  	_ =	shalt  }
0x74: {  	_ =	shalt  }
0x75: {  	_ =	shalt  }
0x76: {  	_ =	shalt  }
0x77: {  	_ =	shalt  }
0x78: {  	_ =	shalt  }
0x79: {  	_ =	shalt  }
0x7a: {  	_ =	shalt  }
0x7b: {  	_ =	shalt  }
0x7c: {  	_ =	shalt  }
0x7d: {  	_ =	shalt  }
0x7e: {  	_ =	shalt  }
0x7f: {  	_ =	shalt  }
0x80: {  	_ =	shalt  }
0x81: {  	_ =	shalt  }
0x82: {  	_ =	shalt  }
0x83: {  	_ =	shalt  }
0x84: {  	_ =	shalt  }
0x85: {  	_ =	shalt  }
0x86: {  	_ =	shalt  }
0x87: {  	_ =	shalt  }
.Lfunc_end0:
.L_simem_size_0:
called_computation_lowered:
.L_overlay_start_0:
0x88: {  	s2 =	sld [smem:$0x3FD9]  }
0x89: {  	s3 =	sld [smem:$0x3FFE];
	_ =	sdelay $0x1  }
0x8a: {  	s1 =	srdreg.scid  }
0x8b: {  	s0 =	sand.u32 $0x1, s1  }
0x8c: {  	s17 =	sshll.u32 s0, $0xA;
	s2 =	sadd.s32 s3, s2  }
0x8d: {  	s2 =	sadd.s32 s2, s17  }
0x8e: {  	[smem:$0x3FC1] =	sst s2  }
0x8f: {  	_ = 	snop  }
0x90: {  	s2 =	sld [smem:$0x3FD0];
	(tm) =	ssettm $0x1  }
0x91: {  	s18 =	sld [smem:$0x3FFB];
	_ =	sdelay $0x3  }
0x92: {  	_ =	strace s18  }
0x93: {  	s3 =	sld [smem:$0x3FFC];
	_ =	sdelay $0x3  }
0x94: {  	_ =	strace s3  }
0x95: {  	s3 =	sld [smem:$0x3FFD];
	_ =	sdelay $0x3  }
0x96: {  	_ =	strace s3  }
0x97: {  	_ =	strace $0x8FFFFFFF  }
0x98: {  	s19 =	sld [smem:$0x3FDB];
	_ =	sdelay $0x1  }
0x99: {  	s4 =	simm.s32 $_scs_section_size  }
0x9a: {  	s5 =	simm.s32 $_size__tile_overlayer_lowered;
	s6 =	simm.s32 $_tile_overlayer_lowered  }
0x9b: {  	s22 =	simm.s32 $0x1BFF;
	s21 =	sshll.u32 s6, $0x1;
	s3 =	sadd.s32 s4, s19  }
0x9c: {  	s7 =	simm.s32 $0x0;
	s20 =	sshll.u32 s5, $0x1;
	s5 =	sadd.s32 s21, s3  }
0x9d: {  	[timem:s7], [sflag:s22] =	dma.local [hbm:s5], s20  }
0x9e: {  	_ =	swait.ge [sflag:s22], s20  }
0x9f: {  	s4 =	ssub.s32 $0x0, s20;
	[sflag:s22] =	ssyncset.done $0x0  }
0xa0: {  	[sflag:s22] =	ssyncadd.s32 s4;
	_ =	sdelay $0x1  }
0xa1: {  	s23 =	simm.s32 $0x1B8B  }
0xa2: {  	_ =	swait.ge [sflag:s23], $0x1  }
0xa3: {  	[sflag:s23] =	ssyncset.done $0x0  }
0xa4: {  	s25 =	simm.s32 $0x1B8E;
	s24 =	sld [smem:$0x3FFE];
	[sflag:s23] =	ssyncadd.s32 $0xFFFFFFFF  }
0xa5: {  	s26 =	simm.s32 $execute0_lowered;
	[smem:$0x3FD2] =	sst s25  }
0xa6: {  	s5 =	sshll.u32 s26, $0x1;
	_ =	strace $0x80000046;
	[dreg:$0x1] =	wrdreg $0xFFFFFFFF  }
0xa7: {  	s28 =	simm.s32 $_size_execute0_lowered;
	s3 =	sadd.s32 s3, s5;
	[dreg:$0x0] =	wrdreg $0x0  }
0xa8: {  	s5 =	sshll.u32 s28, $0x1;
	[dreg:$0x2] =	wrdreg s3  }
0xa9: {  	[dreg:$0x3] =	wrdreg s5  }
0xaa: {  	[dreg:$0x4] =	wrdreg $0xC0  }
0xab: {  	_ =	task [dreg:s7], $0x5FFFF  }
0xac: {  	[dreg:$0x1] =	wrdreg $0xFFFFFFFF  }
0xad: {  	[dreg:$0x0] =	wrdreg $0x60  }
0xae: {  	[dreg:$0x2] =	wrdreg s24  }
0xaf: {  	[dreg:$0x3] =	wrdreg s2  }
0xb0: {  	[dreg:$0x4] =	wrdreg $0x9  }
0xb1: {  	_ =	task.clear_ibuf [dreg:s7], $0x5FFFF;
	_ =	strace $0x90000046  }
0xb2: {  	s29 =	simm.s32 $0x9;
	_ =	strace $0x80000048  }
0xb3: {  	_ =	swait.ge [sflag:s29], $0x1  }
0xb4: {  	[sflag:s29] =	ssyncadd.s32 $0xFFFFFFFF  }
0xb5: {  	_ =	strace $0x90000048  }
0xb6: {  	_ =	sfence  }
0xb7: {  	s30 =	sld [smem:$0x0];
	_ =	sdelay $0x2  }
0xb8: {  	s31 =	sshll.u32 s1, $0xD;
	s1 =	sshrl.u32 s1, $0x2  }
0xb9: {  	s3 =	sand.u32 $0x4000, s31;
	s1 =	sadd.s32 s1, s30  }
0xba: {  	s0 =	sor.u32 s3, s0;
	s1 =	sshll.u32 s1, $0x11  }
0xbb: {  	s0 =	sor.u32 s1, s0  }
0xbc: {  	s0 =	sadd.s32 $0x8F2B, s0  }
0xbd: {  	[sflag:s0] =	ssyncadd.remote.s32 $0x1  }
0xbe: {  	_ =	sfence.sel $0xFFFF  }
0xbf: {  	[dreg:$0x0] =	wrdreg $0xFFFFFFFF;
	(pc) =	sbr.abs _section_cstart, $3  }
0xc0: {  	[dreg:$0x1] =	wrdreg $0xFFFFFFFF  }
0xc1: {  	_ =	task.clear_ibuf [dreg:s7], $0x2FFFF;
	_ =	strace $0x9FFFFFFF  }
0xc2: {  	(tm) =	ssettm $0x7FFFFFFF  }
0xc3: {  	_ =	shalt  }
tec
execute0_lowered:
.L_overlay_start_1:
0x0: {  	(tag) =	ssettag $0x1  }
0x1: {  	s1 =	rddreg [dreg:$0x0];
	s3 =	srdreg.scid  }
0x2: {  	s0 =	stileid.u32;
	s2 =	rddreg [dreg:$0x1]  }
0x3: {  	s10 =	simm.s32 $0x200;
	s11 =	simm.s32 $0x400;
	s12 =	simm.s32 $0x1480  }
0x4: {  	s13 =	simm.s32 $0x1;
	s14 =	simm.s32 $0x5480;
	s15 =	simm.s32 $0x1C80  }
0x5: {  	s16 =	simm.s32 $0x2480;
	s17 =	simm.s32 $0x2C80;
	s28 =	simm.s32 $0x7C80  }
0x6: {  	s29 =	simm.s32 $0x8480;
	s30 =	simm.s32 $0x8C80;
	s31 =	simm.s32 $0x480  }
0x7: {  	s4 =	sand.u32 $0x1, s3;
	s5 =	sshll.u32 s0, $0x1;
	s3 =	simm.s32 $0x0  }
0x8: {  	s7 =	sadd.s32 $0xC1600, s1;
	s5 =	sor.u32 s4, s5;
	[smem:$0x7FF] =	sst s3  }
0x9: {  	s4 =	ssub.s32 $0x2, s4;
	s6 =	sshll.u32 s5, $0x6;
	_ =	strace $0x80000047  }
0xa: {  	v34 =	vlaneseq.u32;
	s8 =	sshll.u32 s5, $0xE;
	[dreg:$0x3] =	wrdreg s7;
	s6 =	sadd.s32 s6, s1  }
0xb: {  	v0 =	vmul.u32 $0x2, v34;
	s5 =	sshll.u32 s5, $0x8;
	s25 =	sshrl.u32 s4, $0x1;
	s18 =	sadd.s32 $0xC1800, s6  }
0xc: {  	vm0 =	vmmov $0xffff;
	v33 =	vshrl.u32 v34, $0x3;
	v32 =	vand.u32 $0x7, v34;
	s8 =	sadd.s32 s8, s1;
	s6 =	sadd.s32 $0xC2000, s6;
	[dreg:$0x4] =	wrdreg s18  }
0xd: {  	v34 =	vor.u32 $0x8, v34;
	v33 =	vmul.u32 $0x8, v33;
	v1 =	vor.u32 $0x1, v0;
	s1 =	sadd.s32 s5, s1;
	s19 =	sadd.s32 $0x1600, s8;
	[dreg:$0x5] =	wrdreg s6  }
0xe: {  	v2 =	vor.u32 $0x20, v0;
	v3 =	vor.u32 $0x21, v0;
	v4 =	vor.u32 $0x40, v0;
	s9 =	ssub.s32 s4, s25;
	s20 =	sadd.s32 $0x1E00, s8;
	[dreg:$0x6] =	wrdreg s19  }
0xf: {  	v5 =	vor.u32 $0x41, v0;
	v6 =	vor.u32 $0x60, v0;
	v7 =	vor.u32 $0x61, v0;
	s4 =	sadd.s32 $0x100, s2;
	s21 =	sadd.s32 $0x2600, s8;
	[dreg:$0x7] =	wrdreg s20  }
0x10: {  	v8 =	vor.u32 $0x80, v0;
	v9 =	vor.u32 $0x81, v0;
	v10 =	vor.u32 $0xA0, v0;
	s25 =	simm.s32 $0x6C80;
	s22 =	sadd.s32 $0x2E00, s8;
	[dreg:$0x8] =	wrdreg s21  }
0x11: {  	v11 =	vor.u32 $0xA1, v0;
	v12 =	vor.u32 $0xC0, v0;
	v13 =	vor.u32 $0xC1, v0;
	s23 =	sadd.s32 $0x3600, s8;
	s24 =	sadd.s32 $0x3E00, s8;
	[dreg:$0x9] =	wrdreg s22  }
0x12: {  	v14 =	vor.u32 $0xE0, v0;
	v15 =	vor.u32 $0xE1, v0;
	v16 =	vor.u32 $0x100, v0;
	s26 =	sadd.s32 $0x4600, s8;
	s5 =	sadd.s32 $0x4E00, s8;
	[dreg:$0xa] =	wrdreg s23  }
0x13: {  	v17 =	vor.u32 $0x101, v0;
	v18 =	vor.u32 $0x120, v0;
	v19 =	vor.u32 $0x121, v0;
	s7 =	sadd.s32 $0xC4800, s1;
	s8 =	smax.u32 s9, $0x1;
	[dreg:$0xb] =	wrdreg s24  }
0x14: {  	v20 =	vor.u32 $0x140, v0;
	v21 =	vor.u32 $0x141, v0;
	v22 =	vor.u32 $0x160, v0;
	s9 =	simm.s32 $0x3;
	[dreg:$0xc] =	wrdreg s26;
	s6 =	sadd.s32 $0xC2800, s1  }
0x15: {  	v23 =	vor.u32 $0x161, v0;
	v24 =	vor.u32 $0x180, v0;
	v25 =	vor.u32 $0x181, v0;
	s18 =	simm.s32 $0x3480;
	s19 =	simm.s32 $0x3C80;
	s20 =	simm.s32 $0x4480  }
0x16: {  	v26 =	vor.u32 $0x1A0, v0;
	v27 =	vor.u32 $0x1A1, v0;
	v28 =	vor.u32 $0x1C0, v0;
	s21 =	simm.s32 $0x4C80;
	s22 =	simm.s32 $0x2;
	s23 =	simm.s32 $0x5C80  }
0x17: {  	v29 =	vor.u32 $0x1C1, v0;
	v30 =	vor.u32 $0x1E0, v0;
	v31 =	vor.u32 $0x1E1, v0;
	s24 =	simm.s32 $0x6480;
	s26 =	simm.s32 $0x7480;
	s1 =	simm.s32 $0xC80  }
.LBB2_1:
0x18: {  	s0 =	rddreg [dreg:$0x4]  }
0x19: {  	[tilespmem:s3], [sflag:$0x3] =	stream.linear.gather [hbm4b:s0+s3], $0x200, $0x38;
	[tilespmem:$0x9480] =	vst v63  }
0x1a: {  	_ =	swait.ge [sflag:s9], $0x200  }
0x1b: {  	[sflag:s9] =	ssyncset.done $0x0  }
0x1c: {  	s0 =	rddreg [dreg:$0x5];
	[sflag:s9] =	ssyncadd.s32 $0xFFFFFE00  }
0x1d: {  	[tilespmem:s10], [sflag:$0x3] =	stream.linear.gather [hbm4b:s0+s3], $0x200, $0x38;
	[tilespmem:$0x9480] =	vst v63  }
0x1e: {  	_ =	swait.ge [sflag:s9], $0x200  }
0x1f: {  	[sflag:s9] =	ssyncset.done $0x0  }
0x20: {  	s0 =	rddreg [dreg:$0x3];
	[sflag:s9] =	ssyncadd.s32 $0xFFFFFE00  }
0x21: {  	[tilespmem:s11], [sflag:$0x3] =	stream.linear.gather [hbm4b:s0+s3], $0x80, $0x38;
	[tilespmem:$0x9480] =	vst v63  }
0x22: {  	_ =	swait.ge [sflag:s9], $0x80  }
0x23: {  	[sflag:s9] =	ssyncset.done $0x0  }
0x24: {  	[sflag:s9] =	ssyncadd.s32 $0xFFFFFF80  }
0x25: {  	v35 =	vld.idx.msk [tilespmem:v0+s3+$0x0], $0xffff;
	_ =	sdelay $0x5  }
0x26: {  	v36 =	vld.idx.msk [tilespmem:v0+s10+$0x0], $0xffff  }
0x27: {  	v37 =	vld.idx.msk [tilespmem:v1+s3+$0x0], $0xffff  }
0x28: {  	v35 =	vld.idx.msk [tilespmem:v35+s11+$0x0], $0xffff;
	_ =	sdelay $0x4  }
0x29: {  	v35 =	vadd.s32 v36, v35  }
0x2a: {  	v38 =	vld.idx.msk [tilespmem:v1+s10+$0x0], $0xffff;
	[tilespmem:$0x480] =	vst v35  }
0x2b: {  	v35 =	vld.idx.msk [tilespmem:v37+s11+$0x0], $0xffff;
	_ =	sdelay $0x4  }
0x2c: {  	v35 =	vadd.s32 v38, v35  }
0x2d: {  	[tilespmem:$0xC80] =	vst v35  }
0x2e: {  	v35 =	vld.idx.msk [tilespmem:v2+s3+$0x0], $0xffff;
	_ =	sdelay $0x5  }
0x2f: {  	v51 =	vld.idx.msk [tilespmem:v2+s10+$0x0], $0xffff  }
0x30: {  	v52 =	vld.idx.msk [tilespmem:v3+s3+$0x0], $0xffff  }
0x31: {  	v35 =	vld.idx.msk [tilespmem:v35+s11+$0x0], $0xffff;
	_ =	sdelay $0x4  }
0x32: {  	v35 =	vadd.s32 v51, v35  }
0x33: {  	v53 =	vld.idx.msk [tilespmem:v3+s10+$0x0], $0xffff;
	[tilespmem:$0x500] =	vst v35  }
0x34: {  	v35 =	vld.idx.msk [tilespmem:v52+s11+$0x0], $0xffff;
	_ =	sdelay $0x4  }
0x35: {  	v35 =	vadd.s32 v53, v35  }
0x36: {  	[tilespmem:$0xD00] =	vst v35  }
0x37: {  	v35 =	vld.idx.msk [tilespmem:v4+s3+$0x0], $0xffff;
	_ =	sdelay $0x5  }
0x38: {  	v54 =	vld.idx.msk [tilespmem:v4+s10+$0x0], $0xffff  }
0x39: {  	v55 =	vld.idx.msk [tilespmem:v5+s3+$0x0], $0xffff  }
0x3a: {  	v35 =	vld.idx.msk [tilespmem:v35+s11+$0x0], $0xffff;
	_ =	sdelay $0x4  }
0x3b: {  	v35 =	vadd.s32 v54, v35  }
0x3c: {  	v56 =	vld.idx.msk [tilespmem:v5+s10+$0x0], $0xffff;
	[tilespmem:$0x580] =	vst v35  }
0x3d: {  	v35 =	vld.idx.msk [tilespmem:v55+s11+$0x0], $0xffff;
	_ =	sdelay $0x4  }
0x3e: {  	v35 =	vadd.s32 v56, v35  }
0x3f: {  	[tilespmem:$0xD80] =	vst v35  }
0x40: {  	v35 =	vld.idx.msk [tilespmem:v6+s3+$0x0], $0xffff;
	_ =	sdelay $0x5  }
0x41: {  	v57 =	vld.idx.msk [tilespmem:v6+s10+$0x0], $0xffff  }
0x42: {  	v58 =	vld.idx.msk [tilespmem:v7+s3+$0x0], $0xffff  }
0x43: {  	v35 =	vld.idx.msk [tilespmem:v35+s11+$0x0], $0xffff;
	_ =	sdelay $0x4  }
0x44: {  	v35 =	vadd.s32 v57, v35  }
0x45: {  	v59 =	vld.idx.msk [tilespmem:v7+s10+$0x0], $0xffff;
	[tilespmem:$0x600] =	vst v35  }
0x46: {  	v35 =	vld.idx.msk [tilespmem:v58+s11+$0x0], $0xffff;
	_ =	sdelay $0x4  }
0x47: {  	v35 =	vadd.s32 v59, v35  }
0x48: {  	[tilespmem:$0xE00] =	vst v35  }
0x49: {  	v35 =	vld.idx.msk [tilespmem:v8+s3+$0x0], $0xffff;
	_ =	sdelay $0x5  }
0x4a: {  	v60 =	vld.idx.msk [tilespmem:v8+s10+$0x0], $0xffff  }
0x4b: {  	v61 =	vld.idx.msk [tilespmem:v9+s3+$0x0], $0xffff  }
0x4c: {  	v35 =	vld.idx.msk [tilespmem:v35+s11+$0x0], $0xffff;
	_ =	sdelay $0x4  }
0x4d: {  	v35 =	vadd.s32 v60, v35  }
0x4e: {  	v62 =	vld.idx.msk [tilespmem:v9+s10+$0x0], $0xffff;
	[tilespmem:$0x680] =	vst v35  }
0x4f: {  	v35 =	vld.idx.msk [tilespmem:v61+s11+$0x0], $0xffff;
	_ =	sdelay $0x4  }
0x50: {  	v35 =	vadd.s32 v62, v35  }
0x51: {  	[tilespmem:$0xE80] =	vst v35  }
0x52: {  	v35 =	vld.idx.msk [tilespmem:v10+s3+$0x0], $0xffff;
	_ =	sdelay $0x5  }
0x53: {  	v63 =	vld.idx.msk [tilespmem:v10+s10+$0x0], $0xffff  }
0x54: {  	v40 =	vld.idx.msk [tilespmem:v11+s3+$0x0], $0xffff  }
0x55: {  	v35 =	vld.idx.msk [tilespmem:v35+s11+$0x0], $0xffff;
	_ =	sdelay $0x4  }
0x56: {  	v35 =	vadd.s32 v63, v35  }
0x57: {  	v41 =	vld.idx.msk [tilespmem:v11+s10+$0x0], $0xffff;
	[tilespmem:$0x700] =	vst v35  }
0x58: {  	v35 =	vld.idx.msk [tilespmem:v40+s11+$0x0], $0xffff;
	_ =	sdelay $0x4  }
0x59: {  	v35 =	vadd.s32 v41, v35  }
0x5a: {  	[tilespmem:$0xF00] =	vst v35  }
0x5b: {  	v35 =	vld.idx.msk [tilespmem:v12+s3+$0x0], $0xffff;
	_ =	sdelay $0x5  }
0x5c: {  	v42 =	vld.idx.msk [tilespmem:v12+s10+$0x0], $0xffff  }
0x5d: {  	v43 =	vld.idx.msk [tilespmem:v13+s3+$0x0], $0xffff  }
0x5e: {  	v35 =	vld.idx.msk [tilespmem:v35+s11+$0x0], $0xffff;
	_ =	sdelay $0x4  }
0x5f: {  	v35 =	vadd.s32 v42, v35  }
0x60: {  	v44 =	vld.idx.msk [tilespmem:v13+s10+$0x0], $0xffff;
	[tilespmem:$0x780] =	vst v35  }
0x61: {  	v35 =	vld.idx.msk [tilespmem:v43+s11+$0x0], $0xffff;
	_ =	sdelay $0x4  }
0x62: {  	v35 =	vadd.s32 v44, v35  }
0x63: {  	[tilespmem:$0xF80] =	vst v35  }
0x64: {  	v35 =	vld.idx.msk [tilespmem:v14+s3+$0x0], $0xffff;
	_ =	sdelay $0x5  }
0x65: {  	v45 =	vld.idx.msk [tilespmem:v14+s10+$0x0], $0xffff  }
0x66: {  	v46 =	vld.idx.msk [tilespmem:v15+s3+$0x0], $0xffff  }
0x67: {  	v35 =	vld.idx.msk [tilespmem:v35+s11+$0x0], $0xffff;
	_ =	sdelay $0x4  }
0x68: {  	v35 =	vadd.s32 v45, v35  }
0x69: {  	v47 =	vld.idx.msk [tilespmem:v15+s10+$0x0], $0xffff;
	[tilespmem:$0x800] =	vst v35  }
0x6a: {  	v35 =	vld.idx.msk [tilespmem:v46+s11+$0x0], $0xffff;
	_ =	sdelay $0x4  }
0x6b: {  	v35 =	vadd.s32 v47, v35  }
0x6c: {  	[tilespmem:$0x1000] =	vst v35  }
0x6d: {  	v35 =	vld.idx.msk [tilespmem:v16+s3+$0x0], $0xffff;
	_ =	sdelay $0x5  }
0x6e: {  	v48 =	vld.idx.msk [tilespmem:v16+s10+$0x0], $0xffff  }
0x6f: {  	v49 =	vld.idx.msk [tilespmem:v17+s3+$0x0], $0xffff  }
0x70: {  	v35 =	vld.idx.msk [tilespmem:v35+s11+$0x0], $0xffff;
	_ =	sdelay $0x4  }
0x71: {  	v35 =	vadd.s32 v48, v35  }
0x72: {  	v50 =	vld.idx.msk [tilespmem:v17+s10+$0x0], $0xffff;
	[tilespmem:$0x880] =	vst v35  }
0x73: {  	v35 =	vld.idx.msk [tilespmem:v49+s11+$0x0], $0xffff;
	_ =	sdelay $0x4  }
0x74: {  	v35 =	vadd.s32 v50, v35  }
0x75: {  	[tilespmem:$0x1080] =	vst v35  }
0x76: {  	v35 =	vld.idx.msk [tilespmem:v18+s3+$0x0], $0xffff;
	_ =	sdelay $0x5  }
0x77: {  	v51 =	vld.idx.msk [tilespmem:v18+s10+$0x0], $0xffff  }
0x78: {  	v52 =	vld.idx.msk [tilespmem:v19+s3+$0x0], $0xffff  }
0x79: {  	v35 =	vld.idx.msk [tilespmem:v35+s11+$0x0], $0xffff;
	_ =	sdelay $0x4  }
0x7a: {  	v35 =	vadd.s32 v51, v35  }
0x7b: {  	v53 =	vld.idx.msk [tilespmem:v19+s10+$0x0], $0xffff;
	[tilespmem:$0x900] =	vst v35  }
0x7c: {  	v35 =	vld.idx.msk [tilespmem:v52+s11+$0x0], $0xffff;
	_ =	sdelay $0x4  }
0x7d: {  	v35 =	vadd.s32 v53, v35  }
0x7e: {  	[tilespmem:$0x1100] =	vst v35  }
0x7f: {  	v35 =	vld.idx.msk [tilespmem:v20+s3+$0x0], $0xffff;
	_ =	sdelay $0x5  }
0x80: {  	v54 =	vld.idx.msk [tilespmem:v20+s10+$0x0], $0xffff  }
0x81: {  	v55 =	vld.idx.msk [tilespmem:v21+s3+$0x0], $0xffff  }
0x82: {  	v35 =	vld.idx.msk [tilespmem:v35+s11+$0x0], $0xffff;
	_ =	sdelay $0x4  }
0x83: {  	v35 =	vadd.s32 v54, v35  }
0x84: {  	v56 =	vld.idx.msk [tilespmem:v21+s10+$0x0], $0xffff;
	[tilespmem:$0x980] =	vst v35  }
0x85: {  	v35 =	vld.idx.msk [tilespmem:v55+s11+$0x0], $0xffff;
	_ =	sdelay $0x4  }
0x86: {  	v35 =	vadd.s32 v56, v35  }
0x87: {  	[tilespmem:$0x1180] =	vst v35  }
0x88: {  	v35 =	vld.idx.msk [tilespmem:v22+s3+$0x0], $0xffff;
	_ =	sdelay $0x5  }
0x89: {  	v57 =	vld.idx.msk [tilespmem:v22+s10+$0x0], $0xffff  }
0x8a: {  	v58 =	vld.idx.msk [tilespmem:v23+s3+$0x0], $0xffff  }
0x8b: {  	v35 =	vld.idx.msk [tilespmem:v35+s11+$0x0], $0xffff;
	_ =	sdelay $0x4  }
0x8c: {  	v35 =	vadd.s32 v57, v35  }
0x8d: {  	v59 =	vld.idx.msk [tilespmem:v23+s10+$0x0], $0xffff;
	[tilespmem:$0xA00] =	vst v35  }
0x8e: {  	v35 =	vld.idx.msk [tilespmem:v58+s11+$0x0], $0xffff;
	_ =	sdelay $0x4  }
0x8f: {  	v35 =	vadd.s32 v59, v35  }
0x90: {  	[tilespmem:$0x1200] =	vst v35  }
0x91: {  	v35 =	vld.idx.msk [tilespmem:v24+s3+$0x0], $0xffff;
	_ =	sdelay $0x5  }
0x92: {  	v60 =	vld.idx.msk [tilespmem:v24+s10+$0x0], $0xffff  }
0x93: {  	v61 =	vld.idx.msk [tilespmem:v25+s3+$0x0], $0xffff  }
0x94: {  	v35 =	vld.idx.msk [tilespmem:v35+s11+$0x0], $0xffff;
	_ =	sdelay $0x4  }
0x95: {  	v35 =	vadd.s32 v60, v35  }
0x96: {  	v62 =	vld.idx.msk [tilespmem:v25+s10+$0x0], $0xffff;
	[tilespmem:$0xA80] =	vst v35  }
0x97: {  	v35 =	vld.idx.msk [tilespmem:v61+s11+$0x0], $0xffff;
	_ =	sdelay $0x4  }
0x98: {  	v35 =	vadd.s32 v62, v35  }
0x99: {  	[tilespmem:$0x1280] =	vst v35  }
0x9a: {  	v35 =	vld.idx.msk [tilespmem:v26+s3+$0x0], $0xffff;
	_ =	sdelay $0x5  }
0x9b: {  	v63 =	vld.idx.msk [tilespmem:v26+s10+$0x0], $0xffff  }
0x9c: {  	v40 =	vld.idx.msk [tilespmem:v27+s3+$0x0], $0xffff  }
0x9d: {  	v35 =	vld.idx.msk [tilespmem:v35+s11+$0x0], $0xffff;
	_ =	sdelay $0x4  }
0x9e: {  	v35 =	vadd.s32 v63, v35  }
0x9f: {  	v41 =	vld.idx.msk [tilespmem:v27+s10+$0x0], $0xffff;
	[tilespmem:$0xB00] =	vst v35  }
0xa0: {  	v35 =	vld.idx.msk [tilespmem:v40+s11+$0x0], $0xffff;
	_ =	sdelay $0x4  }
0xa1: {  	v35 =	vadd.s32 v41, v35  }
0xa2: {  	[tilespmem:$0x1300] =	vst v35  }
0xa3: {  	v35 =	vld.idx.msk [tilespmem:v28+s3+$0x0], $0xffff;
	_ =	sdelay $0x5  }
0xa4: {  	v42 =	vld.idx.msk [tilespmem:v28+s10+$0x0], $0xffff  }
0xa5: {  	v43 =	vld.idx.msk [tilespmem:v29+s3+$0x0], $0xffff  }
0xa6: {  	v35 =	vld.idx.msk [tilespmem:v35+s11+$0x0], $0xffff;
	_ =	sdelay $0x4  }
0xa7: {  	v35 =	vadd.s32 v42, v35  }
0xa8: {  	v44 =	vld.idx.msk [tilespmem:v29+s10+$0x0], $0xffff;
	[tilespmem:$0xB80] =	vst v35  }
0xa9: {  	v35 =	vld.idx.msk [tilespmem:v43+s11+$0x0], $0xffff;
	_ =	sdelay $0x4  }
0xaa: {  	v35 =	vadd.s32 v44, v35  }
0xab: {  	[tilespmem:$0x1380] =	vst v35  }
0xac: {  	v35 =	vld.idx.msk [tilespmem:v30+s3+$0x0], $0xffff;
	_ =	sdelay $0x5  }
0xad: {  	v45 =	vld.idx.msk [tilespmem:v30+s10+$0x0], $0xffff  }
0xae: {  	v46 =	vld.idx.msk [tilespmem:v31+s3+$0x0], $0xffff  }
0xaf: {  	v35 =	vld.idx.msk [tilespmem:v35+s11+$0x0], $0xffff;
	_ =	sdelay $0x4  }
0xb0: {  	v35 =	vadd.s32 v45, v35  }
0xb1: {  	v47 =	vld.idx.msk [tilespmem:v31+s10+$0x0], $0xffff;
	[tilespmem:$0xC00] =	vst v35  }
0xb2: {  	v35 =	vld.idx.msk [tilespmem:v46+s11+$0x0], $0xffff;
	_ =	sdelay $0x4  }
0xb3: {  	v35 =	vadd.s32 v47, v35  }
0xb4: {  	s0 =	rddreg [dreg:$0x6];
	[tilespmem:$0x1400] =	vst v35  }
0xb5: {  	[tilespmem:s12], [sflag:$0x1] =	stream.linear.gather [hbm4b:s0+s3], $0x4000, $0x38;
	[tilespmem:$0x9480] =	vst v63  }
0xb6: {  	_ =	swait.ge [sflag:s13], $0x4000  }
0xb7: {  	[sflag:s13] =	ssyncset.done $0x0  }
0xb8: {  	s0 =	rddreg [dreg:$0x7];
	[sflag:s13] =	ssyncadd.s32 $0xFFFFC000  }
0xb9: {  	[tilespmem:s14], [sflag:$0x1] =	stream.linear.gather [hbm4b:s0+s3], $0x4000, $0x38;
	[tilespmem:$0x9480] =	vst v63  }
0xba: {  	v48 =	vld [tilespmem:$0x480];
	_ =	sdelay $0x4  }
0xbb: {  	v49 =	vshll.u32 v48, $0x2  }
0xbc: {  	v35 =	vand.u32 $0x7, v48;
	v36 =	vand.u32 $0xFFFFFFE0, v49  }
0xbd: {  	v35 =	vor.u32 v35, v36  }
0xbe: {  	v36 =	vperm.xlane v35, v32;
	_ =	sdelay $0x1  }
0xbf: {  	v36 =	vadd.s32 v33, v36;
	_ =	sdelay $0x1  }
0xc0: {  	v35 =	vperm.xlane v35, v34;
	_ =	sdelay $0x1  }
0xc1: {  	v35 =	vadd.s32 v33, v35  }
0xc2: {  	[hbm4b:s2+s3] =	stream.indirect_vreg.scatter [tilespmem:s12], [sflag:$0x2], $0x80, v36, vm0, $0xb8;
	[tilespmem:$0x9480] =	vst v63  }
0xc3: {  	_ = 	snop  }
0xc4: {  	[hbm4b:s4+s3] =	stream.indirect_vreg.scatter [tilespmem:s15], [sflag:$0x2], $0x80, v36, vm0, $0xb8;
	[tilespmem:$0x9480] =	vst v63  }
0xc5: {  	_ = 	snop  }
0xc6: {  	[hbm4b:s2+s3] =	stream.indirect_vreg.scatter [tilespmem:s16], [sflag:$0x2], $0x80, v35, vm0, $0xb8;
	[tilespmem:$0x9480] =	vst v63  }
0xc7: {  	_ = 	snop  }
0xc8: {  	[hbm4b:s4+s3] =	stream.indirect_vreg.scatter [tilespmem:s17], [sflag:$0x2], $0x80, v35, vm0, $0xb8;
	[tilespmem:$0x9480] =	vst v63  }
0xc9: {  	v35 =	vld [tilespmem:$0xC80];
	_ =	sdelay $0x4  }
0xca: {  	v50 =	vshll.u32 v35, $0x2  }
0xcb: {  	v35 =	vand.u32 $0x7, v35;
	v36 =	vand.u32 $0xFFFFFFE0, v50  }
0xcc: {  	v35 =	vor.u32 v35, v36  }
0xcd: {  	v36 =	vperm.xlane v35, v32;
	_ =	sdelay $0x1  }
0xce: {  	v36 =	vadd.s32 v33, v36;
	_ =	sdelay $0x1  }
0xcf: {  	v35 =	vperm.xlane v35, v34;
	_ =	sdelay $0x1  }
0xd0: {  	v35 =	vadd.s32 v33, v35  }
0xd1: {  	[hbm4b:s2+s3] =	stream.indirect_vreg.scatter [tilespmem:s12], [sflag:$0x2], $0x80, v36, vm0, $0xb8;
	[tilespmem:$0x9480] =	vst v63  }
0xd2: {  	_ = 	snop  }
0xd3: {  	[hbm4b:s4+s3] =	stream.indirect_vreg.scatter [tilespmem:s15], [sflag:$0x2], $0x80, v36, vm0, $0xb8;
	[tilespmem:$0x9480] =	vst v63  }
0xd4: {  	_ = 	snop  }
0xd5: {  	[hbm4b:s2+s3] =	stream.indirect_vreg.scatter [tilespmem:s16], [sflag:$0x2], $0x80, v35, vm0, $0xb8;
	[tilespmem:$0x9480] =	vst v63  }
0xd6: {  	_ = 	snop  }
0xd7: {  	[hbm4b:s4+s3] =	stream.indirect_vreg.scatter [tilespmem:s17], [sflag:$0x2], $0x80, v35, vm0, $0xb8;
	[tilespmem:$0x9480] =	vst v63  }
0xd8: {  	v35 =	vld [tilespmem:$0x500];
	_ =	sdelay $0x4  }
0xd9: {  	v51 =	vshll.u32 v35, $0x2  }
0xda: {  	v35 =	vand.u32 $0x7, v35;
	v36 =	vand.u32 $0xFFFFFFE0, v51  }
0xdb: {  	v35 =	vor.u32 v35, v36  }
0xdc: {  	v36 =	vperm.xlane v35, v32;
	_ =	sdelay $0x1  }
0xdd: {  	v36 =	vadd.s32 v33, v36;
	_ =	sdelay $0x1  }
0xde: {  	v35 =	vperm.xlane v35, v34;
	_ =	sdelay $0x1  }
0xdf: {  	v35 =	vadd.s32 v33, v35  }
0xe0: {  	[hbm4b:s2+s3] =	stream.indirect_vreg.scatter [tilespmem:s18], [sflag:$0x2], $0x80, v36, vm0, $0xb8;
	[tilespmem:$0x9480] =	vst v63  }
0xe1: {  	_ = 	snop  }
0xe2: {  	[hbm4b:s4+s3] =	stream.indirect_vreg.scatter [tilespmem:s19], [sflag:$0x2], $0x80, v36, vm0, $0xb8;
	[tilespmem:$0x9480] =	vst v63  }
0xe3: {  	_ = 	snop  }
0xe4: {  	[hbm4b:s2+s3] =	stream.indirect_vreg.scatter [tilespmem:s20], [sflag:$0x2], $0x80, v35, vm0, $0xb8;
	[tilespmem:$0x9480] =	vst v63  }
0xe5: {  	_ = 	snop  }
0xe6: {  	[hbm4b:s4+s3] =	stream.indirect_vreg.scatter [tilespmem:s21], [sflag:$0x2], $0x80, v35, vm0, $0xb8;
	[tilespmem:$0x9480] =	vst v63  }
0xe7: {  	v35 =	vld [tilespmem:$0xD00];
	_ =	sdelay $0x4  }
0xe8: {  	v52 =	vshll.u32 v35, $0x2  }
0xe9: {  	v35 =	vand.u32 $0x7, v35;
	v36 =	vand.u32 $0xFFFFFFE0, v52  }
0xea: {  	v35 =	vor.u32 v35, v36  }
0xeb: {  	v36 =	vperm.xlane v35, v32;
	_ =	sdelay $0x1  }
0xec: {  	v36 =	vadd.s32 v33, v36;
	_ =	sdelay $0x1  }
0xed: {  	v35 =	vperm.xlane v35, v34;
	_ =	sdelay $0x1  }
0xee: {  	v35 =	vadd.s32 v33, v35  }
0xef: {  	[hbm4b:s2+s3] =	stream.indirect_vreg.scatter [tilespmem:s18], [sflag:$0x2], $0x80, v36, vm0, $0xb8;
	[tilespmem:$0x9480] =	vst v63  }
0xf0: {  	_ = 	snop  }
0xf1: {  	[hbm4b:s4+s3] =	stream.indirect_vreg.scatter [tilespmem:s19], [sflag:$0x2], $0x80, v36, vm0, $0xb8;
	[tilespmem:$0x9480] =	vst v63  }
0xf2: {  	_ = 	snop  }
0xf3: {  	[hbm4b:s2+s3] =	stream.indirect_vreg.scatter [tilespmem:s20], [sflag:$0x2], $0x80, v35, vm0, $0xb8;
	[tilespmem:$0x9480] =	vst v63  }
0xf4: {  	_ = 	snop  }
0xf5: {  	[hbm4b:s4+s3] =	stream.indirect_vreg.scatter [tilespmem:s21], [sflag:$0x2], $0x80, v35, vm0, $0xb8;
	[tilespmem:$0x9480] =	vst v63  }
0xf6: {  	_ =	swait.ge [sflag:s13], $0x4000  }
0xf7: {  	[sflag:s13] =	ssyncset.done $0x0  }
0xf8: {  	[sflag:s13] =	ssyncadd.s32 $0xFFFFC000  }
0xf9: {  	_ =	swait.ge [sflag:s22], $0x2000  }
0xfa: {  	[sflag:s22] =	ssyncset.done $0x0  }
0xfb: {  	[sflag:s22] =	ssyncadd.s32 $0xFFFFE000  }
0xfc: {  	_ =	swait.ge [sflag:s22], $0x2000  }
0xfd: {  	[sflag:s22] =	ssyncset.done $0x0  }
0xfe: {  	[sflag:s22] =	ssyncadd.s32 $0xFFFFE000  }
0xff: {  	_ =	swait.ge [sflag:s22], $0x2000  }
0x100: {  	[sflag:s22] =	ssyncset.done $0x0  }
0x101: {  	[sflag:s22] =	ssyncadd.s32 $0xFFFFE000  }
0x102: {  	_ =	swait.ge [sflag:s22], $0x2000  }
0x103: {  	[sflag:s22] =	ssyncset.done $0x0  }
0x104: {  	s0 =	rddreg [dreg:$0x8];
	[sflag:s22] =	ssyncadd.s32 $0xFFFFE000  }
0x105: {  	[tilespmem:s12], [sflag:$0x1] =	stream.linear.gather [hbm4b:s0+s3], $0x4000, $0x38;
	[tilespmem:$0x9480] =	vst v63  }
0x106: {  	v53 =	vld [tilespmem:$0x580];
	_ =	sdelay $0x4  }
0x107: {  	v54 =	vshll.u32 v53, $0x2  }
0x108: {  	v35 =	vand.u32 $0x7, v53;
	v36 =	vand.u32 $0xFFFFFFE0, v54  }
0x109: {  	v35 =	vor.u32 v35, v36  }
0x10a: {  	v36 =	vperm.xlane v35, v32;
	_ =	sdelay $0x1  }
0x10b: {  	v36 =	vadd.s32 v33, v36;
	_ =	sdelay $0x1  }
0x10c: {  	v35 =	vperm.xlane v35, v34;
	_ =	sdelay $0x1  }
0x10d: {  	v35 =	vadd.s32 v33, v35  }
0x10e: {  	[hbm4b:s2+s3] =	stream.indirect_vreg.scatter [tilespmem:s14], [sflag:$0x2], $0x80, v36, vm0, $0xb8;
	[tilespmem:$0x9480] =	vst v63  }
0x10f: {  	_ = 	snop  }
0x110: {  	[hbm4b:s4+s3] =	stream.indirect_vreg.scatter [tilespmem:s23], [sflag:$0x2], $0x80, v36, vm0, $0xb8;
	[tilespmem:$0x9480] =	vst v63  }
0x111: {  	_ = 	snop  }
0x112: {  	[hbm4b:s2+s3] =	stream.indirect_vreg.scatter [tilespmem:s24], [sflag:$0x2], $0x80, v35, vm0, $0xb8;
	[tilespmem:$0x9480] =	vst v63  }
0x113: {  	_ = 	snop  }
0x114: {  	[hbm4b:s4+s3] =	stream.indirect_vreg.scatter [tilespmem:s25], [sflag:$0x2], $0x80, v35, vm0, $0xb8;
	[tilespmem:$0x9480] =	vst v63  }
0x115: {  	v35 =	vld [tilespmem:$0xD80];
	_ =	sdelay $0x4  }
0x116: {  	v55 =	vshll.u32 v35, $0x2  }
0x117: {  	v35 =	vand.u32 $0x7, v35;
	v36 =	vand.u32 $0xFFFFFFE0, v55  }
0x118: {  	v35 =	vor.u32 v35, v36  }
0x119: {  	v36 =	vperm.xlane v35, v32;
	_ =	sdelay $0x1  }
0x11a: {  	v36 =	vadd.s32 v33, v36;
	_ =	sdelay $0x1  }
0x11b: {  	v35 =	vperm.xlane v35, v34;
	_ =	sdelay $0x1  }
0x11c: {  	v35 =	vadd.s32 v33, v35  }
0x11d: {  	[hbm4b:s2+s3] =	stream.indirect_vreg.scatter [tilespmem:s14], [sflag:$0x2], $0x80, v36, vm0, $0xb8;
	[tilespmem:$0x9480] =	vst v63  }
0x11e: {  	_ = 	snop  }
0x11f: {  	[hbm4b:s4+s3] =	stream.indirect_vreg.scatter [tilespmem:s23], [sflag:$0x2], $0x80, v36, vm0, $0xb8;
	[tilespmem:$0x9480] =	vst v63  }
0x120: {  	_ = 	snop  }
0x121: {  	[hbm4b:s2+s3] =	stream.indirect_vreg.scatter [tilespmem:s24], [sflag:$0x2], $0x80, v35, vm0, $0xb8;
	[tilespmem:$0x9480] =	vst v63  }
0x122: {  	_ = 	snop  }
0x123: {  	[hbm4b:s4+s3] =	stream.indirect_vreg.scatter [tilespmem:s25], [sflag:$0x2], $0x80, v35, vm0, $0xb8;
	[tilespmem:$0x9480] =	vst v63  }
0x124: {  	v35 =	vld [tilespmem:$0x600];
	_ =	sdelay $0x4  }
0x125: {  	v56 =	vshll.u32 v35, $0x2  }
0x126: {  	v35 =	vand.u32 $0x7, v35;
	v36 =	vand.u32 $0xFFFFFFE0, v56  }
0x127: {  	v35 =	vor.u32 v35, v36  }
0x128: {  	v36 =	vperm.xlane v35, v32;
	_ =	sdelay $0x1  }
0x129: {  	v36 =	vadd.s32 v33, v36;
	_ =	sdelay $0x1  }
0x12a: {  	v35 =	vperm.xlane v35, v34;
	_ =	sdelay $0x1  }
0x12b: {  	v35 =	vadd.s32 v33, v35  }
0x12c: {  	[hbm4b:s2+s3] =	stream.indirect_vreg.scatter [tilespmem:s26], [sflag:$0x2], $0x80, v36, vm0, $0xb8;
	[tilespmem:$0x9480] =	vst v63  }
0x12d: {  	_ = 	snop  }
0x12e: {  	[hbm4b:s4+s3] =	stream.indirect_vreg.scatter [tilespmem:s28], [sflag:$0x2], $0x80, v36, vm0, $0xb8;
	[tilespmem:$0x9480] =	vst v63  }
0x12f: {  	_ = 	snop  }
0x130: {  	[hbm4b:s2+s3] =	stream.indirect_vreg.scatter [tilespmem:s29], [sflag:$0x2], $0x80, v35, vm0, $0xb8;
	[tilespmem:$0x9480] =	vst v63  }
0x131: {  	_ = 	snop  }
0x132: {  	[hbm4b:s4+s3] =	stream.indirect_vreg.scatter [tilespmem:s30], [sflag:$0x2], $0x80, v35, vm0, $0xb8;
	[tilespmem:$0x9480] =	vst v63  }
0x133: {  	v35 =	vld [tilespmem:$0xE00];
	_ =	sdelay $0x4  }
0x134: {  	v57 =	vshll.u32 v35, $0x2  }
0x135: {  	v35 =	vand.u32 $0x7, v35;
	v36 =	vand.u32 $0xFFFFFFE0, v57  }
0x136: {  	v35 =	vor.u32 v35, v36  }
0x137: {  	v36 =	vperm.xlane v35, v32;
	_ =	sdelay $0x1  }
0x138: {  	v36 =	vadd.s32 v33, v36;
	_ =	sdelay $0x1  }
0x139: {  	v35 =	vperm.xlane v35, v34;
	_ =	sdelay $0x1  }
0x13a: {  	v35 =	vadd.s32 v33, v35  }
0x13b: {  	[hbm4b:s2+s3] =	stream.indirect_vreg.scatter [tilespmem:s26], [sflag:$0x2], $0x80, v36, vm0, $0xb8;
	[tilespmem:$0x9480] =	vst v63  }
0x13c: {  	_ = 	snop  }
0x13d: {  	[hbm4b:s4+s3] =	stream.indirect_vreg.scatter [tilespmem:s28], [sflag:$0x2], $0x80, v36, vm0, $0xb8;
	[tilespmem:$0x9480] =	vst v63  }
0x13e: {  	_ = 	snop  }
0x13f: {  	[hbm4b:s2+s3] =	stream.indirect_vreg.scatter [tilespmem:s29], [sflag:$0x2], $0x80, v35, vm0, $0xb8;
	[tilespmem:$0x9480] =	vst v63  }
0x140: {  	_ = 	snop  }
0x141: {  	[hbm4b:s4+s3] =	stream.indirect_vreg.scatter [tilespmem:s30], [sflag:$0x2], $0x80, v35, vm0, $0xb8;
	[tilespmem:$0x9480] =	vst v63  }
0x142: {  	_ =	swait.ge [sflag:s13], $0x4000  }
0x143: {  	[sflag:s13] =	ssyncset.done $0x0  }
0x144: {  	[sflag:s13] =	ssyncadd.s32 $0xFFFFC000  }
0x145: {  	_ =	swait.ge [sflag:s22], $0x2000  }
0x146: {  	[sflag:s22] =	ssyncset.done $0x0  }
0x147: {  	[sflag:s22] =	ssyncadd.s32 $0xFFFFE000  }
0x148: {  	_ =	swait.ge [sflag:s22], $0x2000  }
0x149: {  	[sflag:s22] =	ssyncset.done $0x0  }
0x14a: {  	[sflag:s22] =	ssyncadd.s32 $0xFFFFE000  }
0x14b: {  	_ =	swait.ge [sflag:s22], $0x2000  }
0x14c: {  	[sflag:s22] =	ssyncset.done $0x0  }
0x14d: {  	[sflag:s22] =	ssyncadd.s32 $0xFFFFE000  }
0x14e: {  	_ =	swait.ge [sflag:s22], $0x2000  }
0x14f: {  	[sflag:s22] =	ssyncset.done $0x0  }
0x150: {  	s0 =	rddreg [dreg:$0x9];
	[sflag:s22] =	ssyncadd.s32 $0xFFFFE000  }
0x151: {  	[tilespmem:s14], [sflag:$0x1] =	stream.linear.gather [hbm4b:s0+s3], $0x4000, $0x38;
	[tilespmem:$0x9480] =	vst v63  }
0x152: {  	v58 =	vld [tilespmem:$0x680];
	_ =	sdelay $0x4  }
0x153: {  	v59 =	vshll.u32 v58, $0x2  }
0x154: {  	v35 =	vand.u32 $0x7, v58;
	v36 =	vand.u32 $0xFFFFFFE0, v59  }
0x155: {  	v35 =	vor.u32 v35, v36  }
0x156: {  	v36 =	vperm.xlane v35, v32;
	_ =	sdelay $0x1  }
0x157: {  	v36 =	vadd.s32 v33, v36;
	_ =	sdelay $0x1  }
0x158: {  	v35 =	vperm.xlane v35, v34;
	_ =	sdelay $0x1  }
0x159: {  	v35 =	vadd.s32 v33, v35  }
0x15a: {  	[hbm4b:s2+s3] =	stream.indirect_vreg.scatter [tilespmem:s12], [sflag:$0x2], $0x80, v36, vm0, $0xb8;
	[tilespmem:$0x9480] =	vst v63  }
0x15b: {  	_ = 	snop  }
0x15c: {  	[hbm4b:s4+s3] =	stream.indirect_vreg.scatter [tilespmem:s15], [sflag:$0x2], $0x80, v36, vm0, $0xb8;
	[tilespmem:$0x9480] =	vst v63  }
0x15d: {  	_ = 	snop  }
0x15e: {  	[hbm4b:s2+s3] =	stream.indirect_vreg.scatter [tilespmem:s16], [sflag:$0x2], $0x80, v35, vm0, $0xb8;
	[tilespmem:$0x9480] =	vst v63  }
0x15f: {  	_ = 	snop  }
0x160: {  	[hbm4b:s4+s3] =	stream.indirect_vreg.scatter [tilespmem:s17], [sflag:$0x2], $0x80, v35, vm0, $0xb8;
	[tilespmem:$0x9480] =	vst v63  }
0x161: {  	v35 =	vld [tilespmem:$0xE80];
	_ =	sdelay $0x4  }
0x162: {  	v60 =	vshll.u32 v35, $0x2  }
0x163: {  	v35 =	vand.u32 $0x7, v35;
	v36 =	vand.u32 $0xFFFFFFE0, v60  }
0x164: {  	v35 =	vor.u32 v35, v36  }
0x165: {  	v36 =	vperm.xlane v35, v32;
	_ =	sdelay $0x1  }
0x166: {  	v36 =	vadd.s32 v33, v36;
	_ =	sdelay $0x1  }
0x167: {  	v35 =	vperm.xlane v35, v34;
	_ =	sdelay $0x1  }
0x168: {  	v35 =	vadd.s32 v33, v35  }
0x169: {  	[hbm4b:s2+s3] =	stream.indirect_vreg.scatter [tilespmem:s12], [sflag:$0x2], $0x80, v36, vm0, $0xb8;
	[tilespmem:$0x9480] =	vst v63  }
0x16a: {  	_ = 	snop  }
0x16b: {  	[hbm4b:s4+s3] =	stream.indirect_vreg.scatter [tilespmem:s15], [sflag:$0x2], $0x80, v36, vm0, $0xb8;
	[tilespmem:$0x9480] =	vst v63  }
0x16c: {  	_ = 	snop  }
0x16d: {  	[hbm4b:s2+s3] =	stream.indirect_vreg.scatter [tilespmem:s16], [sflag:$0x2], $0x80, v35, vm0, $0xb8;
	[tilespmem:$0x9480] =	vst v63  }
0x16e: {  	_ = 	snop  }
0x16f: {  	[hbm4b:s4+s3] =	stream.indirect_vreg.scatter [tilespmem:s17], [sflag:$0x2], $0x80, v35, vm0, $0xb8;
	[tilespmem:$0x9480] =	vst v63  }
0x170: {  	v35 =	vld [tilespmem:$0x700];
	_ =	sdelay $0x4  }
0x171: {  	v61 =	vshll.u32 v35, $0x2  }
0x172: {  	v35 =	vand.u32 $0x7, v35;
	v36 =	vand.u32 $0xFFFFFFE0, v61  }
0x173: {  	v35 =	vor.u32 v35, v36  }
0x174: {  	v36 =	vperm.xlane v35, v32;
	_ =	sdelay $0x1  }
0x175: {  	v36 =	vadd.s32 v33, v36;
	_ =	sdelay $0x1  }
0x176: {  	v35 =	vperm.xlane v35, v34;
	_ =	sdelay $0x1  }
0x177: {  	v35 =	vadd.s32 v33, v35  }
0x178: {  	[hbm4b:s2+s3] =	stream.indirect_vreg.scatter [tilespmem:s18], [sflag:$0x2], $0x80, v36, vm0, $0xb8;
	[tilespmem:$0x9480] =	vst v63  }
0x179: {  	_ = 	snop  }
0x17a: {  	[hbm4b:s4+s3] =	stream.indirect_vreg.scatter [tilespmem:s19], [sflag:$0x2], $0x80, v36, vm0, $0xb8;
	[tilespmem:$0x9480] =	vst v63  }
0x17b: {  	_ = 	snop  }
0x17c: {  	[hbm4b:s2+s3] =	stream.indirect_vreg.scatter [tilespmem:s20], [sflag:$0x2], $0x80, v35, vm0, $0xb8;
	[tilespmem:$0x9480] =	vst v63  }
0x17d: {  	_ = 	snop  }
0x17e: {  	[hbm4b:s4+s3] =	stream.indirect_vreg.scatter [tilespmem:s21], [sflag:$0x2], $0x80, v35, vm0, $0xb8;
	[tilespmem:$0x9480] =	vst v63  }
0x17f: {  	v35 =	vld [tilespmem:$0xF00];
	_ =	sdelay $0x4  }
0x180: {  	v62 =	vshll.u32 v35, $0x2  }
0x181: {  	v35 =	vand.u32 $0x7, v35;
	v36 =	vand.u32 $0xFFFFFFE0, v62  }
0x182: {  	v35 =	vor.u32 v35, v36  }
0x183: {  	v36 =	vperm.xlane v35, v32;
	_ =	sdelay $0x1  }
0x184: {  	v36 =	vadd.s32 v33, v36;
	_ =	sdelay $0x1  }
0x185: {  	v35 =	vperm.xlane v35, v34;
	_ =	sdelay $0x1  }
0x186: {  	v35 =	vadd.s32 v33, v35  }
0x187: {  	[hbm4b:s2+s3] =	stream.indirect_vreg.scatter [tilespmem:s18], [sflag:$0x2], $0x80, v36, vm0, $0xb8;
	[tilespmem:$0x9480] =	vst v63  }
0x188: {  	_ = 	snop  }
0x189: {  	[hbm4b:s4+s3] =	stream.indirect_vreg.scatter [tilespmem:s19], [sflag:$0x2], $0x80, v36, vm0, $0xb8;
	[tilespmem:$0x9480] =	vst v63  }
0x18a: {  	_ = 	snop  }
0x18b: {  	[hbm4b:s2+s3] =	stream.indirect_vreg.scatter [tilespmem:s20], [sflag:$0x2], $0x80, v35, vm0, $0xb8;
	[tilespmem:$0x9480] =	vst v63  }
0x18c: {  	_ = 	snop  }
0x18d: {  	[hbm4b:s4+s3] =	stream.indirect_vreg.scatter [tilespmem:s21], [sflag:$0x2], $0x80, v35, vm0, $0xb8;
	[tilespmem:$0x9480] =	vst v63  }
0x18e: {  	_ =	swait.ge [sflag:s13], $0x4000  }
0x18f: {  	[sflag:s13] =	ssyncset.done $0x0  }
0x190: {  	[sflag:s13] =	ssyncadd.s32 $0xFFFFC000  }
0x191: {  	_ =	swait.ge [sflag:s22], $0x2000  }
0x192: {  	[sflag:s22] =	ssyncset.done $0x0  }
0x193: {  	[sflag:s22] =	ssyncadd.s32 $0xFFFFE000  }
0x194: {  	_ =	swait.ge [sflag:s22], $0x2000  }
0x195: {  	[sflag:s22] =	ssyncset.done $0x0  }
0x196: {  	[sflag:s22] =	ssyncadd.s32 $0xFFFFE000  }
0x197: {  	_ =	swait.ge [sflag:s22], $0x2000  }
0x198: {  	[sflag:s22] =	ssyncset.done $0x0  }
0x199: {  	[sflag:s22] =	ssyncadd.s32 $0xFFFFE000  }
0x19a: {  	_ =	swait.ge [sflag:s22], $0x2000  }
0x19b: {  	[sflag:s22] =	ssyncset.done $0x0  }
0x19c: {  	s0 =	rddreg [dreg:$0xa];
	[sflag:s22] =	ssyncadd.s32 $0xFFFFE000  }
0x19d: {  	[tilespmem:s12], [sflag:$0x1] =	stream.linear.gather [hbm4b:s0+s3], $0x4000, $0x38;
	[tilespmem:$0x9480] =	vst v63  }
0x19e: {  	v63 =	vld [tilespmem:$0x780];
	_ =	sdelay $0x4  }
0x19f: {  	v40 =	vshll.u32 v63, $0x2  }
0x1a0: {  	v35 =	vand.u32 $0x7, v63;
	v36 =	vand.u32 $0xFFFFFFE0, v40  }
0x1a1: {  	v35 =	vor.u32 v35, v36  }
0x1a2: {  	v36 =	vperm.xlane v35, v32;
	_ =	sdelay $0x1  }
0x1a3: {  	v36 =	vadd.s32 v33, v36;
	_ =	sdelay $0x1  }
0x1a4: {  	v35 =	vperm.xlane v35, v34;
	_ =	sdelay $0x1  }
0x1a5: {  	v35 =	vadd.s32 v33, v35  }
0x1a6: {  	[hbm4b:s2+s3] =	stream.indirect_vreg.scatter [tilespmem:s14], [sflag:$0x2], $0x80, v36, vm0, $0xb8;
	[tilespmem:$0x9480] =	vst v63  }
0x1a7: {  	_ = 	snop  }
0x1a8: {  	[hbm4b:s4+s3] =	stream.indirect_vreg.scatter [tilespmem:s23], [sflag:$0x2], $0x80, v36, vm0, $0xb8;
	[tilespmem:$0x9480] =	vst v63  }
0x1a9: {  	_ = 	snop  }
0x1aa: {  	[hbm4b:s2+s3] =	stream.indirect_vreg.scatter [tilespmem:s24], [sflag:$0x2], $0x80, v35, vm0, $0xb8;
	[tilespmem:$0x9480] =	vst v63  }
0x1ab: {  	_ = 	snop  }
0x1ac: {  	[hbm4b:s4+s3] =	stream.indirect_vreg.scatter [tilespmem:s25], [sflag:$0x2], $0x80, v35, vm0, $0xb8;
	[tilespmem:$0x9480] =	vst v63  }
0x1ad: {  	v35 =	vld [tilespmem:$0xF80];
	_ =	sdelay $0x4  }
0x1ae: {  	v41 =	vshll.u32 v35, $0x2  }
0x1af: {  	v35 =	vand.u32 $0x7, v35;
	v36 =	vand.u32 $0xFFFFFFE0, v41  }
0x1b0: {  	v35 =	vor.u32 v35, v36  }
0x1b1: {  	v36 =	vperm.xlane v35, v32;
	_ =	sdelay $0x1  }
0x1b2: {  	v36 =	vadd.s32 v33, v36;
	_ =	sdelay $0x1  }
0x1b3: {  	v35 =	vperm.xlane v35, v34;
	_ =	sdelay $0x1  }
0x1b4: {  	v35 =	vadd.s32 v33, v35  }
0x1b5: {  	[hbm4b:s2+s3] =	stream.indirect_vreg.scatter [tilespmem:s14], [sflag:$0x2], $0x80, v36, vm0, $0xb8;
	[tilespmem:$0x9480] =	vst v63  }
0x1b6: {  	_ = 	snop  }
0x1b7: {  	[hbm4b:s4+s3] =	stream.indirect_vreg.scatter [tilespmem:s23], [sflag:$0x2], $0x80, v36, vm0, $0xb8;
	[tilespmem:$0x9480] =	vst v63  }
0x1b8: {  	_ = 	snop  }
0x1b9: {  	[hbm4b:s2+s3] =	stream.indirect_vreg.scatter [tilespmem:s24], [sflag:$0x2], $0x80, v35, vm0, $0xb8;
	[tilespmem:$0x9480] =	vst v63  }
0x1ba: {  	_ = 	snop  }
0x1bb: {  	[hbm4b:s4+s3] =	stream.indirect_vreg.scatter [tilespmem:s25], [sflag:$0x2], $0x80, v35, vm0, $0xb8;
	[tilespmem:$0x9480] =	vst v63  }
0x1bc: {  	v35 =	vld [tilespmem:$0x800];
	_ =	sdelay $0x4  }
0x1bd: {  	v42 =	vshll.u32 v35, $0x2  }
0x1be: {  	v35 =	vand.u32 $0x7, v35;
	v36 =	vand.u32 $0xFFFFFFE0, v42  }
0x1bf: {  	v35 =	vor.u32 v35, v36  }
0x1c0: {  	v36 =	vperm.xlane v35, v32;
	_ =	sdelay $0x1  }
0x1c1: {  	v36 =	vadd.s32 v33, v36;
	_ =	sdelay $0x1  }
0x1c2: {  	v35 =	vperm.xlane v35, v34;
	_ =	sdelay $0x1  }
0x1c3: {  	v35 =	vadd.s32 v33, v35  }
0x1c4: {  	[hbm4b:s2+s3] =	stream.indirect_vreg.scatter [tilespmem:s26], [sflag:$0x2], $0x80, v36, vm0, $0xb8;
	[tilespmem:$0x9480] =	vst v63  }
0x1c5: {  	_ = 	snop  }
0x1c6: {  	[hbm4b:s4+s3] =	stream.indirect_vreg.scatter [tilespmem:s28], [sflag:$0x2], $0x80, v36, vm0, $0xb8;
	[tilespmem:$0x9480] =	vst v63  }
0x1c7: {  	_ = 	snop  }
0x1c8: {  	[hbm4b:s2+s3] =	stream.indirect_vreg.scatter [tilespmem:s29], [sflag:$0x2], $0x80, v35, vm0, $0xb8;
	[tilespmem:$0x9480] =	vst v63  }
0x1c9: {  	_ = 	snop  }
0x1ca: {  	[hbm4b:s4+s3] =	stream.indirect_vreg.scatter [tilespmem:s30], [sflag:$0x2], $0x80, v35, vm0, $0xb8;
	[tilespmem:$0x9480] =	vst v63  }
0x1cb: {  	v35 =	vld [tilespmem:$0x1000];
	_ =	sdelay $0x4  }
0x1cc: {  	v43 =	vshll.u32 v35, $0x2  }
0x1cd: {  	v35 =	vand.u32 $0x7, v35;
	v36 =	vand.u32 $0xFFFFFFE0, v43  }
0x1ce: {  	v35 =	vor.u32 v35, v36  }
0x1cf: {  	v36 =	vperm.xlane v35, v32;
	_ =	sdelay $0x1  }
0x1d0: {  	v36 =	vadd.s32 v33, v36;
	_ =	sdelay $0x1  }
0x1d1: {  	v35 =	vperm.xlane v35, v34;
	_ =	sdelay $0x1  }
0x1d2: {  	v35 =	vadd.s32 v33, v35  }
0x1d3: {  	[hbm4b:s2+s3] =	stream.indirect_vreg.scatter [tilespmem:s26], [sflag:$0x2], $0x80, v36, vm0, $0xb8;
	[tilespmem:$0x9480] =	vst v63  }
0x1d4: {  	_ = 	snop  }
0x1d5: {  	[hbm4b:s4+s3] =	stream.indirect_vreg.scatter [tilespmem:s28], [sflag:$0x2], $0x80, v36, vm0, $0xb8;
	[tilespmem:$0x9480] =	vst v63  }
0x1d6: {  	_ = 	snop  }
0x1d7: {  	[hbm4b:s2+s3] =	stream.indirect_vreg.scatter [tilespmem:s29], [sflag:$0x2], $0x80, v35, vm0, $0xb8;
	[tilespmem:$0x9480] =	vst v63  }
0x1d8: {  	_ = 	snop  }
0x1d9: {  	[hbm4b:s4+s3] =	stream.indirect_vreg.scatter [tilespmem:s30], [sflag:$0x2], $0x80, v35, vm0, $0xb8;
	[tilespmem:$0x9480] =	vst v63  }
0x1da: {  	_ =	swait.ge [sflag:s13], $0x4000  }
0x1db: {  	[sflag:s13] =	ssyncset.done $0x0  }
0x1dc: {  	[sflag:s13] =	ssyncadd.s32 $0xFFFFC000  }
0x1dd: {  	_ =	swait.ge [sflag:s22], $0x2000  }
0x1de: {  	[sflag:s22] =	ssyncset.done $0x0  }
0x1df: {  	[sflag:s22] =	ssyncadd.s32 $0xFFFFE000  }
0x1e0: {  	_ =	swait.ge [sflag:s22], $0x2000  }
0x1e1: {  	[sflag:s22] =	ssyncset.done $0x0  }
0x1e2: {  	[sflag:s22] =	ssyncadd.s32 $0xFFFFE000  }
0x1e3: {  	_ =	swait.ge [sflag:s22], $0x2000  }
0x1e4: {  	[sflag:s22] =	ssyncset.done $0x0  }
0x1e5: {  	[sflag:s22] =	ssyncadd.s32 $0xFFFFE000  }
0x1e6: {  	_ =	swait.ge [sflag:s22], $0x2000  }
0x1e7: {  	[sflag:s22] =	ssyncset.done $0x0  }
0x1e8: {  	s0 =	rddreg [dreg:$0xb];
	[sflag:s22] =	ssyncadd.s32 $0xFFFFE000  }
0x1e9: {  	[tilespmem:s14], [sflag:$0x1] =	stream.linear.gather [hbm4b:s0+s3], $0x4000, $0x38;
	[tilespmem:$0x9480] =	vst v63  }
0x1ea: {  	v44 =	vld [tilespmem:$0x880];
	_ =	sdelay $0x4  }
0x1eb: {  	v45 =	vshll.u32 v44, $0x2  }
0x1ec: {  	v35 =	vand.u32 $0x7, v44;
	v36 =	vand.u32 $0xFFFFFFE0, v45  }
0x1ed: {  	v35 =	vor.u32 v35, v36  }
0x1ee: {  	v36 =	vperm.xlane v35, v32;
	_ =	sdelay $0x1  }
0x1ef: {  	v36 =	vadd.s32 v33, v36;
	_ =	sdelay $0x1  }
0x1f0: {  	v35 =	vperm.xlane v35, v34;
	_ =	sdelay $0x1  }
0x1f1: {  	v35 =	vadd.s32 v33, v35  }
0x1f2: {  	[hbm4b:s2+s3] =	stream.indirect_vreg.scatter [tilespmem:s12], [sflag:$0x2], $0x80, v36, vm0, $0xb8;
	[tilespmem:$0x9480] =	vst v63  }
0x1f3: {  	_ = 	snop  }
0x1f4: {  	[hbm4b:s4+s3] =	stream.indirect_vreg.scatter [tilespmem:s15], [sflag:$0x2], $0x80, v36, vm0, $0xb8;
	[tilespmem:$0x9480] =	vst v63  }
0x1f5: {  	_ = 	snop  }
0x1f6: {  	[hbm4b:s2+s3] =	stream.indirect_vreg.scatter [tilespmem:s16], [sflag:$0x2], $0x80, v35, vm0, $0xb8;
	[tilespmem:$0x9480] =	vst v63  }
0x1f7: {  	_ = 	snop  }
0x1f8: {  	[hbm4b:s4+s3] =	stream.indirect_vreg.scatter [tilespmem:s17], [sflag:$0x2], $0x80, v35, vm0, $0xb8;
	[tilespmem:$0x9480] =	vst v63  }
0x1f9: {  	v35 =	vld [tilespmem:$0x1080];
	_ =	sdelay $0x4  }
0x1fa: {  	v46 =	vshll.u32 v35, $0x2  }
0x1fb: {  	v35 =	vand.u32 $0x7, v35;
	v36 =	vand.u32 $0xFFFFFFE0, v46  }
0x1fc: {  	v35 =	vor.u32 v35, v36  }
0x1fd: {  	v36 =	vperm.xlane v35, v32;
	_ =	sdelay $0x1  }
0x1fe: {  	v36 =	vadd.s32 v33, v36;
	_ =	sdelay $0x1  }
0x1ff: {  	v35 =	vperm.xlane v35, v34;
	_ =	sdelay $0x1  }
0x200: {  	v35 =	vadd.s32 v33, v35  }
0x201: {  	[hbm4b:s2+s3] =	stream.indirect_vreg.scatter [tilespmem:s12], [sflag:$0x2], $0x80, v36, vm0, $0xb8;
	[tilespmem:$0x9480] =	vst v63  }
0x202: {  	_ = 	snop  }
0x203: {  	[hbm4b:s4+s3] =	stream.indirect_vreg.scatter [tilespmem:s15], [sflag:$0x2], $0x80, v36, vm0, $0xb8;
	[tilespmem:$0x9480] =	vst v63  }
0x204: {  	_ = 	snop  }
0x205: {  	[hbm4b:s2+s3] =	stream.indirect_vreg.scatter [tilespmem:s16], [sflag:$0x2], $0x80, v35, vm0, $0xb8;
	[tilespmem:$0x9480] =	vst v63  }
0x206: {  	_ = 	snop  }
0x207: {  	[hbm4b:s4+s3] =	stream.indirect_vreg.scatter [tilespmem:s17], [sflag:$0x2], $0x80, v35, vm0, $0xb8;
	[tilespmem:$0x9480] =	vst v63  }
0x208: {  	v35 =	vld [tilespmem:$0x900];
	_ =	sdelay $0x4  }
0x209: {  	v47 =	vshll.u32 v35, $0x2  }
0x20a: {  	v35 =	vand.u32 $0x7, v35;
	v36 =	vand.u32 $0xFFFFFFE0, v47  }
0x20b: {  	v35 =	vor.u32 v35, v36  }
0x20c: {  	v36 =	vperm.xlane v35, v32;
	_ =	sdelay $0x1  }
0x20d: {  	v36 =	vadd.s32 v33, v36;
	_ =	sdelay $0x1  }
0x20e: {  	v35 =	vperm.xlane v35, v34;
	_ =	sdelay $0x1  }
0x20f: {  	v35 =	vadd.s32 v33, v35  }
0x210: {  	[hbm4b:s2+s3] =	stream.indirect_vreg.scatter [tilespmem:s18], [sflag:$0x2], $0x80, v36, vm0, $0xb8;
	[tilespmem:$0x9480] =	vst v63  }
0x211: {  	_ = 	snop  }
0x212: {  	[hbm4b:s4+s3] =	stream.indirect_vreg.scatter [tilespmem:s19], [sflag:$0x2], $0x80, v36, vm0, $0xb8;
	[tilespmem:$0x9480] =	vst v63  }
0x213: {  	_ = 	snop  }
0x214: {  	[hbm4b:s2+s3] =	stream.indirect_vreg.scatter [tilespmem:s20], [sflag:$0x2], $0x80, v35, vm0, $0xb8;
	[tilespmem:$0x9480] =	vst v63  }
0x215: {  	_ = 	snop  }
0x216: {  	[hbm4b:s4+s3] =	stream.indirect_vreg.scatter [tilespmem:s21], [sflag:$0x2], $0x80, v35, vm0, $0xb8;
	[tilespmem:$0x9480] =	vst v63  }
0x217: {  	v35 =	vld [tilespmem:$0x1100];
	_ =	sdelay $0x4  }
0x218: {  	v48 =	vshll.u32 v35, $0x2  }
0x219: {  	v35 =	vand.u32 $0x7, v35;
	v36 =	vand.u32 $0xFFFFFFE0, v48  }
0x21a: {  	v35 =	vor.u32 v35, v36  }
0x21b: {  	v36 =	vperm.xlane v35, v32;
	_ =	sdelay $0x1  }
0x21c: {  	v36 =	vadd.s32 v33, v36;
	_ =	sdelay $0x1  }
0x21d: {  	v35 =	vperm.xlane v35, v34;
	_ =	sdelay $0x1  }
0x21e: {  	v35 =	vadd.s32 v33, v35  }
0x21f: {  	[hbm4b:s2+s3] =	stream.indirect_vreg.scatter [tilespmem:s18], [sflag:$0x2], $0x80, v36, vm0, $0xb8;
	[tilespmem:$0x9480] =	vst v63  }
0x220: {  	_ = 	snop  }
0x221: {  	[hbm4b:s4+s3] =	stream.indirect_vreg.scatter [tilespmem:s19], [sflag:$0x2], $0x80, v36, vm0, $0xb8;
	[tilespmem:$0x9480] =	vst v63  }
0x222: {  	_ = 	snop  }
0x223: {  	[hbm4b:s2+s3] =	stream.indirect_vreg.scatter [tilespmem:s20], [sflag:$0x2], $0x80, v35, vm0, $0xb8;
	[tilespmem:$0x9480] =	vst v63  }
0x224: {  	_ = 	snop  }
0x225: {  	[hbm4b:s4+s3] =	stream.indirect_vreg.scatter [tilespmem:s21], [sflag:$0x2], $0x80, v35, vm0, $0xb8;
	[tilespmem:$0x9480] =	vst v63  }
0x226: {  	_ =	swait.ge [sflag:s13], $0x4000  }
0x227: {  	[sflag:s13] =	ssyncset.done $0x0  }
0x228: {  	[sflag:s13] =	ssyncadd.s32 $0xFFFFC000  }
0x229: {  	_ =	swait.ge [sflag:s22], $0x2000  }
0x22a: {  	[sflag:s22] =	ssyncset.done $0x0  }
0x22b: {  	[sflag:s22] =	ssyncadd.s32 $0xFFFFE000  }
0x22c: {  	_ =	swait.ge [sflag:s22], $0x2000  }
0x22d: {  	[sflag:s22] =	ssyncset.done $0x0  }
0x22e: {  	[sflag:s22] =	ssyncadd.s32 $0xFFFFE000  }
0x22f: {  	_ =	swait.ge [sflag:s22], $0x2000  }
0x230: {  	[sflag:s22] =	ssyncset.done $0x0  }
0x231: {  	[sflag:s22] =	ssyncadd.s32 $0xFFFFE000  }
0x232: {  	_ =	swait.ge [sflag:s22], $0x2000  }
0x233: {  	[sflag:s22] =	ssyncset.done $0x0  }
0x234: {  	s0 =	rddreg [dreg:$0xc];
	[sflag:s22] =	ssyncadd.s32 $0xFFFFE000  }
0x235: {  	[tilespmem:s12], [sflag:$0x1] =	stream.linear.gather [hbm4b:s0+s3], $0x4000, $0x38;
	[tilespmem:$0x9480] =	vst v63  }
0x236: {  	v49 =	vld [tilespmem:$0x980];
	_ =	sdelay $0x4  }
0x237: {  	v50 =	vshll.u32 v49, $0x2  }
0x238: {  	v35 =	vand.u32 $0x7, v49;
	v36 =	vand.u32 $0xFFFFFFE0, v50  }
0x239: {  	v35 =	vor.u32 v35, v36  }
0x23a: {  	v36 =	vperm.xlane v35, v32;
	_ =	sdelay $0x1  }
0x23b: {  	v36 =	vadd.s32 v33, v36;
	_ =	sdelay $0x1  }
0x23c: {  	v35 =	vperm.xlane v35, v34;
	_ =	sdelay $0x1  }
0x23d: {  	v35 =	vadd.s32 v33, v35  }
0x23e: {  	[hbm4b:s2+s3] =	stream.indirect_vreg.scatter [tilespmem:s14], [sflag:$0x2], $0x80, v36, vm0, $0xb8;
	[tilespmem:$0x9480] =	vst v63  }
0x23f: {  	_ = 	snop  }
0x240: {  	[hbm4b:s4+s3] =	stream.indirect_vreg.scatter [tilespmem:s23], [sflag:$0x2], $0x80, v36, vm0, $0xb8;
	[tilespmem:$0x9480] =	vst v63  }
0x241: {  	_ = 	snop  }
0x242: {  	[hbm4b:s2+s3] =	stream.indirect_vreg.scatter [tilespmem:s24], [sflag:$0x2], $0x80, v35, vm0, $0xb8;
	[tilespmem:$0x9480] =	vst v63  }
0x243: {  	_ = 	snop  }
0x244: {  	[hbm4b:s4+s3] =	stream.indirect_vreg.scatter [tilespmem:s25], [sflag:$0x2], $0x80, v35, vm0, $0xb8;
	[tilespmem:$0x9480] =	vst v63  }
0x245: {  	v35 =	vld [tilespmem:$0x1180];
	_ =	sdelay $0x4  }
0x246: {  	v51 =	vshll.u32 v35, $0x2  }
0x247: {  	v35 =	vand.u32 $0x7, v35;
	v36 =	vand.u32 $0xFFFFFFE0, v51  }
0x248: {  	v35 =	vor.u32 v35, v36  }
0x249: {  	v36 =	vperm.xlane v35, v32;
	_ =	sdelay $0x1  }
0x24a: {  	v36 =	vadd.s32 v33, v36;
	_ =	sdelay $0x1  }
0x24b: {  	v35 =	vperm.xlane v35, v34;
	_ =	sdelay $0x1  }
0x24c: {  	v35 =	vadd.s32 v33, v35  }
0x24d: {  	[hbm4b:s2+s3] =	stream.indirect_vreg.scatter [tilespmem:s14], [sflag:$0x2], $0x80, v36, vm0, $0xb8;
	[tilespmem:$0x9480] =	vst v63  }
0x24e: {  	_ = 	snop  }
0x24f: {  	[hbm4b:s4+s3] =	stream.indirect_vreg.scatter [tilespmem:s23], [sflag:$0x2], $0x80, v36, vm0, $0xb8;
	[tilespmem:$0x9480] =	vst v63  }
0x250: {  	_ = 	snop  }
0x251: {  	[hbm4b:s2+s3] =	stream.indirect_vreg.scatter [tilespmem:s24], [sflag:$0x2], $0x80, v35, vm0, $0xb8;
	[tilespmem:$0x9480] =	vst v63  }
0x252: {  	_ = 	snop  }
0x253: {  	[hbm4b:s4+s3] =	stream.indirect_vreg.scatter [tilespmem:s25], [sflag:$0x2], $0x80, v35, vm0, $0xb8;
	[tilespmem:$0x9480] =	vst v63  }
0x254: {  	v35 =	vld [tilespmem:$0xA00];
	_ =	sdelay $0x4  }
0x255: {  	v52 =	vshll.u32 v35, $0x2  }
0x256: {  	v35 =	vand.u32 $0x7, v35;
	v36 =	vand.u32 $0xFFFFFFE0, v52  }
0x257: {  	v35 =	vor.u32 v35, v36  }
0x258: {  	v36 =	vperm.xlane v35, v32;
	_ =	sdelay $0x1  }
0x259: {  	v36 =	vadd.s32 v33, v36;
	_ =	sdelay $0x1  }
0x25a: {  	v35 =	vperm.xlane v35, v34;
	_ =	sdelay $0x1  }
0x25b: {  	v35 =	vadd.s32 v33, v35  }
0x25c: {  	[hbm4b:s2+s3] =	stream.indirect_vreg.scatter [tilespmem:s26], [sflag:$0x2], $0x80, v36, vm0, $0xb8;
	[tilespmem:$0x9480] =	vst v63  }
0x25d: {  	_ = 	snop  }
0x25e: {  	[hbm4b:s4+s3] =	stream.indirect_vreg.scatter [tilespmem:s28], [sflag:$0x2], $0x80, v36, vm0, $0xb8;
	[tilespmem:$0x9480] =	vst v63  }
0x25f: {  	_ = 	snop  }
0x260: {  	[hbm4b:s2+s3] =	stream.indirect_vreg.scatter [tilespmem:s29], [sflag:$0x2], $0x80, v35, vm0, $0xb8;
	[tilespmem:$0x9480] =	vst v63  }
0x261: {  	_ = 	snop  }
0x262: {  	[hbm4b:s4+s3] =	stream.indirect_vreg.scatter [tilespmem:s30], [sflag:$0x2], $0x80, v35, vm0, $0xb8;
	[tilespmem:$0x9480] =	vst v63  }
0x263: {  	v35 =	vld [tilespmem:$0x1200];
	_ =	sdelay $0x4  }
0x264: {  	v53 =	vshll.u32 v35, $0x2  }
0x265: {  	v35 =	vand.u32 $0x7, v35;
	v36 =	vand.u32 $0xFFFFFFE0, v53  }
0x266: {  	v35 =	vor.u32 v35, v36  }
0x267: {  	v36 =	vperm.xlane v35, v32;
	_ =	sdelay $0x1  }
0x268: {  	v36 =	vadd.s32 v33, v36;
	_ =	sdelay $0x1  }
0x269: {  	v35 =	vperm.xlane v35, v34;
	_ =	sdelay $0x1  }
0x26a: {  	v35 =	vadd.s32 v33, v35  }
0x26b: {  	[hbm4b:s2+s3] =	stream.indirect_vreg.scatter [tilespmem:s26], [sflag:$0x2], $0x80, v36, vm0, $0xb8;
	[tilespmem:$0x9480] =	vst v63  }
0x26c: {  	_ = 	snop  }
0x26d: {  	[hbm4b:s4+s3] =	stream.indirect_vreg.scatter [tilespmem:s28], [sflag:$0x2], $0x80, v36, vm0, $0xb8;
	[tilespmem:$0x9480] =	vst v63  }
0x26e: {  	_ = 	snop  }
0x26f: {  	[hbm4b:s2+s3] =	stream.indirect_vreg.scatter [tilespmem:s29], [sflag:$0x2], $0x80, v35, vm0, $0xb8;
	[tilespmem:$0x9480] =	vst v63  }
0x270: {  	_ = 	snop  }
0x271: {  	[hbm4b:s4+s3] =	stream.indirect_vreg.scatter [tilespmem:s30], [sflag:$0x2], $0x80, v35, vm0, $0xb8;
	[tilespmem:$0x9480] =	vst v63  }
0x272: {  	_ =	swait.ge [sflag:s13], $0x4000  }
0x273: {  	[sflag:s13] =	ssyncset.done $0x0  }
0x274: {  	[sflag:s13] =	ssyncadd.s32 $0xFFFFC000  }
0x275: {  	_ =	swait.ge [sflag:s22], $0x2000  }
0x276: {  	[sflag:s22] =	ssyncset.done $0x0  }
0x277: {  	[sflag:s22] =	ssyncadd.s32 $0xFFFFE000  }
0x278: {  	_ =	swait.ge [sflag:s22], $0x2000  }
0x279: {  	[sflag:s22] =	ssyncset.done $0x0  }
0x27a: {  	[sflag:s22] =	ssyncadd.s32 $0xFFFFE000  }
0x27b: {  	_ =	swait.ge [sflag:s22], $0x2000  }
0x27c: {  	[sflag:s22] =	ssyncset.done $0x0  }
0x27d: {  	[sflag:s22] =	ssyncadd.s32 $0xFFFFE000  }
0x27e: {  	_ =	swait.ge [sflag:s22], $0x2000  }
0x27f: {  	[sflag:s22] =	ssyncset.done $0x0  }
0x280: {  	[sflag:s22] =	ssyncadd.s32 $0xFFFFE000  }
0x281: {  	[tilespmem:s14], [sflag:$0x1] =	stream.linear.gather [hbm4b:s5+s3], $0x4000, $0x38;
	[tilespmem:$0x9480] =	vst v63  }
0x282: {  	v54 =	vld [tilespmem:$0xA80];
	_ =	sdelay $0x4  }
0x283: {  	v55 =	vshll.u32 v54, $0x2  }
0x284: {  	v35 =	vand.u32 $0x7, v54;
	v36 =	vand.u32 $0xFFFFFFE0, v55  }
0x285: {  	v35 =	vor.u32 v35, v36  }
0x286: {  	v36 =	vperm.xlane v35, v32;
	_ =	sdelay $0x1  }
0x287: {  	v36 =	vadd.s32 v33, v36;
	_ =	sdelay $0x1  }
0x288: {  	v35 =	vperm.xlane v35, v34;
	_ =	sdelay $0x1  }
0x289: {  	v35 =	vadd.s32 v33, v35  }
0x28a: {  	[hbm4b:s2+s3] =	stream.indirect_vreg.scatter [tilespmem:s12], [sflag:$0x2], $0x80, v36, vm0, $0xb8;
	[tilespmem:$0x9480] =	vst v63  }
0x28b: {  	_ = 	snop  }
0x28c: {  	[hbm4b:s4+s3] =	stream.indirect_vreg.scatter [tilespmem:s15], [sflag:$0x2], $0x80, v36, vm0, $0xb8;
	[tilespmem:$0x9480] =	vst v63  }
0x28d: {  	_ = 	snop  }
0x28e: {  	[hbm4b:s2+s3] =	stream.indirect_vreg.scatter [tilespmem:s16], [sflag:$0x2], $0x80, v35, vm0, $0xb8;
	[tilespmem:$0x9480] =	vst v63  }
0x28f: {  	_ = 	snop  }
0x290: {  	[hbm4b:s4+s3] =	stream.indirect_vreg.scatter [tilespmem:s17], [sflag:$0x2], $0x80, v35, vm0, $0xb8;
	[tilespmem:$0x9480] =	vst v63  }
0x291: {  	v35 =	vld [tilespmem:$0x1280];
	_ =	sdelay $0x4  }
0x292: {  	v56 =	vshll.u32 v35, $0x2  }
0x293: {  	v35 =	vand.u32 $0x7, v35;
	v36 =	vand.u32 $0xFFFFFFE0, v56  }
0x294: {  	v35 =	vor.u32 v35, v36  }
0x295: {  	v36 =	vperm.xlane v35, v32;
	_ =	sdelay $0x1  }
0x296: {  	v36 =	vadd.s32 v33, v36;
	_ =	sdelay $0x1  }
0x297: {  	v35 =	vperm.xlane v35, v34;
	_ =	sdelay $0x1  }
0x298: {  	v35 =	vadd.s32 v33, v35  }
0x299: {  	[hbm4b:s2+s3] =	stream.indirect_vreg.scatter [tilespmem:s12], [sflag:$0x2], $0x80, v36, vm0, $0xb8;
	[tilespmem:$0x9480] =	vst v63  }
0x29a: {  	_ = 	snop  }
0x29b: {  	[hbm4b:s4+s3] =	stream.indirect_vreg.scatter [tilespmem:s15], [sflag:$0x2], $0x80, v36, vm0, $0xb8;
	[tilespmem:$0x9480] =	vst v63  }
0x29c: {  	_ = 	snop  }
0x29d: {  	[hbm4b:s2+s3] =	stream.indirect_vreg.scatter [tilespmem:s16], [sflag:$0x2], $0x80, v35, vm0, $0xb8;
	[tilespmem:$0x9480] =	vst v63  }
0x29e: {  	_ = 	snop  }
0x29f: {  	[hbm4b:s4+s3] =	stream.indirect_vreg.scatter [tilespmem:s17], [sflag:$0x2], $0x80, v35, vm0, $0xb8;
	[tilespmem:$0x9480] =	vst v63  }
0x2a0: {  	v35 =	vld [tilespmem:$0xB00];
	_ =	sdelay $0x4  }
0x2a1: {  	v57 =	vshll.u32 v35, $0x2  }
0x2a2: {  	v35 =	vand.u32 $0x7, v35;
	v36 =	vand.u32 $0xFFFFFFE0, v57  }
0x2a3: {  	v35 =	vor.u32 v35, v36  }
0x2a4: {  	v36 =	vperm.xlane v35, v32;
	_ =	sdelay $0x1  }
0x2a5: {  	v36 =	vadd.s32 v33, v36;
	_ =	sdelay $0x1  }
0x2a6: {  	v35 =	vperm.xlane v35, v34;
	_ =	sdelay $0x1  }
0x2a7: {  	v35 =	vadd.s32 v33, v35  }
0x2a8: {  	[hbm4b:s2+s3] =	stream.indirect_vreg.scatter [tilespmem:s18], [sflag:$0x2], $0x80, v36, vm0, $0xb8;
	[tilespmem:$0x9480] =	vst v63  }
0x2a9: {  	_ = 	snop  }
0x2aa: {  	[hbm4b:s4+s3] =	stream.indirect_vreg.scatter [tilespmem:s19], [sflag:$0x2], $0x80, v36, vm0, $0xb8;
	[tilespmem:$0x9480] =	vst v63  }
0x2ab: {  	_ = 	snop  }
0x2ac: {  	[hbm4b:s2+s3] =	stream.indirect_vreg.scatter [tilespmem:s20], [sflag:$0x2], $0x80, v35, vm0, $0xb8;
	[tilespmem:$0x9480] =	vst v63  }
0x2ad: {  	_ = 	snop  }
0x2ae: {  	[hbm4b:s4+s3] =	stream.indirect_vreg.scatter [tilespmem:s21], [sflag:$0x2], $0x80, v35, vm0, $0xb8;
	[tilespmem:$0x9480] =	vst v63  }
0x2af: {  	v35 =	vld [tilespmem:$0x1300];
	_ =	sdelay $0x4  }
0x2b0: {  	v58 =	vshll.u32 v35, $0x2  }
0x2b1: {  	v35 =	vand.u32 $0x7, v35;
	v36 =	vand.u32 $0xFFFFFFE0, v58  }
0x2b2: {  	v35 =	vor.u32 v35, v36  }
0x2b3: {  	v36 =	vperm.xlane v35, v32;
	_ =	sdelay $0x1  }
0x2b4: {  	v36 =	vadd.s32 v33, v36;
	_ =	sdelay $0x1  }
0x2b5: {  	v35 =	vperm.xlane v35, v34;
	_ =	sdelay $0x1  }
0x2b6: {  	v35 =	vadd.s32 v33, v35  }
0x2b7: {  	[hbm4b:s2+s3] =	stream.indirect_vreg.scatter [tilespmem:s18], [sflag:$0x2], $0x80, v36, vm0, $0xb8;
	[tilespmem:$0x9480] =	vst v63  }
0x2b8: {  	_ = 	snop  }
0x2b9: {  	[hbm4b:s4+s3] =	stream.indirect_vreg.scatter [tilespmem:s19], [sflag:$0x2], $0x80, v36, vm0, $0xb8;
	[tilespmem:$0x9480] =	vst v63  }
0x2ba: {  	_ = 	snop  }
0x2bb: {  	[hbm4b:s2+s3] =	stream.indirect_vreg.scatter [tilespmem:s20], [sflag:$0x2], $0x80, v35, vm0, $0xb8;
	[tilespmem:$0x9480] =	vst v63  }
0x2bc: {  	_ = 	snop  }
0x2bd: {  	[hbm4b:s4+s3] =	stream.indirect_vreg.scatter [tilespmem:s21], [sflag:$0x2], $0x80, v35, vm0, $0xb8;
	[tilespmem:$0x9480] =	vst v63  }
0x2be: {  	_ =	swait.ge [sflag:s13], $0x4000  }
0x2bf: {  	[sflag:s13] =	ssyncset.done $0x0  }
0x2c0: {  	[sflag:s13] =	ssyncadd.s32 $0xFFFFC000  }
0x2c1: {  	v59 =	vld [tilespmem:$0xB80];
	_ =	sdelay $0x4  }
0x2c2: {  	v60 =	vshll.u32 v59, $0x2  }
0x2c3: {  	v35 =	vand.u32 $0x7, v59;
	v36 =	vand.u32 $0xFFFFFFE0, v60  }
0x2c4: {  	v35 =	vor.u32 v35, v36  }
0x2c5: {  	v36 =	vperm.xlane v35, v32;
	_ =	sdelay $0x1  }
0x2c6: {  	v36 =	vadd.s32 v33, v36;
	_ =	sdelay $0x1  }
0x2c7: {  	v35 =	vperm.xlane v35, v34;
	_ =	sdelay $0x1  }
0x2c8: {  	v35 =	vadd.s32 v33, v35  }
0x2c9: {  	[hbm4b:s2+s3] =	stream.indirect_vreg.scatter [tilespmem:s14], [sflag:$0x2], $0x80, v36, vm0, $0xb8;
	[tilespmem:$0x9480] =	vst v63  }
0x2ca: {  	_ = 	snop  }
0x2cb: {  	[hbm4b:s4+s3] =	stream.indirect_vreg.scatter [tilespmem:s23], [sflag:$0x2], $0x80, v36, vm0, $0xb8;
	[tilespmem:$0x9480] =	vst v63  }
0x2cc: {  	_ = 	snop  }
0x2cd: {  	[hbm4b:s2+s3] =	stream.indirect_vreg.scatter [tilespmem:s24], [sflag:$0x2], $0x80, v35, vm0, $0xb8;
	[tilespmem:$0x9480] =	vst v63  }
0x2ce: {  	_ = 	snop  }
0x2cf: {  	[hbm4b:s4+s3] =	stream.indirect_vreg.scatter [tilespmem:s25], [sflag:$0x2], $0x80, v35, vm0, $0xb8;
	[tilespmem:$0x9480] =	vst v63  }
0x2d0: {  	v35 =	vld [tilespmem:$0x1380];
	_ =	sdelay $0x4  }
0x2d1: {  	v61 =	vshll.u32 v35, $0x2  }
0x2d2: {  	v35 =	vand.u32 $0x7, v35;
	v36 =	vand.u32 $0xFFFFFFE0, v61  }
0x2d3: {  	v35 =	vor.u32 v35, v36  }
0x2d4: {  	v36 =	vperm.xlane v35, v32;
	_ =	sdelay $0x1  }
0x2d5: {  	v36 =	vadd.s32 v33, v36;
	_ =	sdelay $0x1  }
0x2d6: {  	v35 =	vperm.xlane v35, v34;
	_ =	sdelay $0x1  }
0x2d7: {  	v35 =	vadd.s32 v33, v35  }
0x2d8: {  	[hbm4b:s2+s3] =	stream.indirect_vreg.scatter [tilespmem:s14], [sflag:$0x2], $0x80, v36, vm0, $0xb8;
	[tilespmem:$0x9480] =	vst v63  }
0x2d9: {  	_ = 	snop  }
0x2da: {  	[hbm4b:s4+s3] =	stream.indirect_vreg.scatter [tilespmem:s23], [sflag:$0x2], $0x80, v36, vm0, $0xb8;
	[tilespmem:$0x9480] =	vst v63  }
0x2db: {  	_ = 	snop  }
0x2dc: {  	[hbm4b:s2+s3] =	stream.indirect_vreg.scatter [tilespmem:s24], [sflag:$0x2], $0x80, v35, vm0, $0xb8;
	[tilespmem:$0x9480] =	vst v63  }
0x2dd: {  	_ = 	snop  }
0x2de: {  	[hbm4b:s4+s3] =	stream.indirect_vreg.scatter [tilespmem:s25], [sflag:$0x2], $0x80, v35, vm0, $0xb8;
	[tilespmem:$0x9480] =	vst v63  }
0x2df: {  	v35 =	vld [tilespmem:$0xC00];
	_ =	sdelay $0x4  }
0x2e0: {  	v62 =	vshll.u32 v35, $0x2  }
0x2e1: {  	v35 =	vand.u32 $0x7, v35;
	v36 =	vand.u32 $0xFFFFFFE0, v62  }
0x2e2: {  	v35 =	vor.u32 v35, v36  }
0x2e3: {  	v36 =	vperm.xlane v35, v32;
	_ =	sdelay $0x1  }
0x2e4: {  	v36 =	vadd.s32 v33, v36;
	_ =	sdelay $0x1  }
0x2e5: {  	v35 =	vperm.xlane v35, v34;
	_ =	sdelay $0x1  }
0x2e6: {  	v35 =	vadd.s32 v33, v35  }
0x2e7: {  	[hbm4b:s2+s3] =	stream.indirect_vreg.scatter [tilespmem:s26], [sflag:$0x2], $0x80, v36, vm0, $0xb8;
	[tilespmem:$0x9480] =	vst v63  }
0x2e8: {  	_ = 	snop  }
0x2e9: {  	[hbm4b:s4+s3] =	stream.indirect_vreg.scatter [tilespmem:s28], [sflag:$0x2], $0x80, v36, vm0, $0xb8;
	[tilespmem:$0x9480] =	vst v63  }
0x2ea: {  	_ = 	snop  }
0x2eb: {  	[hbm4b:s2+s3] =	stream.indirect_vreg.scatter [tilespmem:s29], [sflag:$0x2], $0x80, v35, vm0, $0xb8;
	[tilespmem:$0x9480] =	vst v63  }
0x2ec: {  	_ = 	snop  }
0x2ed: {  	[hbm4b:s4+s3] =	stream.indirect_vreg.scatter [tilespmem:s30], [sflag:$0x2], $0x80, v35, vm0, $0xb8;
	[tilespmem:$0x9480] =	vst v63  }
0x2ee: {  	v35 =	vld [tilespmem:$0x1400];
	_ =	sdelay $0x4  }
0x2ef: {  	v63 =	vshll.u32 v35, $0x2  }
0x2f0: {  	v35 =	vand.u32 $0x7, v35;
	v36 =	vand.u32 $0xFFFFFFE0, v63  }
0x2f1: {  	v35 =	vor.u32 v35, v36  }
0x2f2: {  	v36 =	vperm.xlane v35, v32;
	_ =	sdelay $0x1  }
0x2f3: {  	v36 =	vadd.s32 v33, v36;
	_ =	sdelay $0x1  }
0x2f4: {  	v35 =	vperm.xlane v35, v34;
	_ =	sdelay $0x1  }
0x2f5: {  	v35 =	vadd.s32 v33, v35  }
0x2f6: {  	[hbm4b:s2+s3] =	stream.indirect_vreg.scatter [tilespmem:s26], [sflag:$0x2], $0x80, v36, vm0, $0xb8;
	[tilespmem:$0x9480] =	vst v63  }
0x2f7: {  	_ = 	snop  }
0x2f8: {  	[hbm4b:s4+s3] =	stream.indirect_vreg.scatter [tilespmem:s28], [sflag:$0x2], $0x80, v36, vm0, $0xb8;
	[tilespmem:$0x9480] =	vst v63  }
0x2f9: {  	_ = 	snop  }
0x2fa: {  	[hbm4b:s2+s3] =	stream.indirect_vreg.scatter [tilespmem:s29], [sflag:$0x2], $0x80, v35, vm0, $0xb8;
	[tilespmem:$0x9480] =	vst v63  }
0x2fb: {  	_ = 	snop  }
0x2fc: {  	[hbm4b:s4+s3] =	stream.indirect_vreg.scatter [tilespmem:s30], [sflag:$0x2], $0x80, v35, vm0, $0xb8;
	[tilespmem:$0x9480] =	vst v63  }
0x2fd: {  	_ =	swait.ge [sflag:s22], $0x2000  }
0x2fe: {  	[sflag:s22] =	ssyncset.done $0x0  }
0x2ff: {  	[sflag:s22] =	ssyncadd.s32 $0xFFFFE000  }
0x300: {  	_ =	swait.ge [sflag:s22], $0x2000  }
0x301: {  	[sflag:s22] =	ssyncset.done $0x0  }
0x302: {  	[sflag:s22] =	ssyncadd.s32 $0xFFFFE000  }
0x303: {  	_ =	swait.ge [sflag:s22], $0x2000  }
0x304: {  	[sflag:s22] =	ssyncset.done $0x0  }
0x305: {  	[sflag:s22] =	ssyncadd.s32 $0xFFFFE000  }
0x306: {  	_ =	swait.ge [sflag:s22], $0x2000  }
0x307: {  	[sflag:s22] =	ssyncset.done $0x0  }
0x308: {  	[sflag:s22] =	ssyncadd.s32 $0xFFFFE000  }
0x309: {  	_ =	swait.ge [sflag:s22], $0x2000  }
0x30a: {  	[sflag:s22] =	ssyncset.done $0x0  }
0x30b: {  	[sflag:s22] =	ssyncadd.s32 $0xFFFFE000  }
0x30c: {  	_ =	swait.ge [sflag:s22], $0x2000  }
0x30d: {  	[sflag:s22] =	ssyncset.done $0x0  }
0x30e: {  	[sflag:s22] =	ssyncadd.s32 $0xFFFFE000  }
0x30f: {  	_ =	swait.ge [sflag:s22], $0x2000  }
0x310: {  	[sflag:s22] =	ssyncset.done $0x0  }
0x311: {  	[sflag:s22] =	ssyncadd.s32 $0xFFFFE000  }
0x312: {  	_ =	swait.ge [sflag:s22], $0x2000  }
0x313: {  	[sflag:s22] =	ssyncset.done $0x0  }
0x314: {  	[sflag:s22] =	ssyncadd.s32 $0xFFFFE000  }
0x315: {  	[hbm4b:s6+s3] =	stream.linear.scatter [tilespmem:s31], [sflag:$0x3], $0x800, $0x38;
	[tilespmem:$0x9480] =	vst v63  }
0x316: {  	_ =	swait.ge [sflag:s9], $0x800  }
0x317: {  	p0 =	sne.s32 s8, $0x1;
	[sflag:s9] =	ssyncset.done $0x0  }
.Ltmp0:
0x318: {  	[sflag:s9] =	ssyncadd.s32 $0xFFFFF800;
	(pc) =	sbr.rel @p0 .LBB2_1-.Ltmp0, $4  }
0x319: {  	[hbm4b:s7+s3] =	stream.linear.scatter [tilespmem:s1], [sflag:$0x3], $0x800, $0x38;
	[tilespmem:$0x9480] =	vst v63  }
0x31a: {  	_ =	swait.ge [sflag:s9], $0x800  }
0x31b: {  	[sflag:s9] =	ssyncset.done $0x0  }
0x31c: {  	s8 =	sadd.s32 $0xFFFFFFFF, s8;
	[sflag:s9] =	ssyncadd.s32 $0xFFFFF800  }
0x31d: {  	_ =	sfence.sel $0x180000  }
0x31e: {  	[bflag:$0x0] =	sbarrier.arrive $0xFFFF  }
0x31f: {  	_ =	strace $0x90000047  }
0x320: {  	s0 =	stileid.u32;
	[bflag:$0x2] =	sbarrier.arrive $0xFFFF  }
0x321: {  	p0 =	sne.s32 s0, $0x0;
	s0 =	rddreg [dreg:$0x2]  }
0x322: {  	s0 =	sadd.s32 @!p0 $0x100000, s0  }
0x323: {  	[sflag:s0] =	ssyncadd.tile.s32 @!p0 $0x1;
	_ =	shalt  }
.Lfunc_end2:
_tile_overlayer_lowered:
.L_overlay_start_2:
0x324: {  	(tag) =	ssettag $0x2  }
0x325: {  	s0 =	rddreg [dreg:$0x0];
	s2 =	stileid.u32  }
0x326: {  	s1 =	rddreg [dreg:$0x1];
	p0 =	sne.s32 s2, $0x0  }
0x327: {  	s3 =	rddreg [dreg:$0x2];
	[bflag:$0x3] =	sbarrier.arrive $0xFFFF;
	s2 =	simm.s32 @!p0 $0x1C03  }
0x328: {  	[timem:s3], [sflag:s2] =	dma.local @!p0 [hbm:s0], s1  }
0x329: {  	s0 =	simm.s32 @!p0 $0x3  }
0x32a: {  	_ =	swait.ge @!p0 [sflag:s0], s1  }
0x32b: {  	s1 =	ssub.s32 @!p0 $0x0, s1;
	[sflag:s0] =	ssyncset.done @!p0 $0x0  }
0x32c: {  	[sflag:s0] =	ssyncadd.s32 @!p0 s1  }
0x32d: {  	[bflag:$0x3] =	sbarrier.arrive $0xFFFF  }
0x32e: {  	_ =	shalt  }

</sc_bundles>
